<compile_context>
chip_gen: v7x
topology: tpu7x:2x2x1
jax: 0.10.2.dev20260603
libtpu: 0.0.44.dev20260713+nightly
codegen_flags: <defaults>
</compile_context>

<pallas_src>
import functools

import jax
import jax.numpy as jnp
import numpy as np
from jax import lax
from jax.experimental import pallas as pl
from jax.experimental.pallas import tpu as pltpu
from jax.experimental.pallas import tpu_sc as plsc

_FIELD_DIMS = [100000] * 26
_OFFS = np.array((0, *np.cumsum(_FIELD_DIMS)[:-1]), dtype=np.int32)
_B = 4096
_NF = 26
_D = 16
_EPS = 1e-5

_NC = 2
_NS = 16
_NW = _NC * _NS
_RPW = _B // _NW


def _sc_gather_body(nf, idx_hbm, *refs):
    planes = refs[:_D]
    lin_hbm = refs[_D]
    emb_out, lin_out = refs[_D + 1], refs[_D + 2]
    idx_v, ebuf, lbuf, sem_e, sem_l = refs[_D + 3:]

    wid = lax.axis_index("s") * _NC + lax.axis_index("c")
    cbase = pl.multiple_of(wid * _RPW, 8)
    pltpu.sync_copy(idx_hbm.at[:, pl.ds(cbase, _RPW)], idx_v)

    def fire(f, carry):
        idx_row = idx_v.at[f]
        for d in range(_D):
            pltpu.make_async_copy(
                planes[d].at[idx_row], ebuf.at[f * _D + d], sem_e
            ).start()
        pltpu.make_async_copy(
            lin_hbm.at[idx_row], lbuf.at[f], sem_l
        ).start()
        return carry

    lax.fori_loop(0, nf, fire, 0)

    pltpu.make_async_copy(
        emb_out.at[:, pl.ds(0, _RPW)], ebuf, sem_e
    ).wait()
    pltpu.make_async_copy(
        lin_out.at[:, pl.ds(0, _RPW)], lbuf, sem_l
    ).wait()

    pltpu.sync_copy(ebuf, emb_out.at[:, pl.ds(cbase, _RPW)])
    pltpu.sync_copy(lbuf, lin_out.at[:, pl.ds(cbase, _RPW)])


@functools.lru_cache(maxsize=4)
def _make_sc_gather(nf):
    mesh = plsc.VectorSubcoreMesh(
        core_axis_name="c", subcore_axis_name="s",
        num_cores=_NC, num_subcores=_NS,
    )
    return pl.kernel(
        functools.partial(_sc_gather_body, nf),
        out_type=(
            jax.ShapeDtypeStruct((nf * _D, _B), jnp.float32),
            jax.ShapeDtypeStruct((nf, _B), jnp.float32),
        ),
        mesh=mesh,
        compiler_params=pltpu.CompilerParams(needs_layout_passes=False),
        scratch_types=[
            pltpu.VMEM((nf, _RPW), jnp.int32),
            pltpu.VMEM((nf * _D, _RPW), jnp.float32),
            pltpu.VMEM((nf, _RPW), jnp.float32),
            pltpu.SemaphoreType.DMA,
            pltpu.SemaphoreType.DMA,
        ],
    )


def _tc_split(emb_ref, lin_ref, *out_refs):
    e = emb_ref[...]
    for d in range(_D):
        out_refs[d][...] = e[d, :]
    out_refs[_D][...] = lin_ref[0, :]


_CB = 16384
_QS = [(0, 7), (7, 6), (13, 7), (20, 6)]
_Q_START = [f0 * _FIELD_DIMS[0] for f0, _ in _QS]
_Q_END = [(f0 + nf) * _FIELD_DIMS[0] for f0, nf in _QS]
_Q_BLK0 = [s // _CB for s in _Q_START]
_Q_OFF = [b * _CB for b in _Q_BLK0]
_Q_NBLK = [(e - o + _CB - 1) // _CB for e, o in zip(_Q_END, _Q_OFF)]


@functools.lru_cache(maxsize=4)
def _make_plane_split(blk0, n_blk):
    vh = n_blk * _CB
    return pl.pallas_call(
        _tc_split,
        grid=(n_blk,),
        in_specs=[
            pl.BlockSpec((_D, _CB), lambda i: (0, i + blk0)),
            pl.BlockSpec((1, _CB), lambda i: (0, i + blk0)),
        ],
        out_specs=[pl.BlockSpec((_CB,), lambda i: (i,))] * (_D + 1),
        out_shape=[jax.ShapeDtypeStruct((vh,), jnp.float32)] * (_D + 1),
    )


_RB = 512


def _tc_head(e1_ref, e2_ref, e3_ref, e4_ref, l1_ref, l2_ref, l3_ref, l4_ref,
             w0_ref, b0_ref, w1_ref, b1_ref, wo_ref, a_ref, d_ref):
    e_refs = (e1_ref, e2_ref, e3_ref, e4_ref)
    l_refs = (l1_ref, l2_ref, l3_ref, l4_ref)
    w0 = w0_ref[...]
    s = None
    q = None
    lin = None
    h = None
    col = 0
    for p, (_, nf) in enumerate(_QS):
        e = e_refs[p][...]
        for f in range(nf):
            c = e[f * _D:(f + 1) * _D, :]
            s = c if s is None else s + c
            q = c * c if q is None else q + c * c
        lp = jnp.sum(l_refs[p][...], axis=0, keepdims=True)
        lin = lp if lin is None else lin + lp
        hp = jnp.dot(w0[:, col:col + nf * _D], e,
                     preferred_element_type=jnp.float32)
        h = hp if h is None else h + hp
        col += nf * _D
    inter = 0.5 * jnp.sum(s * s - q, axis=0, keepdims=True)
    a_ref[...] = lin + inter
    h = jnp.maximum(h + b0_ref[...], 0.0)
    h = jnp.dot(w1_ref[...], h, preferred_element_type=jnp.float32)
    h = jnp.maximum(h + b1_ref[...], 0.0)
    d_ref[...] = jnp.dot(wo_ref[...], h, preferred_element_type=jnp.float32)


def _tc_out(a_ref, dt_ref, out_ref):
    out_ref[...] = 1.0 / (1.0 + a_ref[...] * dt_ref[...])


def kernel(x, W_emb, W_lin, lin_bias, W0, b0, g0, be0, rm0, rv0,
           W1, b1, g1, be1, rm1, rv1, Wout, bout):
    offs = jnp.asarray(_OFFS, dtype=x.dtype)
    xts = [
        x.T[f0:f0 + nf] + (offs[f0:f0 + nf, None] - _Q_OFF[p])
        for p, (f0, nf) in enumerate(_QS)
    ]

    inv0 = g0 / jnp.sqrt(rv0 + _EPS)
    w0f = W0 * inv0[:, None]
    b0f = ((b0 - rm0) * inv0 + be0).reshape(-1, 1)
    inv1 = g1 / jnp.sqrt(rv1 + _EPS)
    w1f = W1 * inv1[:, None]
    b1f = ((b1 - rm1) * inv1 + be1).reshape(-1, 1)
    bias_all = (bout + lin_bias)[0]

    embts = []
    linvs = []
    for p, (f0, nf) in enumerate(_QS):
        splits = _make_plane_split(_Q_BLK0[p], _Q_NBLK[p])(W_emb.T, W_lin.T)
        et, lv = _make_sc_gather(nf)(xts[p], *splits)
        embts.append(et)
        linvs.append(lv)

    n_blk = _B // _RB
    e_specs = [pl.BlockSpec((nf * _D, _RB), lambda i: (0, i))
               for _, nf in _QS]
    l_specs = [pl.BlockSpec((nf, _RB), lambda i: (0, i)) for _, nf in _QS]
    a, d = pl.pallas_call(
        _tc_head,
        grid=(n_blk,),
        in_specs=e_specs + l_specs + [
            pl.BlockSpec((128, _NF * _D), lambda i: (0, 0)),
            pl.BlockSpec((128, 1), lambda i: (0, 0)),
            pl.BlockSpec((64, 128), lambda i: (0, 0)),
            pl.BlockSpec((64, 1), lambda i: (0, 0)),
            pl.BlockSpec((1, 64), lambda i: (0, 0)),
        ],
        out_specs=[
            pl.BlockSpec((1, _RB), lambda i: (0, i)),
            pl.BlockSpec((1, _RB), lambda i: (0, i)),
        ],
        out_shape=[
            jax.ShapeDtypeStruct((1, _B), jnp.float32),
            jax.ShapeDtypeStruct((1, _B), jnp.float32),
        ],
    )(*embts, *linvs, w0f, b0f, w1f, b1f, Wout)

    ue = jnp.exp(-a).reshape(_B, 1)
    dt = jnp.exp(-(d + bias_all))

    out = pl.pallas_call(
        _tc_out,
        grid=(n_blk,),
        in_specs=[
            pl.BlockSpec((_RB, 1), lambda i: (i, 0)),
            pl.BlockSpec((1, _B), lambda i: (0, 0)),
        ],
        out_specs=pl.BlockSpec((_RB, _B), lambda i: (i, 0)),
        out_shape=jax.ShapeDtypeStruct((_B, _B), jnp.float32),
    )(ue, dt)
    return out

# --- scband reference (transcript-rebuilt; emitter-appended) ---
"""Pipeline reference for scband-deep-fm-14121852469596 (READ-ONLY COPY).

The authoritative reference and input builder live on the scoring server;
editing this copy changes nothing except your own understanding.
"""

import jax, jax.numpy as jnp
import numpy as np

FIELD_DIMS = [100000] * 26
EMBED_DIM = 16
OFFSETS = np.array((0, *np.cumsum(FIELD_DIMS)[:-1]), dtype=np.int64)
TOTAL = int(sum(FIELD_DIMS))
B = 4096
NF = 26
EPS = 1e-5


def _xavier(key, shape):
    fan_in, fan_out = shape[1], shape[0]
    lim = float(np.sqrt(6.0 / (fan_in + fan_out)))
    return jax.random.uniform(key, shape, jnp.float32, -lim, lim)


def setup_inputs(seed: int = 0) -> dict:
    key = jax.random.key(seed)
    ks = jax.random.split(key, 8)
    x = jax.random.randint(ks[0], (B, NF), 0, 100000, dtype=jnp.int32)
    W_emb = _xavier(ks[1], (TOTAL, EMBED_DIM))
    W_lin = jax.random.normal(ks[2], (TOTAL, 1), jnp.float32) * 0.01
    lin_bias = jnp.zeros((1,), jnp.float32)
    d_in = EMBED_DIM * NF
    W0 = _xavier(ks[3], (128, d_in)); b0 = jnp.zeros((128,), jnp.float32)
    g0 = jnp.ones((128,), jnp.float32); be0 = jnp.zeros((128,), jnp.float32)
    rm0 = jnp.zeros((128,), jnp.float32); rv0 = jnp.ones((128,), jnp.float32)
    W1 = _xavier(ks[4], (64, 128)); b1 = jnp.zeros((64,), jnp.float32)
    g1 = jnp.ones((64,), jnp.float32); be1 = jnp.zeros((64,), jnp.float32)
    rm1 = jnp.zeros((64,), jnp.float32); rv1 = jnp.ones((64,), jnp.float32)
    Wout = _xavier(ks[5], (1, 64)); bout = jnp.zeros((1,), jnp.float32)
    return {"x": x, "W_emb": W_emb, "W_lin": W_lin, "lin_bias": lin_bias,
            "W0": W0, "b0": b0, "g0": g0, "be0": be0, "rm0": rm0, "rv0": rv0,
            "W1": W1, "b1": b1, "g1": g1, "be1": be1, "rm1": rm1, "rv1": rv1,
            "Wout": Wout, "bout": bout}


def reference(x, W_emb, W_lin, lin_bias, W0, b0, g0, be0, rm0, rv0,
              W1, b1, g1, be1, rm1, rv1, Wout, bout):
    offs = jnp.asarray(OFFSETS, dtype=x.dtype)
    xi = x + offs[None, :]
    # FeatureLinear: embedding lookup (gather) + sum over fields
    linear_term = jnp.sum(jnp.take(W_lin, xi, axis=0), axis=1) + lin_bias  # [B, 1]
    # FeatureEmbedding: gather
    embed = jnp.take(W_emb, xi, axis=0)  # [B, F, D]
    # FM interaction
    square_of_sum = jnp.sum(embed, axis=1) ** 2
    sum_of_square = jnp.sum(embed ** 2, axis=1)
    interaction_term = 0.5 * jnp.sum(square_of_sum - sum_of_square, axis=1, keepdims=True)  # [B, 1]
    # DNN (eval-mode batchnorm with running stats, dropout p=0 identity)
    h = embed.reshape(embed.shape[0], -1)
    h = h @ W0.T + b0
    h = (h - rm0) / jnp.sqrt(rv0 + EPS) * g0 + be0
    h = jax.nn.relu(h)
    h = h @ W1.T + b1
    h = (h - rm1) / jnp.sqrt(rv1 + EPS) * g1 + be1
    h = jax.nn.relu(h)
    deep_out = (h @ Wout.T + bout)[:, 0]  # squeeze(1) -> [B]
    # Faithful to torch broadcasting: [B,1] + [B] -> [B,B]
    output = linear_term + interaction_term + deep_out
    # torch .squeeze(1) is a no-op when dim 1 != 1
    if output.ndim > 1 and output.shape[1] == 1:
        output = output[:, 0]
    return jax.nn.sigmoid(output)

if __name__ == "__main__":
    import jax
    _d = setup_inputs()
    print(jax.jit(kernel)(*tuple(_d.values())))

</pallas_src>

<mosaic_0001>
#map = affine_map<(d0, d1) -> (0, 0)>
#map1 = affine_map<(d0, d1) -> (0)>
module attributes {stable_mosaic.version = 14 : i64} {
  func.func @_sc_gather_body(%arg0: i32, %arg1: i32, %arg2: memref<6x4096xi32, #tpu.memory_space<hbm>>, %arg3: memref<622592xf32, #tpu.memory_space<hbm>>, %arg4: memref<622592xf32, #tpu.memory_space<hbm>>, %arg5: memref<622592xf32, #tpu.memory_space<hbm>>, %arg6: memref<622592xf32, #tpu.memory_space<hbm>>, %arg7: memref<622592xf32, #tpu.memory_space<hbm>>, %arg8: memref<622592xf32, #tpu.memory_space<hbm>>, %arg9: memref<622592xf32, #tpu.memory_space<hbm>>, %arg10: memref<622592xf32, #tpu.memory_space<hbm>>, %arg11: memref<622592xf32, #tpu.memory_space<hbm>>, %arg12: memref<622592xf32, #tpu.memory_space<hbm>>, %arg13: memref<622592xf32, #tpu.memory_space<hbm>>, %arg14: memref<622592xf32, #tpu.memory_space<hbm>>, %arg15: memref<622592xf32, #tpu.memory_space<hbm>>, %arg16: memref<622592xf32, #tpu.memory_space<hbm>>, %arg17: memref<622592xf32, #tpu.memory_space<hbm>>, %arg18: memref<622592xf32, #tpu.memory_space<hbm>>, %arg19: memref<622592xf32, #tpu.memory_space<hbm>>, %arg20: memref<96x4096xf32, #tpu.memory_space<hbm>>, %arg21: memref<6x4096xf32, #tpu.memory_space<hbm>>, %arg22: memref<6x128xi32, #tpu.memory_space<vmem>>, %arg23: memref<96x128xf32, #tpu.memory_space<vmem>>, %arg24: memref<6x128xf32, #tpu.memory_space<vmem>>, %arg25: memref<!tpu.dma_semaphore, #tpu.memory_space<semaphore_mem>>, %arg26: memref<!tpu.dma_semaphore, #tpu.memory_space<semaphore_mem>>) attributes {dimension_semantics = [#tpu.dimension_semantics<core_parallel>, #tpu.dimension_semantics<subcore_parallel>], iteration_bounds = array<i64: 2, 16>, scalar_prefetch = 0 : i64, scratch_operands = 5 : i64, tpu.core_type = #tpu.core_type<sc_vector_subcore>, window_params = [{transform_indices = #map}, {transform_indices = #map1}, {transform_indices = #map1}, {transform_indices = #map1}, {transform_indices = #map1}, {transform_indices = #map1}, {transform_indices = #map1}, {transform_indices = #map1}, {transform_indices = #map1}, {transform_indices = #map1}, {transform_indices = #map1}, {transform_indices = #map1}, {transform_indices = #map1}, {transform_indices = #map1}, {transform_indices = #map1}, {transform_indices = #map1}, {transform_indices = #map1}, {transform_indices = #map1}, {transform_indices = #map}, {transform_indices = #map}]} {
    %mul3A = arith.constant 2 : i32
    %mul3A_0 = arith.muli %arg1, %mul3A : i32
    %add3A = arith.addi %mul3A_0, %arg0 : i32
    %mul3A_1 = arith.constant 128 : i32
    %mul3A_2 = arith.muli %add3A, %mul3A_1 : i32
    %multiple_of3A = tpu.assume_multiple %mul3A_2, 8 : i32
    "tpu.region"() ({
      %run_scoped3A = tpu.sem_alloc : memref<!tpu.dma_semaphore, #tpu.memory_space<semaphore_mem>>
      %dma_start3A = arith.constant 0 : i32
      %dma_start3A_19 = tpu.memref_slice %arg2[%dma_start3A, %multiple_of3A] : memref<6x4096xi32, #tpu.memory_space<hbm>> -> memref<6x128xi32, #tpu.memory_space<hbm>>
      %dma_start3A_20 = arith.constant 0 : i32
      %dma_start3A_21 = tpu.memref_slice %arg2[%dma_start3A_20, %multiple_of3A] : memref<6x4096xi32, #tpu.memory_space<hbm>> -> memref<6x128xi32, #tpu.memory_space<hbm>>
      tpu.enqueue_dma source(%dma_start3A_21 : memref<6x128xi32, #tpu.memory_space<hbm>>) target(%arg22 : memref<6x128xi32, #tpu.memory_space<vmem>>) target_semaphore(%run_scoped3A : memref<!tpu.dma_semaphore, #tpu.memory_space<semaphore_mem>>)
      %dma_wait3A_22 = arith.constant 0 : i32
      %dma_wait3A_23 = tpu.memref_slice %arg2[%dma_wait3A_22, %multiple_of3A] : memref<6x4096xi32, #tpu.memory_space<hbm>> -> memref<6x128xi32, #tpu.memory_space<hbm>>
      %dma_wait3A_24 = arith.constant 0 : i32
      %dma_wait3A_25 = tpu.memref_slice %arg2[%dma_wait3A_24, %multiple_of3A] : memref<6x4096xi32, #tpu.memory_space<hbm>> -> memref<6x128xi32, #tpu.memory_space<hbm>>
      tpu.wait_dma2 semaphore(%run_scoped3A : memref<!tpu.dma_semaphore, #tpu.memory_space<semaphore_mem>>) src(%dma_wait3A_25 : memref<6x128xi32, #tpu.memory_space<hbm>>) dst(%arg22 : memref<6x128xi32, #tpu.memory_space<vmem>>)
      tpu.yield
    }) : () -> ()
    %scan3A = arith.constant 0 : i32
    %scan3A_3 = arith.constant 0 : i32
    %scan3A_4 = arith.constant 6 : i32
    %scan3A_5 = arith.addi %scan3A_3, %scan3A_4 : i32
    %scan3A_6 = arith.constant 1 : i32
    scf.for %scan3A_19 = %scan3A_3 to %scan3A_5 step %scan3A_6  : i32 {
      %mul3A_20 = arith.constant 16 : i32
      %mul3A_21 = arith.muli %scan3A_19, %mul3A_20 : i32
      %add3A_22 = arith.constant 0 : i32
      %add3A_23 = arith.addi %mul3A_21, %add3A_22 : i32
      %dma_start3A = arith.constant 0 : i32
      %dma_start3A_24 = tpu.memref_slice %arg23[%add3A_23, %dma_start3A] : memref<96x128xf32, #tpu.memory_space<vmem>> -> memref<1x128xf32, #tpu.memory_space<vmem>>
      %dma_start3A_25 = tpu.memref_squeeze %dma_start3A_24 : memref<1x128xf32, #tpu.memory_space<vmem>> -> memref<128xf32, #tpu.memory_space<vmem>>
      %dma_start3A_26 = arith.constant 0 : i32
      %dma_start3A_27 = tpu.memref_slice %arg22[%scan3A_19, %dma_start3A_26] : memref<6x128xi32, #tpu.memory_space<vmem>> -> memref<1x128xi32, #tpu.memory_space<vmem>>
      %dma_start3A_28 = tpu.memref_squeeze %dma_start3A_27 : memref<1x128xi32, #tpu.memory_space<vmem>> -> memref<128xi32, #tpu.memory_space<vmem>>
      %dma_start3A_29 = arith.constant 0 : i32
      %dma_start3A_30 = tpu.memref_slice %arg3[%dma_start3A_29] : memref<622592xf32, #tpu.memory_space<hbm>> -> memref<622592xf32, #tpu.memory_space<hbm>>
      tpu.enqueue_indirect_dma source(%dma_start3A_30 : memref<622592xf32, #tpu.memory_space<hbm>>) target(%dma_start3A_25 : memref<128xf32, #tpu.memory_space<vmem>>) offsets(%dma_start3A_28 : memref<128xi32, #tpu.memory_space<vmem>>) semaphore(%arg25 : memref<!tpu.dma_semaphore, #tpu.memory_space<semaphore_mem>>)
      %mul3A_31 = arith.constant 16 : i32
      %mul3A_32 = arith.muli %scan3A_19, %mul3A_31 : i32
      %add3A_33 = arith.constant 1 : i32
      %add3A_34 = arith.addi %mul3A_32, %add3A_33 : i32
      %dma_start3A_35 = arith.constant 0 : i32
      %dma_start3A_36 = tpu.memref_slice %arg23[%add3A_34, %dma_start3A_35] : memref<96x128xf32, #tpu.memory_space<vmem>> -> memref<1x128xf32, #tpu.memory_space<vmem>>
      %dma_start3A_37 = tpu.memref_squeeze %dma_start3A_36 : memref<1x128xf32, #tpu.memory_space<vmem>> -> memref<128xf32, #tpu.memory_space<vmem>>
      %dma_start3A_38 = arith.constant 0 : i32
      %dma_start3A_39 = tpu.memref_slice %arg22[%scan3A_19, %dma_start3A_38] : memref<6x128xi32, #tpu.memory_space<vmem>> -> memref<1x128xi32, #tpu.memory_space<vmem>>
      %dma_start3A_40 = tpu.memref_squeeze %dma_start3A_39 : memref<1x128xi32, #tpu.memory_space<vmem>> -> memref<128xi32, #tpu.memory_space<vmem>>
      %dma_start3A_41 = arith.constant 0 : i32
      %dma_start3A_42 = tpu.memref_slice %arg4[%dma_start3A_41] : memref<622592xf32, #tpu.memory_space<hbm>> -> memref<622592xf32, #tpu.memory_space<hbm>>
      tpu.enqueue_indirect_dma source(%dma_start3A_42 : memref<622592xf32, #tpu.memory_space<hbm>>) target(%dma_start3A_37 : memref<128xf32, #tpu.memory_space<vmem>>) offsets(%dma_start3A_40 : memref<128xi32, #tpu.memory_space<vmem>>) semaphore(%arg25 : memref<!tpu.dma_semaphore, #tpu.memory_space<semaphore_mem>>)
      %mul3A_43 = arith.constant 16 : i32
      %mul3A_44 = arith.muli %scan3A_19, %mul3A_43 : i32
      %add3A_45 = arith.constant 2 : i32
      %add3A_46 = arith.addi %mul3A_44, %add3A_45 : i32
      %dma_start3A_47 = arith.constant 0 : i32
      %dma_start3A_48 = tpu.memref_slice %arg23[%add3A_46, %dma_start3A_47] : memref<96x128xf32, #tpu.memory_space<vmem>> -> memref<1x128xf32, #tpu.memory_space<vmem>>
      %dma_start3A_49 = tpu.memref_squeeze %dma_start3A_48 : memref<1x128xf32, #tpu.memory_space<vmem>> -> memref<128xf32, #tpu.memory_space<vmem>>
      %dma_start3A_50 = arith.constant 0 : i32
      %dma_start3A_51 = tpu.memref_slice %arg22[%scan3A_19, %dma_start3A_50] : memref<6x128xi32, #tpu.memory_space<vmem>> -> memref<1x128xi32, #tpu.memory_space<vmem>>
      %dma_start3A_52 = tpu.memref_squeeze %dma_start3A_51 : memref<1x128xi32, #tpu.memory_space<vmem>> -> memref<128xi32, #tpu.memory_space<vmem>>
      %dma_start3A_53 = arith.constant 0 : i32
      %dma_start3A_54 = tpu.memref_slice %arg5[%dma_start3A_53] : memref<622592xf32, #tpu.memory_space<hbm>> -> memref<622592xf32, #tpu.memory_space<hbm>>
      tpu.enqueue_indirect_dma source(%dma_start3A_54 : memref<622592xf32, #tpu.memory_space<hbm>>) target(%dma_start3A_49 : memref<128xf32, #tpu.memory_space<vmem>>) offsets(%dma_start3A_52 : memref<128xi32, #tpu.memory_space<vmem>>) semaphore(%arg25 : memref<!tpu.dma_semaphore, #tpu.memory_space<semaphore_mem>>)
      %mul3A_55 = arith.constant 16 : i32
      %mul3A_56 = arith.muli %scan3A_19, %mul3A_55 : i32
      %add3A_57 = arith.constant 3 : i32
      %add3A_58 = arith.addi %mul3A_56, %add3A_57 : i32
      %dma_start3A_59 = arith.constant 0 : i32
      %dma_start3A_60 = tpu.memref_slice %arg23[%add3A_58, %dma_start3A_59] : memref<96x128xf32, #tpu.memory_space<vmem>> -> memref<1x128xf32, #tpu.memory_space<vmem>>
      %dma_start3A_61 = tpu.memref_squeeze %dma_start3A_60 : memref<1x128xf32, #tpu.memory_space<vmem>> -> memref<128xf32, #tpu.memory_space<vmem>>
      %dma_start3A_62 = arith.constant 0 : i32
      %dma_start3A_63 = tpu.memref_slice %arg22[%scan3A_19, %dma_start3A_62] : memref<6x128xi32, #tpu.memory_space<vmem>> -> memref<1x128xi32, #tpu.memory_space<vmem>>
      %dma_start3A_64 = tpu.memref_squeeze %dma_start3A_63 : memref<1x128xi32, #tpu.memory_space<vmem>> -> memref<128xi32, #tpu.memory_space<vmem>>
      %dma_start3A_65 = arith.constant 0 : i32
      %dma_start3A_66 = tpu.memref_slice %arg6[%dma_start3A_65] : memref<622592xf32, #tpu.memory_space<hbm>> -> memref<622592xf32, #tpu.memory_space<hbm>>
      tpu.enqueue_indirect_dma source(%dma_start3A_66 : memref<622592xf32, #tpu.memory_space<hbm>>) target(%dma_start3A_61 : memref<128xf32, #tpu.memory_space<vmem>>) offsets(%dma_start3A_64 : memref<128xi32, #tpu.memory_space<vmem>>) semaphore(%arg25 : memref<!tpu.dma_semaphore, #tpu.memory_space<semaphore_mem>>)
      %mul3A_67 = arith.constant 16 : i32
      %mul3A_68 = arith.muli %scan3A_19, %mul3A_67 : i32
      %add3A_69 = arith.constant 4 : i32
      %add3A_70 = arith.addi %mul3A_68, %add3A_69 : i32
      %dma_start3A_71 = arith.constant 0 : i32
      %dma_start3A_72 = tpu.memref_slice %arg23[%add3A_70, %dma_start3A_71] : memref<96x128xf32, #tpu.memory_space<vmem>> -> memref<1x128xf32, #tpu.memory_space<vmem>>
      %dma_start3A_73 = tpu.memref_squeeze %dma_start3A_72 : memref<1x128xf32, #tpu.memory_space<vmem>> -> memref<128xf32, #tpu.memory_space<vmem>>
      %dma_start3A_74 = arith.constant 0 : i32
      %dma_start3A_75 = tpu.memref_slice %arg22[%scan3A_19, %dma_start3A_74] : memref<6x128xi32, #tpu.memory_space<vmem>> -> memref<1x128xi32, #tpu.memory_space<vmem>>
      %dma_start3A_76 = tpu.memref_squeeze %dma_start3A_75 : memref<1x128xi32, #tpu.memory_space<vmem>> -> memref<128xi32, #tpu.memory_space<vmem>>
      %dma_start3A_77 = arith.constant 0 : i32
      %dma_start3A_78 = tpu.memref_slice %arg7[%dma_start3A_77] : memref<622592xf32, #tpu.memory_space<hbm>> -> memref<622592xf32, #tpu.memory_space<hbm>>
      tpu.enqueue_indirect_dma source(%dma_start3A_78 : memref<622592xf32, #tpu.memory_space<hbm>>) target(%dma_start3A_73 : memref<128xf32, #tpu.memory_space<vmem>>) offsets(%dma_start3A_76 : memref<128xi32, #tpu.memory_space<vmem>>) semaphore(%arg25 : memref<!tpu.dma_semaphore, #tpu.memory_space<semaphore_mem>>)
      %mul3A_79 = arith.constant 16 : i32
      %mul3A_80 = arith.muli %scan3A_19, %mul3A_79 : i32
      %add3A_81 = arith.constant 5 : i32
      %add3A_82 = arith.addi %mul3A_80, %add3A_81 : i32
      %dma_start3A_83 = arith.constant 0 : i32
      %dma_start3A_84 = tpu.memref_slice %arg23[%add3A_82, %dma_start3A_83] : memref<96x128xf32, #tpu.memory_space<vmem>> -> memref<1x128xf32, #tpu.memory_space<vmem>>
      %dma_start3A_85 = tpu.memref_squeeze %dma_start3A_84 : memref<1x128xf32, #tpu.memory_space<vmem>> -> memref<128xf32, #tpu.memory_space<vmem>>
      %dma_start3A_86 = arith.constant 0 : i32
      %dma_start3A_87 = tpu.memref_slice %arg22[%scan3A_19, %dma_start3A_86] : memref<6x128xi32, #tpu.memory_space<vmem>> -> memref<1x128xi32, #tpu.memory_space<vmem>>
      %dma_start3A_88 = tpu.memref_squeeze %dma_start3A_87 : memref<1x128xi32, #tpu.memory_space<vmem>> -> memref<128xi32, #tpu.memory_space<vmem>>
      %dma_start3A_89 = arith.constant 0 : i32
      %dma_start3A_90 = tpu.memref_slice %arg8[%dma_start3A_89] : memref<622592xf32, #tpu.memory_space<hbm>> -> memref<622592xf32, #tpu.memory_space<hbm>>
      tpu.enqueue_indirect_dma source(%dma_start3A_90 : memref<622592xf32, #tpu.memory_space<hbm>>) target(%dma_start3A_85 : memref<128xf32, #tpu.memory_space<vmem>>) offsets(%dma_start3A_88 : memref<128xi32, #tpu.memory_space<vmem>>) semaphore(%arg25 : memref<!tpu.dma_semaphore, #tpu.memory_space<semaphore_mem>>)
      %mul3A_91 = arith.constant 16 : i32
      %mul3A_92 = arith.muli %scan3A_19, %mul3A_91 : i32
      %add3A_93 = arith.constant 6 : i32
      %add3A_94 = arith.addi %mul3A_92, %add3A_93 : i32
      %dma_start3A_95 = arith.constant 0 : i32
      %dma_start3A_96 = tpu.memref_slice %arg23[%add3A_94, %dma_start3A_95] : memref<96x128xf32, #tpu.memory_space<vmem>> -> memref<1x128xf32, #tpu.memory_space<vmem>>
      %dma_start3A_97 = tpu.memref_squeeze %dma_start3A_96 : memref<1x128xf32, #tpu.memory_space<vmem>> -> memref<128xf32, #tpu.memory_space<vmem>>
      %dma_start3A_98 = arith.constant 0 : i32
      %dma_start3A_99 = tpu.memref_slice %arg22[%scan3A_19, %dma_start3A_98] : memref<6x128xi32, #tpu.memory_space<vmem>> -> memref<1x128xi32, #tpu.memory_space<vmem>>
      %dma_start3A_100 = tpu.memref_squeeze %dma_start3A_99 : memref<1x128xi32, #tpu.memory_space<vmem>> -> memref<128xi32, #tpu.memory_space<vmem>>
      %dma_start3A_101 = arith.constant 0 : i32
      %dma_start3A_102 = tpu.memref_slice %arg9[%dma_start3A_101] : memref<622592xf32, #tpu.memory_space<hbm>> -> memref<622592xf32, #tpu.memory_space<hbm>>
      tpu.enqueue_indirect_dma source(%dma_start3A_102 : memref<622592xf32, #tpu.memory_space<hbm>>) target(%dma_start3A_97 : memref<128xf32, #tpu.memory_space<vmem>>) offsets(%dma_start3A_100 : memref<128xi32, #tpu.memory_space<vmem>>) semaphore(%arg25 : memref<!tpu.dma_semaphore, #tpu.memory_space<semaphore_mem>>)
      %mul3A_103 = arith.constant 16 : i32
      %mul3A_104 = arith.muli %scan3A_19, %mul3A_103 : i32
      %add3A_105 = arith.constant 7 : i32
      %add3A_106 = arith.addi %mul3A_104, %add3A_105 : i32
      %dma_start3A_107 = arith.constant 0 : i32
      %dma_start3A_108 = tpu.memref_slice %arg23[%add3A_106, %dma_start3A_107] : memref<96x128xf32, #tpu.memory_space<vmem>> -> memref<1x128xf32, #tpu.memory_space<vmem>>
      %dma_start3A_109 = tpu.memref_squeeze %dma_start3A_108 : memref<1x128xf32, #tpu.memory_space<vmem>> -> memref<128xf32, #tpu.memory_space<vmem>>
      %dma_start3A_110 = arith.constant 0 : i32
      %dma_start3A_111 = tpu.memref_slice %arg22[%scan3A_19, %dma_start3A_110] : memref<6x128xi32, #tpu.memory_space<vmem>> -> memref<1x128xi32, #tpu.memory_space<vmem>>
      %dma_start3A_112 = tpu.memref_squeeze %dma_start3A_111 : memref<1x128xi32, #tpu.memory_space<vmem>> -> memref<128xi32, #tpu.memory_space<vmem>>
      %dma_start3A_113 = arith.constant 0 : i32
      %dma_start3A_114 = tpu.memref_slice %arg10[%dma_start3A_113] : memref<622592xf32, #tpu.memory_space<hbm>> -> memref<622592xf32, #tpu.memory_space<hbm>>
      tpu.enqueue_indirect_dma source(%dma_start3A_114 : memref<622592xf32, #tpu.memory_space<hbm>>) target(%dma_start3A_109 : memref<128xf32, #tpu.memory_space<vmem>>) offsets(%dma_start3A_112 : memref<128xi32, #tpu.memory_space<vmem>>) semaphore(%arg25 : memref<!tpu.dma_semaphore, #tpu.memory_space<semaphore_mem>>)
      %mul3A_115 = arith.constant 16 : i32
      %mul3A_116 = arith.muli %scan3A_19, %mul3A_115 : i32
      %add3A_117 = arith.constant 8 : i32
      %add3A_118 = arith.addi %mul3A_116, %add3A_117 : i32
      %dma_start3A_119 = arith.constant 0 : i32
      %dma_start3A_120 = tpu.memref_slice %arg23[%add3A_118, %dma_start3A_119] : memref<96x128xf32, #tpu.memory_space<vmem>> -> memref<1x128xf32, #tpu.memory_space<vmem>>
      %dma_start3A_121 = tpu.memref_squeeze %dma_start3A_120 : memref<1x128xf32, #tpu.memory_space<vmem>> -> memref<128xf32, #tpu.memory_space<vmem>>
      %dma_start3A_122 = arith.constant 0 : i32
      %dma_start3A_123 = tpu.memref_slice %arg22[%scan3A_19, %dma_start3A_122] : memref<6x128xi32, #tpu.memory_space<vmem>> -> memref<1x128xi32, #tpu.memory_space<vmem>>
      %dma_start3A_124 = tpu.memref_squeeze %dma_start3A_123 : memref<1x128xi32, #tpu.memory_space<vmem>> -> memref<128xi32, #tpu.memory_space<vmem>>
      %dma_start3A_125 = arith.constant 0 : i32
      %dma_start3A_126 = tpu.memref_slice %arg11[%dma_start3A_125] : memref<622592xf32, #tpu.memory_space<hbm>> -> memref<622592xf32, #tpu.memory_space<hbm>>
      tpu.enqueue_indirect_dma source(%dma_start3A_126 : memref<622592xf32, #tpu.memory_space<hbm>>) target(%dma_start3A_121 : memref<128xf32, #tpu.memory_space<vmem>>) offsets(%dma_start3A_124 : memref<128xi32, #tpu.memory_space<vmem>>) semaphore(%arg25 : memref<!tpu.dma_semaphore, #tpu.memory_space<semaphore_mem>>)
      %mul3A_127 = arith.constant 16 : i32
      %mul3A_128 = arith.muli %scan3A_19, %mul3A_127 : i32
      %add3A_129 = arith.constant 9 : i32
      %add3A_130 = arith.addi %mul3A_128, %add3A_129 : i32
      %dma_start3A_131 = arith.constant 0 : i32
      %dma_start3A_132 = tpu.memref_slice %arg23[%add3A_130, %dma_start3A_131] : memref<96x128xf32, #tpu.memory_space<vmem>> -> memref<1x128xf32, #tpu.memory_space<vmem>>
      %dma_start3A_133 = tpu.memref_squeeze %dma_start3A_132 : memref<1x128xf32, #tpu.memory_space<vmem>> -> memref<128xf32, #tpu.memory_space<vmem>>
      %dma_start3A_134 = arith.constant 0 : i32
      %dma_start3A_135 = tpu.memref_slice %arg22[%scan3A_19, %dma_start3A_134] : memref<6x128xi32, #tpu.memory_space<vmem>> -> memref<1x128xi32, #tpu.memory_space<vmem>>
      %dma_start3A_136 = tpu.memref_squeeze %dma_start3A_135 : memref<1x128xi32, #tpu.memory_space<vmem>> -> memref<128xi32, #tpu.memory_space<vmem>>
      %dma_start3A_137 = arith.constant 0 : i32
      %dma_start3A_138 = tpu.memref_slice %arg12[%dma_start3A_137] : memref<622592xf32, #tpu.memory_space<hbm>> -> memref<622592xf32, #tpu.memory_space<hbm>>
      tpu.enqueue_indirect_dma source(%dma_start3A_138 : memref<622592xf32, #tpu.memory_space<hbm>>) target(%dma_start3A_133 : memref<128xf32, #tpu.memory_space<vmem>>) offsets(%dma_start3A_136 : memref<128xi32, #tpu.memory_space<vmem>>) semaphore(%arg25 : memref<!tpu.dma_semaphore, #tpu.memory_space<semaphore_mem>>)
      %mul3A_139 = arith.constant 16 : i32
      %mul3A_140 = arith.muli %scan3A_19, %mul3A_139 : i32
      %add3A_141 = arith.constant 10 : i32
      %add3A_142 = arith.addi %mul3A_140, %add3A_141 : i32
      %dma_start3A_143 = arith.constant 0 : i32
      %dma_start3A_144 = tpu.memref_slice %arg23[%add3A_142, %dma_start3A_143] : memref<96x128xf32, #tpu.memory_space<vmem>> -> memref<1x128xf32, #tpu.memory_space<vmem>>
      %dma_start3A_145 = tpu.memref_squeeze %dma_start3A_144 : memref<1x128xf32, #tpu.memory_space<vmem>> -> memref<128xf32, #tpu.memory_space<vmem>>
      %dma_start3A_146 = arith.constant 0 : i32
      %dma_start3A_147 = tpu.memref_slice %arg22[%scan3A_19, %dma_start3A_146] : memref<6x128xi32, #tpu.memory_space<vmem>> -> memref<1x128xi32, #tpu.memory_space<vmem>>
      %dma_start3A_148 = tpu.memref_squeeze %dma_start3A_147 : memref<1x128xi32, #tpu.memory_space<vmem>> -> memref<128xi32, #tpu.memory_space<vmem>>
      %dma_start3A_149 = arith.constant 0 : i32
      %dma_start3A_150 = tpu.memref_slice %arg13[%dma_start3A_149] : memref<622592xf32, #tpu.memory_space<hbm>> -> memref<622592xf32, #tpu.memory_space<hbm>>
      tpu.enqueue_indirect_dma source(%dma_start3A_150 : memref<622592xf32, #tpu.memory_space<hbm>>) target(%dma_start3A_145 : memref<128xf32, #tpu.memory_space<vmem>>) offsets(%dma_start3A_148 : memref<128xi32, #tpu.memory_space<vmem>>) semaphore(%arg25 : memref<!tpu.dma_semaphore, #tpu.memory_space<semaphore_mem>>)
      %mul3A_151 = arith.constant 16 : i32
      %mul3A_152 = arith.muli %scan3A_19, %mul3A_151 : i32
      %add3A_153 = arith.constant 11 : i32
      %add3A_154 = arith.addi %mul3A_152, %add3A_153 : i32
      %dma_start3A_155 = arith.constant 0 : i32
      %dma_start3A_156 = tpu.memref_slice %arg23[%add3A_154, %dma_start3A_155] : memref<96x128xf32, #tpu.memory_space<vmem>> -> memref<1x128xf32, #tpu.memory_space<vmem>>
      %dma_start3A_157 = tpu.memref_squeeze %dma_start3A_156 : memref<1x128xf32, #tpu.memory_space<vmem>> -> memref<128xf32, #tpu.memory_space<vmem>>
      %dma_start3A_158 = arith.constant 0 : i32
      %dma_start3A_159 = tpu.memref_slice %arg22[%scan3A_19, %dma_start3A_158] : memref<6x128xi32, #tpu.memory_space<vmem>> -> memref<1x128xi32, #tpu.memory_space<vmem>>
      %dma_start3A_160 = tpu.memref_squeeze %dma_start3A_159 : memref<1x128xi32, #tpu.memory_space<vmem>> -> memref<128xi32, #tpu.memory_space<vmem>>
      %dma_start3A_161 = arith.constant 0 : i32
      %dma_start3A_162 = tpu.memref_slice %arg14[%dma_start3A_161] : memref<622592xf32, #tpu.memory_space<hbm>> -> memref<622592xf32, #tpu.memory_space<hbm>>
      tpu.enqueue_indirect_dma source(%dma_start3A_162 : memref<622592xf32, #tpu.memory_space<hbm>>) target(%dma_start3A_157 : memref<128xf32, #tpu.memory_space<vmem>>) offsets(%dma_start3A_160 : memref<128xi32, #tpu.memory_space<vmem>>) semaphore(%arg25 : memref<!tpu.dma_semaphore, #tpu.memory_space<semaphore_mem>>)
      %mul3A_163 = arith.constant 16 : i32
      %mul3A_164 = arith.muli %scan3A_19, %mul3A_163 : i32
      %add3A_165 = arith.constant 12 : i32
      %add3A_166 = arith.addi %mul3A_164, %add3A_165 : i32
      %dma_start3A_167 = arith.constant 0 : i32
      %dma_start3A_168 = tpu.memref_slice %arg23[%add3A_166, %dma_start3A_167] : memref<96x128xf32, #tpu.memory_space<vmem>> -> memref<1x128xf32, #tpu.memory_space<vmem>>
      %dma_start3A_169 = tpu.memref_squeeze %dma_start3A_168 : memref<1x128xf32, #tpu.memory_space<vmem>> -> memref<128xf32, #tpu.memory_space<vmem>>
      %dma_start3A_170 = arith.constant 0 : i32
      %dma_start3A_171 = tpu.memref_slice %arg22[%scan3A_19, %dma_start3A_170] : memref<6x128xi32, #tpu.memory_space<vmem>> -> memref<1x128xi32, #tpu.memory_space<vmem>>
      %dma_start3A_172 = tpu.memref_squeeze %dma_start3A_171 : memref<1x128xi32, #tpu.memory_space<vmem>> -> memref<128xi32, #tpu.memory_space<vmem>>
      %dma_start3A_173 = arith.constant 0 : i32
      %dma_start3A_174 = tpu.memref_slice %arg15[%dma_start3A_173] : memref<622592xf32, #tpu.memory_space<hbm>> -> memref<622592xf32, #tpu.memory_space<hbm>>
      tpu.enqueue_indirect_dma source(%dma_start3A_174 : memref<622592xf32, #tpu.memory_space<hbm>>) target(%dma_start3A_169 : memref<128xf32, #tpu.memory_space<vmem>>) offsets(%dma_start3A_172 : memref<128xi32, #tpu.memory_space<vmem>>) semaphore(%arg25 : memref<!tpu.dma_semaphore, #tpu.memory_space<semaphore_mem>>)
      %mul3A_175 = arith.constant 16 : i32
      %mul3A_176 = arith.muli %scan3A_19, %mul3A_175 : i32
      %add3A_177 = arith.constant 13 : i32
      %add3A_178 = arith.addi %mul3A_176, %add3A_177 : i32
      %dma_start3A_179 = arith.constant 0 : i32
      %dma_start3A_180 = tpu.memref_slice %arg23[%add3A_178, %dma_start3A_179] : memref<96x128xf32, #tpu.memory_space<vmem>> -> memref<1x128xf32, #tpu.memory_space<vmem>>
      %dma_start3A_181 = tpu.memref_squeeze %dma_start3A_180 : memref<1x128xf32, #tpu.memory_space<vmem>> -> memref<128xf32, #tpu.memory_space<vmem>>
      %dma_start3A_182 = arith.constant 0 : i32
      %dma_start3A_183 = tpu.memref_slice %arg22[%scan3A_19, %dma_start3A_182] : memref<6x128xi32, #tpu.memory_space<vmem>> -> memref<1x128xi32, #tpu.memory_space<vmem>>
      %dma_start3A_184 = tpu.memref_squeeze %dma_start3A_183 : memref<1x128xi32, #tpu.memory_space<vmem>> -> memref<128xi32, #tpu.memory_space<vmem>>
      %dma_start3A_185 = arith.constant 0 : i32
      %dma_start3A_186 = tpu.memref_slice %arg16[%dma_start3A_185] : memref<622592xf32, #tpu.memory_space<hbm>> -> memref<622592xf32, #tpu.memory_space<hbm>>
      tpu.enqueue_indirect_dma source(%dma_start3A_186 : memref<622592xf32, #tpu.memory_space<hbm>>) target(%dma_start3A_181 : memref<128xf32, #tpu.memory_space<vmem>>) offsets(%dma_start3A_184 : memref<128xi32, #tpu.memory_space<vmem>>) semaphore(%arg25 : memref<!tpu.dma_semaphore, #tpu.memory_space<semaphore_mem>>)
      %mul3A_187 = arith.constant 16 : i32
      %mul3A_188 = arith.muli %scan3A_19, %mul3A_187 : i32
      %add3A_189 = arith.constant 14 : i32
      %add3A_190 = arith.addi %mul3A_188, %add3A_189 : i32
      %dma_start3A_191 = arith.constant 0 : i32
      %dma_start3A_192 = tpu.memref_slice %arg23[%add3A_190, %dma_start3A_191] : memref<96x128xf32, #tpu.memory_space<vmem>> -> memref<1x128xf32, #tpu.memory_space<vmem>>
      %dma_start3A_193 = tpu.memref_squeeze %dma_start3A_192 : memref<1x128xf32, #tpu.memory_space<vmem>> -> memref<128xf32, #tpu.memory_space<vmem>>
      %dma_start3A_194 = arith.constant 0 : i32
      %dma_start3A_195 = tpu.memref_slice %arg22[%scan3A_19, %dma_start3A_194] : memref<6x128xi32, #tpu.memory_space<vmem>> -> memref<1x128xi32, #tpu.memory_space<vmem>>
      %dma_start3A_196 = tpu.memref_squeeze %dma_start3A_195 : memref<1x128xi32, #tpu.memory_space<vmem>> -> memref<128xi32, #tpu.memory_space<vmem>>
      %dma_start3A_197 = arith.constant 0 : i32
      %dma_start3A_198 = tpu.memref_slice %arg17[%dma_start3A_197] : memref<622592xf32, #tpu.memory_space<hbm>> -> memref<622592xf32, #tpu.memory_space<hbm>>
      tpu.enqueue_indirect_dma source(%dma_start3A_198 : memref<622592xf32, #tpu.memory_space<hbm>>) target(%dma_start3A_193 : memref<128xf32, #tpu.memory_space<vmem>>) offsets(%dma_start3A_196 : memref<128xi32, #tpu.memory_space<vmem>>) semaphore(%arg25 : memref<!tpu.dma_semaphore, #tpu.memory_space<semaphore_mem>>)
      %mul3A_199 = arith.constant 16 : i32
      %mul3A_200 = arith.muli %scan3A_19, %mul3A_199 : i32
      %add3A_201 = arith.constant 15 : i32
      %add3A_202 = arith.addi %mul3A_200, %add3A_201 : i32
      %dma_start3A_203 = arith.constant 0 : i32
      %dma_start3A_204 = tpu.memref_slice %arg23[%add3A_202, %dma_start3A_203] : memref<96x128xf32, #tpu.memory_space<vmem>> -> memref<1x128xf32, #tpu.memory_space<vmem>>
      %dma_start3A_205 = tpu.memref_squeeze %dma_start3A_204 : memref<1x128xf32, #tpu.memory_space<vmem>> -> memref<128xf32, #tpu.memory_space<vmem>>
      %dma_start3A_206 = arith.constant 0 : i32
      %dma_start3A_207 = tpu.memref_slice %arg22[%scan3A_19, %dma_start3A_206] : memref<6x128xi32, #tpu.memory_space<vmem>> -> memref<1x128xi32, #tpu.memory_space<vmem>>
      %dma_start3A_208 = tpu.memref_squeeze %dma_start3A_207 : memref<1x128xi32, #tpu.memory_space<vmem>> -> memref<128xi32, #tpu.memory_space<vmem>>
      %dma_start3A_209 = arith.constant 0 : i32
      %dma_start3A_210 = tpu.memref_slice %arg18[%dma_start3A_209] : memref<622592xf32, #tpu.memory_space<hbm>> -> memref<622592xf32, #tpu.memory_space<hbm>>
      tpu.enqueue_indirect_dma source(%dma_start3A_210 : memref<622592xf32, #tpu.memory_space<hbm>>) target(%dma_start3A_205 : memref<128xf32, #tpu.memory_space<vmem>>) offsets(%dma_start3A_208 : memref<128xi32, #tpu.memory_space<vmem>>) semaphore(%arg25 : memref<!tpu.dma_semaphore, #tpu.memory_space<semaphore_mem>>)
      %dma_start3A_211 = arith.constant 0 : i32
      %dma_start3A_212 = tpu.memref_slice %arg24[%scan3A_19, %dma_start3A_211] : memref<6x128xf32, #tpu.memory_space<vmem>> -> memref<1x128xf32, #tpu.memory_space<vmem>>
      %dma_start3A_213 = tpu.memref_squeeze %dma_start3A_212 : memref<1x128xf32, #tpu.memory_space<vmem>> -> memref<128xf32, #tpu.memory_space<vmem>>
      %dma_start3A_214 = arith.constant 0 : i32
      %dma_start3A_215 = tpu.memref_slice %arg22[%scan3A_19, %dma_start3A_214] : memref<6x128xi32, #tpu.memory_space<vmem>> -> memref<1x128xi32, #tpu.memory_space<vmem>>
      %dma_start3A_216 = tpu.memref_squeeze %dma_start3A_215 : memref<1x128xi32, #tpu.memory_space<vmem>> -> memref<128xi32, #tpu.memory_space<vmem>>
      %dma_start3A_217 = arith.constant 0 : i32
      %dma_start3A_218 = tpu.memref_slice %arg19[%dma_start3A_217] : memref<622592xf32, #tpu.memory_space<hbm>> -> memref<622592xf32, #tpu.memory_space<hbm>>
      tpu.enqueue_indirect_dma source(%dma_start3A_218 : memref<622592xf32, #tpu.memory_space<hbm>>) target(%dma_start3A_213 : memref<128xf32, #tpu.memory_space<vmem>>) offsets(%dma_start3A_216 : memref<128xi32, #tpu.memory_space<vmem>>) semaphore(%arg26 : memref<!tpu.dma_semaphore, #tpu.memory_space<semaphore_mem>>)
    }
    %scan3A_7 = arith.constant 6 : i32
    %dma_wait3A = arith.constant 0 : i32
    %dma_wait3A_8 = arith.constant 0 : i32
    %dma_wait3A_9 = tpu.memref_slice %arg20[%dma_wait3A, %dma_wait3A_8] : memref<96x4096xf32, #tpu.memory_space<hbm>> -> memref<96x128xf32, #tpu.memory_space<hbm>>
    %dma_wait3A_10 = arith.constant 0 : i32
    %dma_wait3A_11 = arith.constant 0 : i32
    %dma_wait3A_12 = tpu.memref_slice %arg20[%dma_wait3A_10, %dma_wait3A_11] : memref<96x4096xf32, #tpu.memory_space<hbm>> -> memref<96x128xf32, #tpu.memory_space<hbm>>
    tpu.wait_dma2 semaphore(%arg25 : memref<!tpu.dma_semaphore, #tpu.memory_space<semaphore_mem>>) src(%dma_wait3A_12 : memref<96x128xf32, #tpu.memory_space<hbm>>) dst(%arg23 : memref<96x128xf32, #tpu.memory_space<vmem>>)
    %dma_wait3A_13 = arith.constant 0 : i32
    %dma_wait3A_14 = arith.constant 0 : i32
    %dma_wait3A_15 = tpu.memref_slice %arg21[%dma_wait3A_13, %dma_wait3A_14] : memref<6x4096xf32, #tpu.memory_space<hbm>> -> memref<6x128xf32, #tpu.memory_space<hbm>>
    %dma_wait3A_16 = arith.constant 0 : i32
    %dma_wait3A_17 = arith.constant 0 : i32
    %dma_wait3A_18 = tpu.memref_slice %arg21[%dma_wait3A_16, %dma_wait3A_17] : memref<6x4096xf32, #tpu.memory_space<hbm>> -> memref<6x128xf32, #tpu.memory_space<hbm>>
    tpu.wait_dma2 semaphore(%arg26 : memref<!tpu.dma_semaphore, #tpu.memory_space<semaphore_mem>>) src(%dma_wait3A_18 : memref<6x128xf32, #tpu.memory_space<hbm>>) dst(%arg24 : memref<6x128xf32, #tpu.memory_space<vmem>>)
    "tpu.region"() ({
      %run_scoped3A = tpu.sem_alloc : memref<!tpu.dma_semaphore, #tpu.memory_space<semaphore_mem>>
      %dma_start3A = arith.constant 0 : i32
      %dma_start3A_19 = tpu.memref_slice %arg20[%dma_start3A, %multiple_of3A] : memref<96x4096xf32, #tpu.memory_space<hbm>> -> memref<96x128xf32, #tpu.memory_space<hbm>>
      %dma_start3A_20 = arith.constant 0 : i32
      %dma_start3A_21 = tpu.memref_slice %arg20[%dma_start3A_20, %multiple_of3A] : memref<96x4096xf32, #tpu.memory_space<hbm>> -> memref<96x128xf32, #tpu.memory_space<hbm>>
      tpu.enqueue_dma source(%arg23 : memref<96x128xf32, #tpu.memory_space<vmem>>) target(%dma_start3A_21 : memref<96x128xf32, #tpu.memory_space<hbm>>) target_semaphore(%run_scoped3A : memref<!tpu.dma_semaphore, #tpu.memory_space<semaphore_mem>>)
      %dma_wait3A_22 = arith.constant 0 : i32
      %dma_wait3A_23 = tpu.memref_slice %arg20[%dma_wait3A_22, %multiple_of3A] : memref<96x4096xf32, #tpu.memory_space<hbm>> -> memref<96x128xf32, #tpu.memory_space<hbm>>
      %dma_wait3A_24 = arith.constant 0 : i32
      %dma_wait3A_25 = tpu.memref_slice %arg20[%dma_wait3A_24, %multiple_of3A] : memref<96x4096xf32, #tpu.memory_space<hbm>> -> memref<96x128xf32, #tpu.memory_space<hbm>>
      tpu.wait_dma2 semaphore(%run_scoped3A : memref<!tpu.dma_semaphore, #tpu.memory_space<semaphore_mem>>) src(%arg23 : memref<96x128xf32, #tpu.memory_space<vmem>>) dst(%dma_wait3A_25 : memref<96x128xf32, #tpu.memory_space<hbm>>)
      tpu.yield
    }) : () -> ()
    "tpu.region"() ({
      %run_scoped3A = tpu.sem_alloc : memref<!tpu.dma_semaphore, #tpu.memory_space<semaphore_mem>>
      %dma_start3A = arith.constant 0 : i32
      %dma_start3A_19 = tpu.memref_slice %arg21[%dma_start3A, %multiple_of3A] : memref<6x4096xf32, #tpu.memory_space<hbm>> -> memref<6x128xf32, #tpu.memory_space<hbm>>
      %dma_start3A_20 = arith.constant 0 : i32
      %dma_start3A_21 = tpu.memref_slice %arg21[%dma_start3A_20, %multiple_of3A] : memref<6x4096xf32, #tpu.memory_space<hbm>> -> memref<6x128xf32, #tpu.memory_space<hbm>>
      tpu.enqueue_dma source(%arg24 : memref<6x128xf32, #tpu.memory_space<vmem>>) target(%dma_start3A_21 : memref<6x128xf32, #tpu.memory_space<hbm>>) target_semaphore(%run_scoped3A : memref<!tpu.dma_semaphore, #tpu.memory_space<semaphore_mem>>)
      %dma_wait3A_22 = arith.constant 0 : i32
      %dma_wait3A_23 = tpu.memref_slice %arg21[%dma_wait3A_22, %multiple_of3A] : memref<6x4096xf32, #tpu.memory_space<hbm>> -> memref<6x128xf32, #tpu.memory_space<hbm>>
      %dma_wait3A_24 = arith.constant 0 : i32
      %dma_wait3A_25 = tpu.memref_slice %arg21[%dma_wait3A_24, %multiple_of3A] : memref<6x4096xf32, #tpu.memory_space<hbm>> -> memref<6x128xf32, #tpu.memory_space<hbm>>
      tpu.wait_dma2 semaphore(%run_scoped3A : memref<!tpu.dma_semaphore, #tpu.memory_space<semaphore_mem>>) src(%arg24 : memref<6x128xf32, #tpu.memory_space<vmem>>) dst(%dma_wait3A_25 : memref<6x128xf32, #tpu.memory_space<hbm>>)
      tpu.yield
    }) : () -> ()
    return
  }
}

#map = affine_map<(d0, d1) -> (0, 0)>
#map1 = affine_map<(d0, d1) -> (0)>
module attributes {stable_mosaic.version = 14 : i64} {
  func.func @_sc_gather_body(%arg0: i32, %arg1: i32, %arg2: memref<6x4096xi32, #tpu.memory_space<hbm>>, %arg3: memref<606208xf32, #tpu.memory_space<hbm>>, %arg4: memref<606208xf32, #tpu.memory_space<hbm>>, %arg5: memref<606208xf32, #tpu.memory_space<hbm>>, %arg6: memref<606208xf32, #tpu.memory_space<hbm>>, %arg7: memref<606208xf32, #tpu.memory_space<hbm>>, %arg8: memref<606208xf32, #tpu.memory_space<hbm>>, %arg9: memref<606208xf32, #tpu.memory_space<hbm>>, %arg10: memref<606208xf32, #tpu.memory_space<hbm>>, %arg11: memref<606208xf32, #tpu.memory_space<hbm>>, %arg12: memref<606208xf32, #tpu.memory_space<hbm>>, %arg13: memref<606208xf32, #tpu.memory_space<hbm>>, %arg14: memref<606208xf32, #tpu.memory_space<hbm>>, %arg15: memref<606208xf32, #tpu.memory_space<hbm>>, %arg16: memref<606208xf32, #tpu.memory_space<hbm>>, %arg17: memref<606208xf32, #tpu.memory_space<hbm>>, %arg18: memref<606208xf32, #tpu.memory_space<hbm>>, %arg19: memref<606208xf32, #tpu.memory_space<hbm>>, %arg20: memref<96x4096xf32, #tpu.memory_space<hbm>>, %arg21: memref<6x4096xf32, #tpu.memory_space<hbm>>, %arg22: memref<6x128xi32, #tpu.memory_space<vmem>>, %arg23: memref<96x128xf32, #tpu.memory_space<vmem>>, %arg24: memref<6x128xf32, #tpu.memory_space<vmem>>, %arg25: memref<!tpu.dma_semaphore, #tpu.memory_space<semaphore_mem>>, %arg26: memref<!tpu.dma_semaphore, #tpu.memory_space<semaphore_mem>>) attributes {dimension_semantics = [#tpu.dimension_semantics<core_parallel>, #tpu.dimension_semantics<subcore_parallel>], iteration_bounds = array<i64: 2, 16>, scalar_prefetch = 0 : i64, scratch_operands = 5 : i64, tpu.core_type = #tpu.core_type<sc_vector_subcore>, window_params = [{transform_indices = #map}, {transform_indices = #map1}, {transform_indices = #map1}, {transform_indices = #map1}, {transform_indices = #map1}, {transform_indices = #map1}, {transform_indices = #map1}, {transform_indices = #map1}, {transform_indices = #map1}, {transform_indices = #map1}, {transform_indices = #map1}, {transform_indices = #map1}, {transform_indices = #map1}, {transform_indices = #map1}, {transform_indices = #map1}, {transform_indices = #map1}, {transform_indices = #map1}, {transform_indices = #map1}, {transform_indices = #map}, {transform_indices = #map}]} {
    %mul3A = arith.constant 2 : i32
    %mul3A_0 = arith.muli %arg1, %mul3A : i32
    %add3A = arith.addi %mul3A_0, %arg0 : i32
    %mul3A_1 = arith.constant 128 : i32
    %mul3A_2 = arith.muli %add3A, %mul3A_1 : i32
    %multiple_of3A = tpu.assume_multiple %mul3A_2, 8 : i32
    "tpu.region"() ({
      %run_scoped3A = tpu.sem_alloc : memref<!tpu.dma_semaphore, #tpu.memory_space<semaphore_mem>>
      %dma_start3A = arith.constant 0 : i32
      %dma_start3A_19 = tpu.memref_slice %arg2[%dma_start3A, %multiple_of3A] : memref<6x4096xi32, #tpu.memory_space<hbm>> -> memref<6x128xi32, #tpu.memory_space<hbm>>
      %dma_start3A_20 = arith.constant 0 : i32
      %dma_start3A_21 = tpu.memref_slice %arg2[%dma_start3A_20, %multiple_of3A] : memref<6x4096xi32, #tpu.memory_space<hbm>> -> memref<6x128xi32, #tpu.memory_space<hbm>>
      tpu.enqueue_dma source(%dma_start3A_21 : memref<6x128xi32, #tpu.memory_space<hbm>>) target(%arg22 : memref<6x128xi32, #tpu.memory_space<vmem>>) target_semaphore(%run_scoped3A : memref<!tpu.dma_semaphore, #tpu.memory_space<semaphore_mem>>)
      %dma_wait3A_22 = arith.constant 0 : i32
      %dma_wait3A_23 = tpu.memref_slice %arg2[%dma_wait3A_22, %multiple_of3A] : memref<6x4096xi32, #tpu.memory_space<hbm>> -> memref<6x128xi32, #tpu.memory_space<hbm>>
      %dma_wait3A_24 = arith.constant 0 : i32
      %dma_wait3A_25 = tpu.memref_slice %arg2[%dma_wait3A_24, %multiple_of3A] : memref<6x4096xi32, #tpu.memory_space<hbm>> -> memref<6x128xi32, #tpu.memory_space<hbm>>
      tpu.wait_dma2 semaphore(%run_scoped3A : memref<!tpu.dma_semaphore, #tpu.memory_space<semaphore_mem>>) src(%dma_wait3A_25 : memref<6x128xi32, #tpu.memory_space<hbm>>) dst(%arg22 : memref<6x128xi32, #tpu.memory_space<vmem>>)
      tpu.yield
    }) : () -> ()
    %scan3A = arith.constant 0 : i32
    %scan3A_3 = arith.constant 0 : i32
    %scan3A_4 = arith.constant 6 : i32
    %scan3A_5 = arith.addi %scan3A_3, %scan3A_4 : i32
    %scan3A_6 = arith.constant 1 : i32
    scf.for %scan3A_19 = %scan3A_3 to %scan3A_5 step %scan3A_6  : i32 {
      %mul3A_20 = arith.constant 16 : i32
      %mul3A_21 = arith.muli %scan3A_19, %mul3A_20 : i32
      %add3A_22 = arith.constant 0 : i32
      %add3A_23 = arith.addi %mul3A_21, %add3A_22 : i32
      %dma_start3A = arith.constant 0 : i32
      %dma_start3A_24 = tpu.memref_slice %arg23[%add3A_23, %dma_start3A] : memref<96x128xf32, #tpu.memory_space<vmem>> -> memref<1x128xf32, #tpu.memory_space<vmem>>
      %dma_start3A_25 = tpu.memref_squeeze %dma_start3A_24 : memref<1x128xf32, #tpu.memory_space<vmem>> -> memref<128xf32, #tpu.memory_space<vmem>>
      %dma_start3A_26 = arith.constant 0 : i32
      %dma_start3A_27 = tpu.memref_slice %arg22[%scan3A_19, %dma_start3A_26] : memref<6x128xi32, #tpu.memory_space<vmem>> -> memref<1x128xi32, #tpu.memory_space<vmem>>
      %dma_start3A_28 = tpu.memref_squeeze %dma_start3A_27 : memref<1x128xi32, #tpu.memory_space<vmem>> -> memref<128xi32, #tpu.memory_space<vmem>>
      %dma_start3A_29 = arith.constant 0 : i32
      %dma_start3A_30 = tpu.memref_slice %arg3[%dma_start3A_29] : memref<606208xf32, #tpu.memory_space<hbm>> -> memref<606208xf32, #tpu.memory_space<hbm>>
      tpu.enqueue_indirect_dma source(%dma_start3A_30 : memref<606208xf32, #tpu.memory_space<hbm>>) target(%dma_start3A_25 : memref<128xf32, #tpu.memory_space<vmem>>) offsets(%dma_start3A_28 : memref<128xi32, #tpu.memory_space<vmem>>) semaphore(%arg25 : memref<!tpu.dma_semaphore, #tpu.memory_space<semaphore_mem>>)
      %mul3A_31 = arith.constant 16 : i32
      %mul3A_32 = arith.muli %scan3A_19, %mul3A_31 : i32
      %add3A_33 = arith.constant 1 : i32
      %add3A_34 = arith.addi %mul3A_32, %add3A_33 : i32
      %dma_start3A_35 = arith.constant 0 : i32
      %dma_start3A_36 = tpu.memref_slice %arg23[%add3A_34, %dma_start3A_35] : memref<96x128xf32, #tpu.memory_space<vmem>> -> memref<1x128xf32, #tpu.memory_space<vmem>>
      %dma_start3A_37 = tpu.memref_squeeze %dma_start3A_36 : memref<1x128xf32, #tpu.memory_space<vmem>> -> memref<128xf32, #tpu.memory_space<vmem>>
      %dma_start3A_38 = arith.constant 0 : i32
      %dma_start3A_39 = tpu.memref_slice %arg22[%scan3A_19, %dma_start3A_38] : memref<6x128xi32, #tpu.memory_space<vmem>> -> memref<1x128xi32, #tpu.memory_space<vmem>>
      %dma_start3A_40 = tpu.memref_squeeze %dma_start3A_39 : memref<1x128xi32, #tpu.memory_space<vmem>> -> memref<128xi32, #tpu.memory_space<vmem>>
      %dma_start3A_41 = arith.constant 0 : i32
      %dma_start3A_42 = tpu.memref_slice %arg4[%dma_start3A_41] : memref<606208xf32, #tpu.memory_space<hbm>> -> memref<606208xf32, #tpu.memory_space<hbm>>
      tpu.enqueue_indirect_dma source(%dma_start3A_42 : memref<606208xf32, #tpu.memory_space<hbm>>) target(%dma_start3A_37 : memref<128xf32, #tpu.memory_space<vmem>>) offsets(%dma_start3A_40 : memref<128xi32, #tpu.memory_space<vmem>>) semaphore(%arg25 : memref<!tpu.dma_semaphore, #tpu.memory_space<semaphore_mem>>)
      %mul3A_43 = arith.constant 16 : i32
      %mul3A_44 = arith.muli %scan3A_19, %mul3A_43 : i32
      %add3A_45 = arith.constant 2 : i32
      %add3A_46 = arith.addi %mul3A_44, %add3A_45 : i32
      %dma_start3A_47 = arith.constant 0 : i32
      %dma_start3A_48 = tpu.memref_slice %arg23[%add3A_46, %dma_start3A_47] : memref<96x128xf32, #tpu.memory_space<vmem>> -> memref<1x128xf32, #tpu.memory_space<vmem>>
      %dma_start3A_49 = tpu.memref_squeeze %dma_start3A_48 : memref<1x128xf32, #tpu.memory_space<vmem>> -> memref<128xf32, #tpu.memory_space<vmem>>
      %dma_start3A_50 = arith.constant 0 : i32
      %dma_start3A_51 = tpu.memref_slice %arg22[%scan3A_19, %dma_start3A_50] : memref<6x128xi32, #tpu.memory_space<vmem>> -> memref<1x128xi32, #tpu.memory_space<vmem>>
      %dma_start3A_52 = tpu.memref_squeeze %dma_start3A_51 : memref<1x128xi32, #tpu.memory_space<vmem>> -> memref<128xi32, #tpu.memory_space<vmem>>
      %dma_start3A_53 = arith.constant 0 : i32
      %dma_start3A_54 = tpu.memref_slice %arg5[%dma_start3A_53] : memref<606208xf32, #tpu.memory_space<hbm>> -> memref<606208xf32, #tpu.memory_space<hbm>>
      tpu.enqueue_indirect_dma source(%dma_start3A_54 : memref<606208xf32, #tpu.memory_space<hbm>>) target(%dma_start3A_49 : memref<128xf32, #tpu.memory_space<vmem>>) offsets(%dma_start3A_52 : memref<128xi32, #tpu.memory_space<vmem>>) semaphore(%arg25 : memref<!tpu.dma_semaphore, #tpu.memory_space<semaphore_mem>>)
      %mul3A_55 = arith.constant 16 : i32
      %mul3A_56 = arith.muli %scan3A_19, %mul3A_55 : i32
      %add3A_57 = arith.constant 3 : i32
      %add3A_58 = arith.addi %mul3A_56, %add3A_57 : i32
      %dma_start3A_59 = arith.constant 0 : i32
      %dma_start3A_60 = tpu.memref_slice %arg23[%add3A_58, %dma_start3A_59] : memref<96x128xf32, #tpu.memory_space<vmem>> -> memref<1x128xf32, #tpu.memory_space<vmem>>
      %dma_start3A_61 = tpu.memref_squeeze %dma_start3A_60 : memref<1x128xf32, #tpu.memory_space<vmem>> -> memref<128xf32, #tpu.memory_space<vmem>>
      %dma_start3A_62 = arith.constant 0 : i32
      %dma_start3A_63 = tpu.memref_slice %arg22[%scan3A_19, %dma_start3A_62] : memref<6x128xi32, #tpu.memory_space<vmem>> -> memref<1x128xi32, #tpu.memory_space<vmem>>
      %dma_start3A_64 = tpu.memref_squeeze %dma_start3A_63 : memref<1x128xi32, #tpu.memory_space<vmem>> -> memref<128xi32, #tpu.memory_space<vmem>>
      %dma_start3A_65 = arith.constant 0 : i32
      %dma_start3A_66 = tpu.memref_slice %arg6[%dma_start3A_65] : memref<606208xf32, #tpu.memory_space<hbm>> -> memref<606208xf32, #tpu.memory_space<hbm>>
      tpu.enqueue_indirect_dma source(%dma_start3A_66 : memref<606208xf32, #tpu.memory_space<hbm>>) target(%dma_start3A_61 : memref<128xf32, #tpu.memory_space<vmem>>) offsets(%dma_start3A_64 : memref<128xi32, #tpu.memory_space<vmem>>) semaphore(%arg25 : memref<!tpu.dma_semaphore, #tpu.memory_space<semaphore_mem>>)
      %mul3A_67 = arith.constant 16 : i32
      %mul3A_68 = arith.muli %scan3A_19, %mul3A_67 : i32
      %add3A_69 = arith.constant 4 : i32
      %add3A_70 = arith.addi %mul3A_68, %add3A_69 : i32
      %dma_start3A_71 = arith.constant 0 : i32
      %dma_start3A_72 = tpu.memref_slice %arg23[%add3A_70, %dma_start3A_71] : memref<96x128xf32, #tpu.memory_space<vmem>> -> memref<1x128xf32, #tpu.memory_space<vmem>>
      %dma_start3A_73 = tpu.memref_squeeze %dma_start3A_72 : memref<1x128xf32, #tpu.memory_space<vmem>> -> memref<128xf32, #tpu.memory_space<vmem>>
      %dma_start3A_74 = arith.constant 0 : i32
      %dma_start3A_75 = tpu.memref_slice %arg22[%scan3A_19, %dma_start3A_74] : memref<6x128xi32, #tpu.memory_space<vmem>> -> memref<1x128xi32, #tpu.memory_space<vmem>>
      %dma_start3A_76 = tpu.memref_squeeze %dma_start3A_75 : memref<1x128xi32, #tpu.memory_space<vmem>> -> memref<128xi32, #tpu.memory_space<vmem>>
      %dma_start3A_77 = arith.constant 0 : i32
      %dma_start3A_78 = tpu.memref_slice %arg7[%dma_start3A_77] : memref<606208xf32, #tpu.memory_space<hbm>> -> memref<606208xf32, #tpu.memory_space<hbm>>
      tpu.enqueue_indirect_dma source(%dma_start3A_78 : memref<606208xf32, #tpu.memory_space<hbm>>) target(%dma_start3A_73 : memref<128xf32, #tpu.memory_space<vmem>>) offsets(%dma_start3A_76 : memref<128xi32, #tpu.memory_space<vmem>>) semaphore(%arg25 : memref<!tpu.dma_semaphore, #tpu.memory_space<semaphore_mem>>)
      %mul3A_79 = arith.constant 16 : i32
      %mul3A_80 = arith.muli %scan3A_19, %mul3A_79 : i32
      %add3A_81 = arith.constant 5 : i32
      %add3A_82 = arith.addi %mul3A_80, %add3A_81 : i32
      %dma_start3A_83 = arith.constant 0 : i32
      %dma_start3A_84 = tpu.memref_slice %arg23[%add3A_82, %dma_start3A_83] : memref<96x128xf32, #tpu.memory_space<vmem>> -> memref<1x128xf32, #tpu.memory_space<vmem>>
      %dma_start3A_85 = tpu.memref_squeeze %dma_start3A_84 : memref<1x128xf32, #tpu.memory_space<vmem>> -> memref<128xf32, #tpu.memory_space<vmem>>
      %dma_start3A_86 = arith.constant 0 : i32
      %dma_start3A_87 = tpu.memref_slice %arg22[%scan3A_19, %dma_start3A_86] : memref<6x128xi32, #tpu.memory_space<vmem>> -> memref<1x128xi32, #tpu.memory_space<vmem>>
      %dma_start3A_88 = tpu.memref_squeeze %dma_start3A_87 : memref<1x128xi32, #tpu.memory_space<vmem>> -> memref<128xi32, #tpu.memory_space<vmem>>
      %dma_start3A_89 = arith.constant 0 : i32
      %dma_start3A_90 = tpu.memref_slice %arg8[%dma_start3A_89] : memref<606208xf32, #tpu.memory_space<hbm>> -> memref<606208xf32, #tpu.memory_space<hbm>>
      tpu.enqueue_indirect_dma source(%dma_start3A_90 : memref<606208xf32, #tpu.memory_space<hbm>>) target(%dma_start3A_85 : memref<128xf32, #tpu.memory_space<vmem>>) offsets(%dma_start3A_88 : memref<128xi32, #tpu.memory_space<vmem>>) semaphore(%arg25 : memref<!tpu.dma_semaphore, #tpu.memory_space<semaphore_mem>>)
      %mul3A_91 = arith.constant 16 : i32
      %mul3A_92 = arith.muli %scan3A_19, %mul3A_91 : i32
      %add3A_93 = arith.constant 6 : i32
      %add3A_94 = arith.addi %mul3A_92, %add3A_93 : i32
      %dma_start3A_95 = arith.constant 0 : i32
      %dma_start3A_96 = tpu.memref_slice %arg23[%add3A_94, %dma_start3A_95] : memref<96x128xf32, #tpu.memory_space<vmem>> -> memref<1x128xf32, #tpu.memory_space<vmem>>
      %dma_start3A_97 = tpu.memref_squeeze %dma_start3A_96 : memref<1x128xf32, #tpu.memory_space<vmem>> -> memref<128xf32, #tpu.memory_space<vmem>>
      %dma_start3A_98 = arith.constant 0 : i32
      %dma_start3A_99 = tpu.memref_slice %arg22[%scan3A_19, %dma_start3A_98] : memref<6x128xi32, #tpu.memory_space<vmem>> -> memref<1x128xi32, #tpu.memory_space<vmem>>
      %dma_start3A_100 = tpu.memref_squeeze %dma_start3A_99 : memref<1x128xi32, #tpu.memory_space<vmem>> -> memref<128xi32, #tpu.memory_space<vmem>>
      %dma_start3A_101 = arith.constant 0 : i32
      %dma_start3A_102 = tpu.memref_slice %arg9[%dma_start3A_101] : memref<606208xf32, #tpu.memory_space<hbm>> -> memref<606208xf32, #tpu.memory_space<hbm>>
      tpu.enqueue_indirect_dma source(%dma_start3A_102 : memref<606208xf32, #tpu.memory_space<hbm>>) target(%dma_start3A_97 : memref<128xf32, #tpu.memory_space<vmem>>) offsets(%dma_start3A_100 : memref<128xi32, #tpu.memory_space<vmem>>) semaphore(%arg25 : memref<!tpu.dma_semaphore, #tpu.memory_space<semaphore_mem>>)
      %mul3A_103 = arith.constant 16 : i32
      %mul3A_104 = arith.muli %scan3A_19, %mul3A_103 : i32
      %add3A_105 = arith.constant 7 : i32
      %add3A_106 = arith.addi %mul3A_104, %add3A_105 : i32
      %dma_start3A_107 = arith.constant 0 : i32
      %dma_start3A_108 = tpu.memref_slice %arg23[%add3A_106, %dma_start3A_107] : memref<96x128xf32, #tpu.memory_space<vmem>> -> memref<1x128xf32, #tpu.memory_space<vmem>>
      %dma_start3A_109 = tpu.memref_squeeze %dma_start3A_108 : memref<1x128xf32, #tpu.memory_space<vmem>> -> memref<128xf32, #tpu.memory_space<vmem>>
      %dma_start3A_110 = arith.constant 0 : i32
      %dma_start3A_111 = tpu.memref_slice %arg22[%scan3A_19, %dma_start3A_110] : memref<6x128xi32, #tpu.memory_space<vmem>> -> memref<1x128xi32, #tpu.memory_space<vmem>>
      %dma_start3A_112 = tpu.memref_squeeze %dma_start3A_111 : memref<1x128xi32, #tpu.memory_space<vmem>> -> memref<128xi32, #tpu.memory_space<vmem>>
      %dma_start3A_113 = arith.constant 0 : i32
      %dma_start3A_114 = tpu.memref_slice %arg10[%dma_start3A_113] : memref<606208xf32, #tpu.memory_space<hbm>> -> memref<606208xf32, #tpu.memory_space<hbm>>
      tpu.enqueue_indirect_dma source(%dma_start3A_114 : memref<606208xf32, #tpu.memory_space<hbm>>) target(%dma_start3A_109 : memref<128xf32, #tpu.memory_space<vmem>>) offsets(%dma_start3A_112 : memref<128xi32, #tpu.memory_space<vmem>>) semaphore(%arg25 : memref<!tpu.dma_semaphore, #tpu.memory_space<semaphore_mem>>)
      %mul3A_115 = arith.constant 16 : i32
      %mul3A_116 = arith.muli %scan3A_19, %mul3A_115 : i32
      %add3A_117 = arith.constant 8 : i32
      %add3A_118 = arith.addi %mul3A_116, %add3A_117 : i32
      %dma_start3A_119 = arith.constant 0 : i32
      %dma_start3A_120 = tpu.memref_slice %arg23[%add3A_118, %dma_start3A_119] : memref<96x128xf32, #tpu.memory_space<vmem>> -> memref<1x128xf32, #tpu.memory_space<vmem>>
      %dma_start3A_121 = tpu.memref_squeeze %dma_start3A_120 : memref<1x128xf32, #tpu.memory_space<vmem>> -> memref<128xf32, #tpu.memory_space<vmem>>
      %dma_start3A_122 = arith.constant 0 : i32
      %dma_start3A_123 = tpu.memref_slice %arg22[%scan3A_19, %dma_start3A_122] : memref<6x128xi32, #tpu.memory_space<vmem>> -> memref<1x128xi32, #tpu.memory_space<vmem>>
      %dma_start3A_124 = tpu.memref_squeeze %dma_start3A_123 : memref<1x128xi32, #tpu.memory_space<vmem>> -> memref<128xi32, #tpu.memory_space<vmem>>
      %dma_start3A_125 = arith.constant 0 : i32
      %dma_start3A_126 = tpu.memref_slice %arg11[%dma_start3A_125] : memref<606208xf32, #tpu.memory_space<hbm>> -> memref<606208xf32, #tpu.memory_space<hbm>>
      tpu.enqueue_indirect_dma source(%dma_start3A_126 : memref<606208xf32, #tpu.memory_space<hbm>>) target(%dma_start3A_121 : memref<128xf32, #tpu.memory_space<vmem>>) offsets(%dma_start3A_124 : memref<128xi32, #tpu.memory_space<vmem>>) semaphore(%arg25 : memref<!tpu.dma_semaphore, #tpu.memory_space<semaphore_mem>>)
      %mul3A_127 = arith.constant 16 : i32
      %mul3A_128 = arith.muli %scan3A_19, %mul3A_127 : i32
      %add3A_129 = arith.constant 9 : i32
      %add3A_130 = arith.addi %mul3A_128, %add3A_129 : i32
      %dma_start3A_131 = arith.constant 0 : i32
      %dma_start3A_132 = tpu.memref_slice %arg23[%add3A_130, %dma_start3A_131] : memref<96x128xf32, #tpu.memory_space<vmem>> -> memref<1x128xf32, #tpu.memory_space<vmem>>
      %dma_start3A_133 = tpu.memref_squeeze %dma_start3A_132 : memref<1x128xf32, #tpu.memory_space<vmem>> -> memref<128xf32, #tpu.memory_space<vmem>>
      %dma_start3A_134 = arith.constant 0 : i32
      %dma_start3A_135 = tpu.memref_slice %arg22[%scan3A_19, %dma_start3A_134] : memref<6x128xi32, #tpu.memory_space<vmem>> -> memref<1x128xi32, #tpu.memory_space<vmem>>
      %dma_start3A_136 = tpu.memref_squeeze %dma_start3A_135 : memref<1x128xi32, #tpu.memory_space<vmem>> -> memref<128xi32, #tpu.memory_space<vmem>>
      %dma_start3A_137 = arith.constant 0 : i32
      %dma_start3A_138 = tpu.memref_slice %arg12[%dma_start3A_137] : memref<606208xf32, #tpu.memory_space<hbm>> -> memref<606208xf32, #tpu.memory_space<hbm>>
      tpu.enqueue_indirect_dma source(%dma_start3A_138 : memref<606208xf32, #tpu.memory_space<hbm>>) target(%dma_start3A_133 : memref<128xf32, #tpu.memory_space<vmem>>) offsets(%dma_start3A_136 : memref<128xi32, #tpu.memory_space<vmem>>) semaphore(%arg25 : memref<!tpu.dma_semaphore, #tpu.memory_space<semaphore_mem>>)
      %mul3A_139 = arith.constant 16 : i32
      %mul3A_140 = arith.muli %scan3A_19, %mul3A_139 : i32
      %add3A_141 = arith.constant 10 : i32
      %add3A_142 = arith.addi %mul3A_140, %add3A_141 : i32
      %dma_start3A_143 = arith.constant 0 : i32
      %dma_start3A_144 = tpu.memref_slice %arg23[%add3A_142, %dma_start3A_143] : memref<96x128xf32, #tpu.memory_space<vmem>> -> memref<1x128xf32, #tpu.memory_space<vmem>>
      %dma_start3A_145 = tpu.memref_squeeze %dma_start3A_144 : memref<1x128xf32, #tpu.memory_space<vmem>> -> memref<128xf32, #tpu.memory_space<vmem>>
      %dma_start3A_146 = arith.constant 0 : i32
      %dma_start3A_147 = tpu.memref_slice %arg22[%scan3A_19, %dma_start3A_146] : memref<6x128xi32, #tpu.memory_space<vmem>> -> memref<1x128xi32, #tpu.memory_space<vmem>>
      %dma_start3A_148 = tpu.memref_squeeze %dma_start3A_147 : memref<1x128xi32, #tpu.memory_space<vmem>> -> memref<128xi32, #tpu.memory_space<vmem>>
      %dma_start3A_149 = arith.constant 0 : i32
      %dma_start3A_150 = tpu.memref_slice %arg13[%dma_start3A_149] : memref<606208xf32, #tpu.memory_space<hbm>> -> memref<606208xf32, #tpu.memory_space<hbm>>
      tpu.enqueue_indirect_dma source(%dma_start3A_150 : memref<606208xf32, #tpu.memory_space<hbm>>) target(%dma_start3A_145 : memref<128xf32, #tpu.memory_space<vmem>>) offsets(%dma_start3A_148 : memref<128xi32, #tpu.memory_space<vmem>>) semaphore(%arg25 : memref<!tpu.dma_semaphore, #tpu.memory_space<semaphore_mem>>)
      %mul3A_151 = arith.constant 16 : i32
      %mul3A_152 = arith.muli %scan3A_19, %mul3A_151 : i32
      %add3A_153 = arith.constant 11 : i32
      %add3A_154 = arith.addi %mul3A_152, %add3A_153 : i32
      %dma_start3A_155 = arith.constant 0 : i32
      %dma_start3A_156 = tpu.memref_slice %arg23[%add3A_154, %dma_start3A_155] : memref<96x128xf32, #tpu.memory_space<vmem>> -> memref<1x128xf32, #tpu.memory_space<vmem>>
      %dma_start3A_157 = tpu.memref_squeeze %dma_start3A_156 : memref<1x128xf32, #tpu.memory_space<vmem>> -> memref<128xf32, #tpu.memory_space<vmem>>
      %dma_start3A_158 = arith.constant 0 : i32
      %dma_start3A_159 = tpu.memref_slice %arg22[%scan3A_19, %dma_start3A_158] : memref<6x128xi32, #tpu.memory_space<vmem>> -> memref<1x128xi32, #tpu.memory_space<vmem>>
      %dma_start3A_160 = tpu.memref_squeeze %dma_start3A_159 : memref<1x128xi32, #tpu.memory_space<vmem>> -> memref<128xi32, #tpu.memory_space<vmem>>
      %dma_start3A_161 = arith.constant 0 : i32
      %dma_start3A_162 = tpu.memref_slice %arg14[%dma_start3A_161] : memref<606208xf32, #tpu.memory_space<hbm>> -> memref<606208xf32, #tpu.memory_space<hbm>>
      tpu.enqueue_indirect_dma source(%dma_start3A_162 : memref<606208xf32, #tpu.memory_space<hbm>>) target(%dma_start3A_157 : memref<128xf32, #tpu.memory_space<vmem>>) offsets(%dma_start3A_160 : memref<128xi32, #tpu.memory_space<vmem>>) semaphore(%arg25 : memref<!tpu.dma_semaphore, #tpu.memory_space<semaphore_mem>>)
      %mul3A_163 = arith.constant 16 : i32
      %mul3A_164 = arith.muli %scan3A_19, %mul3A_163 : i32
      %add3A_165 = arith.constant 12 : i32
      %add3A_166 = arith.addi %mul3A_164, %add3A_165 : i32
      %dma_start3A_167 = arith.constant 0 : i32
      %dma_start3A_168 = tpu.memref_slice %arg23[%add3A_166, %dma_start3A_167] : memref<96x128xf32, #tpu.memory_space<vmem>> -> memref<1x128xf32, #tpu.memory_space<vmem>>
      %dma_start3A_169 = tpu.memref_squeeze %dma_start3A_168 : memref<1x128xf32, #tpu.memory_space<vmem>> -> memref<128xf32, #tpu.memory_space<vmem>>
      %dma_start3A_170 = arith.constant 0 : i32
      %dma_start3A_171 = tpu.memref_slice %arg22[%scan3A_19, %dma_start3A_170] : memref<6x128xi32, #tpu.memory_space<vmem>> -> memref<1x128xi32, #tpu.memory_space<vmem>>
      %dma_start3A_172 = tpu.memref_squeeze %dma_start3A_171 : memref<1x128xi32, #tpu.memory_space<vmem>> -> memref<128xi32, #tpu.memory_space<vmem>>
      %dma_start3A_173 = arith.constant 0 : i32
      %dma_start3A_174 = tpu.memref_slice %arg15[%dma_start3A_173] : memref<606208xf32, #tpu.memory_space<hbm>> -> memref<606208xf32, #tpu.memory_space<hbm>>
      tpu.enqueue_indirect_dma source(%dma_start3A_174 : memref<606208xf32, #tpu.memory_space<hbm>>) target(%dma_start3A_169 : memref<128xf32, #tpu.memory_space<vmem>>) offsets(%dma_start3A_172 : memref<128xi32, #tpu.memory_space<vmem>>) semaphore(%arg25 : memref<!tpu.dma_semaphore, #tpu.memory_space<semaphore_mem>>)
      %mul3A_175 = arith.constant 16 : i32
      %mul3A_176 = arith.muli %scan3A_19, %mul3A_175 : i32
      %add3A_177 = arith.constant 13 : i32
      %add3A_178 = arith.addi %mul3A_176, %add3A_177 : i32
      %dma_start3A_179 = arith.constant 0 : i32
      %dma_start3A_180 = tpu.memref_slice %arg23[%add3A_178, %dma_start3A_179] : memref<96x128xf32, #tpu.memory_space<vmem>> -> memref<1x128xf32, #tpu.memory_space<vmem>>
      %dma_start3A_181 = tpu.memref_squeeze %dma_start3A_180 : memref<1x128xf32, #tpu.memory_space<vmem>> -> memref<128xf32, #tpu.memory_space<vmem>>
      %dma_start3A_182 = arith.constant 0 : i32
      %dma_start3A_183 = tpu.memref_slice %arg22[%scan3A_19, %dma_start3A_182] : memref<6x128xi32, #tpu.memory_space<vmem>> -> memref<1x128xi32, #tpu.memory_space<vmem>>
      %dma_start3A_184 = tpu.memref_squeeze %dma_start3A_183 : memref<1x128xi32, #tpu.memory_space<vmem>> -> memref<128xi32, #tpu.memory_space<vmem>>
      %dma_start3A_185 = arith.constant 0 : i32
      %dma_start3A_186 = tpu.memref_slice %arg16[%dma_start3A_185] : memref<606208xf32, #tpu.memory_space<hbm>> -> memref<606208xf32, #tpu.memory_space<hbm>>
      tpu.enqueue_indirect_dma source(%dma_start3A_186 : memref<606208xf32, #tpu.memory_space<hbm>>) target(%dma_start3A_181 : memref<128xf32, #tpu.memory_space<vmem>>) offsets(%dma_start3A_184 : memref<128xi32, #tpu.memory_space<vmem>>) semaphore(%arg25 : memref<!tpu.dma_semaphore, #tpu.memory_space<semaphore_mem>>)
      %mul3A_187 = arith.constant 16 : i32
      %mul3A_188 = arith.muli %scan3A_19, %mul3A_187 : i32
      %add3A_189 = arith.constant 14 : i32
      %add3A_190 = arith.addi %mul3A_188, %add3A_189 : i32
      %dma_start3A_191 = arith.constant 0 : i32
      %dma_start3A_192 = tpu.memref_slice %arg23[%add3A_190, %dma_start3A_191] : memref<96x128xf32, #tpu.memory_space<vmem>> -> memref<1x128xf32, #tpu.memory_space<vmem>>
      %dma_start3A_193 = tpu.memref_squeeze %dma_start3A_192 : memref<1x128xf32, #tpu.memory_space<vmem>> -> memref<128xf32, #tpu.memory_space<vmem>>
      %dma_start3A_194 = arith.constant 0 : i32
      %dma_start3A_195 = tpu.memref_slice %arg22[%scan3A_19, %dma_start3A_194] : memref<6x128xi32, #tpu.memory_space<vmem>> -> memref<1x128xi32, #tpu.memory_space<vmem>>
      %dma_start3A_196 = tpu.memref_squeeze %dma_start3A_195 : memref<1x128xi32, #tpu.memory_space<vmem>> -> memref<128xi32, #tpu.memory_space<vmem>>
      %dma_start3A_197 = arith.constant 0 : i32
      %dma_start3A_198 = tpu.memref_slice %arg17[%dma_start3A_197] : memref<606208xf32, #tpu.memory_space<hbm>> -> memref<606208xf32, #tpu.memory_space<hbm>>
      tpu.enqueue_indirect_dma source(%dma_start3A_198 : memref<606208xf32, #tpu.memory_space<hbm>>) target(%dma_start3A_193 : memref<128xf32, #tpu.memory_space<vmem>>) offsets(%dma_start3A_196 : memref<128xi32, #tpu.memory_space<vmem>>) semaphore(%arg25 : memref<!tpu.dma_semaphore, #tpu.memory_space<semaphore_mem>>)
      %mul3A_199 = arith.constant 16 : i32
      %mul3A_200 = arith.muli %scan3A_19, %mul3A_199 : i32
      %add3A_201 = arith.constant 15 : i32
      %add3A_202 = arith.addi %mul3A_200, %add3A_201 : i32
      %dma_start3A_203 = arith.constant 0 : i32
      %dma_start3A_204 = tpu.memref_slice %arg23[%add3A_202, %dma_start3A_203] : memref<96x128xf32, #tpu.memory_space<vmem>> -> memref<1x128xf32, #tpu.memory_space<vmem>>
      %dma_start3A_205 = tpu.memref_squeeze %dma_start3A_204 : memref<1x128xf32, #tpu.memory_space<vmem>> -> memref<128xf32, #tpu.memory_space<vmem>>
      %dma_start3A_206 = arith.constant 0 : i32
      %dma_start3A_207 = tpu.memref_slice %arg22[%scan3A_19, %dma_start3A_206] : memref<6x128xi32, #tpu.memory_space<vmem>> -> memref<1x128xi32, #tpu.memory_space<vmem>>
      %dma_start3A_208 = tpu.memref_squeeze %dma_start3A_207 : memref<1x128xi32, #tpu.memory_space<vmem>> -> memref<128xi32, #tpu.memory_space<vmem>>
      %dma_start3A_209 = arith.constant 0 : i32
      %dma_start3A_210 = tpu.memref_slice %arg18[%dma_start3A_209] : memref<606208xf32, #tpu.memory_space<hbm>> -> memref<606208xf32, #tpu.memory_space<hbm>>
      tpu.enqueue_indirect_dma source(%dma_start3A_210 : memref<606208xf32, #tpu.memory_space<hbm>>) target(%dma_start3A_205 : memref<128xf32, #tpu.memory_space<vmem>>) offsets(%dma_start3A_208 : memref<128xi32, #tpu.memory_space<vmem>>) semaphore(%arg25 : memref<!tpu.dma_semaphore, #tpu.memory_space<semaphore_mem>>)
      %dma_start3A_211 = arith.constant 0 : i32
      %dma_start3A_212 = tpu.memref_slice %arg24[%scan3A_19, %dma_start3A_211] : memref<6x128xf32, #tpu.memory_space<vmem>> -> memref<1x128xf32, #tpu.memory_space<vmem>>
      %dma_start3A_213 = tpu.memref_squeeze %dma_start3A_212 : memref<1x128xf32, #tpu.memory_space<vmem>> -> memref<128xf32, #tpu.memory_space<vmem>>
      %dma_start3A_214 = arith.constant 0 : i32
      %dma_start3A_215 = tpu.memref_slice %arg22[%scan3A_19, %dma_start3A_214] : memref<6x128xi32, #tpu.memory_space<vmem>> -> memref<1x128xi32, #tpu.memory_space<vmem>>
      %dma_start3A_216 = tpu.memref_squeeze %dma_start3A_215 : memref<1x128xi32, #tpu.memory_space<vmem>> -> memref<128xi32, #tpu.memory_space<vmem>>
      %dma_start3A_217 = arith.constant 0 : i32
      %dma_start3A_218 = tpu.memref_slice %arg19[%dma_start3A_217] : memref<606208xf32, #tpu.memory_space<hbm>> -> memref<606208xf32, #tpu.memory_space<hbm>>
      tpu.enqueue_indirect_dma source(%dma_start3A_218 : memref<606208xf32, #tpu.memory_space<hbm>>) target(%dma_start3A_213 : memref<128xf32, #tpu.memory_space<vmem>>) offsets(%dma_start3A_216 : memref<128xi32, #tpu.memory_space<vmem>>) semaphore(%arg26 : memref<!tpu.dma_semaphore, #tpu.memory_space<semaphore_mem>>)
    }
    %scan3A_7 = arith.constant 6 : i32
    %dma_wait3A = arith.constant 0 : i32
    %dma_wait3A_8 = arith.constant 0 : i32
    %dma_wait3A_9 = tpu.memref_slice %arg20[%dma_wait3A, %dma_wait3A_8] : memref<96x4096xf32, #tpu.memory_space<hbm>> -> memref<96x128xf32, #tpu.memory_space<hbm>>
    %dma_wait3A_10 = arith.constant 0 : i32
    %dma_wait3A_11 = arith.constant 0 : i32
    %dma_wait3A_12 = tpu.memref_slice %arg20[%dma_wait3A_10, %dma_wait3A_11] : memref<96x4096xf32, #tpu.memory_space<hbm>> -> memref<96x128xf32, #tpu.memory_space<hbm>>
    tpu.wait_dma2 semaphore(%arg25 : memref<!tpu.dma_semaphore, #tpu.memory_space<semaphore_mem>>) src(%dma_wait3A_12 : memref<96x128xf32, #tpu.memory_space<hbm>>) dst(%arg23 : memref<96x128xf32, #tpu.memory_space<vmem>>)
    %dma_wait3A_13 = arith.constant 0 : i32
    %dma_wait3A_14 = arith.constant 0 : i32
    %dma_wait3A_15 = tpu.memref_slice %arg21[%dma_wait3A_13, %dma_wait3A_14] : memref<6x4096xf32, #tpu.memory_space<hbm>> -> memref<6x128xf32, #tpu.memory_space<hbm>>
    %dma_wait3A_16 = arith.constant 0 : i32
    %dma_wait3A_17 = arith.constant 0 : i32
    %dma_wait3A_18 = tpu.memref_slice %arg21[%dma_wait3A_16, %dma_wait3A_17] : memref<6x4096xf32, #tpu.memory_space<hbm>> -> memref<6x128xf32, #tpu.memory_space<hbm>>
    tpu.wait_dma2 semaphore(%arg26 : memref<!tpu.dma_semaphore, #tpu.memory_space<semaphore_mem>>) src(%dma_wait3A_18 : memref<6x128xf32, #tpu.memory_space<hbm>>) dst(%arg24 : memref<6x128xf32, #tpu.memory_space<vmem>>)
    "tpu.region"() ({
      %run_scoped3A = tpu.sem_alloc : memref<!tpu.dma_semaphore, #tpu.memory_space<semaphore_mem>>
      %dma_start3A = arith.constant 0 : i32
      %dma_start3A_19 = tpu.memref_slice %arg20[%dma_start3A, %multiple_of3A] : memref<96x4096xf32, #tpu.memory_space<hbm>> -> memref<96x128xf32, #tpu.memory_space<hbm>>
      %dma_start3A_20 = arith.constant 0 : i32
      %dma_start3A_21 = tpu.memref_slice %arg20[%dma_start3A_20, %multiple_of3A] : memref<96x4096xf32, #tpu.memory_space<hbm>> -> memref<96x128xf32, #tpu.memory_space<hbm>>
      tpu.enqueue_dma source(%arg23 : memref<96x128xf32, #tpu.memory_space<vmem>>) target(%dma_start3A_21 : memref<96x128xf32, #tpu.memory_space<hbm>>) target_semaphore(%run_scoped3A : memref<!tpu.dma_semaphore, #tpu.memory_space<semaphore_mem>>)
      %dma_wait3A_22 = arith.constant 0 : i32
      %dma_wait3A_23 = tpu.memref_slice %arg20[%dma_wait3A_22, %multiple_of3A] : memref<96x4096xf32, #tpu.memory_space<hbm>> -> memref<96x128xf32, #tpu.memory_space<hbm>>
      %dma_wait3A_24 = arith.constant 0 : i32
      %dma_wait3A_25 = tpu.memref_slice %arg20[%dma_wait3A_24, %multiple_of3A] : memref<96x4096xf32, #tpu.memory_space<hbm>> -> memref<96x128xf32, #tpu.memory_space<hbm>>
      tpu.wait_dma2 semaphore(%run_scoped3A : memref<!tpu.dma_semaphore, #tpu.memory_space<semaphore_mem>>) src(%arg23 : memref<96x128xf32, #tpu.memory_space<vmem>>) dst(%dma_wait3A_25 : memref<96x128xf32, #tpu.memory_space<hbm>>)
      tpu.yield
    }) : () -> ()
    "tpu.region"() ({
      %run_scoped3A = tpu.sem_alloc : memref<!tpu.dma_semaphore, #tpu.memory_space<semaphore_mem>>
      %dma_start3A = arith.constant 0 : i32
      %dma_start3A_19 = tpu.memref_slice %arg21[%dma_start3A, %multiple_of3A] : memref<6x4096xf32, #tpu.memory_space<hbm>> -> memref<6x128xf32, #tpu.memory_space<hbm>>
      %dma_start3A_20 = arith.constant 0 : i32
      %dma_start3A_21 = tpu.memref_slice %arg21[%dma_start3A_20, %multiple_of3A] : memref<6x4096xf32, #tpu.memory_space<hbm>> -> memref<6x128xf32, #tpu.memory_space<hbm>>
      tpu.enqueue_dma source(%arg24 : memref<6x128xf32, #tpu.memory_space<vmem>>) target(%dma_start3A_21 : memref<6x128xf32, #tpu.memory_space<hbm>>) target_semaphore(%run_scoped3A : memref<!tpu.dma_semaphore, #tpu.memory_space<semaphore_mem>>)
      %dma_wait3A_22 = arith.constant 0 : i32
      %dma_wait3A_23 = tpu.memref_slice %arg21[%dma_wait3A_22, %multiple_of3A] : memref<6x4096xf32, #tpu.memory_space<hbm>> -> memref<6x128xf32, #tpu.memory_space<hbm>>
      %dma_wait3A_24 = arith.constant 0 : i32
      %dma_wait3A_25 = tpu.memref_slice %arg21[%dma_wait3A_24, %multiple_of3A] : memref<6x4096xf32, #tpu.memory_space<hbm>> -> memref<6x128xf32, #tpu.memory_space<hbm>>
      tpu.wait_dma2 semaphore(%run_scoped3A : memref<!tpu.dma_semaphore, #tpu.memory_space<semaphore_mem>>) src(%arg24 : memref<6x128xf32, #tpu.memory_space<vmem>>) dst(%dma_wait3A_25 : memref<6x128xf32, #tpu.memory_space<hbm>>)
      tpu.yield
    }) : () -> ()
    return
  }
}

#map = affine_map<(d0, d1) -> (0, 0)>
#map1 = affine_map<(d0, d1) -> (0)>
module attributes {stable_mosaic.version = 14 : i64} {
  func.func @_sc_gather_body(%arg0: i32, %arg1: i32, %arg2: memref<7x4096xi32, #tpu.memory_space<hbm>>, %arg3: memref<720896xf32, #tpu.memory_space<hbm>>, %arg4: memref<720896xf32, #tpu.memory_space<hbm>>, %arg5: memref<720896xf32, #tpu.memory_space<hbm>>, %arg6: memref<720896xf32, #tpu.memory_space<hbm>>, %arg7: memref<720896xf32, #tpu.memory_space<hbm>>, %arg8: memref<720896xf32, #tpu.memory_space<hbm>>, %arg9: memref<720896xf32, #tpu.memory_space<hbm>>, %arg10: memref<720896xf32, #tpu.memory_space<hbm>>, %arg11: memref<720896xf32, #tpu.memory_space<hbm>>, %arg12: memref<720896xf32, #tpu.memory_space<hbm>>, %arg13: memref<720896xf32, #tpu.memory_space<hbm>>, %arg14: memref<720896xf32, #tpu.memory_space<hbm>>, %arg15: memref<720896xf32, #tpu.memory_space<hbm>>, %arg16: memref<720896xf32, #tpu.memory_space<hbm>>, %arg17: memref<720896xf32, #tpu.memory_space<hbm>>, %arg18: memref<720896xf32, #tpu.memory_space<hbm>>, %arg19: memref<720896xf32, #tpu.memory_space<hbm>>, %arg20: memref<112x4096xf32, #tpu.memory_space<hbm>>, %arg21: memref<7x4096xf32, #tpu.memory_space<hbm>>, %arg22: memref<7x128xi32, #tpu.memory_space<vmem>>, %arg23: memref<112x128xf32, #tpu.memory_space<vmem>>, %arg24: memref<7x128xf32, #tpu.memory_space<vmem>>, %arg25: memref<!tpu.dma_semaphore, #tpu.memory_space<semaphore_mem>>, %arg26: memref<!tpu.dma_semaphore, #tpu.memory_space<semaphore_mem>>) attributes {dimension_semantics = [#tpu.dimension_semantics<core_parallel>, #tpu.dimension_semantics<subcore_parallel>], iteration_bounds = array<i64: 2, 16>, scalar_prefetch = 0 : i64, scratch_operands = 5 : i64, tpu.core_type = #tpu.core_type<sc_vector_subcore>, window_params = [{transform_indices = #map}, {transform_indices = #map1}, {transform_indices = #map1}, {transform_indices = #map1}, {transform_indices = #map1}, {transform_indices = #map1}, {transform_indices = #map1}, {transform_indices = #map1}, {transform_indices = #map1}, {transform_indices = #map1}, {transform_indices = #map1}, {transform_indices = #map1}, {transform_indices = #map1}, {transform_indices = #map1}, {transform_indices = #map1}, {transform_indices = #map1}, {transform_indices = #map1}, {transform_indices = #map1}, {transform_indices = #map}, {transform_indices = #map}]} {
    %mul3A = arith.constant 2 : i32
    %mul3A_0 = arith.muli %arg1, %mul3A : i32
    %add3A = arith.addi %mul3A_0, %arg0 : i32
    %mul3A_1 = arith.constant 128 : i32
    %mul3A_2 = arith.muli %add3A, %mul3A_1 : i32
    %multiple_of3A = tpu.assume_multiple %mul3A_2, 8 : i32
    "tpu.region"() ({
      %run_scoped3A = tpu.sem_alloc : memref<!tpu.dma_semaphore, #tpu.memory_space<semaphore_mem>>
      %dma_start3A = arith.constant 0 : i32
      %dma_start3A_19 = tpu.memref_slice %arg2[%dma_start3A, %multiple_of3A] : memref<7x4096xi32, #tpu.memory_space<hbm>> -> memref<7x128xi32, #tpu.memory_space<hbm>>
      %dma_start3A_20 = arith.constant 0 : i32
      %dma_start3A_21 = tpu.memref_slice %arg2[%dma_start3A_20, %multiple_of3A] : memref<7x4096xi32, #tpu.memory_space<hbm>> -> memref<7x128xi32, #tpu.memory_space<hbm>>
      tpu.enqueue_dma source(%dma_start3A_21 : memref<7x128xi32, #tpu.memory_space<hbm>>) target(%arg22 : memref<7x128xi32, #tpu.memory_space<vmem>>) target_semaphore(%run_scoped3A : memref<!tpu.dma_semaphore, #tpu.memory_space<semaphore_mem>>)
      %dma_wait3A_22 = arith.constant 0 : i32
      %dma_wait3A_23 = tpu.memref_slice %arg2[%dma_wait3A_22, %multiple_of3A] : memref<7x4096xi32, #tpu.memory_space<hbm>> -> memref<7x128xi32, #tpu.memory_space<hbm>>
      %dma_wait3A_24 = arith.constant 0 : i32
      %dma_wait3A_25 = tpu.memref_slice %arg2[%dma_wait3A_24, %multiple_of3A] : memref<7x4096xi32, #tpu.memory_space<hbm>> -> memref<7x128xi32, #tpu.memory_space<hbm>>
      tpu.wait_dma2 semaphore(%run_scoped3A : memref<!tpu.dma_semaphore, #tpu.memory_space<semaphore_mem>>) src(%dma_wait3A_25 : memref<7x128xi32, #tpu.memory_space<hbm>>) dst(%arg22 : memref<7x128xi32, #tpu.memory_space<vmem>>)
      tpu.yield
    }) : () -> ()
    %scan3A = arith.constant 0 : i32
    %scan3A_3 = arith.constant 0 : i32
    %scan3A_4 = arith.constant 7 : i32
    %scan3A_5 = arith.addi %scan3A_3, %scan3A_4 : i32
    %scan3A_6 = arith.constant 1 : i32
    scf.for %scan3A_19 = %scan3A_3 to %scan3A_5 step %scan3A_6  : i32 {
      %mul3A_20 = arith.constant 16 : i32
      %mul3A_21 = arith.muli %scan3A_19, %mul3A_20 : i32
      %add3A_22 = arith.constant 0 : i32
      %add3A_23 = arith.addi %mul3A_21, %add3A_22 : i32
      %dma_start3A = arith.constant 0 : i32
      %dma_start3A_24 = tpu.memref_slice %arg23[%add3A_23, %dma_start3A] : memref<112x128xf32, #tpu.memory_space<vmem>> -> memref<1x128xf32, #tpu.memory_space<vmem>>
      %dma_start3A_25 = tpu.memref_squeeze %dma_start3A_24 : memref<1x128xf32, #tpu.memory_space<vmem>> -> memref<128xf32, #tpu.memory_space<vmem>>
      %dma_start3A_26 = arith.constant 0 : i32
      %dma_start3A_27 = tpu.memref_slice %arg22[%scan3A_19, %dma_start3A_26] : memref<7x128xi32, #tpu.memory_space<vmem>> -> memref<1x128xi32, #tpu.memory_space<vmem>>
      %dma_start3A_28 = tpu.memref_squeeze %dma_start3A_27 : memref<1x128xi32, #tpu.memory_space<vmem>> -> memref<128xi32, #tpu.memory_space<vmem>>
      %dma_start3A_29 = arith.constant 0 : i32
      %dma_start3A_30 = tpu.memref_slice %arg3[%dma_start3A_29] : memref<720896xf32, #tpu.memory_space<hbm>> -> memref<720896xf32, #tpu.memory_space<hbm>>
      tpu.enqueue_indirect_dma source(%dma_start3A_30 : memref<720896xf32, #tpu.memory_space<hbm>>) target(%dma_start3A_25 : memref<128xf32, #tpu.memory_space<vmem>>) offsets(%dma_start3A_28 : memref<128xi32, #tpu.memory_space<vmem>>) semaphore(%arg25 : memref<!tpu.dma_semaphore, #tpu.memory_space<semaphore_mem>>)
      %mul3A_31 = arith.constant 16 : i32
      %mul3A_32 = arith.muli %scan3A_19, %mul3A_31 : i32
      %add3A_33 = arith.constant 1 : i32
      %add3A_34 = arith.addi %mul3A_32, %add3A_33 : i32
      %dma_start3A_35 = arith.constant 0 : i32
      %dma_start3A_36 = tpu.memref_slice %arg23[%add3A_34, %dma_start3A_35] : memref<112x128xf32, #tpu.memory_space<vmem>> -> memref<1x128xf32, #tpu.memory_space<vmem>>
      %dma_start3A_37 = tpu.memref_squeeze %dma_start3A_36 : memref<1x128xf32, #tpu.memory_space<vmem>> -> memref<128xf32, #tpu.memory_space<vmem>>
      %dma_start3A_38 = arith.constant 0 : i32
      %dma_start3A_39 = tpu.memref_slice %arg22[%scan3A_19, %dma_start3A_38] : memref<7x128xi32, #tpu.memory_space<vmem>> -> memref<1x128xi32, #tpu.memory_space<vmem>>
      %dma_start3A_40 = tpu.memref_squeeze %dma_start3A_39 : memref<1x128xi32, #tpu.memory_space<vmem>> -> memref<128xi32, #tpu.memory_space<vmem>>
      %dma_start3A_41 = arith.constant 0 : i32
      %dma_start3A_42 = tpu.memref_slice %arg4[%dma_start3A_41] : memref<720896xf32, #tpu.memory_space<hbm>> -> memref<720896xf32, #tpu.memory_space<hbm>>
      tpu.enqueue_indirect_dma source(%dma_start3A_42 : memref<720896xf32, #tpu.memory_space<hbm>>) target(%dma_start3A_37 : memref<128xf32, #tpu.memory_space<vmem>>) offsets(%dma_start3A_40 : memref<128xi32, #tpu.memory_space<vmem>>) semaphore(%arg25 : memref<!tpu.dma_semaphore, #tpu.memory_space<semaphore_mem>>)
      %mul3A_43 = arith.constant 16 : i32
      %mul3A_44 = arith.muli %scan3A_19, %mul3A_43 : i32
      %add3A_45 = arith.constant 2 : i32
      %add3A_46 = arith.addi %mul3A_44, %add3A_45 : i32
      %dma_start3A_47 = arith.constant 0 : i32
      %dma_start3A_48 = tpu.memref_slice %arg23[%add3A_46, %dma_start3A_47] : memref<112x128xf32, #tpu.memory_space<vmem>> -> memref<1x128xf32, #tpu.memory_space<vmem>>
      %dma_start3A_49 = tpu.memref_squeeze %dma_start3A_48 : memref<1x128xf32, #tpu.memory_space<vmem>> -> memref<128xf32, #tpu.memory_space<vmem>>
      %dma_start3A_50 = arith.constant 0 : i32
      %dma_start3A_51 = tpu.memref_slice %arg22[%scan3A_19, %dma_start3A_50] : memref<7x128xi32, #tpu.memory_space<vmem>> -> memref<1x128xi32, #tpu.memory_space<vmem>>
      %dma_start3A_52 = tpu.memref_squeeze %dma_start3A_51 : memref<1x128xi32, #tpu.memory_space<vmem>> -> memref<128xi32, #tpu.memory_space<vmem>>
      %dma_start3A_53 = arith.constant 0 : i32
      %dma_start3A_54 = tpu.memref_slice %arg5[%dma_start3A_53] : memref<720896xf32, #tpu.memory_space<hbm>> -> memref<720896xf32, #tpu.memory_space<hbm>>
      tpu.enqueue_indirect_dma source(%dma_start3A_54 : memref<720896xf32, #tpu.memory_space<hbm>>) target(%dma_start3A_49 : memref<128xf32, #tpu.memory_space<vmem>>) offsets(%dma_start3A_52 : memref<128xi32, #tpu.memory_space<vmem>>) semaphore(%arg25 : memref<!tpu.dma_semaphore, #tpu.memory_space<semaphore_mem>>)
      %mul3A_55 = arith.constant 16 : i32
      %mul3A_56 = arith.muli %scan3A_19, %mul3A_55 : i32
      %add3A_57 = arith.constant 3 : i32
      %add3A_58 = arith.addi %mul3A_56, %add3A_57 : i32
      %dma_start3A_59 = arith.constant 0 : i32
      %dma_start3A_60 = tpu.memref_slice %arg23[%add3A_58, %dma_start3A_59] : memref<112x128xf32, #tpu.memory_space<vmem>> -> memref<1x128xf32, #tpu.memory_space<vmem>>
      %dma_start3A_61 = tpu.memref_squeeze %dma_start3A_60 : memref<1x128xf32, #tpu.memory_space<vmem>> -> memref<128xf32, #tpu.memory_space<vmem>>
      %dma_start3A_62 = arith.constant 0 : i32
      %dma_start3A_63 = tpu.memref_slice %arg22[%scan3A_19, %dma_start3A_62] : memref<7x128xi32, #tpu.memory_space<vmem>> -> memref<1x128xi32, #tpu.memory_space<vmem>>
      %dma_start3A_64 = tpu.memref_squeeze %dma_start3A_63 : memref<1x128xi32, #tpu.memory_space<vmem>> -> memref<128xi32, #tpu.memory_space<vmem>>
      %dma_start3A_65 = arith.constant 0 : i32
      %dma_start3A_66 = tpu.memref_slice %arg6[%dma_start3A_65] : memref<720896xf32, #tpu.memory_space<hbm>> -> memref<720896xf32, #tpu.memory_space<hbm>>
      tpu.enqueue_indirect_dma source(%dma_start3A_66 : memref<720896xf32, #tpu.memory_space<hbm>>) target(%dma_start3A_61 : memref<128xf32, #tpu.memory_space<vmem>>) offsets(%dma_start3A_64 : memref<128xi32, #tpu.memory_space<vmem>>) semaphore(%arg25 : memref<!tpu.dma_semaphore, #tpu.memory_space<semaphore_mem>>)
      %mul3A_67 = arith.constant 16 : i32
      %mul3A_68 = arith.muli %scan3A_19, %mul3A_67 : i32
      %add3A_69 = arith.constant 4 : i32
      %add3A_70 = arith.addi %mul3A_68, %add3A_69 : i32
      %dma_start3A_71 = arith.constant 0 : i32
      %dma_start3A_72 = tpu.memref_slice %arg23[%add3A_70, %dma_start3A_71] : memref<112x128xf32, #tpu.memory_space<vmem>> -> memref<1x128xf32, #tpu.memory_space<vmem>>
      %dma_start3A_73 = tpu.memref_squeeze %dma_start3A_72 : memref<1x128xf32, #tpu.memory_space<vmem>> -> memref<128xf32, #tpu.memory_space<vmem>>
      %dma_start3A_74 = arith.constant 0 : i32
      %dma_start3A_75 = tpu.memref_slice %arg22[%scan3A_19, %dma_start3A_74] : memref<7x128xi32, #tpu.memory_space<vmem>> -> memref<1x128xi32, #tpu.memory_space<vmem>>
      %dma_start3A_76 = tpu.memref_squeeze %dma_start3A_75 : memref<1x128xi32, #tpu.memory_space<vmem>> -> memref<128xi32, #tpu.memory_space<vmem>>
      %dma_start3A_77 = arith.constant 0 : i32
      %dma_start3A_78 = tpu.memref_slice %arg7[%dma_start3A_77] : memref<720896xf32, #tpu.memory_space<hbm>> -> memref<720896xf32, #tpu.memory_space<hbm>>
      tpu.enqueue_indirect_dma source(%dma_start3A_78 : memref<720896xf32, #tpu.memory_space<hbm>>) target(%dma_start3A_73 : memref<128xf32, #tpu.memory_space<vmem>>) offsets(%dma_start3A_76 : memref<128xi32, #tpu.memory_space<vmem>>) semaphore(%arg25 : memref<!tpu.dma_semaphore, #tpu.memory_space<semaphore_mem>>)
      %mul3A_79 = arith.constant 16 : i32
      %mul3A_80 = arith.muli %scan3A_19, %mul3A_79 : i32
      %add3A_81 = arith.constant 5 : i32
      %add3A_82 = arith.addi %mul3A_80, %add3A_81 : i32
      %dma_start3A_83 = arith.constant 0 : i32
      %dma_start3A_84 = tpu.memref_slice %arg23[%add3A_82, %dma_start3A_83] : memref<112x128xf32, #tpu.memory_space<vmem>> -> memref<1x128xf32, #tpu.memory_space<vmem>>
      %dma_start3A_85 = tpu.memref_squeeze %dma_start3A_84 : memref<1x128xf32, #tpu.memory_space<vmem>> -> memref<128xf32, #tpu.memory_space<vmem>>
      %dma_start3A_86 = arith.constant 0 : i32
      %dma_start3A_87 = tpu.memref_slice %arg22[%scan3A_19, %dma_start3A_86] : memref<7x128xi32, #tpu.memory_space<vmem>> -> memref<1x128xi32, #tpu.memory_space<vmem>>
      %dma_start3A_88 = tpu.memref_squeeze %dma_start3A_87 : memref<1x128xi32, #tpu.memory_space<vmem>> -> memref<128xi32, #tpu.memory_space<vmem>>
      %dma_start3A_89 = arith.constant 0 : i32
      %dma_start3A_90 = tpu.memref_slice %arg8[%dma_start3A_89] : memref<720896xf32, #tpu.memory_space<hbm>> -> memref<720896xf32, #tpu.memory_space<hbm>>
      tpu.enqueue_indirect_dma source(%dma_start3A_90 : memref<720896xf32, #tpu.memory_space<hbm>>) target(%dma_start3A_85 : memref<128xf32, #tpu.memory_space<vmem>>) offsets(%dma_start3A_88 : memref<128xi32, #tpu.memory_space<vmem>>) semaphore(%arg25 : memref<!tpu.dma_semaphore, #tpu.memory_space<semaphore_mem>>)
      %mul3A_91 = arith.constant 16 : i32
      %mul3A_92 = arith.muli %scan3A_19, %mul3A_91 : i32
      %add3A_93 = arith.constant 6 : i32
      %add3A_94 = arith.addi %mul3A_92, %add3A_93 : i32
      %dma_start3A_95 = arith.constant 0 : i32
      %dma_start3A_96 = tpu.memref_slice %arg23[%add3A_94, %dma_start3A_95] : memref<112x128xf32, #tpu.memory_space<vmem>> -> memref<1x128xf32, #tpu.memory_space<vmem>>
      %dma_start3A_97 = tpu.memref_squeeze %dma_start3A_96 : memref<1x128xf32, #tpu.memory_space<vmem>> -> memref<128xf32, #tpu.memory_space<vmem>>
      %dma_start3A_98 = arith.constant 0 : i32
      %dma_start3A_99 = tpu.memref_slice %arg22[%scan3A_19, %dma_start3A_98] : memref<7x128xi32, #tpu.memory_space<vmem>> -> memref<1x128xi32, #tpu.memory_space<vmem>>
      %dma_start3A_100 = tpu.memref_squeeze %dma_start3A_99 : memref<1x128xi32, #tpu.memory_space<vmem>> -> memref<128xi32, #tpu.memory_space<vmem>>
      %dma_start3A_101 = arith.constant 0 : i32
      %dma_start3A_102 = tpu.memref_slice %arg9[%dma_start3A_101] : memref<720896xf32, #tpu.memory_space<hbm>> -> memref<720896xf32, #tpu.memory_space<hbm>>
      tpu.enqueue_indirect_dma source(%dma_start3A_102 : memref<720896xf32, #tpu.memory_space<hbm>>) target(%dma_start3A_97 : memref<128xf32, #tpu.memory_space<vmem>>) offsets(%dma_start3A_100 : memref<128xi32, #tpu.memory_space<vmem>>) semaphore(%arg25 : memref<!tpu.dma_semaphore, #tpu.memory_space<semaphore_mem>>)
      %mul3A_103 = arith.constant 16 : i32
      %mul3A_104 = arith.muli %scan3A_19, %mul3A_103 : i32
      %add3A_105 = arith.constant 7 : i32
      %add3A_106 = arith.addi %mul3A_104, %add3A_105 : i32
      %dma_start3A_107 = arith.constant 0 : i32
      %dma_start3A_108 = tpu.memref_slice %arg23[%add3A_106, %dma_start3A_107] : memref<112x128xf32, #tpu.memory_space<vmem>> -> memref<1x128xf32, #tpu.memory_space<vmem>>
      %dma_start3A_109 = tpu.memref_squeeze %dma_start3A_108 : memref<1x128xf32, #tpu.memory_space<vmem>> -> memref<128xf32, #tpu.memory_space<vmem>>
      %dma_start3A_110 = arith.constant 0 : i32
      %dma_start3A_111 = tpu.memref_slice %arg22[%scan3A_19, %dma_start3A_110] : memref<7x128xi32, #tpu.memory_space<vmem>> -> memref<1x128xi32, #tpu.memory_space<vmem>>
      %dma_start3A_112 = tpu.memref_squeeze %dma_start3A_111 : memref<1x128xi32, #tpu.memory_space<vmem>> -> memref<128xi32, #tpu.memory_space<vmem>>
      %dma_start3A_113 = arith.constant 0 : i32
      %dma_start3A_114 = tpu.memref_slice %arg10[%dma_start3A_113] : memref<720896xf32, #tpu.memory_space<hbm>> -> memref<720896xf32, #tpu.memory_space<hbm>>
      tpu.enqueue_indirect_dma source(%dma_start3A_114 : memref<720896xf32, #tpu.memory_space<hbm>>) target(%dma_start3A_109 : memref<128xf32, #tpu.memory_space<vmem>>) offsets(%dma_start3A_112 : memref<128xi32, #tpu.memory_space<vmem>>) semaphore(%arg25 : memref<!tpu.dma_semaphore, #tpu.memory_space<semaphore_mem>>)
      %mul3A_115 = arith.constant 16 : i32
      %mul3A_116 = arith.muli %scan3A_19, %mul3A_115 : i32
      %add3A_117 = arith.constant 8 : i32
      %add3A_118 = arith.addi %mul3A_116, %add3A_117 : i32
      %dma_start3A_119 = arith.constant 0 : i32
      %dma_start3A_120 = tpu.memref_slice %arg23[%add3A_118, %dma_start3A_119] : memref<112x128xf32, #tpu.memory_space<vmem>> -> memref<1x128xf32, #tpu.memory_space<vmem>>
      %dma_start3A_121 = tpu.memref_squeeze %dma_start3A_120 : memref<1x128xf32, #tpu.memory_space<vmem>> -> memref<128xf32, #tpu.memory_space<vmem>>
      %dma_start3A_122 = arith.constant 0 : i32
      %dma_start3A_123 = tpu.memref_slice %arg22[%scan3A_19, %dma_start3A_122] : memref<7x128xi32, #tpu.memory_space<vmem>> -> memref<1x128xi32, #tpu.memory_space<vmem>>
      %dma_start3A_124 = tpu.memref_squeeze %dma_start3A_123 : memref<1x128xi32, #tpu.memory_space<vmem>> -> memref<128xi32, #tpu.memory_space<vmem>>
      %dma_start3A_125 = arith.constant 0 : i32
      %dma_start3A_126 = tpu.memref_slice %arg11[%dma_start3A_125] : memref<720896xf32, #tpu.memory_space<hbm>> -> memref<720896xf32, #tpu.memory_space<hbm>>
      tpu.enqueue_indirect_dma source(%dma_start3A_126 : memref<720896xf32, #tpu.memory_space<hbm>>) target(%dma_start3A_121 : memref<128xf32, #tpu.memory_space<vmem>>) offsets(%dma_start3A_124 : memref<128xi32, #tpu.memory_space<vmem>>) semaphore(%arg25 : memref<!tpu.dma_semaphore, #tpu.memory_space<semaphore_mem>>)
      %mul3A_127 = arith.constant 16 : i32
      %mul3A_128 = arith.muli %scan3A_19, %mul3A_127 : i32
      %add3A_129 = arith.constant 9 : i32
      %add3A_130 = arith.addi %mul3A_128, %add3A_129 : i32
      %dma_start3A_131 = arith.constant 0 : i32
      %dma_start3A_132 = tpu.memref_slice %arg23[%add3A_130, %dma_start3A_131] : memref<112x128xf32, #tpu.memory_space<vmem>> -> memref<1x128xf32, #tpu.memory_space<vmem>>
      %dma_start3A_133 = tpu.memref_squeeze %dma_start3A_132 : memref<1x128xf32, #tpu.memory_space<vmem>> -> memref<128xf32, #tpu.memory_space<vmem>>
      %dma_start3A_134 = arith.constant 0 : i32
      %dma_start3A_135 = tpu.memref_slice %arg22[%scan3A_19, %dma_start3A_134] : memref<7x128xi32, #tpu.memory_space<vmem>> -> memref<1x128xi32, #tpu.memory_space<vmem>>
      %dma_start3A_136 = tpu.memref_squeeze %dma_start3A_135 : memref<1x128xi32, #tpu.memory_space<vmem>> -> memref<128xi32, #tpu.memory_space<vmem>>
      %dma_start3A_137 = arith.constant 0 : i32
      %dma_start3A_138 = tpu.memref_slice %arg12[%dma_start3A_137] : memref<720896xf32, #tpu.memory_space<hbm>> -> memref<720896xf32, #tpu.memory_space<hbm>>
      tpu.enqueue_indirect_dma source(%dma_start3A_138 : memref<720896xf32, #tpu.memory_space<hbm>>) target(%dma_start3A_133 : memref<128xf32, #tpu.memory_space<vmem>>) offsets(%dma_start3A_136 : memref<128xi32, #tpu.memory_space<vmem>>) semaphore(%arg25 : memref<!tpu.dma_semaphore, #tpu.memory_space<semaphore_mem>>)
      %mul3A_139 = arith.constant 16 : i32
      %mul3A_140 = arith.muli %scan3A_19, %mul3A_139 : i32
      %add3A_141 = arith.constant 10 : i32
      %add3A_142 = arith.addi %mul3A_140, %add3A_141 : i32
      %dma_start3A_143 = arith.constant 0 : i32
      %dma_start3A_144 = tpu.memref_slice %arg23[%add3A_142, %dma_start3A_143] : memref<112x128xf32, #tpu.memory_space<vmem>> -> memref<1x128xf32, #tpu.memory_space<vmem>>
      %dma_start3A_145 = tpu.memref_squeeze %dma_start3A_144 : memref<1x128xf32, #tpu.memory_space<vmem>> -> memref<128xf32, #tpu.memory_space<vmem>>
      %dma_start3A_146 = arith.constant 0 : i32
      %dma_start3A_147 = tpu.memref_slice %arg22[%scan3A_19, %dma_start3A_146] : memref<7x128xi32, #tpu.memory_space<vmem>> -> memref<1x128xi32, #tpu.memory_space<vmem>>
      %dma_start3A_148 = tpu.memref_squeeze %dma_start3A_147 : memref<1x128xi32, #tpu.memory_space<vmem>> -> memref<128xi32, #tpu.memory_space<vmem>>
      %dma_start3A_149 = arith.constant 0 : i32
      %dma_start3A_150 = tpu.memref_slice %arg13[%dma_start3A_149] : memref<720896xf32, #tpu.memory_space<hbm>> -> memref<720896xf32, #tpu.memory_space<hbm>>
      tpu.enqueue_indirect_dma source(%dma_start3A_150 : memref<720896xf32, #tpu.memory_space<hbm>>) target(%dma_start3A_145 : memref<128xf32, #tpu.memory_space<vmem>>) offsets(%dma_start3A_148 : memref<128xi32, #tpu.memory_space<vmem>>) semaphore(%arg25 : memref<!tpu.dma_semaphore, #tpu.memory_space<semaphore_mem>>)
      %mul3A_151 = arith.constant 16 : i32
      %mul3A_152 = arith.muli %scan3A_19, %mul3A_151 : i32
      %add3A_153 = arith.constant 11 : i32
      %add3A_154 = arith.addi %mul3A_152, %add3A_153 : i32
      %dma_start3A_155 = arith.constant 0 : i32
      %dma_start3A_156 = tpu.memref_slice %arg23[%add3A_154, %dma_start3A_155] : memref<112x128xf32, #tpu.memory_space<vmem>> -> memref<1x128xf32, #tpu.memory_space<vmem>>
      %dma_start3A_157 = tpu.memref_squeeze %dma_start3A_156 : memref<1x128xf32, #tpu.memory_space<vmem>> -> memref<128xf32, #tpu.memory_space<vmem>>
      %dma_start3A_158 = arith.constant 0 : i32
      %dma_start3A_159 = tpu.memref_slice %arg22[%scan3A_19, %dma_start3A_158] : memref<7x128xi32, #tpu.memory_space<vmem>> -> memref<1x128xi32, #tpu.memory_space<vmem>>
      %dma_start3A_160 = tpu.memref_squeeze %dma_start3A_159 : memref<1x128xi32, #tpu.memory_space<vmem>> -> memref<128xi32, #tpu.memory_space<vmem>>
      %dma_start3A_161 = arith.constant 0 : i32
      %dma_start3A_162 = tpu.memref_slice %arg14[%dma_start3A_161] : memref<720896xf32, #tpu.memory_space<hbm>> -> memref<720896xf32, #tpu.memory_space<hbm>>
      tpu.enqueue_indirect_dma source(%dma_start3A_162 : memref<720896xf32, #tpu.memory_space<hbm>>) target(%dma_start3A_157 : memref<128xf32, #tpu.memory_space<vmem>>) offsets(%dma_start3A_160 : memref<128xi32, #tpu.memory_space<vmem>>) semaphore(%arg25 : memref<!tpu.dma_semaphore, #tpu.memory_space<semaphore_mem>>)
      %mul3A_163 = arith.constant 16 : i32
      %mul3A_164 = arith.muli %scan3A_19, %mul3A_163 : i32
      %add3A_165 = arith.constant 12 : i32
      %add3A_166 = arith.addi %mul3A_164, %add3A_165 : i32
      %dma_start3A_167 = arith.constant 0 : i32
      %dma_start3A_168 = tpu.memref_slice %arg23[%add3A_166, %dma_start3A_167] : memref<112x128xf32, #tpu.memory_space<vmem>> -> memref<1x128xf32, #tpu.memory_space<vmem>>
      %dma_start3A_169 = tpu.memref_squeeze %dma_start3A_168 : memref<1x128xf32, #tpu.memory_space<vmem>> -> memref<128xf32, #tpu.memory_space<vmem>>
      %dma_start3A_170 = arith.constant 0 : i32
      %dma_start3A_171 = tpu.memref_slice %arg22[%scan3A_19, %dma_start3A_170] : memref<7x128xi32, #tpu.memory_space<vmem>> -> memref<1x128xi32, #tpu.memory_space<vmem>>
      %dma_start3A_172 = tpu.memref_squeeze %dma_start3A_171 : memref<1x128xi32, #tpu.memory_space<vmem>> -> memref<128xi32, #tpu.memory_space<vmem>>
      %dma_start3A_173 = arith.constant 0 : i32
      %dma_start3A_174 = tpu.memref_slice %arg15[%dma_start3A_173] : memref<720896xf32, #tpu.memory_space<hbm>> -> memref<720896xf32, #tpu.memory_space<hbm>>
      tpu.enqueue_indirect_dma source(%dma_start3A_174 : memref<720896xf32, #tpu.memory_space<hbm>>) target(%dma_start3A_169 : memref<128xf32, #tpu.memory_space<vmem>>) offsets(%dma_start3A_172 : memref<128xi32, #tpu.memory_space<vmem>>) semaphore(%arg25 : memref<!tpu.dma_semaphore, #tpu.memory_space<semaphore_mem>>)
      %mul3A_175 = arith.constant 16 : i32
      %mul3A_176 = arith.muli %scan3A_19, %mul3A_175 : i32
      %add3A_177 = arith.constant 13 : i32
      %add3A_178 = arith.addi %mul3A_176, %add3A_177 : i32
      %dma_start3A_179 = arith.constant 0 : i32
      %dma_start3A_180 = tpu.memref_slice %arg23[%add3A_178, %dma_start3A_179] : memref<112x128xf32, #tpu.memory_space<vmem>> -> memref<1x128xf32, #tpu.memory_space<vmem>>
      %dma_start3A_181 = tpu.memref_squeeze %dma_start3A_180 : memref<1x128xf32, #tpu.memory_space<vmem>> -> memref<128xf32, #tpu.memory_space<vmem>>
      %dma_start3A_182 = arith.constant 0 : i32
      %dma_start3A_183 = tpu.memref_slice %arg22[%scan3A_19, %dma_start3A_182] : memref<7x128xi32, #tpu.memory_space<vmem>> -> memref<1x128xi32, #tpu.memory_space<vmem>>
      %dma_start3A_184 = tpu.memref_squeeze %dma_start3A_183 : memref<1x128xi32, #tpu.memory_space<vmem>> -> memref<128xi32, #tpu.memory_space<vmem>>
      %dma_start3A_185 = arith.constant 0 : i32
      %dma_start3A_186 = tpu.memref_slice %arg16[%dma_start3A_185] : memref<720896xf32, #tpu.memory_space<hbm>> -> memref<720896xf32, #tpu.memory_space<hbm>>
      tpu.enqueue_indirect_dma source(%dma_start3A_186 : memref<720896xf32, #tpu.memory_space<hbm>>) target(%dma_start3A_181 : memref<128xf32, #tpu.memory_space<vmem>>) offsets(%dma_start3A_184 : memref<128xi32, #tpu.memory_space<vmem>>) semaphore(%arg25 : memref<!tpu.dma_semaphore, #tpu.memory_space<semaphore_mem>>)
      %mul3A_187 = arith.constant 16 : i32
      %mul3A_188 = arith.muli %scan3A_19, %mul3A_187 : i32
      %add3A_189 = arith.constant 14 : i32
      %add3A_190 = arith.addi %mul3A_188, %add3A_189 : i32
      %dma_start3A_191 = arith.constant 0 : i32
      %dma_start3A_192 = tpu.memref_slice %arg23[%add3A_190, %dma_start3A_191] : memref<112x128xf32, #tpu.memory_space<vmem>> -> memref<1x128xf32, #tpu.memory_space<vmem>>
      %dma_start3A_193 = tpu.memref_squeeze %dma_start3A_192 : memref<1x128xf32, #tpu.memory_space<vmem>> -> memref<128xf32, #tpu.memory_space<vmem>>
      %dma_start3A_194 = arith.constant 0 : i32
      %dma_start3A_195 = tpu.memref_slice %arg22[%scan3A_19, %dma_start3A_194] : memref<7x128xi32, #tpu.memory_space<vmem>> -> memref<1x128xi32, #tpu.memory_space<vmem>>
      %dma_start3A_196 = tpu.memref_squeeze %dma_start3A_195 : memref<1x128xi32, #tpu.memory_space<vmem>> -> memref<128xi32, #tpu.memory_space<vmem>>
      %dma_start3A_197 = arith.constant 0 : i32
      %dma_start3A_198 = tpu.memref_slice %arg17[%dma_start3A_197] : memref<720896xf32, #tpu.memory_space<hbm>> -> memref<720896xf32, #tpu.memory_space<hbm>>
      tpu.enqueue_indirect_dma source(%dma_start3A_198 : memref<720896xf32, #tpu.memory_space<hbm>>) target(%dma_start3A_193 : memref<128xf32, #tpu.memory_space<vmem>>) offsets(%dma_start3A_196 : memref<128xi32, #tpu.memory_space<vmem>>) semaphore(%arg25 : memref<!tpu.dma_semaphore, #tpu.memory_space<semaphore_mem>>)
      %mul3A_199 = arith.constant 16 : i32
      %mul3A_200 = arith.muli %scan3A_19, %mul3A_199 : i32
      %add3A_201 = arith.constant 15 : i32
      %add3A_202 = arith.addi %mul3A_200, %add3A_201 : i32
      %dma_start3A_203 = arith.constant 0 : i32
      %dma_start3A_204 = tpu.memref_slice %arg23[%add3A_202, %dma_start3A_203] : memref<112x128xf32, #tpu.memory_space<vmem>> -> memref<1x128xf32, #tpu.memory_space<vmem>>
      %dma_start3A_205 = tpu.memref_squeeze %dma_start3A_204 : memref<1x128xf32, #tpu.memory_space<vmem>> -> memref<128xf32, #tpu.memory_space<vmem>>
      %dma_start3A_206 = arith.constant 0 : i32
      %dma_start3A_207 = tpu.memref_slice %arg22[%scan3A_19, %dma_start3A_206] : memref<7x128xi32, #tpu.memory_space<vmem>> -> memref<1x128xi32, #tpu.memory_space<vmem>>
      %dma_start3A_208 = tpu.memref_squeeze %dma_start3A_207 : memref<1x128xi32, #tpu.memory_space<vmem>> -> memref<128xi32, #tpu.memory_space<vmem>>
      %dma_start3A_209 = arith.constant 0 : i32
      %dma_start3A_210 = tpu.memref_slice %arg18[%dma_start3A_209] : memref<720896xf32, #tpu.memory_space<hbm>> -> memref<720896xf32, #tpu.memory_space<hbm>>
      tpu.enqueue_indirect_dma source(%dma_start3A_210 : memref<720896xf32, #tpu.memory_space<hbm>>) target(%dma_start3A_205 : memref<128xf32, #tpu.memory_space<vmem>>) offsets(%dma_start3A_208 : memref<128xi32, #tpu.memory_space<vmem>>) semaphore(%arg25 : memref<!tpu.dma_semaphore, #tpu.memory_space<semaphore_mem>>)
      %dma_start3A_211 = arith.constant 0 : i32
      %dma_start3A_212 = tpu.memref_slice %arg24[%scan3A_19, %dma_start3A_211] : memref<7x128xf32, #tpu.memory_space<vmem>> -> memref<1x128xf32, #tpu.memory_space<vmem>>
      %dma_start3A_213 = tpu.memref_squeeze %dma_start3A_212 : memref<1x128xf32, #tpu.memory_space<vmem>> -> memref<128xf32, #tpu.memory_space<vmem>>
      %dma_start3A_214 = arith.constant 0 : i32
      %dma_start3A_215 = tpu.memref_slice %arg22[%scan3A_19, %dma_start3A_214] : memref<7x128xi32, #tpu.memory_space<vmem>> -> memref<1x128xi32, #tpu.memory_space<vmem>>
      %dma_start3A_216 = tpu.memref_squeeze %dma_start3A_215 : memref<1x128xi32, #tpu.memory_space<vmem>> -> memref<128xi32, #tpu.memory_space<vmem>>
      %dma_start3A_217 = arith.constant 0 : i32
      %dma_start3A_218 = tpu.memref_slice %arg19[%dma_start3A_217] : memref<720896xf32, #tpu.memory_space<hbm>> -> memref<720896xf32, #tpu.memory_space<hbm>>
      tpu.enqueue_indirect_dma source(%dma_start3A_218 : memref<720896xf32, #tpu.memory_space<hbm>>) target(%dma_start3A_213 : memref<128xf32, #tpu.memory_space<vmem>>) offsets(%dma_start3A_216 : memref<128xi32, #tpu.memory_space<vmem>>) semaphore(%arg26 : memref<!tpu.dma_semaphore, #tpu.memory_space<semaphore_mem>>)
    }
    %scan3A_7 = arith.constant 7 : i32
    %dma_wait3A = arith.constant 0 : i32
    %dma_wait3A_8 = arith.constant 0 : i32
    %dma_wait3A_9 = tpu.memref_slice %arg20[%dma_wait3A, %dma_wait3A_8] : memref<112x4096xf32, #tpu.memory_space<hbm>> -> memref<112x128xf32, #tpu.memory_space<hbm>>
    %dma_wait3A_10 = arith.constant 0 : i32
    %dma_wait3A_11 = arith.constant 0 : i32
    %dma_wait3A_12 = tpu.memref_slice %arg20[%dma_wait3A_10, %dma_wait3A_11] : memref<112x4096xf32, #tpu.memory_space<hbm>> -> memref<112x128xf32, #tpu.memory_space<hbm>>
    tpu.wait_dma2 semaphore(%arg25 : memref<!tpu.dma_semaphore, #tpu.memory_space<semaphore_mem>>) src(%dma_wait3A_12 : memref<112x128xf32, #tpu.memory_space<hbm>>) dst(%arg23 : memref<112x128xf32, #tpu.memory_space<vmem>>)
    %dma_wait3A_13 = arith.constant 0 : i32
    %dma_wait3A_14 = arith.constant 0 : i32
    %dma_wait3A_15 = tpu.memref_slice %arg21[%dma_wait3A_13, %dma_wait3A_14] : memref<7x4096xf32, #tpu.memory_space<hbm>> -> memref<7x128xf32, #tpu.memory_space<hbm>>
    %dma_wait3A_16 = arith.constant 0 : i32
    %dma_wait3A_17 = arith.constant 0 : i32
    %dma_wait3A_18 = tpu.memref_slice %arg21[%dma_wait3A_16, %dma_wait3A_17] : memref<7x4096xf32, #tpu.memory_space<hbm>> -> memref<7x128xf32, #tpu.memory_space<hbm>>
    tpu.wait_dma2 semaphore(%arg26 : memref<!tpu.dma_semaphore, #tpu.memory_space<semaphore_mem>>) src(%dma_wait3A_18 : memref<7x128xf32, #tpu.memory_space<hbm>>) dst(%arg24 : memref<7x128xf32, #tpu.memory_space<vmem>>)
    "tpu.region"() ({
      %run_scoped3A = tpu.sem_alloc : memref<!tpu.dma_semaphore, #tpu.memory_space<semaphore_mem>>
      %dma_start3A = arith.constant 0 : i32
      %dma_start3A_19 = tpu.memref_slice %arg20[%dma_start3A, %multiple_of3A] : memref<112x4096xf32, #tpu.memory_space<hbm>> -> memref<112x128xf32, #tpu.memory_space<hbm>>
      %dma_start3A_20 = arith.constant 0 : i32
      %dma_start3A_21 = tpu.memref_slice %arg20[%dma_start3A_20, %multiple_of3A] : memref<112x4096xf32, #tpu.memory_space<hbm>> -> memref<112x128xf32, #tpu.memory_space<hbm>>
      tpu.enqueue_dma source(%arg23 : memref<112x128xf32, #tpu.memory_space<vmem>>) target(%dma_start3A_21 : memref<112x128xf32, #tpu.memory_space<hbm>>) target_semaphore(%run_scoped3A : memref<!tpu.dma_semaphore, #tpu.memory_space<semaphore_mem>>)
      %dma_wait3A_22 = arith.constant 0 : i32
      %dma_wait3A_23 = tpu.memref_slice %arg20[%dma_wait3A_22, %multiple_of3A] : memref<112x4096xf32, #tpu.memory_space<hbm>> -> memref<112x128xf32, #tpu.memory_space<hbm>>
      %dma_wait3A_24 = arith.constant 0 : i32
      %dma_wait3A_25 = tpu.memref_slice %arg20[%dma_wait3A_24, %multiple_of3A] : memref<112x4096xf32, #tpu.memory_space<hbm>> -> memref<112x128xf32, #tpu.memory_space<hbm>>
      tpu.wait_dma2 semaphore(%run_scoped3A : memref<!tpu.dma_semaphore, #tpu.memory_space<semaphore_mem>>) src(%arg23 : memref<112x128xf32, #tpu.memory_space<vmem>>) dst(%dma_wait3A_25 : memref<112x128xf32, #tpu.memory_space<hbm>>)
      tpu.yield
    }) : () -> ()
    "tpu.region"() ({
      %run_scoped3A = tpu.sem_alloc : memref<!tpu.dma_semaphore, #tpu.memory_space<semaphore_mem>>
      %dma_start3A = arith.constant 0 : i32
      %dma_start3A_19 = tpu.memref_slice %arg21[%dma_start3A, %multiple_of3A] : memref<7x4096xf32, #tpu.memory_space<hbm>> -> memref<7x128xf32, #tpu.memory_space<hbm>>
      %dma_start3A_20 = arith.constant 0 : i32
      %dma_start3A_21 = tpu.memref_slice %arg21[%dma_start3A_20, %multiple_of3A] : memref<7x4096xf32, #tpu.memory_space<hbm>> -> memref<7x128xf32, #tpu.memory_space<hbm>>
      tpu.enqueue_dma source(%arg24 : memref<7x128xf32, #tpu.memory_space<vmem>>) target(%dma_start3A_21 : memref<7x128xf32, #tpu.memory_space<hbm>>) target_semaphore(%run_scoped3A : memref<!tpu.dma_semaphore, #tpu.memory_space<semaphore_mem>>)
      %dma_wait3A_22 = arith.constant 0 : i32
      %dma_wait3A_23 = tpu.memref_slice %arg21[%dma_wait3A_22, %multiple_of3A] : memref<7x4096xf32, #tpu.memory_space<hbm>> -> memref<7x128xf32, #tpu.memory_space<hbm>>
      %dma_wait3A_24 = arith.constant 0 : i32
      %dma_wait3A_25 = tpu.memref_slice %arg21[%dma_wait3A_24, %multiple_of3A] : memref<7x4096xf32, #tpu.memory_space<hbm>> -> memref<7x128xf32, #tpu.memory_space<hbm>>
      tpu.wait_dma2 semaphore(%run_scoped3A : memref<!tpu.dma_semaphore, #tpu.memory_space<semaphore_mem>>) src(%arg24 : memref<7x128xf32, #tpu.memory_space<vmem>>) dst(%dma_wait3A_25 : memref<7x128xf32, #tpu.memory_space<hbm>>)
      tpu.yield
    }) : () -> ()
    return
  }
}

#map = affine_map<(d0, d1) -> (0, 0)>
#map1 = affine_map<(d0, d1) -> (0)>
module attributes {stable_mosaic.version = 14 : i64} {
  func.func @_sc_gather_body(%arg0: i32, %arg1: i32, %arg2: memref<7x4096xi32, #tpu.memory_space<hbm>>, %arg3: memref<704512xf32, #tpu.memory_space<hbm>>, %arg4: memref<704512xf32, #tpu.memory_space<hbm>>, %arg5: memref<704512xf32, #tpu.memory_space<hbm>>, %arg6: memref<704512xf32, #tpu.memory_space<hbm>>, %arg7: memref<704512xf32, #tpu.memory_space<hbm>>, %arg8: memref<704512xf32, #tpu.memory_space<hbm>>, %arg9: memref<704512xf32, #tpu.memory_space<hbm>>, %arg10: memref<704512xf32, #tpu.memory_space<hbm>>, %arg11: memref<704512xf32, #tpu.memory_space<hbm>>, %arg12: memref<704512xf32, #tpu.memory_space<hbm>>, %arg13: memref<704512xf32, #tpu.memory_space<hbm>>, %arg14: memref<704512xf32, #tpu.memory_space<hbm>>, %arg15: memref<704512xf32, #tpu.memory_space<hbm>>, %arg16: memref<704512xf32, #tpu.memory_space<hbm>>, %arg17: memref<704512xf32, #tpu.memory_space<hbm>>, %arg18: memref<704512xf32, #tpu.memory_space<hbm>>, %arg19: memref<704512xf32, #tpu.memory_space<hbm>>, %arg20: memref<112x4096xf32, #tpu.memory_space<hbm>>, %arg21: memref<7x4096xf32, #tpu.memory_space<hbm>>, %arg22: memref<7x128xi32, #tpu.memory_space<vmem>>, %arg23: memref<112x128xf32, #tpu.memory_space<vmem>>, %arg24: memref<7x128xf32, #tpu.memory_space<vmem>>, %arg25: memref<!tpu.dma_semaphore, #tpu.memory_space<semaphore_mem>>, %arg26: memref<!tpu.dma_semaphore, #tpu.memory_space<semaphore_mem>>) attributes {dimension_semantics = [#tpu.dimension_semantics<core_parallel>, #tpu.dimension_semantics<subcore_parallel>], iteration_bounds = array<i64: 2, 16>, scalar_prefetch = 0 : i64, scratch_operands = 5 : i64, tpu.core_type = #tpu.core_type<sc_vector_subcore>, window_params = [{transform_indices = #map}, {transform_indices = #map1}, {transform_indices = #map1}, {transform_indices = #map1}, {transform_indices = #map1}, {transform_indices = #map1}, {transform_indices = #map1}, {transform_indices = #map1}, {transform_indices = #map1}, {transform_indices = #map1}, {transform_indices = #map1}, {transform_indices = #map1}, {transform_indices = #map1}, {transform_indices = #map1}, {transform_indices = #map1}, {transform_indices = #map1}, {transform_indices = #map1}, {transform_indices = #map1}, {transform_indices = #map}, {transform_indices = #map}]} {
    %mul3A = arith.constant 2 : i32
    %mul3A_0 = arith.muli %arg1, %mul3A : i32
    %add3A = arith.addi %mul3A_0, %arg0 : i32
    %mul3A_1 = arith.constant 128 : i32
    %mul3A_2 = arith.muli %add3A, %mul3A_1 : i32
    %multiple_of3A = tpu.assume_multiple %mul3A_2, 8 : i32
    "tpu.region"() ({
      %run_scoped3A = tpu.sem_alloc : memref<!tpu.dma_semaphore, #tpu.memory_space<semaphore_mem>>
      %dma_start3A = arith.constant 0 : i32
      %dma_start3A_19 = tpu.memref_slice %arg2[%dma_start3A, %multiple_of3A] : memref<7x4096xi32, #tpu.memory_space<hbm>> -> memref<7x128xi32, #tpu.memory_space<hbm>>
      %dma_start3A_20 = arith.constant 0 : i32
      %dma_start3A_21 = tpu.memref_slice %arg2[%dma_start3A_20, %multiple_of3A] : memref<7x4096xi32, #tpu.memory_space<hbm>> -> memref<7x128xi32, #tpu.memory_space<hbm>>
      tpu.enqueue_dma source(%dma_start3A_21 : memref<7x128xi32, #tpu.memory_space<hbm>>) target(%arg22 : memref<7x128xi32, #tpu.memory_space<vmem>>) target_semaphore(%run_scoped3A : memref<!tpu.dma_semaphore, #tpu.memory_space<semaphore_mem>>)
      %dma_wait3A_22 = arith.constant 0 : i32
      %dma_wait3A_23 = tpu.memref_slice %arg2[%dma_wait3A_22, %multiple_of3A] : memref<7x4096xi32, #tpu.memory_space<hbm>> -> memref<7x128xi32, #tpu.memory_space<hbm>>
      %dma_wait3A_24 = arith.constant 0 : i32
      %dma_wait3A_25 = tpu.memref_slice %arg2[%dma_wait3A_24, %multiple_of3A] : memref<7x4096xi32, #tpu.memory_space<hbm>> -> memref<7x128xi32, #tpu.memory_space<hbm>>
      tpu.wait_dma2 semaphore(%run_scoped3A : memref<!tpu.dma_semaphore, #tpu.memory_space<semaphore_mem>>) src(%dma_wait3A_25 : memref<7x128xi32, #tpu.memory_space<hbm>>) dst(%arg22 : memref<7x128xi32, #tpu.memory_space<vmem>>)
      tpu.yield
    }) : () -> ()
    %scan3A = arith.constant 0 : i32
    %scan3A_3 = arith.constant 0 : i32
    %scan3A_4 = arith.constant 7 : i32
    %scan3A_5 = arith.addi %scan3A_3, %scan3A_4 : i32
    %scan3A_6 = arith.constant 1 : i32
    scf.for %scan3A_19 = %scan3A_3 to %scan3A_5 step %scan3A_6  : i32 {
      %mul3A_20 = arith.constant 16 : i32
      %mul3A_21 = arith.muli %scan3A_19, %mul3A_20 : i32
      %add3A_22 = arith.constant 0 : i32
      %add3A_23 = arith.addi %mul3A_21, %add3A_22 : i32
      %dma_start3A = arith.constant 0 : i32
      %dma_start3A_24 = tpu.memref_slice %arg23[%add3A_23, %dma_start3A] : memref<112x128xf32, #tpu.memory_space<vmem>> -> memref<1x128xf32, #tpu.memory_space<vmem>>
      %dma_start3A_25 = tpu.memref_squeeze %dma_start3A_24 : memref<1x128xf32, #tpu.memory_space<vmem>> -> memref<128xf32, #tpu.memory_space<vmem>>
      %dma_start3A_26 = arith.constant 0 : i32
      %dma_start3A_27 = tpu.memref_slice %arg22[%scan3A_19, %dma_start3A_26] : memref<7x128xi32, #tpu.memory_space<vmem>> -> memref<1x128xi32, #tpu.memory_space<vmem>>
      %dma_start3A_28 = tpu.memref_squeeze %dma_start3A_27 : memref<1x128xi32, #tpu.memory_space<vmem>> -> memref<128xi32, #tpu.memory_space<vmem>>
      %dma_start3A_29 = arith.constant 0 : i32
      %dma_start3A_30 = tpu.memref_slice %arg3[%dma_start3A_29] : memref<704512xf32, #tpu.memory_space<hbm>> -> memref<704512xf32, #tpu.memory_space<hbm>>
      tpu.enqueue_indirect_dma source(%dma_start3A_30 : memref<704512xf32, #tpu.memory_space<hbm>>) target(%dma_start3A_25 : memref<128xf32, #tpu.memory_space<vmem>>) offsets(%dma_start3A_28 : memref<128xi32, #tpu.memory_space<vmem>>) semaphore(%arg25 : memref<!tpu.dma_semaphore, #tpu.memory_space<semaphore_mem>>)
      %mul3A_31 = arith.constant 16 : i32
      %mul3A_32 = arith.muli %scan3A_19, %mul3A_31 : i32
      %add3A_33 = arith.constant 1 : i32
      %add3A_34 = arith.addi %mul3A_32, %add3A_33 : i32
      %dma_start3A_35 = arith.constant 0 : i32
      %dma_start3A_36 = tpu.memref_slice %arg23[%add3A_34, %dma_start3A_35] : memref<112x128xf32, #tpu.memory_space<vmem>> -> memref<1x128xf32, #tpu.memory_space<vmem>>
      %dma_start3A_37 = tpu.memref_squeeze %dma_start3A_36 : memref<1x128xf32, #tpu.memory_space<vmem>> -> memref<128xf32, #tpu.memory_space<vmem>>
      %dma_start3A_38 = arith.constant 0 : i32
      %dma_start3A_39 = tpu.memref_slice %arg22[%scan3A_19, %dma_start3A_38] : memref<7x128xi32, #tpu.memory_space<vmem>> -> memref<1x128xi32, #tpu.memory_space<vmem>>
      %dma_start3A_40 = tpu.memref_squeeze %dma_start3A_39 : memref<1x128xi32, #tpu.memory_space<vmem>> -> memref<128xi32, #tpu.memory_space<vmem>>
      %dma_start3A_41 = arith.constant 0 : i32
      %dma_start3A_42 = tpu.memref_slice %arg4[%dma_start3A_41] : memref<704512xf32, #tpu.memory_space<hbm>> -> memref<704512xf32, #tpu.memory_space<hbm>>
      tpu.enqueue_indirect_dma source(%dma_start3A_42 : memref<704512xf32, #tpu.memory_space<hbm>>) target(%dma_start3A_37 : memref<128xf32, #tpu.memory_space<vmem>>) offsets(%dma_start3A_40 : memref<128xi32, #tpu.memory_space<vmem>>) semaphore(%arg25 : memref<!tpu.dma_semaphore, #tpu.memory_space<semaphore_mem>>)
      %mul3A_43 = arith.constant 16 : i32
      %mul3A_44 = arith.muli %scan3A_19, %mul3A_43 : i32
      %add3A_45 = arith.constant 2 : i32
      %add3A_46 = arith.addi %mul3A_44, %add3A_45 : i32
      %dma_start3A_47 = arith.constant 0 : i32
      %dma_start3A_48 = tpu.memref_slice %arg23[%add3A_46, %dma_start3A_47] : memref<112x128xf32, #tpu.memory_space<vmem>> -> memref<1x128xf32, #tpu.memory_space<vmem>>
      %dma_start3A_49 = tpu.memref_squeeze %dma_start3A_48 : memref<1x128xf32, #tpu.memory_space<vmem>> -> memref<128xf32, #tpu.memory_space<vmem>>
      %dma_start3A_50 = arith.constant 0 : i32
      %dma_start3A_51 = tpu.memref_slice %arg22[%scan3A_19, %dma_start3A_50] : memref<7x128xi32, #tpu.memory_space<vmem>> -> memref<1x128xi32, #tpu.memory_space<vmem>>
      %dma_start3A_52 = tpu.memref_squeeze %dma_start3A_51 : memref<1x128xi32, #tpu.memory_space<vmem>> -> memref<128xi32, #tpu.memory_space<vmem>>
      %dma_start3A_53 = arith.constant 0 : i32
      %dma_start3A_54 = tpu.memref_slice %arg5[%dma_start3A_53] : memref<704512xf32, #tpu.memory_space<hbm>> -> memref<704512xf32, #tpu.memory_space<hbm>>
      tpu.enqueue_indirect_dma source(%dma_start3A_54 : memref<704512xf32, #tpu.memory_space<hbm>>) target(%dma_start3A_49 : memref<128xf32, #tpu.memory_space<vmem>>) offsets(%dma_start3A_52 : memref<128xi32, #tpu.memory_space<vmem>>) semaphore(%arg25 : memref<!tpu.dma_semaphore, #tpu.memory_space<semaphore_mem>>)
      %mul3A_55 = arith.constant 16 : i32
      %mul3A_56 = arith.muli %scan3A_19, %mul3A_55 : i32
      %add3A_57 = arith.constant 3 : i32
      %add3A_58 = arith.addi %mul3A_56, %add3A_57 : i32
      %dma_start3A_59 = arith.constant 0 : i32
      %dma_start3A_60 = tpu.memref_slice %arg23[%add3A_58, %dma_start3A_59] : memref<112x128xf32, #tpu.memory_space<vmem>> -> memref<1x128xf32, #tpu.memory_space<vmem>>
      %dma_start3A_61 = tpu.memref_squeeze %dma_start3A_60 : memref<1x128xf32, #tpu.memory_space<vmem>> -> memref<128xf32, #tpu.memory_space<vmem>>
      %dma_start3A_62 = arith.constant 0 : i32
      %dma_start3A_63 = tpu.memref_slice %arg22[%scan3A_19, %dma_start3A_62] : memref<7x128xi32, #tpu.memory_space<vmem>> -> memref<1x128xi32, #tpu.memory_space<vmem>>
      %dma_start3A_64 = tpu.memref_squeeze %dma_start3A_63 : memref<1x128xi32, #tpu.memory_space<vmem>> -> memref<128xi32, #tpu.memory_space<vmem>>
      %dma_start3A_65 = arith.constant 0 : i32
      %dma_start3A_66 = tpu.memref_slice %arg6[%dma_start3A_65] : memref<704512xf32, #tpu.memory_space<hbm>> -> memref<704512xf32, #tpu.memory_space<hbm>>
      tpu.enqueue_indirect_dma source(%dma_start3A_66 : memref<704512xf32, #tpu.memory_space<hbm>>) target(%dma_start3A_61 : memref<128xf32, #tpu.memory_space<vmem>>) offsets(%dma_start3A_64 : memref<128xi32, #tpu.memory_space<vmem>>) semaphore(%arg25 : memref<!tpu.dma_semaphore, #tpu.memory_space<semaphore_mem>>)
      %mul3A_67 = arith.constant 16 : i32
      %mul3A_68 = arith.muli %scan3A_19, %mul3A_67 : i32
      %add3A_69 = arith.constant 4 : i32
      %add3A_70 = arith.addi %mul3A_68, %add3A_69 : i32
      %dma_start3A_71 = arith.constant 0 : i32
      %dma_start3A_72 = tpu.memref_slice %arg23[%add3A_70, %dma_start3A_71] : memref<112x128xf32, #tpu.memory_space<vmem>> -> memref<1x128xf32, #tpu.memory_space<vmem>>
      %dma_start3A_73 = tpu.memref_squeeze %dma_start3A_72 : memref<1x128xf32, #tpu.memory_space<vmem>> -> memref<128xf32, #tpu.memory_space<vmem>>
      %dma_start3A_74 = arith.constant 0 : i32
      %dma_start3A_75 = tpu.memref_slice %arg22[%scan3A_19, %dma_start3A_74] : memref<7x128xi32, #tpu.memory_space<vmem>> -> memref<1x128xi32, #tpu.memory_space<vmem>>
      %dma_start3A_76 = tpu.memref_squeeze %dma_start3A_75 : memref<1x128xi32, #tpu.memory_space<vmem>> -> memref<128xi32, #tpu.memory_space<vmem>>
      %dma_start3A_77 = arith.constant 0 : i32
      %dma_start3A_78 = tpu.memref_slice %arg7[%dma_start3A_77] : memref<704512xf32, #tpu.memory_space<hbm>> -> memref<704512xf32, #tpu.memory_space<hbm>>
      tpu.enqueue_indirect_dma source(%dma_start3A_78 : memref<704512xf32, #tpu.memory_space<hbm>>) target(%dma_start3A_73 : memref<128xf32, #tpu.memory_space<vmem>>) offsets(%dma_start3A_76 : memref<128xi32, #tpu.memory_space<vmem>>) semaphore(%arg25 : memref<!tpu.dma_semaphore, #tpu.memory_space<semaphore_mem>>)
      %mul3A_79 = arith.constant 16 : i32
      %mul3A_80 = arith.muli %scan3A_19, %mul3A_79 : i32
      %add3A_81 = arith.constant 5 : i32
      %add3A_82 = arith.addi %mul3A_80, %add3A_81 : i32
      %dma_start3A_83 = arith.constant 0 : i32
      %dma_start3A_84 = tpu.memref_slice %arg23[%add3A_82, %dma_start3A_83] : memref<112x128xf32, #tpu.memory_space<vmem>> -> memref<1x128xf32, #tpu.memory_space<vmem>>
      %dma_start3A_85 = tpu.memref_squeeze %dma_start3A_84 : memref<1x128xf32, #tpu.memory_space<vmem>> -> memref<128xf32, #tpu.memory_space<vmem>>
      %dma_start3A_86 = arith.constant 0 : i32
      %dma_start3A_87 = tpu.memref_slice %arg22[%scan3A_19, %dma_start3A_86] : memref<7x128xi32, #tpu.memory_space<vmem>> -> memref<1x128xi32, #tpu.memory_space<vmem>>
      %dma_start3A_88 = tpu.memref_squeeze %dma_start3A_87 : memref<1x128xi32, #tpu.memory_space<vmem>> -> memref<128xi32, #tpu.memory_space<vmem>>
      %dma_start3A_89 = arith.constant 0 : i32
      %dma_start3A_90 = tpu.memref_slice %arg8[%dma_start3A_89] : memref<704512xf32, #tpu.memory_space<hbm>> -> memref<704512xf32, #tpu.memory_space<hbm>>
      tpu.enqueue_indirect_dma source(%dma_start3A_90 : memref<704512xf32, #tpu.memory_space<hbm>>) target(%dma_start3A_85 : memref<128xf32, #tpu.memory_space<vmem>>) offsets(%dma_start3A_88 : memref<128xi32, #tpu.memory_space<vmem>>) semaphore(%arg25 : memref<!tpu.dma_semaphore, #tpu.memory_space<semaphore_mem>>)
      %mul3A_91 = arith.constant 16 : i32
      %mul3A_92 = arith.muli %scan3A_19, %mul3A_91 : i32
      %add3A_93 = arith.constant 6 : i32
      %add3A_94 = arith.addi %mul3A_92, %add3A_93 : i32
      %dma_start3A_95 = arith.constant 0 : i32
      %dma_start3A_96 = tpu.memref_slice %arg23[%add3A_94, %dma_start3A_95] : memref<112x128xf32, #tpu.memory_space<vmem>> -> memref<1x128xf32, #tpu.memory_space<vmem>>
      %dma_start3A_97 = tpu.memref_squeeze %dma_start3A_96 : memref<1x128xf32, #tpu.memory_space<vmem>> -> memref<128xf32, #tpu.memory_space<vmem>>
      %dma_start3A_98 = arith.constant 0 : i32
      %dma_start3A_99 = tpu.memref_slice %arg22[%scan3A_19, %dma_start3A_98] : memref<7x128xi32, #tpu.memory_space<vmem>> -> memref<1x128xi32, #tpu.memory_space<vmem>>
      %dma_start3A_100 = tpu.memref_squeeze %dma_start3A_99 : memref<1x128xi32, #tpu.memory_space<vmem>> -> memref<128xi32, #tpu.memory_space<vmem>>
      %dma_start3A_101 = arith.constant 0 : i32
      %dma_start3A_102 = tpu.memref_slice %arg9[%dma_start3A_101] : memref<704512xf32, #tpu.memory_space<hbm>> -> memref<704512xf32, #tpu.memory_space<hbm>>
      tpu.enqueue_indirect_dma source(%dma_start3A_102 : memref<704512xf32, #tpu.memory_space<hbm>>) target(%dma_start3A_97 : memref<128xf32, #tpu.memory_space<vmem>>) offsets(%dma_start3A_100 : memref<128xi32, #tpu.memory_space<vmem>>) semaphore(%arg25 : memref<!tpu.dma_semaphore, #tpu.memory_space<semaphore_mem>>)
      %mul3A_103 = arith.constant 16 : i32
      %mul3A_104 = arith.muli %scan3A_19, %mul3A_103 : i32
      %add3A_105 = arith.constant 7 : i32
      %add3A_106 = arith.addi %mul3A_104, %add3A_105 : i32
      %dma_start3A_107 = arith.constant 0 : i32
      %dma_start3A_108 = tpu.memref_slice %arg23[%add3A_106, %dma_start3A_107] : memref<112x128xf32, #tpu.memory_space<vmem>> -> memref<1x128xf32, #tpu.memory_space<vmem>>
      %dma_start3A_109 = tpu.memref_squeeze %dma_start3A_108 : memref<1x128xf32, #tpu.memory_space<vmem>> -> memref<128xf32, #tpu.memory_space<vmem>>
      %dma_start3A_110 = arith.constant 0 : i32
      %dma_start3A_111 = tpu.memref_slice %arg22[%scan3A_19, %dma_start3A_110] : memref<7x128xi32, #tpu.memory_space<vmem>> -> memref<1x128xi32, #tpu.memory_space<vmem>>
      %dma_start3A_112 = tpu.memref_squeeze %dma_start3A_111 : memref<1x128xi32, #tpu.memory_space<vmem>> -> memref<128xi32, #tpu.memory_space<vmem>>
      %dma_start3A_113 = arith.constant 0 : i32
      %dma_start3A_114 = tpu.memref_slice %arg10[%dma_start3A_113] : memref<704512xf32, #tpu.memory_space<hbm>> -> memref<704512xf32, #tpu.memory_space<hbm>>
      tpu.enqueue_indirect_dma source(%dma_start3A_114 : memref<704512xf32, #tpu.memory_space<hbm>>) target(%dma_start3A_109 : memref<128xf32, #tpu.memory_space<vmem>>) offsets(%dma_start3A_112 : memref<128xi32, #tpu.memory_space<vmem>>) semaphore(%arg25 : memref<!tpu.dma_semaphore, #tpu.memory_space<semaphore_mem>>)
      %mul3A_115 = arith.constant 16 : i32
      %mul3A_116 = arith.muli %scan3A_19, %mul3A_115 : i32
      %add3A_117 = arith.constant 8 : i32
      %add3A_118 = arith.addi %mul3A_116, %add3A_117 : i32
      %dma_start3A_119 = arith.constant 0 : i32
      %dma_start3A_120 = tpu.memref_slice %arg23[%add3A_118, %dma_start3A_119] : memref<112x128xf32, #tpu.memory_space<vmem>> -> memref<1x128xf32, #tpu.memory_space<vmem>>
      %dma_start3A_121 = tpu.memref_squeeze %dma_start3A_120 : memref<1x128xf32, #tpu.memory_space<vmem>> -> memref<128xf32, #tpu.memory_space<vmem>>
      %dma_start3A_122 = arith.constant 0 : i32
      %dma_start3A_123 = tpu.memref_slice %arg22[%scan3A_19, %dma_start3A_122] : memref<7x128xi32, #tpu.memory_space<vmem>> -> memref<1x128xi32, #tpu.memory_space<vmem>>
      %dma_start3A_124 = tpu.memref_squeeze %dma_start3A_123 : memref<1x128xi32, #tpu.memory_space<vmem>> -> memref<128xi32, #tpu.memory_space<vmem>>
      %dma_start3A_125 = arith.constant 0 : i32
      %dma_start3A_126 = tpu.memref_slice %arg11[%dma_start3A_125] : memref<704512xf32, #tpu.memory_space<hbm>> -> memref<704512xf32, #tpu.memory_space<hbm>>
      tpu.enqueue_indirect_dma source(%dma_start3A_126 : memref<704512xf32, #tpu.memory_space<hbm>>) target(%dma_start3A_121 : memref<128xf32, #tpu.memory_space<vmem>>) offsets(%dma_start3A_124 : memref<128xi32, #tpu.memory_space<vmem>>) semaphore(%arg25 : memref<!tpu.dma_semaphore, #tpu.memory_space<semaphore_mem>>)
      %mul3A_127 = arith.constant 16 : i32
      %mul3A_128 = arith.muli %scan3A_19, %mul3A_127 : i32
      %add3A_129 = arith.constant 9 : i32
      %add3A_130 = arith.addi %mul3A_128, %add3A_129 : i32
      %dma_start3A_131 = arith.constant 0 : i32
      %dma_start3A_132 = tpu.memref_slice %arg23[%add3A_130, %dma_start3A_131] : memref<112x128xf32, #tpu.memory_space<vmem>> -> memref<1x128xf32, #tpu.memory_space<vmem>>
      %dma_start3A_133 = tpu.memref_squeeze %dma_start3A_132 : memref<1x128xf32, #tpu.memory_space<vmem>> -> memref<128xf32, #tpu.memory_space<vmem>>
      %dma_start3A_134 = arith.constant 0 : i32
      %dma_start3A_135 = tpu.memref_slice %arg22[%scan3A_19, %dma_start3A_134] : memref<7x128xi32, #tpu.memory_space<vmem>> -> memref<1x128xi32, #tpu.memory_space<vmem>>
      %dma_start3A_136 = tpu.memref_squeeze %dma_start3A_135 : memref<1x128xi32, #tpu.memory_space<vmem>> -> memref<128xi32, #tpu.memory_space<vmem>>
      %dma_start3A_137 = arith.constant 0 : i32
      %dma_start3A_138 = tpu.memref_slice %arg12[%dma_start3A_137] : memref<704512xf32, #tpu.memory_space<hbm>> -> memref<704512xf32, #tpu.memory_space<hbm>>
      tpu.enqueue_indirect_dma source(%dma_start3A_138 : memref<704512xf32, #tpu.memory_space<hbm>>) target(%dma_start3A_133 : memref<128xf32, #tpu.memory_space<vmem>>) offsets(%dma_start3A_136 : memref<128xi32, #tpu.memory_space<vmem>>) semaphore(%arg25 : memref<!tpu.dma_semaphore, #tpu.memory_space<semaphore_mem>>)
      %mul3A_139 = arith.constant 16 : i32
      %mul3A_140 = arith.muli %scan3A_19, %mul3A_139 : i32
      %add3A_141 = arith.constant 10 : i32
      %add3A_142 = arith.addi %mul3A_140, %add3A_141 : i32
      %dma_start3A_143 = arith.constant 0 : i32
      %dma_start3A_144 = tpu.memref_slice %arg23[%add3A_142, %dma_start3A_143] : memref<112x128xf32, #tpu.memory_space<vmem>> -> memref<1x128xf32, #tpu.memory_space<vmem>>
      %dma_start3A_145 = tpu.memref_squeeze %dma_start3A_144 : memref<1x128xf32, #tpu.memory_space<vmem>> -> memref<128xf32, #tpu.memory_space<vmem>>
      %dma_start3A_146 = arith.constant 0 : i32
      %dma_start3A_147 = tpu.memref_slice %arg22[%scan3A_19, %dma_start3A_146] : memref<7x128xi32, #tpu.memory_space<vmem>> -> memref<1x128xi32, #tpu.memory_space<vmem>>
      %dma_start3A_148 = tpu.memref_squeeze %dma_start3A_147 : memref<1x128xi32, #tpu.memory_space<vmem>> -> memref<128xi32, #tpu.memory_space<vmem>>
      %dma_start3A_149 = arith.constant 0 : i32
      %dma_start3A_150 = tpu.memref_slice %arg13[%dma_start3A_149] : memref<704512xf32, #tpu.memory_space<hbm>> -> memref<704512xf32, #tpu.memory_space<hbm>>
      tpu.enqueue_indirect_dma source(%dma_start3A_150 : memref<704512xf32, #tpu.memory_space<hbm>>) target(%dma_start3A_145 : memref<128xf32, #tpu.memory_space<vmem>>) offsets(%dma_start3A_148 : memref<128xi32, #tpu.memory_space<vmem>>) semaphore(%arg25 : memref<!tpu.dma_semaphore, #tpu.memory_space<semaphore_mem>>)
      %mul3A_151 = arith.constant 16 : i32
      %mul3A_152 = arith.muli %scan3A_19, %mul3A_151 : i32
      %add3A_153 = arith.constant 11 : i32
      %add3A_154 = arith.addi %mul3A_152, %add3A_153 : i32
      %dma_start3A_155 = arith.constant 0 : i32
      %dma_start3A_156 = tpu.memref_slice %arg23[%add3A_154, %dma_start3A_155] : memref<112x128xf32, #tpu.memory_space<vmem>> -> memref<1x128xf32, #tpu.memory_space<vmem>>
      %dma_start3A_157 = tpu.memref_squeeze %dma_start3A_156 : memref<1x128xf32, #tpu.memory_space<vmem>> -> memref<128xf32, #tpu.memory_space<vmem>>
      %dma_start3A_158 = arith.constant 0 : i32
      %dma_start3A_159 = tpu.memref_slice %arg22[%scan3A_19, %dma_start3A_158] : memref<7x128xi32, #tpu.memory_space<vmem>> -> memref<1x128xi32, #tpu.memory_space<vmem>>
      %dma_start3A_160 = tpu.memref_squeeze %dma_start3A_159 : memref<1x128xi32, #tpu.memory_space<vmem>> -> memref<128xi32, #tpu.memory_space<vmem>>
      %dma_start3A_161 = arith.constant 0 : i32
      %dma_start3A_162 = tpu.memref_slice %arg14[%dma_start3A_161] : memref<704512xf32, #tpu.memory_space<hbm>> -> memref<704512xf32, #tpu.memory_space<hbm>>
      tpu.enqueue_indirect_dma source(%dma_start3A_162 : memref<704512xf32, #tpu.memory_space<hbm>>) target(%dma_start3A_157 : memref<128xf32, #tpu.memory_space<vmem>>) offsets(%dma_start3A_160 : memref<128xi32, #tpu.memory_space<vmem>>) semaphore(%arg25 : memref<!tpu.dma_semaphore, #tpu.memory_space<semaphore_mem>>)
      %mul3A_163 = arith.constant 16 : i32
      %mul3A_164 = arith.muli %scan3A_19, %mul3A_163 : i32
      %add3A_165 = arith.constant 12 : i32
      %add3A_166 = arith.addi %mul3A_164, %add3A_165 : i32
      %dma_start3A_167 = arith.constant 0 : i32
      %dma_start3A_168 = tpu.memref_slice %arg23[%add3A_166, %dma_start3A_167] : memref<112x128xf32, #tpu.memory_space<vmem>> -> memref<1x128xf32, #tpu.memory_space<vmem>>
      %dma_start3A_169 = tpu.memref_squeeze %dma_start3A_168 : memref<1x128xf32, #tpu.memory_space<vmem>> -> memref<128xf32, #tpu.memory_space<vmem>>
      %dma_start3A_170 = arith.constant 0 : i32
      %dma_start3A_171 = tpu.memref_slice %arg22[%scan3A_19, %dma_start3A_170] : memref<7x128xi32, #tpu.memory_space<vmem>> -> memref<1x128xi32, #tpu.memory_space<vmem>>
      %dma_start3A_172 = tpu.memref_squeeze %dma_start3A_171 : memref<1x128xi32, #tpu.memory_space<vmem>> -> memref<128xi32, #tpu.memory_space<vmem>>
      %dma_start3A_173 = arith.constant 0 : i32
      %dma_start3A_174 = tpu.memref_slice %arg15[%dma_start3A_173] : memref<704512xf32, #tpu.memory_space<hbm>> -> memref<704512xf32, #tpu.memory_space<hbm>>
      tpu.enqueue_indirect_dma source(%dma_start3A_174 : memref<704512xf32, #tpu.memory_space<hbm>>) target(%dma_start3A_169 : memref<128xf32, #tpu.memory_space<vmem>>) offsets(%dma_start3A_172 : memref<128xi32, #tpu.memory_space<vmem>>) semaphore(%arg25 : memref<!tpu.dma_semaphore, #tpu.memory_space<semaphore_mem>>)
      %mul3A_175 = arith.constant 16 : i32
      %mul3A_176 = arith.muli %scan3A_19, %mul3A_175 : i32
      %add3A_177 = arith.constant 13 : i32
      %add3A_178 = arith.addi %mul3A_176, %add3A_177 : i32
      %dma_start3A_179 = arith.constant 0 : i32
      %dma_start3A_180 = tpu.memref_slice %arg23[%add3A_178, %dma_start3A_179] : memref<112x128xf32, #tpu.memory_space<vmem>> -> memref<1x128xf32, #tpu.memory_space<vmem>>
      %dma_start3A_181 = tpu.memref_squeeze %dma_start3A_180 : memref<1x128xf32, #tpu.memory_space<vmem>> -> memref<128xf32, #tpu.memory_space<vmem>>
      %dma_start3A_182 = arith.constant 0 : i32
      %dma_start3A_183 = tpu.memref_slice %arg22[%scan3A_19, %dma_start3A_182] : memref<7x128xi32, #tpu.memory_space<vmem>> -> memref<1x128xi32, #tpu.memory_space<vmem>>
      %dma_start3A_184 = tpu.memref_squeeze %dma_start3A_183 : memref<1x128xi32, #tpu.memory_space<vmem>> -> memref<128xi32, #tpu.memory_space<vmem>>
      %dma_start3A_185 = arith.constant 0 : i32
      %dma_start3A_186 = tpu.memref_slice %arg16[%dma_start3A_185] : memref<704512xf32, #tpu.memory_space<hbm>> -> memref<704512xf32, #tpu.memory_space<hbm>>
      tpu.enqueue_indirect_dma source(%dma_start3A_186 : memref<704512xf32, #tpu.memory_space<hbm>>) target(%dma_start3A_181 : memref<128xf32, #tpu.memory_space<vmem>>) offsets(%dma_start3A_184 : memref<128xi32, #tpu.memory_space<vmem>>) semaphore(%arg25 : memref<!tpu.dma_semaphore, #tpu.memory_space<semaphore_mem>>)
      %mul3A_187 = arith.constant 16 : i32
      %mul3A_188 = arith.muli %scan3A_19, %mul3A_187 : i32
      %add3A_189 = arith.constant 14 : i32
      %add3A_190 = arith.addi %mul3A_188, %add3A_189 : i32
      %dma_start3A_191 = arith.constant 0 : i32
      %dma_start3A_192 = tpu.memref_slice %arg23[%add3A_190, %dma_start3A_191] : memref<112x128xf32, #tpu.memory_space<vmem>> -> memref<1x128xf32, #tpu.memory_space<vmem>>
      %dma_start3A_193 = tpu.memref_squeeze %dma_start3A_192 : memref<1x128xf32, #tpu.memory_space<vmem>> -> memref<128xf32, #tpu.memory_space<vmem>>
      %dma_start3A_194 = arith.constant 0 : i32
      %dma_start3A_195 = tpu.memref_slice %arg22[%scan3A_19, %dma_start3A_194] : memref<7x128xi32, #tpu.memory_space<vmem>> -> memref<1x128xi32, #tpu.memory_space<vmem>>
      %dma_start3A_196 = tpu.memref_squeeze %dma_start3A_195 : memref<1x128xi32, #tpu.memory_space<vmem>> -> memref<128xi32, #tpu.memory_space<vmem>>
      %dma_start3A_197 = arith.constant 0 : i32
      %dma_start3A_198 = tpu.memref_slice %arg17[%dma_start3A_197] : memref<704512xf32, #tpu.memory_space<hbm>> -> memref<704512xf32, #tpu.memory_space<hbm>>
      tpu.enqueue_indirect_dma source(%dma_start3A_198 : memref<704512xf32, #tpu.memory_space<hbm>>) target(%dma_start3A_193 : memref<128xf32, #tpu.memory_space<vmem>>) offsets(%dma_start3A_196 : memref<128xi32, #tpu.memory_space<vmem>>) semaphore(%arg25 : memref<!tpu.dma_semaphore, #tpu.memory_space<semaphore_mem>>)
      %mul3A_199 = arith.constant 16 : i32
      %mul3A_200 = arith.muli %scan3A_19, %mul3A_199 : i32
      %add3A_201 = arith.constant 15 : i32
      %add3A_202 = arith.addi %mul3A_200, %add3A_201 : i32
      %dma_start3A_203 = arith.constant 0 : i32
      %dma_start3A_204 = tpu.memref_slice %arg23[%add3A_202, %dma_start3A_203] : memref<112x128xf32, #tpu.memory_space<vmem>> -> memref<1x128xf32, #tpu.memory_space<vmem>>
      %dma_start3A_205 = tpu.memref_squeeze %dma_start3A_204 : memref<1x128xf32, #tpu.memory_space<vmem>> -> memref<128xf32, #tpu.memory_space<vmem>>
      %dma_start3A_206 = arith.constant 0 : i32
      %dma_start3A_207 = tpu.memref_slice %arg22[%scan3A_19, %dma_start3A_206] : memref<7x128xi32, #tpu.memory_space<vmem>> -> memref<1x128xi32, #tpu.memory_space<vmem>>
      %dma_start3A_208 = tpu.memref_squeeze %dma_start3A_207 : memref<1x128xi32, #tpu.memory_space<vmem>> -> memref<128xi32, #tpu.memory_space<vmem>>
      %dma_start3A_209 = arith.constant 0 : i32
      %dma_start3A_210 = tpu.memref_slice %arg18[%dma_start3A_209] : memref<704512xf32, #tpu.memory_space<hbm>> -> memref<704512xf32, #tpu.memory_space<hbm>>
      tpu.enqueue_indirect_dma source(%dma_start3A_210 : memref<704512xf32, #tpu.memory_space<hbm>>) target(%dma_start3A_205 : memref<128xf32, #tpu.memory_space<vmem>>) offsets(%dma_start3A_208 : memref<128xi32, #tpu.memory_space<vmem>>) semaphore(%arg25 : memref<!tpu.dma_semaphore, #tpu.memory_space<semaphore_mem>>)
      %dma_start3A_211 = arith.constant 0 : i32
      %dma_start3A_212 = tpu.memref_slice %arg24[%scan3A_19, %dma_start3A_211] : memref<7x128xf32, #tpu.memory_space<vmem>> -> memref<1x128xf32, #tpu.memory_space<vmem>>
      %dma_start3A_213 = tpu.memref_squeeze %dma_start3A_212 : memref<1x128xf32, #tpu.memory_space<vmem>> -> memref<128xf32, #tpu.memory_space<vmem>>
      %dma_start3A_214 = arith.constant 0 : i32
      %dma_start3A_215 = tpu.memref_slice %arg22[%scan3A_19, %dma_start3A_214] : memref<7x128xi32, #tpu.memory_space<vmem>> -> memref<1x128xi32, #tpu.memory_space<vmem>>
      %dma_start3A_216 = tpu.memref_squeeze %dma_start3A_215 : memref<1x128xi32, #tpu.memory_space<vmem>> -> memref<128xi32, #tpu.memory_space<vmem>>
      %dma_start3A_217 = arith.constant 0 : i32
      %dma_start3A_218 = tpu.memref_slice %arg19[%dma_start3A_217] : memref<704512xf32, #tpu.memory_space<hbm>> -> memref<704512xf32, #tpu.memory_space<hbm>>
      tpu.enqueue_indirect_dma source(%dma_start3A_218 : memref<704512xf32, #tpu.memory_space<hbm>>) target(%dma_start3A_213 : memref<128xf32, #tpu.memory_space<vmem>>) offsets(%dma_start3A_216 : memref<128xi32, #tpu.memory_space<vmem>>) semaphore(%arg26 : memref<!tpu.dma_semaphore, #tpu.memory_space<semaphore_mem>>)
    }
    %scan3A_7 = arith.constant 7 : i32
    %dma_wait3A = arith.constant 0 : i32
    %dma_wait3A_8 = arith.constant 0 : i32
    %dma_wait3A_9 = tpu.memref_slice %arg20[%dma_wait3A, %dma_wait3A_8] : memref<112x4096xf32, #tpu.memory_space<hbm>> -> memref<112x128xf32, #tpu.memory_space<hbm>>
    %dma_wait3A_10 = arith.constant 0 : i32
    %dma_wait3A_11 = arith.constant 0 : i32
    %dma_wait3A_12 = tpu.memref_slice %arg20[%dma_wait3A_10, %dma_wait3A_11] : memref<112x4096xf32, #tpu.memory_space<hbm>> -> memref<112x128xf32, #tpu.memory_space<hbm>>
    tpu.wait_dma2 semaphore(%arg25 : memref<!tpu.dma_semaphore, #tpu.memory_space<semaphore_mem>>) src(%dma_wait3A_12 : memref<112x128xf32, #tpu.memory_space<hbm>>) dst(%arg23 : memref<112x128xf32, #tpu.memory_space<vmem>>)
    %dma_wait3A_13 = arith.constant 0 : i32
    %dma_wait3A_14 = arith.constant 0 : i32
    %dma_wait3A_15 = tpu.memref_slice %arg21[%dma_wait3A_13, %dma_wait3A_14] : memref<7x4096xf32, #tpu.memory_space<hbm>> -> memref<7x128xf32, #tpu.memory_space<hbm>>
    %dma_wait3A_16 = arith.constant 0 : i32
    %dma_wait3A_17 = arith.constant 0 : i32
    %dma_wait3A_18 = tpu.memref_slice %arg21[%dma_wait3A_16, %dma_wait3A_17] : memref<7x4096xf32, #tpu.memory_space<hbm>> -> memref<7x128xf32, #tpu.memory_space<hbm>>
    tpu.wait_dma2 semaphore(%arg26 : memref<!tpu.dma_semaphore, #tpu.memory_space<semaphore_mem>>) src(%dma_wait3A_18 : memref<7x128xf32, #tpu.memory_space<hbm>>) dst(%arg24 : memref<7x128xf32, #tpu.memory_space<vmem>>)
    "tpu.region"() ({
      %run_scoped3A = tpu.sem_alloc : memref<!tpu.dma_semaphore, #tpu.memory_space<semaphore_mem>>
      %dma_start3A = arith.constant 0 : i32
      %dma_start3A_19 = tpu.memref_slice %arg20[%dma_start3A, %multiple_of3A] : memref<112x4096xf32, #tpu.memory_space<hbm>> -> memref<112x128xf32, #tpu.memory_space<hbm>>
      %dma_start3A_20 = arith.constant 0 : i32
      %dma_start3A_21 = tpu.memref_slice %arg20[%dma_start3A_20, %multiple_of3A] : memref<112x4096xf32, #tpu.memory_space<hbm>> -> memref<112x128xf32, #tpu.memory_space<hbm>>
      tpu.enqueue_dma source(%arg23 : memref<112x128xf32, #tpu.memory_space<vmem>>) target(%dma_start3A_21 : memref<112x128xf32, #tpu.memory_space<hbm>>) target_semaphore(%run_scoped3A : memref<!tpu.dma_semaphore, #tpu.memory_space<semaphore_mem>>)
      %dma_wait3A_22 = arith.constant 0 : i32
      %dma_wait3A_23 = tpu.memref_slice %arg20[%dma_wait3A_22, %multiple_of3A] : memref<112x4096xf32, #tpu.memory_space<hbm>> -> memref<112x128xf32, #tpu.memory_space<hbm>>
      %dma_wait3A_24 = arith.constant 0 : i32
      %dma_wait3A_25 = tpu.memref_slice %arg20[%dma_wait3A_24, %multiple_of3A] : memref<112x4096xf32, #tpu.memory_space<hbm>> -> memref<112x128xf32, #tpu.memory_space<hbm>>
      tpu.wait_dma2 semaphore(%run_scoped3A : memref<!tpu.dma_semaphore, #tpu.memory_space<semaphore_mem>>) src(%arg23 : memref<112x128xf32, #tpu.memory_space<vmem>>) dst(%dma_wait3A_25 : memref<112x128xf32, #tpu.memory_space<hbm>>)
      tpu.yield
    }) : () -> ()
    "tpu.region"() ({
      %run_scoped3A = tpu.sem_alloc : memref<!tpu.dma_semaphore, #tpu.memory_space<semaphore_mem>>
      %dma_start3A = arith.constant 0 : i32
      %dma_start3A_19 = tpu.memref_slice %arg21[%dma_start3A, %multiple_of3A] : memref<7x4096xf32, #tpu.memory_space<hbm>> -> memref<7x128xf32, #tpu.memory_space<hbm>>
      %dma_start3A_20 = arith.constant 0 : i32
      %dma_start3A_21 = tpu.memref_slice %arg21[%dma_start3A_20, %multiple_of3A] : memref<7x4096xf32, #tpu.memory_space<hbm>> -> memref<7x128xf32, #tpu.memory_space<hbm>>
      tpu.enqueue_dma source(%arg24 : memref<7x128xf32, #tpu.memory_space<vmem>>) target(%dma_start3A_21 : memref<7x128xf32, #tpu.memory_space<hbm>>) target_semaphore(%run_scoped3A : memref<!tpu.dma_semaphore, #tpu.memory_space<semaphore_mem>>)
      %dma_wait3A_22 = arith.constant 0 : i32
      %dma_wait3A_23 = tpu.memref_slice %arg21[%dma_wait3A_22, %multiple_of3A] : memref<7x4096xf32, #tpu.memory_space<hbm>> -> memref<7x128xf32, #tpu.memory_space<hbm>>
      %dma_wait3A_24 = arith.constant 0 : i32
      %dma_wait3A_25 = tpu.memref_slice %arg21[%dma_wait3A_24, %multiple_of3A] : memref<7x4096xf32, #tpu.memory_space<hbm>> -> memref<7x128xf32, #tpu.memory_space<hbm>>
      tpu.wait_dma2 semaphore(%run_scoped3A : memref<!tpu.dma_semaphore, #tpu.memory_space<semaphore_mem>>) src(%arg24 : memref<7x128xf32, #tpu.memory_space<vmem>>) dst(%dma_wait3A_25 : memref<7x128xf32, #tpu.memory_space<hbm>>)
      tpu.yield
    }) : () -> ()
    return
  }
}

module attributes {stable_mosaic.version = 14 : i64} {
  func.func @_tc_split(%arg0: i32, %arg1: memref<16x16384xf32, #tpu.memory_space<vmem>>, %arg2: memref<1x16384xf32, #tpu.memory_space<vmem>>, %arg3: memref<16384xf32, #tpu.memory_space<vmem>>, %arg4: memref<16384xf32, #tpu.memory_space<vmem>>, %arg5: memref<16384xf32, #tpu.memory_space<vmem>>, %arg6: memref<16384xf32, #tpu.memory_space<vmem>>, %arg7: memref<16384xf32, #tpu.memory_space<vmem>>, %arg8: memref<16384xf32, #tpu.memory_space<vmem>>, %arg9: memref<16384xf32, #tpu.memory_space<vmem>>, %arg10: memref<16384xf32, #tpu.memory_space<vmem>>, %arg11: memref<16384xf32, #tpu.memory_space<vmem>>, %arg12: memref<16384xf32, #tpu.memory_space<vmem>>, %arg13: memref<16384xf32, #tpu.memory_space<vmem>>, %arg14: memref<16384xf32, #tpu.memory_space<vmem>>, %arg15: memref<16384xf32, #tpu.memory_space<vmem>>, %arg16: memref<16384xf32, #tpu.memory_space<vmem>>, %arg17: memref<16384xf32, #tpu.memory_space<vmem>>, %arg18: memref<16384xf32, #tpu.memory_space<vmem>>, %arg19: memref<16384xf32, #tpu.memory_space<vmem>>) attributes {dimension_semantics = [#tpu.dimension_semantics<arbitrary>], iteration_bounds = array<i64: 43>, scalar_prefetch = 0 : i64, scratch_operands = 0 : i64, tpu.core_type = #tpu.core_type<tc>, window_params = [{transform_indices = @transform_0, window_bounds = array<i64: 16, 16384>}, {transform_indices = @transform_1, window_bounds = array<i64: 1, 16384>}, {transform_indices = @transform_2, window_bounds = array<i64: 16384>}, {transform_indices = @transform_3, window_bounds = array<i64: 16384>}, {transform_indices = @transform_4, window_bounds = array<i64: 16384>}, {transform_indices = @transform_5, window_bounds = array<i64: 16384>}, {transform_indices = @transform_6, window_bounds = array<i64: 16384>}, {transform_indices = @transform_7, window_bounds = array<i64: 16384>}, {transform_indices = @transform_8, window_bounds = array<i64: 16384>}, {transform_indices = @transform_9, window_bounds = array<i64: 16384>}, {transform_indices = @transform_10, window_bounds = array<i64: 16384>}, {transform_indices = @transform_11, window_bounds = array<i64: 16384>}, {transform_indices = @transform_12, window_bounds = array<i64: 16384>}, {transform_indices = @transform_13, window_bounds = array<i64: 16384>}, {transform_indices = @transform_14, window_bounds = array<i64: 16384>}, {transform_indices = @transform_15, window_bounds = array<i64: 16384>}, {transform_indices = @transform_16, window_bounds = array<i64: 16384>}, {transform_indices = @transform_17, window_bounds = array<i64: 16384>}, {transform_indices = @transform_18, window_bounds = array<i64: 16384>}]} {
    %get3A = arith.constant 0 : index
    %get3A_0 = arith.constant 0 : index
    %get3A_1 = vector.load %arg1[%get3A, %get3A_0] : memref<16x16384xf32, #tpu.memory_space<vmem>>, vector<16x16384xf32>
    %slice3A = vector.extract_strided_slice %get3A_1 {offsets = [0, 0], sizes = [1, 16384], strides = [1, 1]} : vector<16x16384xf32> to vector<1x16384xf32>
    %squeeze3A = vector.shape_cast %slice3A : vector<1x16384xf32> to vector<16384xf32>
    %swap3A = arith.constant 0 : index
    %swap3A_2 = vector.load %arg3[%swap3A] : memref<16384xf32, #tpu.memory_space<vmem>>, vector<16384xf32>
    tpu.vector_store %arg3[%swap3A], %squeeze3A {strides = array<i32>} : memref<16384xf32, #tpu.memory_space<vmem>>, vector<16384xf32>,
    %slice3A_3 = vector.extract_strided_slice %get3A_1 {offsets = [1, 0], sizes = [1, 16384], strides = [1, 1]} : vector<16x16384xf32> to vector<1x16384xf32>
    %squeeze3A_4 = vector.shape_cast %slice3A_3 : vector<1x16384xf32> to vector<16384xf32>
    %swap3A_5 = arith.constant 0 : index
    %swap3A_6 = vector.load %arg4[%swap3A_5] : memref<16384xf32, #tpu.memory_space<vmem>>, vector<16384xf32>
    tpu.vector_store %arg4[%swap3A_5], %squeeze3A_4 {strides = array<i32>} : memref<16384xf32, #tpu.memory_space<vmem>>, vector<16384xf32>,
    %slice3A_7 = vector.extract_strided_slice %get3A_1 {offsets = [2, 0], sizes = [1, 16384], strides = [1, 1]} : vector<16x16384xf32> to vector<1x16384xf32>
    %squeeze3A_8 = vector.shape_cast %slice3A_7 : vector<1x16384xf32> to vector<16384xf32>
    %swap3A_9 = arith.constant 0 : index
    %swap3A_10 = vector.load %arg5[%swap3A_9] : memref<16384xf32, #tpu.memory_space<vmem>>, vector<16384xf32>
    tpu.vector_store %arg5[%swap3A_9], %squeeze3A_8 {strides = array<i32>} : memref<16384xf32, #tpu.memory_space<vmem>>, vector<16384xf32>,
    %slice3A_11 = vector.extract_strided_slice %get3A_1 {offsets = [3, 0], sizes = [1, 16384], strides = [1, 1]} : vector<16x16384xf32> to vector<1x16384xf32>
    %squeeze3A_12 = vector.shape_cast %slice3A_11 : vector<1x16384xf32> to vector<16384xf32>
    %swap3A_13 = arith.constant 0 : index
    %swap3A_14 = vector.load %arg6[%swap3A_13] : memref<16384xf32, #tpu.memory_space<vmem>>, vector<16384xf32>
    tpu.vector_store %arg6[%swap3A_13], %squeeze3A_12 {strides = array<i32>} : memref<16384xf32, #tpu.memory_space<vmem>>, vector<16384xf32>,
    %slice3A_15 = vector.extract_strided_slice %get3A_1 {offsets = [4, 0], sizes = [1, 16384], strides = [1, 1]} : vector<16x16384xf32> to vector<1x16384xf32>
    %squeeze3A_16 = vector.shape_cast %slice3A_15 : vector<1x16384xf32> to vector<16384xf32>
    %swap3A_17 = arith.constant 0 : index
    %swap3A_18 = vector.load %arg7[%swap3A_17] : memref<16384xf32, #tpu.memory_space<vmem>>, vector<16384xf32>
    tpu.vector_store %arg7[%swap3A_17], %squeeze3A_16 {strides = array<i32>} : memref<16384xf32, #tpu.memory_space<vmem>>, vector<16384xf32>,
    %slice3A_19 = vector.extract_strided_slice %get3A_1 {offsets = [5, 0], sizes = [1, 16384], strides = [1, 1]} : vector<16x16384xf32> to vector<1x16384xf32>
    %squeeze3A_20 = vector.shape_cast %slice3A_19 : vector<1x16384xf32> to vector<16384xf32>
    %swap3A_21 = arith.constant 0 : index
    %swap3A_22 = vector.load %arg8[%swap3A_21] : memref<16384xf32, #tpu.memory_space<vmem>>, vector<16384xf32>
    tpu.vector_store %arg8[%swap3A_21], %squeeze3A_20 {strides = array<i32>} : memref<16384xf32, #tpu.memory_space<vmem>>, vector<16384xf32>,
    %slice3A_23 = vector.extract_strided_slice %get3A_1 {offsets = [6, 0], sizes = [1, 16384], strides = [1, 1]} : vector<16x16384xf32> to vector<1x16384xf32>
    %squeeze3A_24 = vector.shape_cast %slice3A_23 : vector<1x16384xf32> to vector<16384xf32>
    %swap3A_25 = arith.constant 0 : index
    %swap3A_26 = vector.load %arg9[%swap3A_25] : memref<16384xf32, #tpu.memory_space<vmem>>, vector<16384xf32>
    tpu.vector_store %arg9[%swap3A_25], %squeeze3A_24 {strides = array<i32>} : memref<16384xf32, #tpu.memory_space<vmem>>, vector<16384xf32>,
    %slice3A_27 = vector.extract_strided_slice %get3A_1 {offsets = [7, 0], sizes = [1, 16384], strides = [1, 1]} : vector<16x16384xf32> to vector<1x16384xf32>
    %squeeze3A_28 = vector.shape_cast %slice3A_27 : vector<1x16384xf32> to vector<16384xf32>
    %swap3A_29 = arith.constant 0 : index
    %swap3A_30 = vector.load %arg10[%swap3A_29] : memref<16384xf32, #tpu.memory_space<vmem>>, vector<16384xf32>
    tpu.vector_store %arg10[%swap3A_29], %squeeze3A_28 {strides = array<i32>} : memref<16384xf32, #tpu.memory_space<vmem>>, vector<16384xf32>,
    %slice3A_31 = vector.extract_strided_slice %get3A_1 {offsets = [8, 0], sizes = [1, 16384], strides = [1, 1]} : vector<16x16384xf32> to vector<1x16384xf32>
    %squeeze3A_32 = vector.shape_cast %slice3A_31 : vector<1x16384xf32> to vector<16384xf32>
    %swap3A_33 = arith.constant 0 : index
    %swap3A_34 = vector.load %arg11[%swap3A_33] : memref<16384xf32, #tpu.memory_space<vmem>>, vector<16384xf32>
    tpu.vector_store %arg11[%swap3A_33], %squeeze3A_32 {strides = array<i32>} : memref<16384xf32, #tpu.memory_space<vmem>>, vector<16384xf32>,
    %slice3A_35 = vector.extract_strided_slice %get3A_1 {offsets = [9, 0], sizes = [1, 16384], strides = [1, 1]} : vector<16x16384xf32> to vector<1x16384xf32>
    %squeeze3A_36 = vector.shape_cast %slice3A_35 : vector<1x16384xf32> to vector<16384xf32>
    %swap3A_37 = arith.constant 0 : index
    %swap3A_38 = vector.load %arg12[%swap3A_37] : memref<16384xf32, #tpu.memory_space<vmem>>, vector<16384xf32>
    tpu.vector_store %arg12[%swap3A_37], %squeeze3A_36 {strides = array<i32>} : memref<16384xf32, #tpu.memory_space<vmem>>, vector<16384xf32>,
    %slice3A_39 = vector.extract_strided_slice %get3A_1 {offsets = [10, 0], sizes = [1, 16384], strides = [1, 1]} : vector<16x16384xf32> to vector<1x16384xf32>
    %squeeze3A_40 = vector.shape_cast %slice3A_39 : vector<1x16384xf32> to vector<16384xf32>
    %swap3A_41 = arith.constant 0 : index
    %swap3A_42 = vector.load %arg13[%swap3A_41] : memref<16384xf32, #tpu.memory_space<vmem>>, vector<16384xf32>
    tpu.vector_store %arg13[%swap3A_41], %squeeze3A_40 {strides = array<i32>} : memref<16384xf32, #tpu.memory_space<vmem>>, vector<16384xf32>,
    %slice3A_43 = vector.extract_strided_slice %get3A_1 {offsets = [11, 0], sizes = [1, 16384], strides = [1, 1]} : vector<16x16384xf32> to vector<1x16384xf32>
    %squeeze3A_44 = vector.shape_cast %slice3A_43 : vector<1x16384xf32> to vector<16384xf32>
    %swap3A_45 = arith.constant 0 : index
    %swap3A_46 = vector.load %arg14[%swap3A_45] : memref<16384xf32, #tpu.memory_space<vmem>>, vector<16384xf32>
    tpu.vector_store %arg14[%swap3A_45], %squeeze3A_44 {strides = array<i32>} : memref<16384xf32, #tpu.memory_space<vmem>>, vector<16384xf32>,
    %slice3A_47 = vector.extract_strided_slice %get3A_1 {offsets = [12, 0], sizes = [1, 16384], strides = [1, 1]} : vector<16x16384xf32> to vector<1x16384xf32>
    %squeeze3A_48 = vector.shape_cast %slice3A_47 : vector<1x16384xf32> to vector<16384xf32>
    %swap3A_49 = arith.constant 0 : index
    %swap3A_50 = vector.load %arg15[%swap3A_49] : memref<16384xf32, #tpu.memory_space<vmem>>, vector<16384xf32>
    tpu.vector_store %arg15[%swap3A_49], %squeeze3A_48 {strides = array<i32>} : memref<16384xf32, #tpu.memory_space<vmem>>, vector<16384xf32>,
    %slice3A_51 = vector.extract_strided_slice %get3A_1 {offsets = [13, 0], sizes = [1, 16384], strides = [1, 1]} : vector<16x16384xf32> to vector<1x16384xf32>
    %squeeze3A_52 = vector.shape_cast %slice3A_51 : vector<1x16384xf32> to vector<16384xf32>
    %swap3A_53 = arith.constant 0 : index
    %swap3A_54 = vector.load %arg16[%swap3A_53] : memref<16384xf32, #tpu.memory_space<vmem>>, vector<16384xf32>
    tpu.vector_store %arg16[%swap3A_53], %squeeze3A_52 {strides = array<i32>} : memref<16384xf32, #tpu.memory_space<vmem>>, vector<16384xf32>,
    %slice3A_55 = vector.extract_strided_slice %get3A_1 {offsets = [14, 0], sizes = [1, 16384], strides = [1, 1]} : vector<16x16384xf32> to vector<1x16384xf32>
    %squeeze3A_56 = vector.shape_cast %slice3A_55 : vector<1x16384xf32> to vector<16384xf32>
    %swap3A_57 = arith.constant 0 : index
    %swap3A_58 = vector.load %arg17[%swap3A_57] : memref<16384xf32, #tpu.memory_space<vmem>>, vector<16384xf32>
    tpu.vector_store %arg17[%swap3A_57], %squeeze3A_56 {strides = array<i32>} : memref<16384xf32, #tpu.memory_space<vmem>>, vector<16384xf32>,
    %slice3A_59 = vector.extract_strided_slice %get3A_1 {offsets = [15, 0], sizes = [1, 16384], strides = [1, 1]} : vector<16x16384xf32> to vector<1x16384xf32>
    %squeeze3A_60 = vector.shape_cast %slice3A_59 : vector<1x16384xf32> to vector<16384xf32>
    %swap3A_61 = arith.constant 0 : index
    %swap3A_62 = vector.load %arg18[%swap3A_61] : memref<16384xf32, #tpu.memory_space<vmem>>, vector<16384xf32>
    tpu.vector_store %arg18[%swap3A_61], %squeeze3A_60 {strides = array<i32>} : memref<16384xf32, #tpu.memory_space<vmem>>, vector<16384xf32>,
    %get3A_63 = arith.constant 0 : index
    %get3A_64 = arith.constant 0 : index
    %get3A_65 = vector.load %arg2[%get3A_63, %get3A_64] : memref<1x16384xf32, #tpu.memory_space<vmem>>, vector<1x16384xf32>
    %get3A_66 = vector.shape_cast %get3A_65 : vector<1x16384xf32> to vector<16384xf32>
    %swap3A_67 = arith.constant 0 : index
    %swap3A_68 = vector.load %arg19[%swap3A_67] : memref<16384xf32, #tpu.memory_space<vmem>>, vector<16384xf32>
    tpu.vector_store %arg19[%swap3A_67], %get3A_66 {strides = array<i32>} : memref<16384xf32, #tpu.memory_space<vmem>>, vector<16384xf32>,
    return
  }
  func.func @transform_0(%arg0: i32) -> (i32, i32) {
    %add3A = arith.constant 0 : i32
    %add3A_0 = arith.addi %arg0, %add3A : i32
    %c0_i32 = arith.constant 0 : i32
    %c0_i32_1 = arith.constant 0 : i32
    return %c0_i32, %add3A_0 : i32, i32
  }
  func.func @transform_1(%arg0: i32) -> (i32, i32) {
    %add3A = arith.constant 0 : i32
    %add3A_0 = arith.addi %arg0, %add3A : i32
    %c0_i32 = arith.constant 0 : i32
    %c0_i32_1 = arith.constant 0 : i32
    return %c0_i32, %add3A_0 : i32, i32
  }
  func.func @transform_2(%arg0: i32) -> i32 {
    %c0_i32 = arith.constant 0 : i32
    return %arg0 : i32
  }
  func.func @transform_3(%arg0: i32) -> i32 {
    %c0_i32 = arith.constant 0 : i32
    return %arg0 : i32
  }
  func.func @transform_4(%arg0: i32) -> i32 {
    %c0_i32 = arith.constant 0 : i32
    return %arg0 : i32
  }
  func.func @transform_5(%arg0: i32) -> i32 {
    %c0_i32 = arith.constant 0 : i32
    return %arg0 : i32
  }
  func.func @transform_6(%arg0: i32) -> i32 {
    %c0_i32 = arith.constant 0 : i32
    return %arg0 : i32
  }
  func.func @transform_7(%arg0: i32) -> i32 {
    %c0_i32 = arith.constant 0 : i32
    return %arg0 : i32
  }
  func.func @transform_8(%arg0: i32) -> i32 {
    %c0_i32 = arith.constant 0 : i32
    return %arg0 : i32
  }
  func.func @transform_9(%arg0: i32) -> i32 {
    %c0_i32 = arith.constant 0 : i32
    return %arg0 : i32
  }
  func.func @transform_10(%arg0: i32) -> i32 {
    %c0_i32 = arith.constant 0 : i32
    return %arg0 : i32
  }
  func.func @transform_11(%arg0: i32) -> i32 {
    %c0_i32 = arith.constant 0 : i32
    return %arg0 : i32
  }
  func.func @transform_12(%arg0: i32) -> i32 {
    %c0_i32 = arith.constant 0 : i32
    return %arg0 : i32
  }
  func.func @transform_13(%arg0: i32) -> i32 {
    %c0_i32 = arith.constant 0 : i32
    return %arg0 : i32
  }
  func.func @transform_14(%arg0: i32) -> i32 {
    %c0_i32 = arith.constant 0 : i32
    return %arg0 : i32
  }
  func.func @transform_15(%arg0: i32) -> i32 {
    %c0_i32 = arith.constant 0 : i32
    return %arg0 : i32
  }
  func.func @transform_16(%arg0: i32) -> i32 {
    %c0_i32 = arith.constant 0 : i32
    return %arg0 : i32
  }
  func.func @transform_17(%arg0: i32) -> i32 {
    %c0_i32 = arith.constant 0 : i32
    return %arg0 : i32
  }
  func.func @transform_18(%arg0: i32) -> i32 {
    %c0_i32 = arith.constant 0 : i32
    return %arg0 : i32
  }
}

module attributes {stable_mosaic.version = 14 : i64} {
  func.func @_tc_split(%arg0: i32, %arg1: memref<16x16384xf32, #tpu.memory_space<vmem>>, %arg2: memref<1x16384xf32, #tpu.memory_space<vmem>>, %arg3: memref<16384xf32, #tpu.memory_space<vmem>>, %arg4: memref<16384xf32, #tpu.memory_space<vmem>>, %arg5: memref<16384xf32, #tpu.memory_space<vmem>>, %arg6: memref<16384xf32, #tpu.memory_space<vmem>>, %arg7: memref<16384xf32, #tpu.memory_space<vmem>>, %arg8: memref<16384xf32, #tpu.memory_space<vmem>>, %arg9: memref<16384xf32, #tpu.memory_space<vmem>>, %arg10: memref<16384xf32, #tpu.memory_space<vmem>>, %arg11: memref<16384xf32, #tpu.memory_space<vmem>>, %arg12: memref<16384xf32, #tpu.memory_space<vmem>>, %arg13: memref<16384xf32, #tpu.memory_space<vmem>>, %arg14: memref<16384xf32, #tpu.memory_space<vmem>>, %arg15: memref<16384xf32, #tpu.memory_space<vmem>>, %arg16: memref<16384xf32, #tpu.memory_space<vmem>>, %arg17: memref<16384xf32, #tpu.memory_space<vmem>>, %arg18: memref<16384xf32, #tpu.memory_space<vmem>>, %arg19: memref<16384xf32, #tpu.memory_space<vmem>>) attributes {dimension_semantics = [#tpu.dimension_semantics<arbitrary>], iteration_bounds = array<i64: 37>, scalar_prefetch = 0 : i64, scratch_operands = 0 : i64, tpu.core_type = #tpu.core_type<tc>, window_params = [{transform_indices = @transform_0, window_bounds = array<i64: 16, 16384>}, {transform_indices = @transform_1, window_bounds = array<i64: 1, 16384>}, {transform_indices = @transform_2, window_bounds = array<i64: 16384>}, {transform_indices = @transform_3, window_bounds = array<i64: 16384>}, {transform_indices = @transform_4, window_bounds = array<i64: 16384>}, {transform_indices = @transform_5, window_bounds = array<i64: 16384>}, {transform_indices = @transform_6, window_bounds = array<i64: 16384>}, {transform_indices = @transform_7, window_bounds = array<i64: 16384>}, {transform_indices = @transform_8, window_bounds = array<i64: 16384>}, {transform_indices = @transform_9, window_bounds = array<i64: 16384>}, {transform_indices = @transform_10, window_bounds = array<i64: 16384>}, {transform_indices = @transform_11, window_bounds = array<i64: 16384>}, {transform_indices = @transform_12, window_bounds = array<i64: 16384>}, {transform_indices = @transform_13, window_bounds = array<i64: 16384>}, {transform_indices = @transform_14, window_bounds = array<i64: 16384>}, {transform_indices = @transform_15, window_bounds = array<i64: 16384>}, {transform_indices = @transform_16, window_bounds = array<i64: 16384>}, {transform_indices = @transform_17, window_bounds = array<i64: 16384>}, {transform_indices = @transform_18, window_bounds = array<i64: 16384>}]} {
    %get3A = arith.constant 0 : index
    %get3A_0 = arith.constant 0 : index
    %get3A_1 = vector.load %arg1[%get3A, %get3A_0] : memref<16x16384xf32, #tpu.memory_space<vmem>>, vector<16x16384xf32>
    %slice3A = vector.extract_strided_slice %get3A_1 {offsets = [0, 0], sizes = [1, 16384], strides = [1, 1]} : vector<16x16384xf32> to vector<1x16384xf32>
    %squeeze3A = vector.shape_cast %slice3A : vector<1x16384xf32> to vector<16384xf32>
    %swap3A = arith.constant 0 : index
    %swap3A_2 = vector.load %arg3[%swap3A] : memref<16384xf32, #tpu.memory_space<vmem>>, vector<16384xf32>
    tpu.vector_store %arg3[%swap3A], %squeeze3A {strides = array<i32>} : memref<16384xf32, #tpu.memory_space<vmem>>, vector<16384xf32>,
    %slice3A_3 = vector.extract_strided_slice %get3A_1 {offsets = [1, 0], sizes = [1, 16384], strides = [1, 1]} : vector<16x16384xf32> to vector<1x16384xf32>
    %squeeze3A_4 = vector.shape_cast %slice3A_3 : vector<1x16384xf32> to vector<16384xf32>
    %swap3A_5 = arith.constant 0 : index
    %swap3A_6 = vector.load %arg4[%swap3A_5] : memref<16384xf32, #tpu.memory_space<vmem>>, vector<16384xf32>
    tpu.vector_store %arg4[%swap3A_5], %squeeze3A_4 {strides = array<i32>} : memref<16384xf32, #tpu.memory_space<vmem>>, vector<16384xf32>,
    %slice3A_7 = vector.extract_strided_slice %get3A_1 {offsets = [2, 0], sizes = [1, 16384], strides = [1, 1]} : vector<16x16384xf32> to vector<1x16384xf32>
    %squeeze3A_8 = vector.shape_cast %slice3A_7 : vector<1x16384xf32> to vector<16384xf32>
    %swap3A_9 = arith.constant 0 : index
    %swap3A_10 = vector.load %arg5[%swap3A_9] : memref<16384xf32, #tpu.memory_space<vmem>>, vector<16384xf32>
    tpu.vector_store %arg5[%swap3A_9], %squeeze3A_8 {strides = array<i32>} : memref<16384xf32, #tpu.memory_space<vmem>>, vector<16384xf32>,
    %slice3A_11 = vector.extract_strided_slice %get3A_1 {offsets = [3, 0], sizes = [1, 16384], strides = [1, 1]} : vector<16x16384xf32> to vector<1x16384xf32>
    %squeeze3A_12 = vector.shape_cast %slice3A_11 : vector<1x16384xf32> to vector<16384xf32>
    %swap3A_13 = arith.constant 0 : index
    %swap3A_14 = vector.load %arg6[%swap3A_13] : memref<16384xf32, #tpu.memory_space<vmem>>, vector<16384xf32>
    tpu.vector_store %arg6[%swap3A_13], %squeeze3A_12 {strides = array<i32>} : memref<16384xf32, #tpu.memory_space<vmem>>, vector<16384xf32>,
    %slice3A_15 = vector.extract_strided_slice %get3A_1 {offsets = [4, 0], sizes = [1, 16384], strides = [1, 1]} : vector<16x16384xf32> to vector<1x16384xf32>
    %squeeze3A_16 = vector.shape_cast %slice3A_15 : vector<1x16384xf32> to vector<16384xf32>
    %swap3A_17 = arith.constant 0 : index
    %swap3A_18 = vector.load %arg7[%swap3A_17] : memref<16384xf32, #tpu.memory_space<vmem>>, vector<16384xf32>
    tpu.vector_store %arg7[%swap3A_17], %squeeze3A_16 {strides = array<i32>} : memref<16384xf32, #tpu.memory_space<vmem>>, vector<16384xf32>,
    %slice3A_19 = vector.extract_strided_slice %get3A_1 {offsets = [5, 0], sizes = [1, 16384], strides = [1, 1]} : vector<16x16384xf32> to vector<1x16384xf32>
    %squeeze3A_20 = vector.shape_cast %slice3A_19 : vector<1x16384xf32> to vector<16384xf32>
    %swap3A_21 = arith.constant 0 : index
    %swap3A_22 = vector.load %arg8[%swap3A_21] : memref<16384xf32, #tpu.memory_space<vmem>>, vector<16384xf32>
    tpu.vector_store %arg8[%swap3A_21], %squeeze3A_20 {strides = array<i32>} : memref<16384xf32, #tpu.memory_space<vmem>>, vector<16384xf32>,
    %slice3A_23 = vector.extract_strided_slice %get3A_1 {offsets = [6, 0], sizes = [1, 16384], strides = [1, 1]} : vector<16x16384xf32> to vector<1x16384xf32>
    %squeeze3A_24 = vector.shape_cast %slice3A_23 : vector<1x16384xf32> to vector<16384xf32>
    %swap3A_25 = arith.constant 0 : index
    %swap3A_26 = vector.load %arg9[%swap3A_25] : memref<16384xf32, #tpu.memory_space<vmem>>, vector<16384xf32>
    tpu.vector_store %arg9[%swap3A_25], %squeeze3A_24 {strides = array<i32>} : memref<16384xf32, #tpu.memory_space<vmem>>, vector<16384xf32>,
    %slice3A_27 = vector.extract_strided_slice %get3A_1 {offsets = [7, 0], sizes = [1, 16384], strides = [1, 1]} : vector<16x16384xf32> to vector<1x16384xf32>
    %squeeze3A_28 = vector.shape_cast %slice3A_27 : vector<1x16384xf32> to vector<16384xf32>
    %swap3A_29 = arith.constant 0 : index
    %swap3A_30 = vector.load %arg10[%swap3A_29] : memref<16384xf32, #tpu.memory_space<vmem>>, vector<16384xf32>
    tpu.vector_store %arg10[%swap3A_29], %squeeze3A_28 {strides = array<i32>} : memref<16384xf32, #tpu.memory_space<vmem>>, vector<16384xf32>,
    %slice3A_31 = vector.extract_strided_slice %get3A_1 {offsets = [8, 0], sizes = [1, 16384], strides = [1, 1]} : vector<16x16384xf32> to vector<1x16384xf32>
    %squeeze3A_32 = vector.shape_cast %slice3A_31 : vector<1x16384xf32> to vector<16384xf32>
    %swap3A_33 = arith.constant 0 : index
    %swap3A_34 = vector.load %arg11[%swap3A_33] : memref<16384xf32, #tpu.memory_space<vmem>>, vector<16384xf32>
    tpu.vector_store %arg11[%swap3A_33], %squeeze3A_32 {strides = array<i32>} : memref<16384xf32, #tpu.memory_space<vmem>>, vector<16384xf32>,
    %slice3A_35 = vector.extract_strided_slice %get3A_1 {offsets = [9, 0], sizes = [1, 16384], strides = [1, 1]} : vector<16x16384xf32> to vector<1x16384xf32>
    %squeeze3A_36 = vector.shape_cast %slice3A_35 : vector<1x16384xf32> to vector<16384xf32>
    %swap3A_37 = arith.constant 0 : index
    %swap3A_38 = vector.load %arg12[%swap3A_37] : memref<16384xf32, #tpu.memory_space<vmem>>, vector<16384xf32>
    tpu.vector_store %arg12[%swap3A_37], %squeeze3A_36 {strides = array<i32>} : memref<16384xf32, #tpu.memory_space<vmem>>, vector<16384xf32>,
    %slice3A_39 = vector.extract_strided_slice %get3A_1 {offsets = [10, 0], sizes = [1, 16384], strides = [1, 1]} : vector<16x16384xf32> to vector<1x16384xf32>
    %squeeze3A_40 = vector.shape_cast %slice3A_39 : vector<1x16384xf32> to vector<16384xf32>
    %swap3A_41 = arith.constant 0 : index
    %swap3A_42 = vector.load %arg13[%swap3A_41] : memref<16384xf32, #tpu.memory_space<vmem>>, vector<16384xf32>
    tpu.vector_store %arg13[%swap3A_41], %squeeze3A_40 {strides = array<i32>} : memref<16384xf32, #tpu.memory_space<vmem>>, vector<16384xf32>,
    %slice3A_43 = vector.extract_strided_slice %get3A_1 {offsets = [11, 0], sizes = [1, 16384], strides = [1, 1]} : vector<16x16384xf32> to vector<1x16384xf32>
    %squeeze3A_44 = vector.shape_cast %slice3A_43 : vector<1x16384xf32> to vector<16384xf32>
    %swap3A_45 = arith.constant 0 : index
    %swap3A_46 = vector.load %arg14[%swap3A_45] : memref<16384xf32, #tpu.memory_space<vmem>>, vector<16384xf32>
    tpu.vector_store %arg14[%swap3A_45], %squeeze3A_44 {strides = array<i32>} : memref<16384xf32, #tpu.memory_space<vmem>>, vector<16384xf32>,
    %slice3A_47 = vector.extract_strided_slice %get3A_1 {offsets = [12, 0], sizes = [1, 16384], strides = [1, 1]} : vector<16x16384xf32> to vector<1x16384xf32>
    %squeeze3A_48 = vector.shape_cast %slice3A_47 : vector<1x16384xf32> to vector<16384xf32>
    %swap3A_49 = arith.constant 0 : index
    %swap3A_50 = vector.load %arg15[%swap3A_49] : memref<16384xf32, #tpu.memory_space<vmem>>, vector<16384xf32>
    tpu.vector_store %arg15[%swap3A_49], %squeeze3A_48 {strides = array<i32>} : memref<16384xf32, #tpu.memory_space<vmem>>, vector<16384xf32>,
    %slice3A_51 = vector.extract_strided_slice %get3A_1 {offsets = [13, 0], sizes = [1, 16384], strides = [1, 1]} : vector<16x16384xf32> to vector<1x16384xf32>
    %squeeze3A_52 = vector.shape_cast %slice3A_51 : vector<1x16384xf32> to vector<16384xf32>
    %swap3A_53 = arith.constant 0 : index
    %swap3A_54 = vector.load %arg16[%swap3A_53] : memref<16384xf32, #tpu.memory_space<vmem>>, vector<16384xf32>
    tpu.vector_store %arg16[%swap3A_53], %squeeze3A_52 {strides = array<i32>} : memref<16384xf32, #tpu.memory_space<vmem>>, vector<16384xf32>,
    %slice3A_55 = vector.extract_strided_slice %get3A_1 {offsets = [14, 0], sizes = [1, 16384], strides = [1, 1]} : vector<16x16384xf32> to vector<1x16384xf32>
    %squeeze3A_56 = vector.shape_cast %slice3A_55 : vector<1x16384xf32> to vector<16384xf32>
    %swap3A_57 = arith.constant 0 : index
    %swap3A_58 = vector.load %arg17[%swap3A_57] : memref<16384xf32, #tpu.memory_space<vmem>>, vector<16384xf32>
    tpu.vector_store %arg17[%swap3A_57], %squeeze3A_56 {strides = array<i32>} : memref<16384xf32, #tpu.memory_space<vmem>>, vector<16384xf32>,
    %slice3A_59 = vector.extract_strided_slice %get3A_1 {offsets = [15, 0], sizes = [1, 16384], strides = [1, 1]} : vector<16x16384xf32> to vector<1x16384xf32>
    %squeeze3A_60 = vector.shape_cast %slice3A_59 : vector<1x16384xf32> to vector<16384xf32>
    %swap3A_61 = arith.constant 0 : index
    %swap3A_62 = vector.load %arg18[%swap3A_61] : memref<16384xf32, #tpu.memory_space<vmem>>, vector<16384xf32>
    tpu.vector_store %arg18[%swap3A_61], %squeeze3A_60 {strides = array<i32>} : memref<16384xf32, #tpu.memory_space<vmem>>, vector<16384xf32>,
    %get3A_63 = arith.constant 0 : index
    %get3A_64 = arith.constant 0 : index
    %get3A_65 = vector.load %arg2[%get3A_63, %get3A_64] : memref<1x16384xf32, #tpu.memory_space<vmem>>, vector<1x16384xf32>
    %get3A_66 = vector.shape_cast %get3A_65 : vector<1x16384xf32> to vector<16384xf32>
    %swap3A_67 = arith.constant 0 : index
    %swap3A_68 = vector.load %arg19[%swap3A_67] : memref<16384xf32, #tpu.memory_space<vmem>>, vector<16384xf32>
    tpu.vector_store %arg19[%swap3A_67], %get3A_66 {strides = array<i32>} : memref<16384xf32, #tpu.memory_space<vmem>>, vector<16384xf32>,
    return
  }
  func.func @transform_0(%arg0: i32) -> (i32, i32) {
    %add3A = arith.constant 122 : i32
    %add3A_0 = arith.addi %arg0, %add3A : i32
    %c0_i32 = arith.constant 0 : i32
    %c0_i32_1 = arith.constant 0 : i32
    return %c0_i32, %add3A_0 : i32, i32
  }
  func.func @transform_1(%arg0: i32) -> (i32, i32) {
    %add3A = arith.constant 122 : i32
    %add3A_0 = arith.addi %arg0, %add3A : i32
    %c0_i32 = arith.constant 0 : i32
    %c0_i32_1 = arith.constant 0 : i32
    return %c0_i32, %add3A_0 : i32, i32
  }
  func.func @transform_2(%arg0: i32) -> i32 {
    %c0_i32 = arith.constant 0 : i32
    return %arg0 : i32
  }
  func.func @transform_3(%arg0: i32) -> i32 {
    %c0_i32 = arith.constant 0 : i32
    return %arg0 : i32
  }
  func.func @transform_4(%arg0: i32) -> i32 {
    %c0_i32 = arith.constant 0 : i32
    return %arg0 : i32
  }
  func.func @transform_5(%arg0: i32) -> i32 {
    %c0_i32 = arith.constant 0 : i32
    return %arg0 : i32
  }
  func.func @transform_6(%arg0: i32) -> i32 {
    %c0_i32 = arith.constant 0 : i32
    return %arg0 : i32
  }
  func.func @transform_7(%arg0: i32) -> i32 {
    %c0_i32 = arith.constant 0 : i32
    return %arg0 : i32
  }
  func.func @transform_8(%arg0: i32) -> i32 {
    %c0_i32 = arith.constant 0 : i32
    return %arg0 : i32
  }
  func.func @transform_9(%arg0: i32) -> i32 {
    %c0_i32 = arith.constant 0 : i32
    return %arg0 : i32
  }
  func.func @transform_10(%arg0: i32) -> i32 {
    %c0_i32 = arith.constant 0 : i32
    return %arg0 : i32
  }
  func.func @transform_11(%arg0: i32) -> i32 {
    %c0_i32 = arith.constant 0 : i32
    return %arg0 : i32
  }
  func.func @transform_12(%arg0: i32) -> i32 {
    %c0_i32 = arith.constant 0 : i32
    return %arg0 : i32
  }
  func.func @transform_13(%arg0: i32) -> i32 {
    %c0_i32 = arith.constant 0 : i32
    return %arg0 : i32
  }
  func.func @transform_14(%arg0: i32) -> i32 {
    %c0_i32 = arith.constant 0 : i32
    return %arg0 : i32
  }
  func.func @transform_15(%arg0: i32) -> i32 {
    %c0_i32 = arith.constant 0 : i32
    return %arg0 : i32
  }
  func.func @transform_16(%arg0: i32) -> i32 {
    %c0_i32 = arith.constant 0 : i32
    return %arg0 : i32
  }
  func.func @transform_17(%arg0: i32) -> i32 {
    %c0_i32 = arith.constant 0 : i32
    return %arg0 : i32
  }
  func.func @transform_18(%arg0: i32) -> i32 {
    %c0_i32 = arith.constant 0 : i32
    return %arg0 : i32
  }
}

module attributes {stable_mosaic.version = 14 : i64} {
  func.func @_tc_split(%arg0: i32, %arg1: memref<16x16384xf32, #tpu.memory_space<vmem>>, %arg2: memref<1x16384xf32, #tpu.memory_space<vmem>>, %arg3: memref<16384xf32, #tpu.memory_space<vmem>>, %arg4: memref<16384xf32, #tpu.memory_space<vmem>>, %arg5: memref<16384xf32, #tpu.memory_space<vmem>>, %arg6: memref<16384xf32, #tpu.memory_space<vmem>>, %arg7: memref<16384xf32, #tpu.memory_space<vmem>>, %arg8: memref<16384xf32, #tpu.memory_space<vmem>>, %arg9: memref<16384xf32, #tpu.memory_space<vmem>>, %arg10: memref<16384xf32, #tpu.memory_space<vmem>>, %arg11: memref<16384xf32, #tpu.memory_space<vmem>>, %arg12: memref<16384xf32, #tpu.memory_space<vmem>>, %arg13: memref<16384xf32, #tpu.memory_space<vmem>>, %arg14: memref<16384xf32, #tpu.memory_space<vmem>>, %arg15: memref<16384xf32, #tpu.memory_space<vmem>>, %arg16: memref<16384xf32, #tpu.memory_space<vmem>>, %arg17: memref<16384xf32, #tpu.memory_space<vmem>>, %arg18: memref<16384xf32, #tpu.memory_space<vmem>>, %arg19: memref<16384xf32, #tpu.memory_space<vmem>>) attributes {dimension_semantics = [#tpu.dimension_semantics<arbitrary>], iteration_bounds = array<i64: 38>, scalar_prefetch = 0 : i64, scratch_operands = 0 : i64, tpu.core_type = #tpu.core_type<tc>, window_params = [{transform_indices = @transform_0, window_bounds = array<i64: 16, 16384>}, {transform_indices = @transform_1, window_bounds = array<i64: 1, 16384>}, {transform_indices = @transform_2, window_bounds = array<i64: 16384>}, {transform_indices = @transform_3, window_bounds = array<i64: 16384>}, {transform_indices = @transform_4, window_bounds = array<i64: 16384>}, {transform_indices = @transform_5, window_bounds = array<i64: 16384>}, {transform_indices = @transform_6, window_bounds = array<i64: 16384>}, {transform_indices = @transform_7, window_bounds = array<i64: 16384>}, {transform_indices = @transform_8, window_bounds = array<i64: 16384>}, {transform_indices = @transform_9, window_bounds = array<i64: 16384>}, {transform_indices = @transform_10, window_bounds = array<i64: 16384>}, {transform_indices = @transform_11, window_bounds = array<i64: 16384>}, {transform_indices = @transform_12, window_bounds = array<i64: 16384>}, {transform_indices = @transform_13, window_bounds = array<i64: 16384>}, {transform_indices = @transform_14, window_bounds = array<i64: 16384>}, {transform_indices = @transform_15, window_bounds = array<i64: 16384>}, {transform_indices = @transform_16, window_bounds = array<i64: 16384>}, {transform_indices = @transform_17, window_bounds = array<i64: 16384>}, {transform_indices = @transform_18, window_bounds = array<i64: 16384>}]} {
    %get3A = arith.constant 0 : index
    %get3A_0 = arith.constant 0 : index
    %get3A_1 = vector.load %arg1[%get3A, %get3A_0] : memref<16x16384xf32, #tpu.memory_space<vmem>>, vector<16x16384xf32>
    %slice3A = vector.extract_strided_slice %get3A_1 {offsets = [0, 0], sizes = [1, 16384], strides = [1, 1]} : vector<16x16384xf32> to vector<1x16384xf32>
    %squeeze3A = vector.shape_cast %slice3A : vector<1x16384xf32> to vector<16384xf32>
    %swap3A = arith.constant 0 : index
    %swap3A_2 = vector.load %arg3[%swap3A] : memref<16384xf32, #tpu.memory_space<vmem>>, vector<16384xf32>
    tpu.vector_store %arg3[%swap3A], %squeeze3A {strides = array<i32>} : memref<16384xf32, #tpu.memory_space<vmem>>, vector<16384xf32>,
    %slice3A_3 = vector.extract_strided_slice %get3A_1 {offsets = [1, 0], sizes = [1, 16384], strides = [1, 1]} : vector<16x16384xf32> to vector<1x16384xf32>
    %squeeze3A_4 = vector.shape_cast %slice3A_3 : vector<1x16384xf32> to vector<16384xf32>
    %swap3A_5 = arith.constant 0 : index
    %swap3A_6 = vector.load %arg4[%swap3A_5] : memref<16384xf32, #tpu.memory_space<vmem>>, vector<16384xf32>
    tpu.vector_store %arg4[%swap3A_5], %squeeze3A_4 {strides = array<i32>} : memref<16384xf32, #tpu.memory_space<vmem>>, vector<16384xf32>,
    %slice3A_7 = vector.extract_strided_slice %get3A_1 {offsets = [2, 0], sizes = [1, 16384], strides = [1, 1]} : vector<16x16384xf32> to vector<1x16384xf32>
    %squeeze3A_8 = vector.shape_cast %slice3A_7 : vector<1x16384xf32> to vector<16384xf32>
    %swap3A_9 = arith.constant 0 : index
    %swap3A_10 = vector.load %arg5[%swap3A_9] : memref<16384xf32, #tpu.memory_space<vmem>>, vector<16384xf32>
    tpu.vector_store %arg5[%swap3A_9], %squeeze3A_8 {strides = array<i32>} : memref<16384xf32, #tpu.memory_space<vmem>>, vector<16384xf32>,
    %slice3A_11 = vector.extract_strided_slice %get3A_1 {offsets = [3, 0], sizes = [1, 16384], strides = [1, 1]} : vector<16x16384xf32> to vector<1x16384xf32>
    %squeeze3A_12 = vector.shape_cast %slice3A_11 : vector<1x16384xf32> to vector<16384xf32>
    %swap3A_13 = arith.constant 0 : index
    %swap3A_14 = vector.load %arg6[%swap3A_13] : memref<16384xf32, #tpu.memory_space<vmem>>, vector<16384xf32>
    tpu.vector_store %arg6[%swap3A_13], %squeeze3A_12 {strides = array<i32>} : memref<16384xf32, #tpu.memory_space<vmem>>, vector<16384xf32>,
    %slice3A_15 = vector.extract_strided_slice %get3A_1 {offsets = [4, 0], sizes = [1, 16384], strides = [1, 1]} : vector<16x16384xf32> to vector<1x16384xf32>
    %squeeze3A_16 = vector.shape_cast %slice3A_15 : vector<1x16384xf32> to vector<16384xf32>
    %swap3A_17 = arith.constant 0 : index
    %swap3A_18 = vector.load %arg7[%swap3A_17] : memref<16384xf32, #tpu.memory_space<vmem>>, vector<16384xf32>
    tpu.vector_store %arg7[%swap3A_17], %squeeze3A_16 {strides = array<i32>} : memref<16384xf32, #tpu.memory_space<vmem>>, vector<16384xf32>,
    %slice3A_19 = vector.extract_strided_slice %get3A_1 {offsets = [5, 0], sizes = [1, 16384], strides = [1, 1]} : vector<16x16384xf32> to vector<1x16384xf32>
    %squeeze3A_20 = vector.shape_cast %slice3A_19 : vector<1x16384xf32> to vector<16384xf32>
    %swap3A_21 = arith.constant 0 : index
    %swap3A_22 = vector.load %arg8[%swap3A_21] : memref<16384xf32, #tpu.memory_space<vmem>>, vector<16384xf32>
    tpu.vector_store %arg8[%swap3A_21], %squeeze3A_20 {strides = array<i32>} : memref<16384xf32, #tpu.memory_space<vmem>>, vector<16384xf32>,
    %slice3A_23 = vector.extract_strided_slice %get3A_1 {offsets = [6, 0], sizes = [1, 16384], strides = [1, 1]} : vector<16x16384xf32> to vector<1x16384xf32>
    %squeeze3A_24 = vector.shape_cast %slice3A_23 : vector<1x16384xf32> to vector<16384xf32>
    %swap3A_25 = arith.constant 0 : index
    %swap3A_26 = vector.load %arg9[%swap3A_25] : memref<16384xf32, #tpu.memory_space<vmem>>, vector<16384xf32>
    tpu.vector_store %arg9[%swap3A_25], %squeeze3A_24 {strides = array<i32>} : memref<16384xf32, #tpu.memory_space<vmem>>, vector<16384xf32>,
    %slice3A_27 = vector.extract_strided_slice %get3A_1 {offsets = [7, 0], sizes = [1, 16384], strides = [1, 1]} : vector<16x16384xf32> to vector<1x16384xf32>
    %squeeze3A_28 = vector.shape_cast %slice3A_27 : vector<1x16384xf32> to vector<16384xf32>
    %swap3A_29 = arith.constant 0 : index
    %swap3A_30 = vector.load %arg10[%swap3A_29] : memref<16384xf32, #tpu.memory_space<vmem>>, vector<16384xf32>
    tpu.vector_store %arg10[%swap3A_29], %squeeze3A_28 {strides = array<i32>} : memref<16384xf32, #tpu.memory_space<vmem>>, vector<16384xf32>,
    %slice3A_31 = vector.extract_strided_slice %get3A_1 {offsets = [8, 0], sizes = [1, 16384], strides = [1, 1]} : vector<16x16384xf32> to vector<1x16384xf32>
    %squeeze3A_32 = vector.shape_cast %slice3A_31 : vector<1x16384xf32> to vector<16384xf32>
    %swap3A_33 = arith.constant 0 : index
    %swap3A_34 = vector.load %arg11[%swap3A_33] : memref<16384xf32, #tpu.memory_space<vmem>>, vector<16384xf32>
    tpu.vector_store %arg11[%swap3A_33], %squeeze3A_32 {strides = array<i32>} : memref<16384xf32, #tpu.memory_space<vmem>>, vector<16384xf32>,
    %slice3A_35 = vector.extract_strided_slice %get3A_1 {offsets = [9, 0], sizes = [1, 16384], strides = [1, 1]} : vector<16x16384xf32> to vector<1x16384xf32>
    %squeeze3A_36 = vector.shape_cast %slice3A_35 : vector<1x16384xf32> to vector<16384xf32>
    %swap3A_37 = arith.constant 0 : index
    %swap3A_38 = vector.load %arg12[%swap3A_37] : memref<16384xf32, #tpu.memory_space<vmem>>, vector<16384xf32>
    tpu.vector_store %arg12[%swap3A_37], %squeeze3A_36 {strides = array<i32>} : memref<16384xf32, #tpu.memory_space<vmem>>, vector<16384xf32>,
    %slice3A_39 = vector.extract_strided_slice %get3A_1 {offsets = [10, 0], sizes = [1, 16384], strides = [1, 1]} : vector<16x16384xf32> to vector<1x16384xf32>
    %squeeze3A_40 = vector.shape_cast %slice3A_39 : vector<1x16384xf32> to vector<16384xf32>
    %swap3A_41 = arith.constant 0 : index
    %swap3A_42 = vector.load %arg13[%swap3A_41] : memref<16384xf32, #tpu.memory_space<vmem>>, vector<16384xf32>
    tpu.vector_store %arg13[%swap3A_41], %squeeze3A_40 {strides = array<i32>} : memref<16384xf32, #tpu.memory_space<vmem>>, vector<16384xf32>,
    %slice3A_43 = vector.extract_strided_slice %get3A_1 {offsets = [11, 0], sizes = [1, 16384], strides = [1, 1]} : vector<16x16384xf32> to vector<1x16384xf32>
    %squeeze3A_44 = vector.shape_cast %slice3A_43 : vector<1x16384xf32> to vector<16384xf32>
    %swap3A_45 = arith.constant 0 : index
    %swap3A_46 = vector.load %arg14[%swap3A_45] : memref<16384xf32, #tpu.memory_space<vmem>>, vector<16384xf32>
    tpu.vector_store %arg14[%swap3A_45], %squeeze3A_44 {strides = array<i32>} : memref<16384xf32, #tpu.memory_space<vmem>>, vector<16384xf32>,
    %slice3A_47 = vector.extract_strided_slice %get3A_1 {offsets = [12, 0], sizes = [1, 16384], strides = [1, 1]} : vector<16x16384xf32> to vector<1x16384xf32>
    %squeeze3A_48 = vector.shape_cast %slice3A_47 : vector<1x16384xf32> to vector<16384xf32>
    %swap3A_49 = arith.constant 0 : index
    %swap3A_50 = vector.load %arg15[%swap3A_49] : memref<16384xf32, #tpu.memory_space<vmem>>, vector<16384xf32>
    tpu.vector_store %arg15[%swap3A_49], %squeeze3A_48 {strides = array<i32>} : memref<16384xf32, #tpu.memory_space<vmem>>, vector<16384xf32>,
    %slice3A_51 = vector.extract_strided_slice %get3A_1 {offsets = [13, 0], sizes = [1, 16384], strides = [1, 1]} : vector<16x16384xf32> to vector<1x16384xf32>
    %squeeze3A_52 = vector.shape_cast %slice3A_51 : vector<1x16384xf32> to vector<16384xf32>
    %swap3A_53 = arith.constant 0 : index
    %swap3A_54 = vector.load %arg16[%swap3A_53] : memref<16384xf32, #tpu.memory_space<vmem>>, vector<16384xf32>
    tpu.vector_store %arg16[%swap3A_53], %squeeze3A_52 {strides = array<i32>} : memref<16384xf32, #tpu.memory_space<vmem>>, vector<16384xf32>,
    %slice3A_55 = vector.extract_strided_slice %get3A_1 {offsets = [14, 0], sizes = [1, 16384], strides = [1, 1]} : vector<16x16384xf32> to vector<1x16384xf32>
    %squeeze3A_56 = vector.shape_cast %slice3A_55 : vector<1x16384xf32> to vector<16384xf32>
    %swap3A_57 = arith.constant 0 : index
    %swap3A_58 = vector.load %arg17[%swap3A_57] : memref<16384xf32, #tpu.memory_space<vmem>>, vector<16384xf32>
    tpu.vector_store %arg17[%swap3A_57], %squeeze3A_56 {strides = array<i32>} : memref<16384xf32, #tpu.memory_space<vmem>>, vector<16384xf32>,
    %slice3A_59 = vector.extract_strided_slice %get3A_1 {offsets = [15, 0], sizes = [1, 16384], strides = [1, 1]} : vector<16x16384xf32> to vector<1x16384xf32>
    %squeeze3A_60 = vector.shape_cast %slice3A_59 : vector<1x16384xf32> to vector<16384xf32>
    %swap3A_61 = arith.constant 0 : index
    %swap3A_62 = vector.load %arg18[%swap3A_61] : memref<16384xf32, #tpu.memory_space<vmem>>, vector<16384xf32>
    tpu.vector_store %arg18[%swap3A_61], %squeeze3A_60 {strides = array<i32>} : memref<16384xf32, #tpu.memory_space<vmem>>, vector<16384xf32>,
    %get3A_63 = arith.constant 0 : index
    %get3A_64 = arith.constant 0 : index
    %get3A_65 = vector.load %arg2[%get3A_63, %get3A_64] : memref<1x16384xf32, #tpu.memory_space<vmem>>, vector<1x16384xf32>
    %get3A_66 = vector.shape_cast %get3A_65 : vector<1x16384xf32> to vector<16384xf32>
    %swap3A_67 = arith.constant 0 : index
    %swap3A_68 = vector.load %arg19[%swap3A_67] : memref<16384xf32, #tpu.memory_space<vmem>>, vector<16384xf32>
    tpu.vector_store %arg19[%swap3A_67], %get3A_66 {strides = array<i32>} : memref<16384xf32, #tpu.memory_space<vmem>>, vector<16384xf32>,
    return
  }
  func.func @transform_0(%arg0: i32) -> (i32, i32) {
    %add3A = arith.constant 42 : i32
    %add3A_0 = arith.addi %arg0, %add3A : i32
    %c0_i32 = arith.constant 0 : i32
    %c0_i32_1 = arith.constant 0 : i32
    return %c0_i32, %add3A_0 : i32, i32
  }
  func.func @transform_1(%arg0: i32) -> (i32, i32) {
    %add3A = arith.constant 42 : i32
    %add3A_0 = arith.addi %arg0, %add3A : i32
    %c0_i32 = arith.constant 0 : i32
    %c0_i32_1 = arith.constant 0 : i32
    return %c0_i32, %add3A_0 : i32, i32
  }
  func.func @transform_2(%arg0: i32) -> i32 {
    %c0_i32 = arith.constant 0 : i32
    return %arg0 : i32
  }
  func.func @transform_3(%arg0: i32) -> i32 {
    %c0_i32 = arith.constant 0 : i32
    return %arg0 : i32
  }
  func.func @transform_4(%arg0: i32) -> i32 {
    %c0_i32 = arith.constant 0 : i32
    return %arg0 : i32
  }
  func.func @transform_5(%arg0: i32) -> i32 {
    %c0_i32 = arith.constant 0 : i32
    return %arg0 : i32
  }
  func.func @transform_6(%arg0: i32) -> i32 {
    %c0_i32 = arith.constant 0 : i32
    return %arg0 : i32
  }
  func.func @transform_7(%arg0: i32) -> i32 {
    %c0_i32 = arith.constant 0 : i32
    return %arg0 : i32
  }
  func.func @transform_8(%arg0: i32) -> i32 {
    %c0_i32 = arith.constant 0 : i32
    return %arg0 : i32
  }
  func.func @transform_9(%arg0: i32) -> i32 {
    %c0_i32 = arith.constant 0 : i32
    return %arg0 : i32
  }
  func.func @transform_10(%arg0: i32) -> i32 {
    %c0_i32 = arith.constant 0 : i32
    return %arg0 : i32
  }
  func.func @transform_11(%arg0: i32) -> i32 {
    %c0_i32 = arith.constant 0 : i32
    return %arg0 : i32
  }
  func.func @transform_12(%arg0: i32) -> i32 {
    %c0_i32 = arith.constant 0 : i32
    return %arg0 : i32
  }
  func.func @transform_13(%arg0: i32) -> i32 {
    %c0_i32 = arith.constant 0 : i32
    return %arg0 : i32
  }
  func.func @transform_14(%arg0: i32) -> i32 {
    %c0_i32 = arith.constant 0 : i32
    return %arg0 : i32
  }
  func.func @transform_15(%arg0: i32) -> i32 {
    %c0_i32 = arith.constant 0 : i32
    return %arg0 : i32
  }
  func.func @transform_16(%arg0: i32) -> i32 {
    %c0_i32 = arith.constant 0 : i32
    return %arg0 : i32
  }
  func.func @transform_17(%arg0: i32) -> i32 {
    %c0_i32 = arith.constant 0 : i32
    return %arg0 : i32
  }
  func.func @transform_18(%arg0: i32) -> i32 {
    %c0_i32 = arith.constant 0 : i32
    return %arg0 : i32
  }
}

module attributes {stable_mosaic.version = 14 : i64} {
  func.func @_tc_split(%arg0: i32, %arg1: memref<16x16384xf32, #tpu.memory_space<vmem>>, %arg2: memref<1x16384xf32, #tpu.memory_space<vmem>>, %arg3: memref<16384xf32, #tpu.memory_space<vmem>>, %arg4: memref<16384xf32, #tpu.memory_space<vmem>>, %arg5: memref<16384xf32, #tpu.memory_space<vmem>>, %arg6: memref<16384xf32, #tpu.memory_space<vmem>>, %arg7: memref<16384xf32, #tpu.memory_space<vmem>>, %arg8: memref<16384xf32, #tpu.memory_space<vmem>>, %arg9: memref<16384xf32, #tpu.memory_space<vmem>>, %arg10: memref<16384xf32, #tpu.memory_space<vmem>>, %arg11: memref<16384xf32, #tpu.memory_space<vmem>>, %arg12: memref<16384xf32, #tpu.memory_space<vmem>>, %arg13: memref<16384xf32, #tpu.memory_space<vmem>>, %arg14: memref<16384xf32, #tpu.memory_space<vmem>>, %arg15: memref<16384xf32, #tpu.memory_space<vmem>>, %arg16: memref<16384xf32, #tpu.memory_space<vmem>>, %arg17: memref<16384xf32, #tpu.memory_space<vmem>>, %arg18: memref<16384xf32, #tpu.memory_space<vmem>>, %arg19: memref<16384xf32, #tpu.memory_space<vmem>>) attributes {dimension_semantics = [#tpu.dimension_semantics<arbitrary>], iteration_bounds = array<i64: 44>, scalar_prefetch = 0 : i64, scratch_operands = 0 : i64, tpu.core_type = #tpu.core_type<tc>, window_params = [{transform_indices = @transform_0, window_bounds = array<i64: 16, 16384>}, {transform_indices = @transform_1, window_bounds = array<i64: 1, 16384>}, {transform_indices = @transform_2, window_bounds = array<i64: 16384>}, {transform_indices = @transform_3, window_bounds = array<i64: 16384>}, {transform_indices = @transform_4, window_bounds = array<i64: 16384>}, {transform_indices = @transform_5, window_bounds = array<i64: 16384>}, {transform_indices = @transform_6, window_bounds = array<i64: 16384>}, {transform_indices = @transform_7, window_bounds = array<i64: 16384>}, {transform_indices = @transform_8, window_bounds = array<i64: 16384>}, {transform_indices = @transform_9, window_bounds = array<i64: 16384>}, {transform_indices = @transform_10, window_bounds = array<i64: 16384>}, {transform_indices = @transform_11, window_bounds = array<i64: 16384>}, {transform_indices = @transform_12, window_bounds = array<i64: 16384>}, {transform_indices = @transform_13, window_bounds = array<i64: 16384>}, {transform_indices = @transform_14, window_bounds = array<i64: 16384>}, {transform_indices = @transform_15, window_bounds = array<i64: 16384>}, {transform_indices = @transform_16, window_bounds = array<i64: 16384>}, {transform_indices = @transform_17, window_bounds = array<i64: 16384>}, {transform_indices = @transform_18, window_bounds = array<i64: 16384>}]} {
    %get3A = arith.constant 0 : index
    %get3A_0 = arith.constant 0 : index
    %get3A_1 = vector.load %arg1[%get3A, %get3A_0] : memref<16x16384xf32, #tpu.memory_space<vmem>>, vector<16x16384xf32>
    %slice3A = vector.extract_strided_slice %get3A_1 {offsets = [0, 0], sizes = [1, 16384], strides = [1, 1]} : vector<16x16384xf32> to vector<1x16384xf32>
    %squeeze3A = vector.shape_cast %slice3A : vector<1x16384xf32> to vector<16384xf32>
    %swap3A = arith.constant 0 : index
    %swap3A_2 = vector.load %arg3[%swap3A] : memref<16384xf32, #tpu.memory_space<vmem>>, vector<16384xf32>
    tpu.vector_store %arg3[%swap3A], %squeeze3A {strides = array<i32>} : memref<16384xf32, #tpu.memory_space<vmem>>, vector<16384xf32>,
    %slice3A_3 = vector.extract_strided_slice %get3A_1 {offsets = [1, 0], sizes = [1, 16384], strides = [1, 1]} : vector<16x16384xf32> to vector<1x16384xf32>
    %squeeze3A_4 = vector.shape_cast %slice3A_3 : vector<1x16384xf32> to vector<16384xf32>
    %swap3A_5 = arith.constant 0 : index
    %swap3A_6 = vector.load %arg4[%swap3A_5] : memref<16384xf32, #tpu.memory_space<vmem>>, vector<16384xf32>
    tpu.vector_store %arg4[%swap3A_5], %squeeze3A_4 {strides = array<i32>} : memref<16384xf32, #tpu.memory_space<vmem>>, vector<16384xf32>,
    %slice3A_7 = vector.extract_strided_slice %get3A_1 {offsets = [2, 0], sizes = [1, 16384], strides = [1, 1]} : vector<16x16384xf32> to vector<1x16384xf32>
    %squeeze3A_8 = vector.shape_cast %slice3A_7 : vector<1x16384xf32> to vector<16384xf32>
    %swap3A_9 = arith.constant 0 : index
    %swap3A_10 = vector.load %arg5[%swap3A_9] : memref<16384xf32, #tpu.memory_space<vmem>>, vector<16384xf32>
    tpu.vector_store %arg5[%swap3A_9], %squeeze3A_8 {strides = array<i32>} : memref<16384xf32, #tpu.memory_space<vmem>>, vector<16384xf32>,
    %slice3A_11 = vector.extract_strided_slice %get3A_1 {offsets = [3, 0], sizes = [1, 16384], strides = [1, 1]} : vector<16x16384xf32> to vector<1x16384xf32>
    %squeeze3A_12 = vector.shape_cast %slice3A_11 : vector<1x16384xf32> to vector<16384xf32>
    %swap3A_13 = arith.constant 0 : index
    %swap3A_14 = vector.load %arg6[%swap3A_13] : memref<16384xf32, #tpu.memory_space<vmem>>, vector<16384xf32>
    tpu.vector_store %arg6[%swap3A_13], %squeeze3A_12 {strides = array<i32>} : memref<16384xf32, #tpu.memory_space<vmem>>, vector<16384xf32>,
    %slice3A_15 = vector.extract_strided_slice %get3A_1 {offsets = [4, 0], sizes = [1, 16384], strides = [1, 1]} : vector<16x16384xf32> to vector<1x16384xf32>
    %squeeze3A_16 = vector.shape_cast %slice3A_15 : vector<1x16384xf32> to vector<16384xf32>
    %swap3A_17 = arith.constant 0 : index
    %swap3A_18 = vector.load %arg7[%swap3A_17] : memref<16384xf32, #tpu.memory_space<vmem>>, vector<16384xf32>
    tpu.vector_store %arg7[%swap3A_17], %squeeze3A_16 {strides = array<i32>} : memref<16384xf32, #tpu.memory_space<vmem>>, vector<16384xf32>,
    %slice3A_19 = vector.extract_strided_slice %get3A_1 {offsets = [5, 0], sizes = [1, 16384], strides = [1, 1]} : vector<16x16384xf32> to vector<1x16384xf32>
    %squeeze3A_20 = vector.shape_cast %slice3A_19 : vector<1x16384xf32> to vector<16384xf32>
    %swap3A_21 = arith.constant 0 : index
    %swap3A_22 = vector.load %arg8[%swap3A_21] : memref<16384xf32, #tpu.memory_space<vmem>>, vector<16384xf32>
    tpu.vector_store %arg8[%swap3A_21], %squeeze3A_20 {strides = array<i32>} : memref<16384xf32, #tpu.memory_space<vmem>>, vector<16384xf32>,
    %slice3A_23 = vector.extract_strided_slice %get3A_1 {offsets = [6, 0], sizes = [1, 16384], strides = [1, 1]} : vector<16x16384xf32> to vector<1x16384xf32>
    %squeeze3A_24 = vector.shape_cast %slice3A_23 : vector<1x16384xf32> to vector<16384xf32>
    %swap3A_25 = arith.constant 0 : index
    %swap3A_26 = vector.load %arg9[%swap3A_25] : memref<16384xf32, #tpu.memory_space<vmem>>, vector<16384xf32>
    tpu.vector_store %arg9[%swap3A_25], %squeeze3A_24 {strides = array<i32>} : memref<16384xf32, #tpu.memory_space<vmem>>, vector<16384xf32>,
    %slice3A_27 = vector.extract_strided_slice %get3A_1 {offsets = [7, 0], sizes = [1, 16384], strides = [1, 1]} : vector<16x16384xf32> to vector<1x16384xf32>
    %squeeze3A_28 = vector.shape_cast %slice3A_27 : vector<1x16384xf32> to vector<16384xf32>
    %swap3A_29 = arith.constant 0 : index
    %swap3A_30 = vector.load %arg10[%swap3A_29] : memref<16384xf32, #tpu.memory_space<vmem>>, vector<16384xf32>
    tpu.vector_store %arg10[%swap3A_29], %squeeze3A_28 {strides = array<i32>} : memref<16384xf32, #tpu.memory_space<vmem>>, vector<16384xf32>,
    %slice3A_31 = vector.extract_strided_slice %get3A_1 {offsets = [8, 0], sizes = [1, 16384], strides = [1, 1]} : vector<16x16384xf32> to vector<1x16384xf32>
    %squeeze3A_32 = vector.shape_cast %slice3A_31 : vector<1x16384xf32> to vector<16384xf32>
    %swap3A_33 = arith.constant 0 : index
    %swap3A_34 = vector.load %arg11[%swap3A_33] : memref<16384xf32, #tpu.memory_space<vmem>>, vector<16384xf32>
    tpu.vector_store %arg11[%swap3A_33], %squeeze3A_32 {strides = array<i32>} : memref<16384xf32, #tpu.memory_space<vmem>>, vector<16384xf32>,
    %slice3A_35 = vector.extract_strided_slice %get3A_1 {offsets = [9, 0], sizes = [1, 16384], strides = [1, 1]} : vector<16x16384xf32> to vector<1x16384xf32>
    %squeeze3A_36 = vector.shape_cast %slice3A_35 : vector<1x16384xf32> to vector<16384xf32>
    %swap3A_37 = arith.constant 0 : index
    %swap3A_38 = vector.load %arg12[%swap3A_37] : memref<16384xf32, #tpu.memory_space<vmem>>, vector<16384xf32>
    tpu.vector_store %arg12[%swap3A_37], %squeeze3A_36 {strides = array<i32>} : memref<16384xf32, #tpu.memory_space<vmem>>, vector<16384xf32>,
    %slice3A_39 = vector.extract_strided_slice %get3A_1 {offsets = [10, 0], sizes = [1, 16384], strides = [1, 1]} : vector<16x16384xf32> to vector<1x16384xf32>
    %squeeze3A_40 = vector.shape_cast %slice3A_39 : vector<1x16384xf32> to vector<16384xf32>
    %swap3A_41 = arith.constant 0 : index
    %swap3A_42 = vector.load %arg13[%swap3A_41] : memref<16384xf32, #tpu.memory_space<vmem>>, vector<16384xf32>
    tpu.vector_store %arg13[%swap3A_41], %squeeze3A_40 {strides = array<i32>} : memref<16384xf32, #tpu.memory_space<vmem>>, vector<16384xf32>,
    %slice3A_43 = vector.extract_strided_slice %get3A_1 {offsets = [11, 0], sizes = [1, 16384], strides = [1, 1]} : vector<16x16384xf32> to vector<1x16384xf32>
    %squeeze3A_44 = vector.shape_cast %slice3A_43 : vector<1x16384xf32> to vector<16384xf32>
    %swap3A_45 = arith.constant 0 : index
    %swap3A_46 = vector.load %arg14[%swap3A_45] : memref<16384xf32, #tpu.memory_space<vmem>>, vector<16384xf32>
    tpu.vector_store %arg14[%swap3A_45], %squeeze3A_44 {strides = array<i32>} : memref<16384xf32, #tpu.memory_space<vmem>>, vector<16384xf32>,
    %slice3A_47 = vector.extract_strided_slice %get3A_1 {offsets = [12, 0], sizes = [1, 16384], strides = [1, 1]} : vector<16x16384xf32> to vector<1x16384xf32>
    %squeeze3A_48 = vector.shape_cast %slice3A_47 : vector<1x16384xf32> to vector<16384xf32>
    %swap3A_49 = arith.constant 0 : index
    %swap3A_50 = vector.load %arg15[%swap3A_49] : memref<16384xf32, #tpu.memory_space<vmem>>, vector<16384xf32>
    tpu.vector_store %arg15[%swap3A_49], %squeeze3A_48 {strides = array<i32>} : memref<16384xf32, #tpu.memory_space<vmem>>, vector<16384xf32>,
    %slice3A_51 = vector.extract_strided_slice %get3A_1 {offsets = [13, 0], sizes = [1, 16384], strides = [1, 1]} : vector<16x16384xf32> to vector<1x16384xf32>
    %squeeze3A_52 = vector.shape_cast %slice3A_51 : vector<1x16384xf32> to vector<16384xf32>
    %swap3A_53 = arith.constant 0 : index
    %swap3A_54 = vector.load %arg16[%swap3A_53] : memref<16384xf32, #tpu.memory_space<vmem>>, vector<16384xf32>
    tpu.vector_store %arg16[%swap3A_53], %squeeze3A_52 {strides = array<i32>} : memref<16384xf32, #tpu.memory_space<vmem>>, vector<16384xf32>,
    %slice3A_55 = vector.extract_strided_slice %get3A_1 {offsets = [14, 0], sizes = [1, 16384], strides = [1, 1]} : vector<16x16384xf32> to vector<1x16384xf32>
    %squeeze3A_56 = vector.shape_cast %slice3A_55 : vector<1x16384xf32> to vector<16384xf32>
    %swap3A_57 = arith.constant 0 : index
    %swap3A_58 = vector.load %arg17[%swap3A_57] : memref<16384xf32, #tpu.memory_space<vmem>>, vector<16384xf32>
    tpu.vector_store %arg17[%swap3A_57], %squeeze3A_56 {strides = array<i32>} : memref<16384xf32, #tpu.memory_space<vmem>>, vector<16384xf32>,
    %slice3A_59 = vector.extract_strided_slice %get3A_1 {offsets = [15, 0], sizes = [1, 16384], strides = [1, 1]} : vector<16x16384xf32> to vector<1x16384xf32>
    %squeeze3A_60 = vector.shape_cast %slice3A_59 : vector<1x16384xf32> to vector<16384xf32>
    %swap3A_61 = arith.constant 0 : index
    %swap3A_62 = vector.load %arg18[%swap3A_61] : memref<16384xf32, #tpu.memory_space<vmem>>, vector<16384xf32>
    tpu.vector_store %arg18[%swap3A_61], %squeeze3A_60 {strides = array<i32>} : memref<16384xf32, #tpu.memory_space<vmem>>, vector<16384xf32>,
    %get3A_63 = arith.constant 0 : index
    %get3A_64 = arith.constant 0 : index
    %get3A_65 = vector.load %arg2[%get3A_63, %get3A_64] : memref<1x16384xf32, #tpu.memory_space<vmem>>, vector<1x16384xf32>
    %get3A_66 = vector.shape_cast %get3A_65 : vector<1x16384xf32> to vector<16384xf32>
    %swap3A_67 = arith.constant 0 : index
    %swap3A_68 = vector.load %arg19[%swap3A_67] : memref<16384xf32, #tpu.memory_space<vmem>>, vector<16384xf32>
    tpu.vector_store %arg19[%swap3A_67], %get3A_66 {strides = array<i32>} : memref<16384xf32, #tpu.memory_space<vmem>>, vector<16384xf32>,
    return
  }
  func.func @transform_0(%arg0: i32) -> (i32, i32) {
    %add3A = arith.constant 79 : i32
    %add3A_0 = arith.addi %arg0, %add3A : i32
    %c0_i32 = arith.constant 0 : i32
    %c0_i32_1 = arith.constant 0 : i32
    return %c0_i32, %add3A_0 : i32, i32
  }
  func.func @transform_1(%arg0: i32) -> (i32, i32) {
    %add3A = arith.constant 79 : i32
    %add3A_0 = arith.addi %arg0, %add3A : i32
    %c0_i32 = arith.constant 0 : i32
    %c0_i32_1 = arith.constant 0 : i32
    return %c0_i32, %add3A_0 : i32, i32
  }
  func.func @transform_2(%arg0: i32) -> i32 {
    %c0_i32 = arith.constant 0 : i32
    return %arg0 : i32
  }
  func.func @transform_3(%arg0: i32) -> i32 {
    %c0_i32 = arith.constant 0 : i32
    return %arg0 : i32
  }
  func.func @transform_4(%arg0: i32) -> i32 {
    %c0_i32 = arith.constant 0 : i32
    return %arg0 : i32
  }
  func.func @transform_5(%arg0: i32) -> i32 {
    %c0_i32 = arith.constant 0 : i32
    return %arg0 : i32
  }
  func.func @transform_6(%arg0: i32) -> i32 {
    %c0_i32 = arith.constant 0 : i32
    return %arg0 : i32
  }
  func.func @transform_7(%arg0: i32) -> i32 {
    %c0_i32 = arith.constant 0 : i32
    return %arg0 : i32
  }
  func.func @transform_8(%arg0: i32) -> i32 {
    %c0_i32 = arith.constant 0 : i32
    return %arg0 : i32
  }
  func.func @transform_9(%arg0: i32) -> i32 {
    %c0_i32 = arith.constant 0 : i32
    return %arg0 : i32
  }
  func.func @transform_10(%arg0: i32) -> i32 {
    %c0_i32 = arith.constant 0 : i32
    return %arg0 : i32
  }
  func.func @transform_11(%arg0: i32) -> i32 {
    %c0_i32 = arith.constant 0 : i32
    return %arg0 : i32
  }
  func.func @transform_12(%arg0: i32) -> i32 {
    %c0_i32 = arith.constant 0 : i32
    return %arg0 : i32
  }
  func.func @transform_13(%arg0: i32) -> i32 {
    %c0_i32 = arith.constant 0 : i32
    return %arg0 : i32
  }
  func.func @transform_14(%arg0: i32) -> i32 {
    %c0_i32 = arith.constant 0 : i32
    return %arg0 : i32
  }
  func.func @transform_15(%arg0: i32) -> i32 {
    %c0_i32 = arith.constant 0 : i32
    return %arg0 : i32
  }
  func.func @transform_16(%arg0: i32) -> i32 {
    %c0_i32 = arith.constant 0 : i32
    return %arg0 : i32
  }
  func.func @transform_17(%arg0: i32) -> i32 {
    %c0_i32 = arith.constant 0 : i32
    return %arg0 : i32
  }
  func.func @transform_18(%arg0: i32) -> i32 {
    %c0_i32 = arith.constant 0 : i32
    return %arg0 : i32
  }
}

module attributes {stable_mosaic.version = 14 : i64} {
  func.func @_tc_head(%arg0: i32, %arg1: memref<112x512xf32, #tpu.memory_space<vmem>>, %arg2: memref<96x512xf32, #tpu.memory_space<vmem>>, %arg3: memref<112x512xf32, #tpu.memory_space<vmem>>, %arg4: memref<96x512xf32, #tpu.memory_space<vmem>>, %arg5: memref<7x512xf32, #tpu.memory_space<vmem>>, %arg6: memref<6x512xf32, #tpu.memory_space<vmem>>, %arg7: memref<7x512xf32, #tpu.memory_space<vmem>>, %arg8: memref<6x512xf32, #tpu.memory_space<vmem>>, %arg9: memref<128x416xf32, #tpu.memory_space<vmem>>, %arg10: memref<128x1xf32, #tpu.memory_space<vmem>>, %arg11: memref<64x128xf32, #tpu.memory_space<vmem>>, %arg12: memref<64x1xf32, #tpu.memory_space<vmem>>, %arg13: memref<1x64xf32, #tpu.memory_space<vmem>>, %arg14: memref<1x512xf32, #tpu.memory_space<vmem>>, %arg15: memref<1x512xf32, #tpu.memory_space<vmem>>) attributes {dimension_semantics = [#tpu.dimension_semantics<arbitrary>], iteration_bounds = array<i64: 8>, scalar_prefetch = 0 : i64, scratch_operands = 0 : i64, tpu.core_type = #tpu.core_type<tc>, window_params = [{transform_indices = @transform_0, window_bounds = array<i64: 112, 512>}, {transform_indices = @transform_1, window_bounds = array<i64: 96, 512>}, {transform_indices = @transform_2, window_bounds = array<i64: 112, 512>}, {transform_indices = @transform_3, window_bounds = array<i64: 96, 512>}, {transform_indices = @transform_4, window_bounds = array<i64: 7, 512>}, {transform_indices = @transform_5, window_bounds = array<i64: 6, 512>}, {transform_indices = @transform_6, window_bounds = array<i64: 7, 512>}, {transform_indices = @transform_7, window_bounds = array<i64: 6, 512>}, {pipeline_mode = #tpu.pipeline_mode<synchronous>, transform_indices = @transform_8, window_bounds = array<i64: 128, 416>}, {pipeline_mode = #tpu.pipeline_mode<synchronous>, transform_indices = @transform_9, window_bounds = array<i64: 128, 1>}, {pipeline_mode = #tpu.pipeline_mode<synchronous>, transform_indices = @transform_10, window_bounds = array<i64: 64, 128>}, {pipeline_mode = #tpu.pipeline_mode<synchronous>, transform_indices = @transform_11, window_bounds = array<i64: 64, 1>}, {pipeline_mode = #tpu.pipeline_mode<synchronous>, transform_indices = @transform_12, window_bounds = array<i64: 1, 64>}, {transform_indices = @transform_13, window_bounds = array<i64: 1, 512>}, {transform_indices = @transform_14, window_bounds = array<i64: 1, 512>}]} {
    %get3A = arith.constant 0 : index
    %get3A_0 = arith.constant 0 : index
    %get3A_1 = vector.load %arg9[%get3A, %get3A_0] : memref<128x416xf32, #tpu.memory_space<vmem>>, vector<128x416xf32>
    %get3A_2 = arith.constant 0 : index
    %get3A_3 = arith.constant 0 : index
    %get3A_4 = vector.load %arg1[%get3A_2, %get3A_3] : memref<112x512xf32, #tpu.memory_space<vmem>>, vector<112x512xf32>
    %slice3A = vector.extract_strided_slice %get3A_4 {offsets = [0, 0], sizes = [16, 512], strides = [1, 1]} : vector<112x512xf32> to vector<16x512xf32>
    %mul3A = arith.mulf %slice3A, %slice3A : vector<16x512xf32>
    %slice3A_5 = vector.extract_strided_slice %get3A_4 {offsets = [16, 0], sizes = [16, 512], strides = [1, 1]} : vector<112x512xf32> to vector<16x512xf32>
    %add3A = arith.addf %slice3A, %slice3A_5 : vector<16x512xf32>
    %mul3A_6 = arith.mulf %slice3A_5, %slice3A_5 : vector<16x512xf32>
    %add3A_7 = arith.addf %mul3A, %mul3A_6 : vector<16x512xf32>
    %slice3A_8 = vector.extract_strided_slice %get3A_4 {offsets = [32, 0], sizes = [16, 512], strides = [1, 1]} : vector<112x512xf32> to vector<16x512xf32>
    %add3A_9 = arith.addf %add3A, %slice3A_8 : vector<16x512xf32>
    %mul3A_10 = arith.mulf %slice3A_8, %slice3A_8 : vector<16x512xf32>
    %add3A_11 = arith.addf %add3A_7, %mul3A_10 : vector<16x512xf32>
    %slice3A_12 = vector.extract_strided_slice %get3A_4 {offsets = [48, 0], sizes = [16, 512], strides = [1, 1]} : vector<112x512xf32> to vector<16x512xf32>
    %add3A_13 = arith.addf %add3A_9, %slice3A_12 : vector<16x512xf32>
    %mul3A_14 = arith.mulf %slice3A_12, %slice3A_12 : vector<16x512xf32>
    %add3A_15 = arith.addf %add3A_11, %mul3A_14 : vector<16x512xf32>
    %slice3A_16 = vector.extract_strided_slice %get3A_4 {offsets = [64, 0], sizes = [16, 512], strides = [1, 1]} : vector<112x512xf32> to vector<16x512xf32>
    %add3A_17 = arith.addf %add3A_13, %slice3A_16 : vector<16x512xf32>
    %mul3A_18 = arith.mulf %slice3A_16, %slice3A_16 : vector<16x512xf32>
    %add3A_19 = arith.addf %add3A_15, %mul3A_18 : vector<16x512xf32>
    %slice3A_20 = vector.extract_strided_slice %get3A_4 {offsets = [80, 0], sizes = [16, 512], strides = [1, 1]} : vector<112x512xf32> to vector<16x512xf32>
    %add3A_21 = arith.addf %add3A_17, %slice3A_20 : vector<16x512xf32>
    %mul3A_22 = arith.mulf %slice3A_20, %slice3A_20 : vector<16x512xf32>
    %add3A_23 = arith.addf %add3A_19, %mul3A_22 : vector<16x512xf32>
    %slice3A_24 = vector.extract_strided_slice %get3A_4 {offsets = [96, 0], sizes = [16, 512], strides = [1, 1]} : vector<112x512xf32> to vector<16x512xf32>
    %add3A_25 = arith.addf %add3A_21, %slice3A_24 : vector<16x512xf32>
    %mul3A_26 = arith.mulf %slice3A_24, %slice3A_24 : vector<16x512xf32>
    %add3A_27 = arith.addf %add3A_23, %mul3A_26 : vector<16x512xf32>
    %get3A_28 = arith.constant 0 : index
    %get3A_29 = arith.constant 0 : index
    %get3A_30 = vector.load %arg5[%get3A_28, %get3A_29] : memref<7x512xf32, #tpu.memory_space<vmem>>, vector<7x512xf32>
    %reduce_sum3A = arith.constant dense<0.000000e+00> : vector<512xf32>
    %reduce_sum3A_31 = vector.multi_reduction <add>, %get3A_30, %reduce_sum3A [0] : vector<7x512xf32> to vector<512xf32>
    %broadcast_in_dim3A = vector.shape_cast %reduce_sum3A_31 : vector<512xf32> to vector<1x512xf32>
    %slice3A_32 = vector.extract_strided_slice %get3A_1 {offsets = [0, 0], sizes = [128, 112], strides = [1, 1]} : vector<128x416xf32> to vector<128x112xf32>
    %dot_general3A = arith.constant dense<0.000000e+00> : vector<128x512xf32>
    %dot_general3A_33 = tpu.matmul %slice3A_32, %get3A_4, %dot_general3A {dimension_numbers = #tpu.dot_dimension_numbers<[1], [0], [0], [1], [0, 0, 1, 1], [], []>, transpose_lhs_hint = false} : vector<128x112xf32>, vector<112x512xf32>, vector<128x512xf32> -> vector<128x512xf32>
    %get3A_34 = arith.constant 0 : index
    %get3A_35 = arith.constant 0 : index
    %get3A_36 = vector.load %arg2[%get3A_34, %get3A_35] : memref<96x512xf32, #tpu.memory_space<vmem>>, vector<96x512xf32>
    %slice3A_37 = vector.extract_strided_slice %get3A_36 {offsets = [0, 0], sizes = [16, 512], strides = [1, 1]} : vector<96x512xf32> to vector<16x512xf32>
    %add3A_38 = arith.addf %add3A_25, %slice3A_37 : vector<16x512xf32>
    %mul3A_39 = arith.mulf %slice3A_37, %slice3A_37 : vector<16x512xf32>
    %add3A_40 = arith.addf %add3A_27, %mul3A_39 : vector<16x512xf32>
    %slice3A_41 = vector.extract_strided_slice %get3A_36 {offsets = [16, 0], sizes = [16, 512], strides = [1, 1]} : vector<96x512xf32> to vector<16x512xf32>
    %add3A_42 = arith.addf %add3A_38, %slice3A_41 : vector<16x512xf32>
    %mul3A_43 = arith.mulf %slice3A_41, %slice3A_41 : vector<16x512xf32>
    %add3A_44 = arith.addf %add3A_40, %mul3A_43 : vector<16x512xf32>
    %slice3A_45 = vector.extract_strided_slice %get3A_36 {offsets = [32, 0], sizes = [16, 512], strides = [1, 1]} : vector<96x512xf32> to vector<16x512xf32>
    %add3A_46 = arith.addf %add3A_42, %slice3A_45 : vector<16x512xf32>
    %mul3A_47 = arith.mulf %slice3A_45, %slice3A_45 : vector<16x512xf32>
    %add3A_48 = arith.addf %add3A_44, %mul3A_47 : vector<16x512xf32>
    %slice3A_49 = vector.extract_strided_slice %get3A_36 {offsets = [48, 0], sizes = [16, 512], strides = [1, 1]} : vector<96x512xf32> to vector<16x512xf32>
    %add3A_50 = arith.addf %add3A_46, %slice3A_49 : vector<16x512xf32>
    %mul3A_51 = arith.mulf %slice3A_49, %slice3A_49 : vector<16x512xf32>
    %add3A_52 = arith.addf %add3A_48, %mul3A_51 : vector<16x512xf32>
    %slice3A_53 = vector.extract_strided_slice %get3A_36 {offsets = [64, 0], sizes = [16, 512], strides = [1, 1]} : vector<96x512xf32> to vector<16x512xf32>
    %add3A_54 = arith.addf %add3A_50, %slice3A_53 : vector<16x512xf32>
    %mul3A_55 = arith.mulf %slice3A_53, %slice3A_53 : vector<16x512xf32>
    %add3A_56 = arith.addf %add3A_52, %mul3A_55 : vector<16x512xf32>
    %slice3A_57 = vector.extract_strided_slice %get3A_36 {offsets = [80, 0], sizes = [16, 512], strides = [1, 1]} : vector<96x512xf32> to vector<16x512xf32>
    %add3A_58 = arith.addf %add3A_54, %slice3A_57 : vector<16x512xf32>
    %mul3A_59 = arith.mulf %slice3A_57, %slice3A_57 : vector<16x512xf32>
    %add3A_60 = arith.addf %add3A_56, %mul3A_59 : vector<16x512xf32>
    %get3A_61 = arith.constant 0 : index
    %get3A_62 = arith.constant 0 : index
    %get3A_63 = vector.load %arg6[%get3A_61, %get3A_62] : memref<6x512xf32, #tpu.memory_space<vmem>>, vector<6x512xf32>
    %reduce_sum3A_64 = arith.constant dense<0.000000e+00> : vector<512xf32>
    %reduce_sum3A_65 = vector.multi_reduction <add>, %get3A_63, %reduce_sum3A_64 [0] : vector<6x512xf32> to vector<512xf32>
    %broadcast_in_dim3A_66 = vector.shape_cast %reduce_sum3A_65 : vector<512xf32> to vector<1x512xf32>
    %add3A_67 = arith.addf %broadcast_in_dim3A, %broadcast_in_dim3A_66 : vector<1x512xf32>
    %slice3A_68 = vector.extract_strided_slice %get3A_1 {offsets = [0, 112], sizes = [128, 96], strides = [1, 1]} : vector<128x416xf32> to vector<128x96xf32>
    %dot_general3A_69 = arith.constant dense<0.000000e+00> : vector<128x512xf32>
    %dot_general3A_70 = tpu.matmul %slice3A_68, %get3A_36, %dot_general3A_69 {dimension_numbers = #tpu.dot_dimension_numbers<[1], [0], [0], [1], [0, 0, 1, 1], [], []>, transpose_lhs_hint = false} : vector<128x96xf32>, vector<96x512xf32>, vector<128x512xf32> -> vector<128x512xf32>
    %add3A_71 = arith.addf %dot_general3A_33, %dot_general3A_70 : vector<128x512xf32>
    %get3A_72 = arith.constant 0 : index
    %get3A_73 = arith.constant 0 : index
    %get3A_74 = vector.load %arg3[%get3A_72, %get3A_73] : memref<112x512xf32, #tpu.memory_space<vmem>>, vector<112x512xf32>
    %slice3A_75 = vector.extract_strided_slice %get3A_74 {offsets = [0, 0], sizes = [16, 512], strides = [1, 1]} : vector<112x512xf32> to vector<16x512xf32>
    %add3A_76 = arith.addf %add3A_58, %slice3A_75 : vector<16x512xf32>
    %mul3A_77 = arith.mulf %slice3A_75, %slice3A_75 : vector<16x512xf32>
    %add3A_78 = arith.addf %add3A_60, %mul3A_77 : vector<16x512xf32>
    %slice3A_79 = vector.extract_strided_slice %get3A_74 {offsets = [16, 0], sizes = [16, 512], strides = [1, 1]} : vector<112x512xf32> to vector<16x512xf32>
    %add3A_80 = arith.addf %add3A_76, %slice3A_79 : vector<16x512xf32>
    %mul3A_81 = arith.mulf %slice3A_79, %slice3A_79 : vector<16x512xf32>
    %add3A_82 = arith.addf %add3A_78, %mul3A_81 : vector<16x512xf32>
    %slice3A_83 = vector.extract_strided_slice %get3A_74 {offsets = [32, 0], sizes = [16, 512], strides = [1, 1]} : vector<112x512xf32> to vector<16x512xf32>
    %add3A_84 = arith.addf %add3A_80, %slice3A_83 : vector<16x512xf32>
    %mul3A_85 = arith.mulf %slice3A_83, %slice3A_83 : vector<16x512xf32>
    %add3A_86 = arith.addf %add3A_82, %mul3A_85 : vector<16x512xf32>
    %slice3A_87 = vector.extract_strided_slice %get3A_74 {offsets = [48, 0], sizes = [16, 512], strides = [1, 1]} : vector<112x512xf32> to vector<16x512xf32>
    %add3A_88 = arith.addf %add3A_84, %slice3A_87 : vector<16x512xf32>
    %mul3A_89 = arith.mulf %slice3A_87, %slice3A_87 : vector<16x512xf32>
    %add3A_90 = arith.addf %add3A_86, %mul3A_89 : vector<16x512xf32>
    %slice3A_91 = vector.extract_strided_slice %get3A_74 {offsets = [64, 0], sizes = [16, 512], strides = [1, 1]} : vector<112x512xf32> to vector<16x512xf32>
    %add3A_92 = arith.addf %add3A_88, %slice3A_91 : vector<16x512xf32>
    %mul3A_93 = arith.mulf %slice3A_91, %slice3A_91 : vector<16x512xf32>
    %add3A_94 = arith.addf %add3A_90, %mul3A_93 : vector<16x512xf32>
    %slice3A_95 = vector.extract_strided_slice %get3A_74 {offsets = [80, 0], sizes = [16, 512], strides = [1, 1]} : vector<112x512xf32> to vector<16x512xf32>
    %add3A_96 = arith.addf %add3A_92, %slice3A_95 : vector<16x512xf32>
    %mul3A_97 = arith.mulf %slice3A_95, %slice3A_95 : vector<16x512xf32>
    %add3A_98 = arith.addf %add3A_94, %mul3A_97 : vector<16x512xf32>
    %slice3A_99 = vector.extract_strided_slice %get3A_74 {offsets = [96, 0], sizes = [16, 512], strides = [1, 1]} : vector<112x512xf32> to vector<16x512xf32>
    %add3A_100 = arith.addf %add3A_96, %slice3A_99 : vector<16x512xf32>
    %mul3A_101 = arith.mulf %slice3A_99, %slice3A_99 : vector<16x512xf32>
    %add3A_102 = arith.addf %add3A_98, %mul3A_101 : vector<16x512xf32>
    %get3A_103 = arith.constant 0 : index
    %get3A_104 = arith.constant 0 : index
    %get3A_105 = vector.load %arg7[%get3A_103, %get3A_104] : memref<7x512xf32, #tpu.memory_space<vmem>>, vector<7x512xf32>
    %reduce_sum3A_106 = arith.constant dense<0.000000e+00> : vector<512xf32>
    %reduce_sum3A_107 = vector.multi_reduction <add>, %get3A_105, %reduce_sum3A_106 [0] : vector<7x512xf32> to vector<512xf32>
    %broadcast_in_dim3A_108 = vector.shape_cast %reduce_sum3A_107 : vector<512xf32> to vector<1x512xf32>
    %add3A_109 = arith.addf %add3A_67, %broadcast_in_dim3A_108 : vector<1x512xf32>
    %slice3A_110 = vector.extract_strided_slice %get3A_1 {offsets = [0, 208], sizes = [128, 112], strides = [1, 1]} : vector<128x416xf32> to vector<128x112xf32>
    %dot_general3A_111 = arith.constant dense<0.000000e+00> : vector<128x512xf32>
    %dot_general3A_112 = tpu.matmul %slice3A_110, %get3A_74, %dot_general3A_111 {dimension_numbers = #tpu.dot_dimension_numbers<[1], [0], [0], [1], [0, 0, 1, 1], [], []>, transpose_lhs_hint = false} : vector<128x112xf32>, vector<112x512xf32>, vector<128x512xf32> -> vector<128x512xf32>
    %add3A_113 = arith.addf %add3A_71, %dot_general3A_112 : vector<128x512xf32>
    %get3A_114 = arith.constant 0 : index
    %get3A_115 = arith.constant 0 : index
    %get3A_116 = vector.load %arg4[%get3A_114, %get3A_115] : memref<96x512xf32, #tpu.memory_space<vmem>>, vector<96x512xf32>
    %slice3A_117 = vector.extract_strided_slice %get3A_116 {offsets = [0, 0], sizes = [16, 512], strides = [1, 1]} : vector<96x512xf32> to vector<16x512xf32>
    %add3A_118 = arith.addf %add3A_100, %slice3A_117 : vector<16x512xf32>
    %mul3A_119 = arith.mulf %slice3A_117, %slice3A_117 : vector<16x512xf32>
    %add3A_120 = arith.addf %add3A_102, %mul3A_119 : vector<16x512xf32>
    %slice3A_121 = vector.extract_strided_slice %get3A_116 {offsets = [16, 0], sizes = [16, 512], strides = [1, 1]} : vector<96x512xf32> to vector<16x512xf32>
    %add3A_122 = arith.addf %add3A_118, %slice3A_121 : vector<16x512xf32>
    %mul3A_123 = arith.mulf %slice3A_121, %slice3A_121 : vector<16x512xf32>
    %add3A_124 = arith.addf %add3A_120, %mul3A_123 : vector<16x512xf32>
    %slice3A_125 = vector.extract_strided_slice %get3A_116 {offsets = [32, 0], sizes = [16, 512], strides = [1, 1]} : vector<96x512xf32> to vector<16x512xf32>
    %add3A_126 = arith.addf %add3A_122, %slice3A_125 : vector<16x512xf32>
    %mul3A_127 = arith.mulf %slice3A_125, %slice3A_125 : vector<16x512xf32>
    %add3A_128 = arith.addf %add3A_124, %mul3A_127 : vector<16x512xf32>
    %slice3A_129 = vector.extract_strided_slice %get3A_116 {offsets = [48, 0], sizes = [16, 512], strides = [1, 1]} : vector<96x512xf32> to vector<16x512xf32>
    %add3A_130 = arith.addf %add3A_126, %slice3A_129 : vector<16x512xf32>
    %mul3A_131 = arith.mulf %slice3A_129, %slice3A_129 : vector<16x512xf32>
    %add3A_132 = arith.addf %add3A_128, %mul3A_131 : vector<16x512xf32>
    %slice3A_133 = vector.extract_strided_slice %get3A_116 {offsets = [64, 0], sizes = [16, 512], strides = [1, 1]} : vector<96x512xf32> to vector<16x512xf32>
    %add3A_134 = arith.addf %add3A_130, %slice3A_133 : vector<16x512xf32>
    %mul3A_135 = arith.mulf %slice3A_133, %slice3A_133 : vector<16x512xf32>
    %add3A_136 = arith.addf %add3A_132, %mul3A_135 : vector<16x512xf32>
    %slice3A_137 = vector.extract_strided_slice %get3A_116 {offsets = [80, 0], sizes = [16, 512], strides = [1, 1]} : vector<96x512xf32> to vector<16x512xf32>
    %add3A_138 = arith.addf %add3A_134, %slice3A_137 : vector<16x512xf32>
    %mul3A_139 = arith.mulf %slice3A_137, %slice3A_137 : vector<16x512xf32>
    %add3A_140 = arith.addf %add3A_136, %mul3A_139 : vector<16x512xf32>
    %get3A_141 = arith.constant 0 : index
    %get3A_142 = arith.constant 0 : index
    %get3A_143 = vector.load %arg8[%get3A_141, %get3A_142] : memref<6x512xf32, #tpu.memory_space<vmem>>, vector<6x512xf32>
    %reduce_sum3A_144 = arith.constant dense<0.000000e+00> : vector<512xf32>
    %reduce_sum3A_145 = vector.multi_reduction <add>, %get3A_143, %reduce_sum3A_144 [0] : vector<6x512xf32> to vector<512xf32>
    %broadcast_in_dim3A_146 = vector.shape_cast %reduce_sum3A_145 : vector<512xf32> to vector<1x512xf32>
    %add3A_147 = arith.addf %add3A_109, %broadcast_in_dim3A_146 : vector<1x512xf32>
    %slice3A_148 = vector.extract_strided_slice %get3A_1 {offsets = [0, 320], sizes = [128, 96], strides = [1, 1]} : vector<128x416xf32> to vector<128x96xf32>
    %dot_general3A_149 = arith.constant dense<0.000000e+00> : vector<128x512xf32>
    %dot_general3A_150 = tpu.matmul %slice3A_148, %get3A_116, %dot_general3A_149 {dimension_numbers = #tpu.dot_dimension_numbers<[1], [0], [0], [1], [0, 0, 1, 1], [], []>, transpose_lhs_hint = false} : vector<128x96xf32>, vector<96x512xf32>, vector<128x512xf32> -> vector<128x512xf32>
    %add3A_151 = arith.addf %add3A_113, %dot_general3A_150 : vector<128x512xf32>
    %mul3A_152 = arith.mulf %add3A_138, %add3A_138 : vector<16x512xf32>
    %sub3A = arith.subf %mul3A_152, %add3A_140 : vector<16x512xf32>
    %reduce_sum3A_153 = arith.constant dense<0.000000e+00> : vector<512xf32>
    %reduce_sum3A_154 = vector.multi_reduction <add>, %sub3A, %reduce_sum3A_153 [0] : vector<16x512xf32> to vector<512xf32>
    %broadcast_in_dim3A_155 = vector.shape_cast %reduce_sum3A_154 : vector<512xf32> to vector<1x512xf32>
    %mul3A_156 = arith.constant 5.000000e-01 : f32
    %mul3A_157 = vector.broadcast %mul3A_156 : f32 to vector<1x512xf32>
    %mul3A_158 = arith.mulf %mul3A_157, %broadcast_in_dim3A_155 : vector<1x512xf32>
    %add3A_159 = arith.addf %add3A_147, %mul3A_158 : vector<1x512xf32>
    %swap3A = arith.constant 0 : index
    %swap3A_160 = arith.constant 0 : index
    %swap3A_161 = vector.load %arg14[%swap3A, %swap3A_160] : memref<1x512xf32, #tpu.memory_space<vmem>>, vector<1x512xf32>
    tpu.vector_store %arg14[%swap3A, %swap3A_160], %add3A_159 {strides = array<i32>} : memref<1x512xf32, #tpu.memory_space<vmem>>, vector<1x512xf32>,
    %get3A_162 = arith.constant 0 : index
    %get3A_163 = arith.constant 0 : index
    %get3A_164 = vector.load %arg10[%get3A_162, %get3A_163] : memref<128x1xf32, #tpu.memory_space<vmem>>, vector<128x1xf32>
    %add3A_165 = vector.broadcast %get3A_164 : vector<128x1xf32> to vector<128x512xf32>
    %add3A_166 = arith.addf %add3A_151, %add3A_165 : vector<128x512xf32>
    %max3A = arith.constant 0.000000e+00 : f32
    %max3A_167 = vector.broadcast %max3A : f32 to vector<128x512xf32>
    %max3A_168 = arith.maximumf %add3A_166, %max3A_167 : vector<128x512xf32>
    %get3A_169 = arith.constant 0 : index
    %get3A_170 = arith.constant 0 : index
    %get3A_171 = vector.load %arg11[%get3A_169, %get3A_170] : memref<64x128xf32, #tpu.memory_space<vmem>>, vector<64x128xf32>
    %dot_general3A_172 = arith.constant dense<0.000000e+00> : vector<64x512xf32>
    %dot_general3A_173 = tpu.matmul %get3A_171, %max3A_168, %dot_general3A_172 {dimension_numbers = #tpu.dot_dimension_numbers<[1], [0], [0], [1], [0, 0, 1, 1], [], []>, transpose_lhs_hint = false} : vector<64x128xf32>, vector<128x512xf32>, vector<64x512xf32> -> vector<64x512xf32>
    %get3A_174 = arith.constant 0 : index
    %get3A_175 = arith.constant 0 : index
    %get3A_176 = vector.load %arg12[%get3A_174, %get3A_175] : memref<64x1xf32, #tpu.memory_space<vmem>>, vector<64x1xf32>
    %add3A_177 = vector.broadcast %get3A_176 : vector<64x1xf32> to vector<64x512xf32>
    %add3A_178 = arith.addf %dot_general3A_173, %add3A_177 : vector<64x512xf32>
    %max3A_179 = arith.constant 0.000000e+00 : f32
    %max3A_180 = vector.broadcast %max3A_179 : f32 to vector<64x512xf32>
    %max3A_181 = arith.maximumf %add3A_178, %max3A_180 : vector<64x512xf32>
    %get3A_182 = arith.constant 0 : index
    %get3A_183 = arith.constant 0 : index
    %get3A_184 = vector.load %arg13[%get3A_182, %get3A_183] : memref<1x64xf32, #tpu.memory_space<vmem>>, vector<1x64xf32>
    %dot_general3A_185 = arith.constant dense<0.000000e+00> : vector<1x512xf32>
    %dot_general3A_186 = tpu.matmul %get3A_184, %max3A_181, %dot_general3A_185 {dimension_numbers = #tpu.dot_dimension_numbers<[1], [0], [0], [1], [0, 0, 1, 1], [], []>, transpose_lhs_hint = false} : vector<1x64xf32>, vector<64x512xf32>, vector<1x512xf32> -> vector<1x512xf32>
    %swap3A_187 = arith.constant 0 : index
    %swap3A_188 = arith.constant 0 : index
    %swap3A_189 = vector.load %arg15[%swap3A_187, %swap3A_188] : memref<1x512xf32, #tpu.memory_space<vmem>>, vector<1x512xf32>
    tpu.vector_store %arg15[%swap3A_187, %swap3A_188], %dot_general3A_186 {strides = array<i32>} : memref<1x512xf32, #tpu.memory_space<vmem>>, vector<1x512xf32>,
    return
  }
  func.func @transform_0(%arg0: i32) -> (i32, i32) {
    %c0_i32 = arith.constant 0 : i32
    %c0_i32_0 = arith.constant 0 : i32
    return %c0_i32, %arg0 : i32, i32
  }
  func.func @transform_1(%arg0: i32) -> (i32, i32) {
    %c0_i32 = arith.constant 0 : i32
    %c0_i32_0 = arith.constant 0 : i32
    return %c0_i32, %arg0 : i32, i32
  }
  func.func @transform_2(%arg0: i32) -> (i32, i32) {
    %c0_i32 = arith.constant 0 : i32
    %c0_i32_0 = arith.constant 0 : i32
    return %c0_i32, %arg0 : i32, i32
  }
  func.func @transform_3(%arg0: i32) -> (i32, i32) {
    %c0_i32 = arith.constant 0 : i32
    %c0_i32_0 = arith.constant 0 : i32
    return %c0_i32, %arg0 : i32, i32
  }
  func.func @transform_4(%arg0: i32) -> (i32, i32) {
    %c0_i32 = arith.constant 0 : i32
    %c0_i32_0 = arith.constant 0 : i32
    return %c0_i32, %arg0 : i32, i32
  }
  func.func @transform_5(%arg0: i32) -> (i32, i32) {
    %c0_i32 = arith.constant 0 : i32
    %c0_i32_0 = arith.constant 0 : i32
    return %c0_i32, %arg0 : i32, i32
  }
  func.func @transform_6(%arg0: i32) -> (i32, i32) {
    %c0_i32 = arith.constant 0 : i32
    %c0_i32_0 = arith.constant 0 : i32
    return %c0_i32, %arg0 : i32, i32
  }
  func.func @transform_7(%arg0: i32) -> (i32, i32) {
    %c0_i32 = arith.constant 0 : i32
    %c0_i32_0 = arith.constant 0 : i32
    return %c0_i32, %arg0 : i32, i32
  }
  func.func @transform_8(%arg0: i32) -> (i32, i32) {
    %c0_i32 = arith.constant 0 : i32
    %c0_i32_0 = arith.constant 0 : i32
    %c0_i32_1 = arith.constant 0 : i32
    return %c0_i32, %c0_i32_0 : i32, i32
  }
  func.func @transform_9(%arg0: i32) -> (i32, i32) {
    %c0_i32 = arith.constant 0 : i32
    %c0_i32_0 = arith.constant 0 : i32
    %c0_i32_1 = arith.constant 0 : i32
    return %c0_i32, %c0_i32_0 : i32, i32
  }
  func.func @transform_10(%arg0: i32) -> (i32, i32) {
    %c0_i32 = arith.constant 0 : i32
    %c0_i32_0 = arith.constant 0 : i32
    %c0_i32_1 = arith.constant 0 : i32
    return %c0_i32, %c0_i32_0 : i32, i32
  }
  func.func @transform_11(%arg0: i32) -> (i32, i32) {
    %c0_i32 = arith.constant 0 : i32
    %c0_i32_0 = arith.constant 0 : i32
    %c0_i32_1 = arith.constant 0 : i32
    return %c0_i32, %c0_i32_0 : i32, i32
  }
  func.func @transform_12(%arg0: i32) -> (i32, i32) {
    %c0_i32 = arith.constant 0 : i32
    %c0_i32_0 = arith.constant 0 : i32
    %c0_i32_1 = arith.constant 0 : i32
    return %c0_i32, %c0_i32_0 : i32, i32
  }
  func.func @transform_13(%arg0: i32) -> (i32, i32) {
    %c0_i32 = arith.constant 0 : i32
    %c0_i32_0 = arith.constant 0 : i32
    return %c0_i32, %arg0 : i32, i32
  }
  func.func @transform_14(%arg0: i32) -> (i32, i32) {
    %c0_i32 = arith.constant 0 : i32
    %c0_i32_0 = arith.constant 0 : i32
    return %c0_i32, %arg0 : i32, i32
  }
}

module attributes {stable_mosaic.version = 14 : i64} {
  func.func @_tc_out(%arg0: i32, %arg1: memref<512x1xf32, #tpu.memory_space<vmem>>, %arg2: memref<1x4096xf32, #tpu.memory_space<vmem>>, %arg3: memref<512x4096xf32, #tpu.memory_space<vmem>>) attributes {dimension_semantics = [#tpu.dimension_semantics<arbitrary>], iteration_bounds = array<i64: 8>, scalar_prefetch = 0 : i64, scratch_operands = 0 : i64, tpu.core_type = #tpu.core_type<tc>, window_params = [{transform_indices = @transform_0, window_bounds = array<i64: 512, 1>}, {pipeline_mode = #tpu.pipeline_mode<synchronous>, transform_indices = @transform_1, window_bounds = array<i64: 1, 4096>}, {transform_indices = @transform_2, window_bounds = array<i64: 512, 4096>}]} {
    %get3A = arith.constant 0 : index
    %get3A_0 = arith.constant 0 : index
    %get3A_1 = vector.load %arg1[%get3A, %get3A_0] : memref<512x1xf32, #tpu.memory_space<vmem>>, vector<512x1xf32>
    %get3A_2 = arith.constant 0 : index
    %get3A_3 = arith.constant 0 : index
    %get3A_4 = vector.load %arg2[%get3A_2, %get3A_3] : memref<1x4096xf32, #tpu.memory_space<vmem>>, vector<1x4096xf32>
    %mul3A = vector.broadcast %get3A_1 : vector<512x1xf32> to vector<512x4096xf32>
    %mul3A_5 = vector.broadcast %get3A_4 : vector<1x4096xf32> to vector<512x4096xf32>
    %mul3A_6 = arith.mulf %mul3A, %mul3A_5 : vector<512x4096xf32>
    %add3A = arith.constant 1.000000e+00 : f32
    %add3A_7 = vector.broadcast %add3A : f32 to vector<512x4096xf32>
    %add3A_8 = arith.addf %add3A_7, %mul3A_6 : vector<512x4096xf32>
    %div3A = arith.constant 1.000000e+00 : f32
    %div3A_9 = vector.broadcast %div3A : f32 to vector<512x4096xf32>
    %div3A_10 = arith.divf %div3A_9, %add3A_8 : vector<512x4096xf32>
    %swap3A = arith.constant 0 : index
    %swap3A_11 = arith.constant 0 : index
    %swap3A_12 = vector.load %arg3[%swap3A, %swap3A_11] : memref<512x4096xf32, #tpu.memory_space<vmem>>, vector<512x4096xf32>
    tpu.vector_store %arg3[%swap3A, %swap3A_11], %div3A_10 {strides = array<i32>} : memref<512x4096xf32, #tpu.memory_space<vmem>>, vector<512x4096xf32>,
    return
  }
  func.func @transform_0(%arg0: i32) -> (i32, i32) {
    %c0_i32 = arith.constant 0 : i32
    %c0_i32_0 = arith.constant 0 : i32
    return %arg0, %c0_i32 : i32, i32
  }
  func.func @transform_1(%arg0: i32) -> (i32, i32) {
    %c0_i32 = arith.constant 0 : i32
    %c0_i32_0 = arith.constant 0 : i32
    %c0_i32_1 = arith.constant 0 : i32
    return %c0_i32, %c0_i32_0 : i32, i32
  }
  func.func @transform_2(%arg0: i32) -> (i32, i32) {
    %c0_i32 = arith.constant 0 : i32
    %c0_i32_0 = arith.constant 0 : i32
    return %arg0, %c0_i32 : i32, i32
  }
}

</mosaic_0001>

<sc_bundles>
// kernel: kernel.12.cloned.1.call-start
scs
__scs_entry_jumppad:
0x0: {  	(pc) =	sbr.rel $0x88, $3  }
0x1: {  	(tag) =	ssettag $0x0;
	lr =	simm.s32 $0x1  }
0x2: {  	[smem:$0x3F8F] =	sst lr;
	_ =	strace $0xD0000000  }
0x3: {  	_ = 	snop  }
0x4: {  	_ = 	snop  }
0x5: {  	_ = 	snop  }
0x6: {  	_ = 	snop  }
0x7: {  	_ = 	snop  }
__scs_overlays_trampoline_lowered:
0x8: {  	[smem:$0x3F9E] =	sst s0  }
0x9: {  	[smem:$0x3F9F] =	sst s1  }
0xa: {  	[smem:$0x3FA0] =	sst s2  }
0xb: {  	[smem:$0x3FA1] =	sst s3  }
0xc: {  	[smem:$0x3FA2] =	sst s4  }
0xd: {  	[smem:$0x3FA3] =	sst s5  }
0xe: {  	[smem:$0x3FA4] =	sst s6  }
0xf: {  	[smem:$0x3FA5] =	sst s7  }
0x10: {  	[smem:$0x3FA6] =	sst s8  }
0x11: {  	[smem:$0x3FA7] =	sst s9;
	s0 =	simm.s32 @!p0 $0x0  }
0x12: {  	s1 =	sld [smem:$0x3F8D];
	s0 =	simm.s32 @p0 $0x1  }
0x13: {  	[smem:$0x3FA8] =	sst s0;
	s0 =	simm.s32 @!p1 $0x0  }
0x14: {  	s2 =	sld [smem:$0x3F8C];
	s0 =	simm.s32 @p1 $0x1  }
0x15: {  	[smem:$0x3FA9] =	sst s0;
	s0 =	simm.s32 @!p2 $0x0  }
0x16: {  	s3 =	sld [smem:$0x3FDB];
	s0 =	simm.s32 @p2 $0x1  }
0x17: {  	s4 =	simm.s32 $0x1BF5;
	[smem:$0x3FAB] =	sst s0  }
0x18: {  	s0 =	sld [smem:$0x3F8E];
	_ =	swait.ge [sflag:s4], $0x0  }
0x19: {  	s7 =	sld [smem:$0x3F8F]  }
0x1a: {  	s8 =	sadd.s32 $0xFFFFE003, lr  }
0x1b: {  	s9 =	sadd.s32 $0xFFFFFEF7, lr;
	s5 =	simm.s32 $0xFFFFFFFF;
	p2 =	slt.u32 s8, $0xFFFFF086  }
0x1c: {  	p1 =	slt.u32 s9, $0xF7A;
	s5 =	simm.s32 @!p2 $0x0  }
0x1d: {  	s5 =	simm.s32 @p1 $0x1;
	p0 =	seq.s32 s7, s2  }
0x1e: {  	s7 =	smul.u32 @!p0 $0xF7A, s2;
	p2 =	seq.s32 @!p0 s5, $0x0  }
0x1f: {  	s9 =	smul.u32 $0xF7A, s1;
	s8 =	simm.s32 @!p0 $0x1BF5;
	p2 =	por !p2, p0  }
0x20: {  	[sflag:s8] =	ssyncset.s32 @!p0 $0xFFFFF086;
	s6 =	sadd.s32 @!p0 s3, s7;
	s7 =	simm.s32 @!p0 $0x108  }
0x21: {  	s3 =	sadd.s32 s3, s9;
	s6 =	sadd.s32 @!p0 $0x88, s6;
	s7 =	simm.s32 @p2 $0x1082  }
0x22: {  	[simem:s7], [sflag:s8] =	dma.local @!p0 [hbm:s6], $0xF7A  }
0x23: {  	s9 =	sor.u32 $0xD0000000, s2;
	s6 =	simm.s32 $0x108;
	_ =	swait.ge @!p0 [sflag:s8], $0x0  }
0x24: {  	s3 =	sadd.s32 $0x88, s3;
	s6 =	simm.s32 @!p1 $0x1082;
	[sflag:s4] =	ssyncset.s32 $0xFFFFF086  }
0x25: {  	[simem:s6], [sflag:s4] =	dma.local [hbm:s3], $0xF7A  }
0x26: {  	[smem:$0x3F8F] =	sst s1;
	(tag) =	ssettag s2;
	_ =	strace s9  }
0x27: {  	s1 =	sld [smem:$0x3F9F]  }
0x28: {  	s2 =	sld [smem:$0x3FA0]  }
0x29: {  	s4 =	sld [smem:$0x3FA2]  }
0x2a: {  	p0 =	seq.s32 s5, $0x0;
	s5 =	sld [smem:$0x3FA3]  }
0x2b: {  	s6 =	sld [smem:$0x3FA4]  }
0x2c: {  	s7 =	sld [smem:$0x3FA5]  }
0x2d: {  	s3 =	simm.s32 $0x108;
	s8 =	sld [smem:$0x3FA6]  }
0x2e: {  	s3 =	simm.s32 @!p0 $0x1082;
	s9 =	sld [smem:$0x3FA7]  }
0x2f: {  	lr =	sadd.s32 s0, s3;
	s0 =	sld [smem:$0x3F9E]  }
0x30: {  	s3 =	sld [smem:$0x3FA1]  }
0x31: {  	[smem:$0x3FAA] =	sst s10  }
0x32: {  	s10 =	sld [smem:$0x3FA8];
	_ =	sdelay $0x3  }
0x33: {  	p0 =	seq.s32 s10, $0x1;
	s10 =	sld [smem:$0x3FAA];
	_ =	sdelay $0x3  }
0x34: {  	[smem:$0x3FAA] =	sst s10  }
0x35: {  	s10 =	sld [smem:$0x3FA9];
	_ =	sdelay $0x3  }
0x36: {  	p1 =	seq.s32 s10, $0x1;
	s10 =	sld [smem:$0x3FAA];
	_ =	sdelay $0x3  }
0x37: {  	[smem:$0x3FAA] =	sst s10  }
0x38: {  	s10 =	sld [smem:$0x3FAB]  }
0x39: {  	_ = 	snop;
	(pc) =	sbr.ind lr, $3  }
0x3a: {  	_ = 	snop  }
0x3b: {  	_ = 	snop  }
0x3c: {  	p2 =	seq.s32 s10, $0x1;
	s10 =	sld [smem:$0x3FAA]  }
0x3d: {  	_ =	shalt  }
0x3e: {  	_ =	shalt  }
0x3f: {  	_ =	shalt  }
0x40: {  	_ =	shalt  }
0x41: {  	_ =	shalt  }
0x42: {  	_ =	shalt  }
0x43: {  	_ =	shalt  }
0x44: {  	_ =	shalt  }
0x45: {  	_ =	shalt  }
0x46: {  	_ =	shalt  }
0x47: {  	_ =	shalt  }
0x48: {  	_ =	shalt  }
0x49: {  	_ =	shalt  }
0x4a: {  	_ =	shalt  }
0x4b: {  	_ =	shalt  }
0x4c: {  	_ =	shalt  }
0x4d: {  	_ =	shalt  }
0x4e: {  	_ =	shalt  }
0x4f: {  	_ =	shalt  }
0x50: {  	_ =	shalt  }
0x51: {  	_ =	shalt  }
0x52: {  	_ =	shalt  }
0x53: {  	_ =	shalt  }
0x54: {  	_ =	shalt  }
0x55: {  	_ =	shalt  }
0x56: {  	_ =	shalt  }
0x57: {  	_ =	shalt  }
0x58: {  	_ =	shalt  }
0x59: {  	_ =	shalt  }
0x5a: {  	_ =	shalt  }
0x5b: {  	_ =	shalt  }
0x5c: {  	_ =	shalt  }
0x5d: {  	_ =	shalt  }
0x5e: {  	_ =	shalt  }
0x5f: {  	_ =	shalt  }
0x60: {  	_ =	shalt  }
0x61: {  	_ =	shalt  }
0x62: {  	_ =	shalt  }
0x63: {  	_ =	shalt  }
0x64: {  	_ =	shalt  }
0x65: {  	_ =	shalt  }
0x66: {  	_ =	shalt  }
0x67: {  	_ =	shalt  }
0x68: {  	_ =	shalt  }
0x69: {  	_ =	shalt  }
0x6a: {  	_ =	shalt  }
0x6b: {  	_ =	shalt  }
0x6c: {  	_ =	shalt  }
0x6d: {  	_ =	shalt  }
0x6e: {  	_ =	shalt  }
0x6f: {  	_ =	shalt  }
0x70: {  	_ =	shalt  }
0x71: {  	_ =	shalt  }
0x72: {  	_ =	shalt  }
0x73: {  	_ =	shalt  }
0x74: {  	_ =	shalt  }
0x75: {  	_ =	shalt  }
0x76: {  	_ =	shalt  }
0x77: {  	_ =	shalt  }
0x78: {  	_ =	shalt  }
0x79: {  	_ =	shalt  }
0x7a: {  	_ =	shalt  }
0x7b: {  	_ =	shalt  }
0x7c: {  	_ =	shalt  }
0x7d: {  	_ =	shalt  }
0x7e: {  	_ =	shalt  }
0x7f: {  	_ =	shalt  }
0x80: {  	_ =	shalt  }
0x81: {  	_ =	shalt  }
0x82: {  	_ =	shalt  }
0x83: {  	_ =	shalt  }
0x84: {  	_ =	shalt  }
0x85: {  	_ =	shalt  }
0x86: {  	_ =	shalt  }
0x87: {  	_ =	shalt  }
.Lfunc_end0:
.L_simem_size_0:
called_computation_lowered:
.L_overlay_start_0:
0x88: {  	s2 =	sld [smem:$0x3FD9]  }
0x89: {  	s3 =	sld [smem:$0x3FFE];
	_ =	sdelay $0x1  }
0x8a: {  	s1 =	srdreg.scid  }
0x8b: {  	s0 =	sand.u32 $0x1, s1  }
0x8c: {  	s17 =	sshll.u32 s0, $0xA;
	s2 =	sadd.s32 s3, s2  }
0x8d: {  	s2 =	sadd.s32 s2, s17  }
0x8e: {  	[smem:$0x3FB6] =	sst s2  }
0x8f: {  	_ = 	snop  }
0x90: {  	(tm) =	ssettm $0x1  }
0x91: {  	s18 =	sld [smem:$0x3FFB];
	_ =	sdelay $0x3  }
0x92: {  	_ =	strace s18  }
0x93: {  	s2 =	sld [smem:$0x3FFC];
	_ =	sdelay $0x3  }
0x94: {  	_ =	strace s2  }
0x95: {  	s2 =	sld [smem:$0x3FFD];
	_ =	sdelay $0x3  }
0x96: {  	_ =	strace s2  }
0x97: {  	_ =	strace $0x8FFFFFFF  }
0x98: {  	s19 =	sld [smem:$0x3FDB];
	_ =	sdelay $0x1  }
0x99: {  	s20 =	simm.s32 $_scs_section_size  }
0x9a: {  	s4 =	simm.s32 $_size__tile_overlayer_lowered;
	s5 =	simm.s32 $_tile_overlayer_lowered  }
0x9b: {  	s6 =	simm.s32 $0x1BFF;
	s21 =	sshll.u32 s5, $0x1;
	s3 =	sadd.s32 s20, s19  }
0x9c: {  	s22 =	simm.s32 $0x0;
	s4 =	sshll.u32 s4, $0x1;
	s5 =	sadd.s32 s21, s3  }
0x9d: {  	[timem:s22], [sflag:s6] =	dma.local [hbm:s5], s4  }
0x9e: {  	_ =	swait.ge [sflag:s6], s4  }
0x9f: {  	s4 =	ssub.s32 $0x0, s4;
	[sflag:s6] =	ssyncset.done $0x0  }
0xa0: {  	[sflag:s6] =	ssyncadd.s32 s4;
	_ =	sdelay $0x1  }
0xa1: {  	s23 =	simm.s32 $0x1B8B  }
0xa2: {  	_ =	swait.ge [sflag:s23], $0x1  }
0xa3: {  	[sflag:s23] =	ssyncset.done $0x0  }
0xa4: {  	[sflag:s23] =	ssyncadd.s32 $0xFFFFFFFF  }
0xa5: {  	s4 =	sld [smem:$0x0]  }
0xa6: {  	s5 =	sand.u32 $0xFFFFFFFE, s1  }
0xa7: {  	p0 =	sne.s32 s1, s5  }
0xa8: {  	s5 =	sshll.u32 @p0 s5, $0xE  }
0xa9: {  	s5 =	sadd.s32 @p0 $0x11B8D, s5;
	s6 =	sshll.u32 @p0 s4, $0x11  }
0xaa: {  	s5 =	sor.u32 @p0 s6, s5  }
0xab: {  	[sflag:s5] =	ssyncadd.remote.s32 @p0 $0x1;
	_ =	sdelay $0x1  }
0xac: {  	s5 =	simm.s32 @p0 $0x1B8D  }
0xad: {  	_ =	swait.eq @p0 [sflag:s5], $0x1  }
0xae: {  	[sflag:s5] =	ssyncadd.s32 @p0 $0xFFFFFFFF  }
0xaf: {  	s6 =	sshll.u32 @!p0 s1, $0xE  }
0xb0: {  	s6 =	sor.u32 @!p0 $0x4000, s6;
	s5 =	simm.s32 @!p0 $0x1B8D  }
0xb1: {  	s4 =	sshll.u32 @!p0 s4, $0x11;
	s6 =	sadd.s32 @!p0 $0x11B8D, s6;
	_ =	swait.eq @!p0 [sflag:s5], $0x1  }
0xb2: {  	s4 =	sor.u32 @!p0 s4, s6;
	[sflag:s5] =	ssyncadd.s32 @!p0 $0xFFFFFFFF  }
0xb3: {  	s25 =	simm.s32 $0x1B8E;
	s24 =	sld [smem:$0x3FFE];
	[sflag:s4] =	ssyncadd.remote.s32 @!p0 $0x1  }
0xb4: {  	s26 =	simm.s32 $execute0_lowered;
	[smem:$0x3FD2] =	sst s25  }
0xb5: {  	s5 =	sshll.u32 s26, $0x1;
	_ =	strace $0x8000004C;
	[dreg:$0x1] =	wrdreg $0xFFFFFFFF  }
0xb6: {  	s28 =	simm.s32 $_size_execute0_lowered;
	s3 =	sadd.s32 s3, s5;
	[dreg:$0x0] =	wrdreg $0x0  }
0xb7: {  	s5 =	sshll.u32 s28, $0x1;
	[dreg:$0x2] =	wrdreg s3  }
0xb8: {  	[dreg:$0x3] =	wrdreg s5  }
0xb9: {  	[dreg:$0x4] =	wrdreg $0xC0  }
0xba: {  	_ =	task [dreg:s22], $0x5FFFF  }
0xbb: {  	[dreg:$0x1] =	wrdreg $0xFFFFFFFF  }
0xbc: {  	[dreg:$0x0] =	wrdreg $0x60  }
0xbd: {  	[dreg:$0x2] =	wrdreg s24  }
0xbe: {  	[dreg:$0x3] =	wrdreg $0x9  }
0xbf: {  	_ =	task.clear_ibuf [dreg:s22], $0x4FFFF;
	_ =	strace $0x9000004C  }
0xc0: {  	s29 =	simm.s32 $0x9;
	_ =	strace $0x8000004E  }
0xc1: {  	_ =	swait.ge [sflag:s29], $0x1  }
0xc2: {  	[sflag:s29] =	ssyncadd.s32 $0xFFFFFFFF  }
0xc3: {  	_ =	strace $0x9000004E  }
0xc4: {  	_ =	sfence  }
0xc5: {  	s30 =	sld [smem:$0x0];
	_ =	sdelay $0x2  }
0xc6: {  	s31 =	sshll.u32 s1, $0xD;
	s1 =	sshrl.u32 s1, $0x2  }
0xc7: {  	s4 =	sand.u32 $0x4000, s31;
	s1 =	sadd.s32 s1, s30  }
0xc8: {  	s0 =	sor.u32 s4, s0;
	s1 =	sshll.u32 s1, $0x11  }
0xc9: {  	s0 =	sor.u32 s1, s0  }
0xca: {  	s0 =	sadd.s32 $0x8F2B, s0  }
0xcb: {  	[sflag:s0] =	ssyncadd.remote.s32 $0x1  }
0xcc: {  	_ =	sfence.sel $0xFFFF  }
0xcd: {  	[dreg:$0x0] =	wrdreg $0xFFFFFFFF;
	(pc) =	sbr.abs _section_cstart, $3  }
0xce: {  	[dreg:$0x1] =	wrdreg $0xFFFFFFFF  }
0xcf: {  	_ =	task.clear_ibuf [dreg:s22], $0x2FFFF;
	_ =	strace $0x9FFFFFFF  }
0xd0: {  	(tm) =	ssettm $0x7FFFFFFF  }
0xd1: {  	_ =	shalt  }
tec
execute0_lowered:
.L_overlay_start_1:
0x0: {  	(tag) =	ssettag $0x1  }
0x1: {  	s0 =	srdreg.scid  }
0x2: {  	s2 =	simm.s32 $0x0;
	s25 =	sand.u32 $0x1, s0;
	s0 =	rddreg [dreg:$0x0]  }
0x3: {  	s11 =	simm.s32 $0x480;
	[smem:$0x7FF] =	sst s2  }
0x4: {  	s12 =	simm.s32 $0x500;
	_ =	strace $0x8000004D;
	[dreg:$0x3] =	wrdreg s11  }
0x5: {  	s13 =	simm.s32 $0x580;
	[dreg:$0x4] =	wrdreg s12  }
0x6: {  	s14 =	simm.s32 $0x600;
	[dreg:$0x5] =	wrdreg s13  }
0x7: {  	s15 =	simm.s32 $0x680;
	[dreg:$0x6] =	wrdreg s14  }
0x8: {  	s16 =	simm.s32 $0x700;
	[dreg:$0x7] =	wrdreg s15  }
0x9: {  	s17 =	simm.s32 $0x780;
	[dreg:$0x8] =	wrdreg s16  }
0xa: {  	s18 =	simm.s32 $0x800;
	[dreg:$0x9] =	wrdreg s17  }
0xb: {  	s19 =	simm.s32 $0x880;
	[dreg:$0xa] =	wrdreg s18  }
0xc: {  	s20 =	simm.s32 $0x900;
	[dreg:$0xb] =	wrdreg s19  }
0xd: {  	s21 =	simm.s32 $0x980;
	[dreg:$0xc] =	wrdreg s20  }
0xe: {  	s22 =	simm.s32 $0xA00;
	[dreg:$0xd] =	wrdreg s21  }
0xf: {  	s23 =	simm.s32 $0xA80;
	[dreg:$0xe] =	wrdreg s22  }
0x10: {  	s24 =	simm.s32 $0xB00;
	[dreg:$0xf] =	wrdreg s23  }
0x11: {  	s26 =	simm.s32 $0xB80;
	[dreg:$0x10] =	wrdreg s24  }
0x12: {  	s4 =	simm.s32 $0xC00;
	[dreg:$0x11] =	wrdreg s26  }
0x13: {  	s5 =	simm.s32 $0xC80;
	[dreg:$0x12] =	wrdreg s4  }
0x14: {  	s6 =	simm.s32 $0xD00;
	[dreg:$0x13] =	wrdreg s5  }
0x15: {  	s7 =	simm.s32 $0xD80;
	[dreg:$0x14] =	wrdreg s6  }
0x16: {  	s8 =	simm.s32 $0xE00;
	[dreg:$0x15] =	wrdreg s7  }
0x17: {  	s9 =	simm.s32 $0xE80;
	[dreg:$0x16] =	wrdreg s8  }
0x18: {  	s10 =	simm.s32 $0xF00;
	[dreg:$0x17] =	wrdreg s9  }
0x19: {  	[dreg:$0x18] =	wrdreg s10;
	s11 =	simm.s32 $0xF80  }
0x1a: {  	s12 =	simm.s32 $0x1000;
	[dreg:$0x19] =	wrdreg s11  }
0x1b: {  	s13 =	simm.s32 $0x1080;
	[dreg:$0x1a] =	wrdreg s12  }
0x1c: {  	s14 =	simm.s32 $0x1100;
	[dreg:$0x1b] =	wrdreg s13  }
0x1d: {  	s15 =	simm.s32 $0x1180;
	[dreg:$0x1c] =	wrdreg s14  }
0x1e: {  	s16 =	simm.s32 $0x1200;
	[dreg:$0x1d] =	wrdreg s15  }
0x1f: {  	s17 =	simm.s32 $0x1280;
	[dreg:$0x1e] =	wrdreg s16  }
0x20: {  	s18 =	simm.s32 $0x1300;
	[dreg:$0x1f] =	wrdreg s17  }
0x21: {  	s19 =	simm.s32 $0x1380;
	[smem:$0x7A4] =	sst s18  }
0x22: {  	s20 =	simm.s32 $0x3C80;
	[smem:$0x7A5] =	sst s19  }
0x23: {  	s21 =	simm.s32 $0x1400;
	[smem:$0x7A6] =	sst s20  }
0x24: {  	s22 =	simm.s32 $0x1480;
	[smem:$0x7A7] =	sst s21  }
0x25: {  	s23 =	simm.s32 $0x1500;
	[smem:$0x7A8] =	sst s22  }
0x26: {  	s24 =	simm.s32 $0x1580;
	[smem:$0x7A9] =	sst s23  }
0x27: {  	s26 =	simm.s32 $0x1600;
	[smem:$0x7AA] =	sst s24  }
0x28: {  	s4 =	simm.s32 $0x1680;
	[smem:$0x7AB] =	sst s26  }
0x29: {  	s5 =	simm.s32 $0x1700;
	[smem:$0x7AC] =	sst s4  }
0x2a: {  	s6 =	simm.s32 $0x1780;
	[smem:$0x7AD] =	sst s5  }
0x2b: {  	s7 =	simm.s32 $0x1800;
	[smem:$0x7AE] =	sst s6  }
0x2c: {  	s8 =	simm.s32 $0x1880;
	[smem:$0x7AF] =	sst s7  }
0x2d: {  	s9 =	simm.s32 $0x1900;
	[smem:$0x7B0] =	sst s8  }
0x2e: {  	s10 =	simm.s32 $0x1980;
	[smem:$0x7B1] =	sst s9  }
0x2f: {  	[smem:$0x7B2] =	sst s10;
	s11 =	simm.s32 $0x1A00  }
0x30: {  	s12 =	simm.s32 $0x1A80;
	[smem:$0x7B3] =	sst s11  }
0x31: {  	s13 =	simm.s32 $0x1B00;
	[smem:$0x7B4] =	sst s12  }
0x32: {  	s14 =	simm.s32 $0x1B80;
	[smem:$0x7B5] =	sst s13  }
0x33: {  	s15 =	simm.s32 $0x3D00;
	[smem:$0x7B6] =	sst s14  }
0x34: {  	s16 =	simm.s32 $0x1C00;
	[smem:$0x7B7] =	sst s15  }
0x35: {  	s17 =	simm.s32 $0x1C80;
	[smem:$0x7B8] =	sst s16  }
0x36: {  	s18 =	simm.s32 $0x1D00;
	[smem:$0x7B9] =	sst s17  }
0x37: {  	s19 =	simm.s32 $0x1D80;
	[smem:$0x7BA] =	sst s18  }
0x38: {  	s20 =	simm.s32 $0x1E00;
	[smem:$0x7BB] =	sst s19  }
0x39: {  	s21 =	simm.s32 $0x1E80;
	[smem:$0x7BC] =	sst s20  }
0x3a: {  	s22 =	simm.s32 $0x1F00;
	[smem:$0x7BD] =	sst s21  }
0x3b: {  	s23 =	simm.s32 $0x1F80;
	[smem:$0x7BE] =	sst s22  }
0x3c: {  	s24 =	simm.s32 $0x2000;
	[smem:$0x7BF] =	sst s23  }
0x3d: {  	s26 =	simm.s32 $0x2080;
	[smem:$0x7C0] =	sst s24  }
0x3e: {  	s4 =	simm.s32 $0x2100;
	[smem:$0x7C1] =	sst s26  }
0x3f: {  	s5 =	simm.s32 $0x2180;
	[smem:$0x7C2] =	sst s4  }
0x40: {  	s6 =	simm.s32 $0x2200;
	[smem:$0x7C3] =	sst s5  }
0x41: {  	s1 =	stileid.u32;
	s7 =	simm.s32 $0x2280;
	[smem:$0x7C4] =	sst s6  }
0x42: {  	s1 =	sshll.u32 s1, $0x8;
	s8 =	simm.s32 $0x2300;
	[smem:$0x7C5] =	sst s7  }
0x43: {  	s3 =	sshll.u32 s25, $0x7;
	s9 =	simm.s32 $0x2380;
	[smem:$0x7C6] =	sst s8  }
0x44: {  	s1 =	sor.u32 s3, s1;
	s10 =	simm.s32 $0x3D80;
	[smem:$0x7C7] =	sst s9  }
0x45: {  	s3 =	sadd.s32 s1, s0;
	[smem:$0x7C8] =	sst s10  }
0x46: {  	s11 =	simm.s32 $0x2400;
	[smem:$0x7FC] =	sst s3  }
0x47: {  	s12 =	simm.s32 $0x2480;
	[smem:$0x7C9] =	sst s11  }
0x48: {  	s13 =	simm.s32 $0x2500;
	[smem:$0x7CA] =	sst s12  }
0x49: {  	s14 =	simm.s32 $0x2580;
	[smem:$0x7CB] =	sst s13  }
0x4a: {  	s15 =	simm.s32 $0x2600;
	[smem:$0x7CC] =	sst s14  }
0x4b: {  	s16 =	simm.s32 $0x2680;
	[smem:$0x7CD] =	sst s15  }
0x4c: {  	s17 =	simm.s32 $0x2700;
	[smem:$0x7CE] =	sst s16  }
0x4d: {  	s18 =	simm.s32 $0x2780;
	[smem:$0x7CF] =	sst s17  }
0x4e: {  	s19 =	simm.s32 $0x2800;
	[smem:$0x7D0] =	sst s18  }
0x4f: {  	s20 =	simm.s32 $0x2880;
	[smem:$0x7D1] =	sst s19  }
0x50: {  	s21 =	simm.s32 $0x2900;
	[smem:$0x7D2] =	sst s20  }
0x51: {  	s22 =	simm.s32 $0x2980;
	[smem:$0x7D3] =	sst s21  }
0x52: {  	s23 =	simm.s32 $0x2A00;
	[smem:$0x7D4] =	sst s22  }
0x53: {  	s24 =	simm.s32 $0x2A80;
	[smem:$0x7D5] =	sst s23  }
0x54: {  	s26 =	simm.s32 $0x2B00;
	[smem:$0x7D6] =	sst s24  }
0x55: {  	s4 =	simm.s32 $0x2B80;
	[smem:$0x7D7] =	sst s26  }
0x56: {  	s5 =	simm.s32 $0x3E00;
	[smem:$0x7D8] =	sst s4  }
0x57: {  	s6 =	simm.s32 $0x2C00;
	[smem:$0x7D9] =	sst s5  }
0x58: {  	s7 =	simm.s32 $0x2C80;
	[smem:$0x7DA] =	sst s6  }
0x59: {  	s8 =	simm.s32 $0x2D00;
	[smem:$0x7DB] =	sst s7  }
0x5a: {  	s9 =	simm.s32 $0x2D80;
	[smem:$0x7DC] =	sst s8  }
0x5b: {  	s10 =	simm.s32 $0x2E00;
	[smem:$0x7DD] =	sst s9  }
0x5c: {  	s1 =	sadd.s32 $0x413A00, s3;
	[smem:$0x7DE] =	sst s10  }
0x5d: {  	s11 =	simm.s32 $0x2E80;
	[dreg:$0x2] =	wrdreg s1  }
0x5e: {  	s12 =	simm.s32 $0x2F00;
	[smem:$0x7DF] =	sst s11  }
0x5f: {  	s13 =	simm.s32 $0x2F80;
	[smem:$0x7E0] =	sst s12  }
0x60: {  	s14 =	simm.s32 $0x3000;
	[smem:$0x7E1] =	sst s13  }
0x61: {  	s15 =	simm.s32 $0x3080;
	[smem:$0x7E2] =	sst s14  }
0x62: {  	s16 =	simm.s32 $0x3100;
	[smem:$0x7E3] =	sst s15  }
0x63: {  	s17 =	simm.s32 $0x3180;
	[smem:$0x7E4] =	sst s16  }
0x64: {  	s18 =	simm.s32 $0x3200;
	[smem:$0x7E5] =	sst s17  }
0x65: {  	s19 =	simm.s32 $0x3280;
	[smem:$0x7E6] =	sst s18  }
0x66: {  	s20 =	simm.s32 $0x3300;
	[smem:$0x7E7] =	sst s19  }
0x67: {  	s21 =	simm.s32 $0x3380;
	[smem:$0x7E8] =	sst s20  }
0x68: {  	s22 =	simm.s32 $0x3E80;
	[smem:$0x7E9] =	sst s21  }
0x69: {  	s23 =	simm.s32 $0x3400;
	[smem:$0x7EA] =	sst s22  }
0x6a: {  	s24 =	simm.s32 $0x3480;
	[smem:$0x7EB] =	sst s23  }
0x6b: {  	s26 =	simm.s32 $0x3500;
	[smem:$0x7EC] =	sst s24  }
0x6c: {  	s4 =	simm.s32 $0x3580;
	[smem:$0x7ED] =	sst s26  }
0x6d: {  	s5 =	simm.s32 $0x3600;
	[smem:$0x7EE] =	sst s4  }
0x6e: {  	s6 =	simm.s32 $0x3680;
	[smem:$0x7EF] =	sst s5  }
0x6f: {  	s7 =	simm.s32 $0x3700;
	[smem:$0x7F0] =	sst s6  }
0x70: {  	s8 =	simm.s32 $0x3780;
	[smem:$0x7F1] =	sst s7  }
0x71: {  	s9 =	simm.s32 $0x3800;
	[smem:$0x7F2] =	sst s8  }
0x72: {  	s10 =	simm.s32 $0x3880;
	[smem:$0x7F3] =	sst s9  }
0x73: {  	s3 =	sadd.s32 $0x411A00, s3;
	[smem:$0x7F4] =	sst s10  }
0x74: {  	s11 =	simm.s32 $0x3900;
	[smem:$0x7A3] =	sst s3  }
0x75: {  	s12 =	simm.s32 $0x3980;
	[smem:$0x7F5] =	sst s11  }
0x76: {  	s13 =	simm.s32 $0x3A00;
	[smem:$0x7F6] =	sst s12  }
0x77: {  	s14 =	simm.s32 $0x3A80;
	[smem:$0x7F7] =	sst s13  }
0x78: {  	s15 =	simm.s32 $0x3B00;
	[smem:$0x7F8] =	sst s14  }
0x79: {  	s4 =	simm.s32 $0x400;
	s16 =	simm.s32 $0x3B80;
	[smem:$0x7F9] =	sst s15  }
0x7a: {  	s5 =	simm.s32 $0x8000;
	s17 =	simm.s32 $0x3F00;
	[smem:$0x7FA] =	sst s16  }
0x7b: {  	[tilespmem:s2], [sflag:$0x3] =	stream.strided.gather [hbm4b:s3+s4], $0x0, s5, s4, $0x38;
	[tilespmem:$0x4000] =	vst v63  }
0x7c: {  	s6 =	simm.s32 $0x3;
	[smem:$0x7FB] =	sst s17  }
0x7d: {  	[tilespmem:s2], [sflag:$0x3] =	stream.linear.gather [hbm4b:s3+s2], $0x380, $0x38;
	[tilespmem:$0x4000] =	vst v63  }
0x7e: {  	_ =	swait.ge [sflag:s6], $0x380  }
0x7f: {  	[sflag:s6] =	ssyncset.done $0x0  }
0x80: {  	s7 =	sadd.s32 $0x365A00, s0;
	s8 =	simm.s32 $0x80;
	[sflag:s6] =	ssyncadd.s32 $0xFFFFFC80  }
0x81: {  	[tilespmem:s4], [sflag:$0x1] =	stream.indirect.gather [hbm4b:s7+s8], $0x1, s2, s8, $0xb8;
	[tilespmem:$0x4000] =	vst v63  }
0x82: {  	s9 =	sadd.s32 $0x37B200, s0;
	s18 =	rddreg [dreg:$0x3]  }
0x83: {  	[tilespmem:s18], [sflag:$0x1] =	stream.indirect.gather [hbm4b:s9+s8], $0x1, s2, s8, $0xb8;
	[tilespmem:$0x4000] =	vst v63  }
0x84: {  	s10 =	sadd.s32 $0x390A00, s0;
	s11 =	rddreg [dreg:$0x4]  }
0x85: {  	[tilespmem:s11], [sflag:$0x1] =	stream.indirect.gather [hbm4b:s10+s8], $0x1, s2, s8, $0xb8;
	[tilespmem:$0x4000] =	vst v63  }
0x86: {  	s19 =	rddreg [dreg:$0x5];
	s11 =	sadd.s32 $0x3A6200, s0  }
0x87: {  	[tilespmem:s19], [sflag:$0x1] =	stream.indirect.gather [hbm4b:s11+s8], $0x1, s2, s8, $0xb8;
	[tilespmem:$0x4000] =	vst v63  }
0x88: {  	s12 =	sadd.s32 $0x3BBA00, s0;
	s13 =	rddreg [dreg:$0x6]  }
0x89: {  	[tilespmem:s13], [sflag:$0x1] =	stream.indirect.gather [hbm4b:s12+s8], $0x1, s2, s8, $0xb8;
	[tilespmem:$0x4000] =	vst v63  }
0x8a: {  	s20 =	rddreg [dreg:$0x7];
	s13 =	sadd.s32 $0x3D1200, s0  }
0x8b: {  	[tilespmem:s20], [sflag:$0x1] =	stream.indirect.gather [hbm4b:s13+s8], $0x1, s2, s8, $0xb8;
	[tilespmem:$0x4000] =	vst v63  }
0x8c: {  	s14 =	sadd.s32 $0x3E6A00, s0;
	s15 =	rddreg [dreg:$0x8]  }
0x8d: {  	[tilespmem:s15], [sflag:$0x1] =	stream.indirect.gather [hbm4b:s14+s8], $0x1, s2, s8, $0xb8;
	[tilespmem:$0x4000] =	vst v63  }
0x8e: {  	s21 =	rddreg [dreg:$0x9];
	s15 =	sadd.s32 $0x3FC200, s0  }
0x8f: {  	[tilespmem:s21], [sflag:$0x1] =	stream.indirect.gather [hbm4b:s15+s8], $0x1, s2, s8, $0xb8;
	[tilespmem:$0x4000] =	vst v63  }
0x90: {  	s16 =	sadd.s32 $0x2A4200, s0;
	s17 =	rddreg [dreg:$0xa]  }
0x91: {  	[tilespmem:s17], [sflag:$0x1] =	stream.indirect.gather [hbm4b:s16+s8], $0x1, s2, s8, $0xb8;
	[tilespmem:$0x4000] =	vst v63  }
0x92: {  	s22 =	rddreg [dreg:$0xb];
	s17 =	sadd.s32 $0x2B9A00, s0  }
0x93: {  	[tilespmem:s22], [sflag:$0x1] =	stream.indirect.gather [hbm4b:s17+s8], $0x1, s2, s8, $0xb8;
	[tilespmem:$0x4000] =	vst v63  }
0x94: {  	s18 =	sadd.s32 $0x2CF200, s0;
	s19 =	rddreg [dreg:$0xc]  }
0x95: {  	[tilespmem:s19], [sflag:$0x1] =	stream.indirect.gather [hbm4b:s18+s8], $0x1, s2, s8, $0xb8;
	[tilespmem:$0x4000] =	vst v63  }
0x96: {  	s23 =	rddreg [dreg:$0xd];
	s19 =	sadd.s32 $0x2E4A00, s0  }
0x97: {  	[tilespmem:s23], [sflag:$0x1] =	stream.indirect.gather [hbm4b:s19+s8], $0x1, s2, s8, $0xb8;
	[tilespmem:$0x4000] =	vst v63  }
0x98: {  	s20 =	sadd.s32 $0x2FA200, s0;
	s21 =	rddreg [dreg:$0xe]  }
0x99: {  	[tilespmem:s21], [sflag:$0x1] =	stream.indirect.gather [hbm4b:s20+s8], $0x1, s2, s8, $0xb8;
	[tilespmem:$0x4000] =	vst v63  }
0x9a: {  	s24 =	rddreg [dreg:$0xf];
	s21 =	sadd.s32 $0x30FA00, s0  }
0x9b: {  	[tilespmem:s24], [sflag:$0x1] =	stream.indirect.gather [hbm4b:s21+s8], $0x1, s2, s8, $0xb8;
	[tilespmem:$0x4000] =	vst v63  }
0x9c: {  	s22 =	sadd.s32 $0x325200, s0;
	s23 =	rddreg [dreg:$0x10]  }
0x9d: {  	[tilespmem:s23], [sflag:$0x1] =	stream.indirect.gather [hbm4b:s22+s8], $0x1, s2, s8, $0xb8;
	[tilespmem:$0x4000] =	vst v63  }
0x9e: {  	s26 =	rddreg [dreg:$0x11];
	s23 =	sadd.s32 $0x33AA00, s0  }
0x9f: {  	[tilespmem:s26], [sflag:$0x1] =	stream.indirect.gather [hbm4b:s23+s8], $0x1, s2, s8, $0xb8;
	[tilespmem:$0x4000] =	vst v63  }
0xa0: {  	s3 =	simm.s32 $0x3C00;
	s1 =	rddreg [dreg:$0x12];
	s24 =	sadd.s32 $0x350200, s0  }
0xa1: {  	[tilespmem:s3], [sflag:$0x2] =	stream.indirect.gather [hbm4b:s24+s8], $0x1, s2, s8, $0xb8;
	[tilespmem:$0x4000] =	vst v63  }
0xa2: {  	s5 =	rddreg [dreg:$0x13]  }
0xa3: {  	[tilespmem:s1], [sflag:$0x1] =	stream.indirect.gather [hbm4b:s7+s8], $0x1, s8, s8, $0xb8;
	[tilespmem:$0x4000] =	vst v63  }
0xa4: {  	s26 =	rddreg [dreg:$0x14]  }
0xa5: {  	[tilespmem:s5], [sflag:$0x1] =	stream.indirect.gather [hbm4b:s9+s8], $0x1, s8, s8, $0xb8;
	[tilespmem:$0x4000] =	vst v63  }
0xa6: {  	s5 =	rddreg [dreg:$0x15]  }
0xa7: {  	[tilespmem:s26], [sflag:$0x1] =	stream.indirect.gather [hbm4b:s10+s8], $0x1, s8, s8, $0xb8;
	[tilespmem:$0x4000] =	vst v63  }
0xa8: {  	s26 =	rddreg [dreg:$0x16]  }
0xa9: {  	[tilespmem:s5], [sflag:$0x1] =	stream.indirect.gather [hbm4b:s11+s8], $0x1, s8, s8, $0xb8;
	[tilespmem:$0x4000] =	vst v63  }
0xaa: {  	s5 =	rddreg [dreg:$0x17]  }
0xab: {  	[tilespmem:s26], [sflag:$0x1] =	stream.indirect.gather [hbm4b:s12+s8], $0x1, s8, s8, $0xb8;
	[tilespmem:$0x4000] =	vst v63  }
0xac: {  	s26 =	rddreg [dreg:$0x18]  }
0xad: {  	[tilespmem:s5], [sflag:$0x1] =	stream.indirect.gather [hbm4b:s13+s8], $0x1, s8, s8, $0xb8;
	[tilespmem:$0x4000] =	vst v63  }
0xae: {  	s5 =	rddreg [dreg:$0x19]  }
0xaf: {  	[tilespmem:s26], [sflag:$0x1] =	stream.indirect.gather [hbm4b:s14+s8], $0x1, s8, s8, $0xb8;
	[tilespmem:$0x4000] =	vst v63  }
0xb0: {  	s26 =	rddreg [dreg:$0x1a]  }
0xb1: {  	[tilespmem:s5], [sflag:$0x1] =	stream.indirect.gather [hbm4b:s15+s8], $0x1, s8, s8, $0xb8;
	[tilespmem:$0x4000] =	vst v63  }
0xb2: {  	s5 =	rddreg [dreg:$0x1b]  }
0xb3: {  	[tilespmem:s26], [sflag:$0x1] =	stream.indirect.gather [hbm4b:s16+s8], $0x1, s8, s8, $0xb8;
	[tilespmem:$0x4000] =	vst v63  }
0xb4: {  	s26 =	rddreg [dreg:$0x1c]  }
0xb5: {  	[tilespmem:s5], [sflag:$0x1] =	stream.indirect.gather [hbm4b:s17+s8], $0x1, s8, s8, $0xb8;
	[tilespmem:$0x4000] =	vst v63  }
0xb6: {  	s5 =	rddreg [dreg:$0x1d]  }
0xb7: {  	[tilespmem:s26], [sflag:$0x1] =	stream.indirect.gather [hbm4b:s18+s8], $0x1, s8, s8, $0xb8;
	[tilespmem:$0x4000] =	vst v63  }
0xb8: {  	s26 =	rddreg [dreg:$0x1e]  }
0xb9: {  	[tilespmem:s5], [sflag:$0x1] =	stream.indirect.gather [hbm4b:s19+s8], $0x1, s8, s8, $0xb8;
	[tilespmem:$0x4000] =	vst v63  }
0xba: {  	s5 =	rddreg [dreg:$0x1f]  }
0xbb: {  	[tilespmem:s26], [sflag:$0x1] =	stream.indirect.gather [hbm4b:s20+s8], $0x1, s8, s8, $0xb8;
	[tilespmem:$0x4000] =	vst v63  }
0xbc: {  	s26 =	sld [smem:$0x7A4]  }
0xbd: {  	[tilespmem:s5], [sflag:$0x1] =	stream.indirect.gather [hbm4b:s21+s8], $0x1, s8, s8, $0xb8;
	[tilespmem:$0x4000] =	vst v63  }
0xbe: {  	s5 =	sld [smem:$0x7A5]  }
0xbf: {  	[tilespmem:s26], [sflag:$0x1] =	stream.indirect.gather [hbm4b:s22+s8], $0x1, s8, s8, $0xb8;
	[tilespmem:$0x4000] =	vst v63  }
0xc0: {  	s26 =	sld [smem:$0x7A6]  }
0xc1: {  	[tilespmem:s5], [sflag:$0x1] =	stream.indirect.gather [hbm4b:s23+s8], $0x1, s8, s8, $0xb8;
	[tilespmem:$0x4000] =	vst v63  }
0xc2: {  	s5 =	sld [smem:$0x7A7]  }
0xc3: {  	[tilespmem:s26], [sflag:$0x2] =	stream.indirect.gather [hbm4b:s24+s8], $0x1, s8, s8, $0xb8;
	[tilespmem:$0x4000] =	vst v63  }
0xc4: {  	s0 =	sld [smem:$0x7A8];
	s26 =	simm.s32 $0x100  }
0xc5: {  	[tilespmem:s5], [sflag:$0x1] =	stream.indirect.gather [hbm4b:s7+s8], $0x1, s26, s8, $0xb8;
	[tilespmem:$0x4000] =	vst v63  }
0xc6: {  	s5 =	sld [smem:$0x7A9]  }
0xc7: {  	[tilespmem:s0], [sflag:$0x1] =	stream.indirect.gather [hbm4b:s9+s8], $0x1, s26, s8, $0xb8;
	[tilespmem:$0x4000] =	vst v63  }
0xc8: {  	s0 =	sld [smem:$0x7AA]  }
0xc9: {  	[tilespmem:s5], [sflag:$0x1] =	stream.indirect.gather [hbm4b:s10+s8], $0x1, s26, s8, $0xb8;
	[tilespmem:$0x4000] =	vst v63  }
0xca: {  	s5 =	sld [smem:$0x7AB]  }
0xcb: {  	[tilespmem:s0], [sflag:$0x1] =	stream.indirect.gather [hbm4b:s11+s8], $0x1, s26, s8, $0xb8;
	[tilespmem:$0x4000] =	vst v63  }
0xcc: {  	s0 =	sld [smem:$0x7AC]  }
0xcd: {  	[tilespmem:s5], [sflag:$0x1] =	stream.indirect.gather [hbm4b:s12+s8], $0x1, s26, s8, $0xb8;
	[tilespmem:$0x4000] =	vst v63  }
0xce: {  	s5 =	sld [smem:$0x7AD]  }
0xcf: {  	[tilespmem:s0], [sflag:$0x1] =	stream.indirect.gather [hbm4b:s13+s8], $0x1, s26, s8, $0xb8;
	[tilespmem:$0x4000] =	vst v63  }
0xd0: {  	s0 =	sld [smem:$0x7AE]  }
0xd1: {  	[tilespmem:s5], [sflag:$0x1] =	stream.indirect.gather [hbm4b:s14+s8], $0x1, s26, s8, $0xb8;
	[tilespmem:$0x4000] =	vst v63  }
0xd2: {  	s5 =	sld [smem:$0x7AF]  }
0xd3: {  	[tilespmem:s0], [sflag:$0x1] =	stream.indirect.gather [hbm4b:s15+s8], $0x1, s26, s8, $0xb8;
	[tilespmem:$0x4000] =	vst v63  }
0xd4: {  	s0 =	sld [smem:$0x7B0]  }
0xd5: {  	[tilespmem:s5], [sflag:$0x1] =	stream.indirect.gather [hbm4b:s16+s8], $0x1, s26, s8, $0xb8;
	[tilespmem:$0x4000] =	vst v63  }
0xd6: {  	s5 =	sld [smem:$0x7B1]  }
0xd7: {  	[tilespmem:s0], [sflag:$0x1] =	stream.indirect.gather [hbm4b:s17+s8], $0x1, s26, s8, $0xb8;
	[tilespmem:$0x4000] =	vst v63  }
0xd8: {  	s0 =	sld [smem:$0x7B2]  }
0xd9: {  	[tilespmem:s5], [sflag:$0x1] =	stream.indirect.gather [hbm4b:s18+s8], $0x1, s26, s8, $0xb8;
	[tilespmem:$0x4000] =	vst v63  }
0xda: {  	s5 =	sld [smem:$0x7B3]  }
0xdb: {  	[tilespmem:s0], [sflag:$0x1] =	stream.indirect.gather [hbm4b:s19+s8], $0x1, s26, s8, $0xb8;
	[tilespmem:$0x4000] =	vst v63  }
0xdc: {  	s0 =	sld [smem:$0x7B4]  }
0xdd: {  	[tilespmem:s5], [sflag:$0x1] =	stream.indirect.gather [hbm4b:s20+s8], $0x1, s26, s8, $0xb8;
	[tilespmem:$0x4000] =	vst v63  }
0xde: {  	s5 =	sld [smem:$0x7B5]  }
0xdf: {  	[tilespmem:s0], [sflag:$0x1] =	stream.indirect.gather [hbm4b:s21+s8], $0x1, s26, s8, $0xb8;
	[tilespmem:$0x4000] =	vst v63  }
0xe0: {  	s0 =	sld [smem:$0x7B6]  }
0xe1: {  	[tilespmem:s5], [sflag:$0x1] =	stream.indirect.gather [hbm4b:s22+s8], $0x1, s26, s8, $0xb8;
	[tilespmem:$0x4000] =	vst v63  }
0xe2: {  	s5 =	sld [smem:$0x7B7]  }
0xe3: {  	[tilespmem:s0], [sflag:$0x1] =	stream.indirect.gather [hbm4b:s23+s8], $0x1, s26, s8, $0xb8;
	[tilespmem:$0x4000] =	vst v63  }
0xe4: {  	s0 =	sld [smem:$0x7B8]  }
0xe5: {  	[tilespmem:s5], [sflag:$0x2] =	stream.indirect.gather [hbm4b:s24+s8], $0x1, s26, s8, $0xb8;
	[tilespmem:$0x4000] =	vst v63  }
0xe6: {  	s28 =	simm.s32 $0x180;
	s5 =	sld [smem:$0x7B9]  }
0xe7: {  	[tilespmem:s0], [sflag:$0x1] =	stream.indirect.gather [hbm4b:s7+s8], $0x1, s28, s8, $0xb8;
	[tilespmem:$0x4000] =	vst v63  }
0xe8: {  	s0 =	sld [smem:$0x7BA]  }
0xe9: {  	[tilespmem:s5], [sflag:$0x1] =	stream.indirect.gather [hbm4b:s9+s8], $0x1, s28, s8, $0xb8;
	[tilespmem:$0x4000] =	vst v63  }
0xea: {  	s5 =	sld [smem:$0x7BB]  }
0xeb: {  	[tilespmem:s0], [sflag:$0x1] =	stream.indirect.gather [hbm4b:s10+s8], $0x1, s28, s8, $0xb8;
	[tilespmem:$0x4000] =	vst v63  }
0xec: {  	s0 =	sld [smem:$0x7BC]  }
0xed: {  	[tilespmem:s5], [sflag:$0x1] =	stream.indirect.gather [hbm4b:s11+s8], $0x1, s28, s8, $0xb8;
	[tilespmem:$0x4000] =	vst v63  }
0xee: {  	s5 =	sld [smem:$0x7BD]  }
0xef: {  	[tilespmem:s0], [sflag:$0x1] =	stream.indirect.gather [hbm4b:s12+s8], $0x1, s28, s8, $0xb8;
	[tilespmem:$0x4000] =	vst v63  }
0xf0: {  	s0 =	sld [smem:$0x7BE]  }
0xf1: {  	[tilespmem:s5], [sflag:$0x1] =	stream.indirect.gather [hbm4b:s13+s8], $0x1, s28, s8, $0xb8;
	[tilespmem:$0x4000] =	vst v63  }
0xf2: {  	s5 =	sld [smem:$0x7BF]  }
0xf3: {  	[tilespmem:s0], [sflag:$0x1] =	stream.indirect.gather [hbm4b:s14+s8], $0x1, s28, s8, $0xb8;
	[tilespmem:$0x4000] =	vst v63  }
0xf4: {  	s0 =	sld [smem:$0x7C0]  }
0xf5: {  	[tilespmem:s5], [sflag:$0x1] =	stream.indirect.gather [hbm4b:s15+s8], $0x1, s28, s8, $0xb8;
	[tilespmem:$0x4000] =	vst v63  }
0xf6: {  	s5 =	sld [smem:$0x7C1]  }
0xf7: {  	[tilespmem:s0], [sflag:$0x1] =	stream.indirect.gather [hbm4b:s16+s8], $0x1, s28, s8, $0xb8;
	[tilespmem:$0x4000] =	vst v63  }
0xf8: {  	s0 =	sld [smem:$0x7C2]  }
0xf9: {  	[tilespmem:s5], [sflag:$0x1] =	stream.indirect.gather [hbm4b:s17+s8], $0x1, s28, s8, $0xb8;
	[tilespmem:$0x4000] =	vst v63  }
0xfa: {  	s5 =	sld [smem:$0x7C3]  }
0xfb: {  	[tilespmem:s0], [sflag:$0x1] =	stream.indirect.gather [hbm4b:s18+s8], $0x1, s28, s8, $0xb8;
	[tilespmem:$0x4000] =	vst v63  }
0xfc: {  	s0 =	sld [smem:$0x7C4]  }
0xfd: {  	[tilespmem:s5], [sflag:$0x1] =	stream.indirect.gather [hbm4b:s19+s8], $0x1, s28, s8, $0xb8;
	[tilespmem:$0x4000] =	vst v63  }
0xfe: {  	s5 =	sld [smem:$0x7C5]  }
0xff: {  	[tilespmem:s0], [sflag:$0x1] =	stream.indirect.gather [hbm4b:s20+s8], $0x1, s28, s8, $0xb8;
	[tilespmem:$0x4000] =	vst v63  }
0x100: {  	s0 =	sld [smem:$0x7C6]  }
0x101: {  	[tilespmem:s5], [sflag:$0x1] =	stream.indirect.gather [hbm4b:s21+s8], $0x1, s28, s8, $0xb8;
	[tilespmem:$0x4000] =	vst v63  }
0x102: {  	s5 =	sld [smem:$0x7C7]  }
0x103: {  	[tilespmem:s0], [sflag:$0x1] =	stream.indirect.gather [hbm4b:s22+s8], $0x1, s28, s8, $0xb8;
	[tilespmem:$0x4000] =	vst v63  }
0x104: {  	s0 =	sld [smem:$0x7C8]  }
0x105: {  	[tilespmem:s5], [sflag:$0x1] =	stream.indirect.gather [hbm4b:s23+s8], $0x1, s28, s8, $0xb8;
	[tilespmem:$0x4000] =	vst v63  }
0x106: {  	s5 =	sld [smem:$0x7C9]  }
0x107: {  	[tilespmem:s0], [sflag:$0x2] =	stream.indirect.gather [hbm4b:s24+s8], $0x1, s28, s8, $0xb8;
	[tilespmem:$0x4000] =	vst v63  }
0x108: {  	s29 =	simm.s32 $0x200;
	s0 =	sld [smem:$0x7CA]  }
0x109: {  	[tilespmem:s5], [sflag:$0x1] =	stream.indirect.gather [hbm4b:s7+s8], $0x1, s29, s8, $0xb8;
	[tilespmem:$0x4000] =	vst v63  }
0x10a: {  	s5 =	sld [smem:$0x7CB]  }
0x10b: {  	[tilespmem:s0], [sflag:$0x1] =	stream.indirect.gather [hbm4b:s9+s8], $0x1, s29, s8, $0xb8;
	[tilespmem:$0x4000] =	vst v63  }
0x10c: {  	s0 =	sld [smem:$0x7CC]  }
0x10d: {  	[tilespmem:s5], [sflag:$0x1] =	stream.indirect.gather [hbm4b:s10+s8], $0x1, s29, s8, $0xb8;
	[tilespmem:$0x4000] =	vst v63  }
0x10e: {  	s5 =	sld [smem:$0x7CD]  }
0x10f: {  	[tilespmem:s0], [sflag:$0x1] =	stream.indirect.gather [hbm4b:s11+s8], $0x1, s29, s8, $0xb8;
	[tilespmem:$0x4000] =	vst v63  }
0x110: {  	s0 =	sld [smem:$0x7CE]  }
0x111: {  	[tilespmem:s5], [sflag:$0x1] =	stream.indirect.gather [hbm4b:s12+s8], $0x1, s29, s8, $0xb8;
	[tilespmem:$0x4000] =	vst v63  }
0x112: {  	s5 =	sld [smem:$0x7CF]  }
0x113: {  	[tilespmem:s0], [sflag:$0x1] =	stream.indirect.gather [hbm4b:s13+s8], $0x1, s29, s8, $0xb8;
	[tilespmem:$0x4000] =	vst v63  }
0x114: {  	s0 =	sld [smem:$0x7D0]  }
0x115: {  	[tilespmem:s5], [sflag:$0x1] =	stream.indirect.gather [hbm4b:s14+s8], $0x1, s29, s8, $0xb8;
	[tilespmem:$0x4000] =	vst v63  }
0x116: {  	s5 =	sld [smem:$0x7D1]  }
0x117: {  	[tilespmem:s0], [sflag:$0x1] =	stream.indirect.gather [hbm4b:s15+s8], $0x1, s29, s8, $0xb8;
	[tilespmem:$0x4000] =	vst v63  }
0x118: {  	s0 =	sld [smem:$0x7D2]  }
0x119: {  	[tilespmem:s5], [sflag:$0x1] =	stream.indirect.gather [hbm4b:s16+s8], $0x1, s29, s8, $0xb8;
	[tilespmem:$0x4000] =	vst v63  }
0x11a: {  	s5 =	sld [smem:$0x7D3]  }
0x11b: {  	[tilespmem:s0], [sflag:$0x1] =	stream.indirect.gather [hbm4b:s17+s8], $0x1, s29, s8, $0xb8;
	[tilespmem:$0x4000] =	vst v63  }
0x11c: {  	s0 =	sld [smem:$0x7D4]  }
0x11d: {  	[tilespmem:s5], [sflag:$0x1] =	stream.indirect.gather [hbm4b:s18+s8], $0x1, s29, s8, $0xb8;
	[tilespmem:$0x4000] =	vst v63  }
0x11e: {  	s5 =	sld [smem:$0x7D5]  }
0x11f: {  	[tilespmem:s0], [sflag:$0x1] =	stream.indirect.gather [hbm4b:s19+s8], $0x1, s29, s8, $0xb8;
	[tilespmem:$0x4000] =	vst v63  }
0x120: {  	s0 =	sld [smem:$0x7D6]  }
0x121: {  	[tilespmem:s5], [sflag:$0x1] =	stream.indirect.gather [hbm4b:s20+s8], $0x1, s29, s8, $0xb8;
	[tilespmem:$0x4000] =	vst v63  }
0x122: {  	s5 =	sld [smem:$0x7D7]  }
0x123: {  	[tilespmem:s0], [sflag:$0x1] =	stream.indirect.gather [hbm4b:s21+s8], $0x1, s29, s8, $0xb8;
	[tilespmem:$0x4000] =	vst v63  }
0x124: {  	s0 =	sld [smem:$0x7D8]  }
0x125: {  	[tilespmem:s5], [sflag:$0x1] =	stream.indirect.gather [hbm4b:s22+s8], $0x1, s29, s8, $0xb8;
	[tilespmem:$0x4000] =	vst v63  }
0x126: {  	s5 =	sld [smem:$0x7D9]  }
0x127: {  	[tilespmem:s0], [sflag:$0x1] =	stream.indirect.gather [hbm4b:s23+s8], $0x1, s29, s8, $0xb8;
	[tilespmem:$0x4000] =	vst v63  }
0x128: {  	s0 =	sld [smem:$0x7DA]  }
0x129: {  	[tilespmem:s5], [sflag:$0x2] =	stream.indirect.gather [hbm4b:s24+s8], $0x1, s29, s8, $0xb8;
	[tilespmem:$0x4000] =	vst v63  }
0x12a: {  	s30 =	simm.s32 $0x280;
	s5 =	sld [smem:$0x7DB]  }
0x12b: {  	[tilespmem:s0], [sflag:$0x1] =	stream.indirect.gather [hbm4b:s7+s8], $0x1, s30, s8, $0xb8;
	[tilespmem:$0x4000] =	vst v63  }
0x12c: {  	s0 =	sld [smem:$0x7DC]  }
0x12d: {  	[tilespmem:s5], [sflag:$0x1] =	stream.indirect.gather [hbm4b:s9+s8], $0x1, s30, s8, $0xb8;
	[tilespmem:$0x4000] =	vst v63  }
0x12e: {  	s5 =	sld [smem:$0x7DD]  }
0x12f: {  	[tilespmem:s0], [sflag:$0x1] =	stream.indirect.gather [hbm4b:s10+s8], $0x1, s30, s8, $0xb8;
	[tilespmem:$0x4000] =	vst v63  }
0x130: {  	s0 =	sld [smem:$0x7DE]  }
0x131: {  	[tilespmem:s5], [sflag:$0x1] =	stream.indirect.gather [hbm4b:s11+s8], $0x1, s30, s8, $0xb8;
	[tilespmem:$0x4000] =	vst v63  }
0x132: {  	s5 =	sld [smem:$0x7DF]  }
0x133: {  	[tilespmem:s0], [sflag:$0x1] =	stream.indirect.gather [hbm4b:s12+s8], $0x1, s30, s8, $0xb8;
	[tilespmem:$0x4000] =	vst v63  }
0x134: {  	s0 =	sld [smem:$0x7E0]  }
0x135: {  	[tilespmem:s5], [sflag:$0x1] =	stream.indirect.gather [hbm4b:s13+s8], $0x1, s30, s8, $0xb8;
	[tilespmem:$0x4000] =	vst v63  }
0x136: {  	s5 =	sld [smem:$0x7E1]  }
0x137: {  	[tilespmem:s0], [sflag:$0x1] =	stream.indirect.gather [hbm4b:s14+s8], $0x1, s30, s8, $0xb8;
	[tilespmem:$0x4000] =	vst v63  }
0x138: {  	s0 =	sld [smem:$0x7E2]  }
0x139: {  	[tilespmem:s5], [sflag:$0x1] =	stream.indirect.gather [hbm4b:s15+s8], $0x1, s30, s8, $0xb8;
	[tilespmem:$0x4000] =	vst v63  }
0x13a: {  	s5 =	sld [smem:$0x7E3]  }
0x13b: {  	[tilespmem:s0], [sflag:$0x1] =	stream.indirect.gather [hbm4b:s16+s8], $0x1, s30, s8, $0xb8;
	[tilespmem:$0x4000] =	vst v63  }
0x13c: {  	s0 =	sld [smem:$0x7E4]  }
0x13d: {  	[tilespmem:s5], [sflag:$0x1] =	stream.indirect.gather [hbm4b:s17+s8], $0x1, s30, s8, $0xb8;
	[tilespmem:$0x4000] =	vst v63  }
0x13e: {  	s5 =	sld [smem:$0x7E5]  }
0x13f: {  	[tilespmem:s0], [sflag:$0x1] =	stream.indirect.gather [hbm4b:s18+s8], $0x1, s30, s8, $0xb8;
	[tilespmem:$0x4000] =	vst v63  }
0x140: {  	s0 =	sld [smem:$0x7E6]  }
0x141: {  	[tilespmem:s5], [sflag:$0x1] =	stream.indirect.gather [hbm4b:s19+s8], $0x1, s30, s8, $0xb8;
	[tilespmem:$0x4000] =	vst v63  }
0x142: {  	s5 =	sld [smem:$0x7E7]  }
0x143: {  	[tilespmem:s0], [sflag:$0x1] =	stream.indirect.gather [hbm4b:s20+s8], $0x1, s30, s8, $0xb8;
	[tilespmem:$0x4000] =	vst v63  }
0x144: {  	s0 =	sld [smem:$0x7E8]  }
0x145: {  	[tilespmem:s5], [sflag:$0x1] =	stream.indirect.gather [hbm4b:s21+s8], $0x1, s30, s8, $0xb8;
	[tilespmem:$0x4000] =	vst v63  }
0x146: {  	s5 =	sld [smem:$0x7E9]  }
0x147: {  	[tilespmem:s0], [sflag:$0x1] =	stream.indirect.gather [hbm4b:s22+s8], $0x1, s30, s8, $0xb8;
	[tilespmem:$0x4000] =	vst v63  }
0x148: {  	s0 =	sld [smem:$0x7EA]  }
0x149: {  	[tilespmem:s5], [sflag:$0x1] =	stream.indirect.gather [hbm4b:s23+s8], $0x1, s30, s8, $0xb8;
	[tilespmem:$0x4000] =	vst v63  }
0x14a: {  	s5 =	sld [smem:$0x7EB]  }
0x14b: {  	[tilespmem:s0], [sflag:$0x2] =	stream.indirect.gather [hbm4b:s24+s8], $0x1, s30, s8, $0xb8;
	[tilespmem:$0x4000] =	vst v63  }
0x14c: {  	s31 =	simm.s32 $0x300;
	s0 =	sld [smem:$0x7EC]  }
0x14d: {  	[tilespmem:s5], [sflag:$0x1] =	stream.indirect.gather [hbm4b:s7+s8], $0x1, s31, s8, $0xb8;
	[tilespmem:$0x4000] =	vst v63  }
0x14e: {  	s5 =	sld [smem:$0x7ED]  }
0x14f: {  	[tilespmem:s0], [sflag:$0x1] =	stream.indirect.gather [hbm4b:s9+s8], $0x1, s31, s8, $0xb8;
	[tilespmem:$0x4000] =	vst v63  }
0x150: {  	s0 =	sld [smem:$0x7EE]  }
0x151: {  	[tilespmem:s5], [sflag:$0x1] =	stream.indirect.gather [hbm4b:s10+s8], $0x1, s31, s8, $0xb8;
	[tilespmem:$0x4000] =	vst v63  }
0x152: {  	s5 =	sld [smem:$0x7EF]  }
0x153: {  	[tilespmem:s0], [sflag:$0x1] =	stream.indirect.gather [hbm4b:s11+s8], $0x1, s31, s8, $0xb8;
	[tilespmem:$0x4000] =	vst v63  }
0x154: {  	s0 =	sld [smem:$0x7F0]  }
0x155: {  	[tilespmem:s5], [sflag:$0x1] =	stream.indirect.gather [hbm4b:s12+s8], $0x1, s31, s8, $0xb8;
	[tilespmem:$0x4000] =	vst v63  }
0x156: {  	s5 =	sld [smem:$0x7F1]  }
0x157: {  	[tilespmem:s0], [sflag:$0x1] =	stream.indirect.gather [hbm4b:s13+s8], $0x1, s31, s8, $0xb8;
	[tilespmem:$0x4000] =	vst v63  }
0x158: {  	s0 =	sld [smem:$0x7F2]  }
0x159: {  	[tilespmem:s5], [sflag:$0x1] =	stream.indirect.gather [hbm4b:s14+s8], $0x1, s31, s8, $0xb8;
	[tilespmem:$0x4000] =	vst v63  }
0x15a: {  	s5 =	sld [smem:$0x7F3]  }
0x15b: {  	[tilespmem:s0], [sflag:$0x1] =	stream.indirect.gather [hbm4b:s15+s8], $0x1, s31, s8, $0xb8;
	[tilespmem:$0x4000] =	vst v63  }
0x15c: {  	s0 =	sld [smem:$0x7F4]  }
0x15d: {  	[tilespmem:s5], [sflag:$0x1] =	stream.indirect.gather [hbm4b:s16+s8], $0x1, s31, s8, $0xb8;
	[tilespmem:$0x4000] =	vst v63  }
0x15e: {  	s5 =	sld [smem:$0x7F5]  }
0x15f: {  	[tilespmem:s0], [sflag:$0x1] =	stream.indirect.gather [hbm4b:s17+s8], $0x1, s31, s8, $0xb8;
	[tilespmem:$0x4000] =	vst v63  }
0x160: {  	s0 =	sld [smem:$0x7F6]  }
0x161: {  	[tilespmem:s5], [sflag:$0x1] =	stream.indirect.gather [hbm4b:s18+s8], $0x1, s31, s8, $0xb8;
	[tilespmem:$0x4000] =	vst v63  }
0x162: {  	s5 =	sld [smem:$0x7F7]  }
0x163: {  	[tilespmem:s0], [sflag:$0x1] =	stream.indirect.gather [hbm4b:s19+s8], $0x1, s31, s8, $0xb8;
	[tilespmem:$0x4000] =	vst v63  }
0x164: {  	s0 =	sld [smem:$0x7F8]  }
0x165: {  	[tilespmem:s5], [sflag:$0x1] =	stream.indirect.gather [hbm4b:s20+s8], $0x1, s31, s8, $0xb8;
	[tilespmem:$0x4000] =	vst v63  }
0x166: {  	s5 =	sld [smem:$0x7F9]  }
0x167: {  	[tilespmem:s0], [sflag:$0x1] =	stream.indirect.gather [hbm4b:s21+s8], $0x1, s31, s8, $0xb8;
	[tilespmem:$0x4000] =	vst v63  }
0x168: {  	s0 =	sld [smem:$0x7FA]  }
0x169: {  	[tilespmem:s5], [sflag:$0x1] =	stream.indirect.gather [hbm4b:s22+s8], $0x1, s31, s8, $0xb8;
	[tilespmem:$0x4000] =	vst v63  }
0x16a: {  	s5 =	sld [smem:$0x7FB]  }
0x16b: {  	[tilespmem:s0], [sflag:$0x1] =	stream.indirect.gather [hbm4b:s23+s8], $0x1, s31, s8, $0xb8;
	[tilespmem:$0x4000] =	vst v63  }
0x16c: {  	_ = 	snop  }
0x16d: {  	[tilespmem:s5], [sflag:$0x2] =	stream.indirect.gather [hbm4b:s24+s8], $0x1, s31, s8, $0xb8;
	[tilespmem:$0x4000] =	vst v63  }
0x16e: {  	s5 =	simm.s32 $0x1  }
0x16f: {  	_ =	swait.ge [sflag:s5], $0x3800  }
0x170: {  	[sflag:s5] =	ssyncset.done $0x0  }
0x171: {  	s1 =	simm.s32 $0x2;
	[sflag:s5] =	ssyncadd.s32 $0xFFFFC800  }
0x172: {  	_ =	swait.ge [sflag:s1], $0x380  }
0x173: {  	[sflag:s1] =	ssyncset.done $0x0  }
0x174: {  	s5 =	rddreg [dreg:$0x2];
	[sflag:s1] =	ssyncadd.s32 $0xFFFFFC80;
	s1 =	simm.s32 $0x8000  }
0x175: {  	[hbm4b:s5+s4] =	stream.strided.scatter [tilespmem:s4], [sflag:$0x3], $0x3800, s1, s4, $0x38;
	[tilespmem:$0x4000] =	vst v63  }
0x176: {  	s0 =	ssub.s32 $0x2, s25;
	_ =	swait.ge [sflag:s6], $0x3800  }
0x177: {  	s25 =	sshrl.u32 s0, $0x1;
	s5 =	sld [smem:$0x7FC]  }
0x178: {  	s25 =	ssub.s32 s0, s25  }
0x179: {  	s25 =	smax.u32 s25, $0x1;
	[sflag:s6] =	ssyncset.done $0x0  }
0x17a: {  	p0 =	sne.s32 s25, $0x1;
	[sflag:s6] =	ssyncadd.s32 $0xFFFFC800;
	s0 =	sadd.s32 $0x421A00, s5  }
0x17b: {  	[hbm4b:s0+s4] =	stream.strided.scatter [tilespmem:s3], [sflag:$0x3], $0x0, s1, s4, $0x38;
	[tilespmem:$0x4000] =	vst v63  }
.Ltmp0:
0x17c: {  	_ = 	snop;
	(pc) =	sbr.rel @!p0 .LBB2_3-.Ltmp0, $4  }
0x17d: {  	[smem:$0x7FD] =	sst s0  }
0x17e: {  	[hbm4b:s0+s2] =	stream.linear.scatter [tilespmem:s3], [sflag:$0x3], $0x380, $0x38;
	[tilespmem:$0x4000] =	vst v63  }
0x17f: {  	_ =	swait.ge [sflag:s6], $0x380  }
0x180: {  	s25 =	sadd.s32 $0xFFFFFFFF, s25;
	[sflag:s6] =	ssyncset.done $0x0  }
0x181: {  	s1 =	simm.s32 $0x400;
	s0 =	simm.s32 $0x8000;
	s5 =	simm.s32 $0x3C00  }
.LBB2_2:
0x182: {  	s3 =	sld [smem:$0x7A3];
	_ =	sdelay $0x1  }
0x183: {  	[sflag:s6] =	ssyncadd.s32 $0xFFFFFC80  }
0x184: {  	[tilespmem:s2], [sflag:$0x3] =	stream.strided.gather [hbm4b:s3+s1], $0x0, s0, s1, $0x38;
	[tilespmem:$0x4000] =	vst v63  }
0x185: {  	_ = 	snop  }
0x186: {  	[tilespmem:s2], [sflag:$0x3] =	stream.linear.gather [hbm4b:s3+s2], $0x380, $0x38;
	[tilespmem:$0x4000] =	vst v63  }
0x187: {  	_ =	swait.ge [sflag:s6], $0x380  }
0x188: {  	[sflag:s6] =	ssyncset.done $0x0  }
0x189: {  	[sflag:s6] =	ssyncadd.s32 $0xFFFFFC80  }
0x18a: {  	[tilespmem:s1], [sflag:$0x1] =	stream.indirect.gather [hbm4b:s7+s8], $0x1, s2, s8, $0xb8;
	[tilespmem:$0x4000] =	vst v63  }
0x18b: {  	s3 =	rddreg [dreg:$0x3]  }
0x18c: {  	[tilespmem:s3], [sflag:$0x1] =	stream.indirect.gather [hbm4b:s9+s8], $0x1, s2, s8, $0xb8;
	[tilespmem:$0x4000] =	vst v63  }
0x18d: {  	s4 =	rddreg [dreg:$0x4]  }
0x18e: {  	[tilespmem:s4], [sflag:$0x1] =	stream.indirect.gather [hbm4b:s10+s8], $0x1, s2, s8, $0xb8;
	[tilespmem:$0x4000] =	vst v63  }
0x18f: {  	s3 =	rddreg [dreg:$0x5]  }
0x190: {  	[tilespmem:s3], [sflag:$0x1] =	stream.indirect.gather [hbm4b:s11+s8], $0x1, s2, s8, $0xb8;
	[tilespmem:$0x4000] =	vst v63  }
0x191: {  	s4 =	rddreg [dreg:$0x6]  }
0x192: {  	[tilespmem:s4], [sflag:$0x1] =	stream.indirect.gather [hbm4b:s12+s8], $0x1, s2, s8, $0xb8;
	[tilespmem:$0x4000] =	vst v63  }
0x193: {  	s3 =	rddreg [dreg:$0x7]  }
0x194: {  	[tilespmem:s3], [sflag:$0x1] =	stream.indirect.gather [hbm4b:s13+s8], $0x1, s2, s8, $0xb8;
	[tilespmem:$0x4000] =	vst v63  }
0x195: {  	s4 =	rddreg [dreg:$0x8]  }
0x196: {  	[tilespmem:s4], [sflag:$0x1] =	stream.indirect.gather [hbm4b:s14+s8], $0x1, s2, s8, $0xb8;
	[tilespmem:$0x4000] =	vst v63  }
0x197: {  	s3 =	rddreg [dreg:$0x9]  }
0x198: {  	[tilespmem:s3], [sflag:$0x1] =	stream.indirect.gather [hbm4b:s15+s8], $0x1, s2, s8, $0xb8;
	[tilespmem:$0x4000] =	vst v63  }
0x199: {  	s4 =	rddreg [dreg:$0xa]  }
0x19a: {  	[tilespmem:s4], [sflag:$0x1] =	stream.indirect.gather [hbm4b:s16+s8], $0x1, s2, s8, $0xb8;
	[tilespmem:$0x4000] =	vst v63  }
0x19b: {  	s3 =	rddreg [dreg:$0xb]  }
0x19c: {  	[tilespmem:s3], [sflag:$0x1] =	stream.indirect.gather [hbm4b:s17+s8], $0x1, s2, s8, $0xb8;
	[tilespmem:$0x4000] =	vst v63  }
0x19d: {  	s4 =	rddreg [dreg:$0xc]  }
0x19e: {  	[tilespmem:s4], [sflag:$0x1] =	stream.indirect.gather [hbm4b:s18+s8], $0x1, s2, s8, $0xb8;
	[tilespmem:$0x4000] =	vst v63  }
0x19f: {  	s3 =	rddreg [dreg:$0xd]  }
0x1a0: {  	[tilespmem:s3], [sflag:$0x1] =	stream.indirect.gather [hbm4b:s19+s8], $0x1, s2, s8, $0xb8;
	[tilespmem:$0x4000] =	vst v63  }
0x1a1: {  	s4 =	rddreg [dreg:$0xe]  }
0x1a2: {  	[tilespmem:s4], [sflag:$0x1] =	stream.indirect.gather [hbm4b:s20+s8], $0x1, s2, s8, $0xb8;
	[tilespmem:$0x4000] =	vst v63  }
0x1a3: {  	s3 =	rddreg [dreg:$0xf]  }
0x1a4: {  	[tilespmem:s3], [sflag:$0x1] =	stream.indirect.gather [hbm4b:s21+s8], $0x1, s2, s8, $0xb8;
	[tilespmem:$0x4000] =	vst v63  }
0x1a5: {  	s4 =	rddreg [dreg:$0x10]  }
0x1a6: {  	[tilespmem:s4], [sflag:$0x1] =	stream.indirect.gather [hbm4b:s22+s8], $0x1, s2, s8, $0xb8;
	[tilespmem:$0x4000] =	vst v63  }
0x1a7: {  	s3 =	rddreg [dreg:$0x11]  }
0x1a8: {  	[tilespmem:s3], [sflag:$0x1] =	stream.indirect.gather [hbm4b:s23+s8], $0x1, s2, s8, $0xb8;
	[tilespmem:$0x4000] =	vst v63  }
0x1a9: {  	s4 =	rddreg [dreg:$0x13]  }
0x1aa: {  	[tilespmem:s5], [sflag:$0x2] =	stream.indirect.gather [hbm4b:s24+s8], $0x1, s2, s8, $0xb8;
	[tilespmem:$0x4000] =	vst v63  }
0x1ab: {  	s3 =	rddreg [dreg:$0x12]  }
0x1ac: {  	[tilespmem:s3], [sflag:$0x1] =	stream.indirect.gather [hbm4b:s7+s8], $0x1, s8, s8, $0xb8;
	[tilespmem:$0x4000] =	vst v63  }
0x1ad: {  	s3 =	rddreg [dreg:$0x14]  }
0x1ae: {  	[tilespmem:s4], [sflag:$0x1] =	stream.indirect.gather [hbm4b:s9+s8], $0x1, s8, s8, $0xb8;
	[tilespmem:$0x4000] =	vst v63  }
0x1af: {  	s4 =	rddreg [dreg:$0x15]  }
0x1b0: {  	[tilespmem:s3], [sflag:$0x1] =	stream.indirect.gather [hbm4b:s10+s8], $0x1, s8, s8, $0xb8;
	[tilespmem:$0x4000] =	vst v63  }
0x1b1: {  	s3 =	rddreg [dreg:$0x16]  }
0x1b2: {  	[tilespmem:s4], [sflag:$0x1] =	stream.indirect.gather [hbm4b:s11+s8], $0x1, s8, s8, $0xb8;
	[tilespmem:$0x4000] =	vst v63  }
0x1b3: {  	s4 =	rddreg [dreg:$0x17]  }
0x1b4: {  	[tilespmem:s3], [sflag:$0x1] =	stream.indirect.gather [hbm4b:s12+s8], $0x1, s8, s8, $0xb8;
	[tilespmem:$0x4000] =	vst v63  }
0x1b5: {  	s3 =	rddreg [dreg:$0x18]  }
0x1b6: {  	[tilespmem:s4], [sflag:$0x1] =	stream.indirect.gather [hbm4b:s13+s8], $0x1, s8, s8, $0xb8;
	[tilespmem:$0x4000] =	vst v63  }
0x1b7: {  	s4 =	rddreg [dreg:$0x19]  }
0x1b8: {  	[tilespmem:s3], [sflag:$0x1] =	stream.indirect.gather [hbm4b:s14+s8], $0x1, s8, s8, $0xb8;
	[tilespmem:$0x4000] =	vst v63  }
0x1b9: {  	s3 =	rddreg [dreg:$0x1a]  }
0x1ba: {  	[tilespmem:s4], [sflag:$0x1] =	stream.indirect.gather [hbm4b:s15+s8], $0x1, s8, s8, $0xb8;
	[tilespmem:$0x4000] =	vst v63  }
0x1bb: {  	s4 =	rddreg [dreg:$0x1b]  }
0x1bc: {  	[tilespmem:s3], [sflag:$0x1] =	stream.indirect.gather [hbm4b:s16+s8], $0x1, s8, s8, $0xb8;
	[tilespmem:$0x4000] =	vst v63  }
0x1bd: {  	s3 =	rddreg [dreg:$0x1c]  }
0x1be: {  	[tilespmem:s4], [sflag:$0x1] =	stream.indirect.gather [hbm4b:s17+s8], $0x1, s8, s8, $0xb8;
	[tilespmem:$0x4000] =	vst v63  }
0x1bf: {  	s4 =	rddreg [dreg:$0x1d]  }
0x1c0: {  	[tilespmem:s3], [sflag:$0x1] =	stream.indirect.gather [hbm4b:s18+s8], $0x1, s8, s8, $0xb8;
	[tilespmem:$0x4000] =	vst v63  }
0x1c1: {  	s3 =	rddreg [dreg:$0x1e]  }
0x1c2: {  	[tilespmem:s4], [sflag:$0x1] =	stream.indirect.gather [hbm4b:s19+s8], $0x1, s8, s8, $0xb8;
	[tilespmem:$0x4000] =	vst v63  }
0x1c3: {  	s4 =	rddreg [dreg:$0x1f]  }
0x1c4: {  	[tilespmem:s3], [sflag:$0x1] =	stream.indirect.gather [hbm4b:s20+s8], $0x1, s8, s8, $0xb8;
	[tilespmem:$0x4000] =	vst v63  }
0x1c5: {  	s3 =	sld [smem:$0x7A4]  }
0x1c6: {  	[tilespmem:s4], [sflag:$0x1] =	stream.indirect.gather [hbm4b:s21+s8], $0x1, s8, s8, $0xb8;
	[tilespmem:$0x4000] =	vst v63  }
0x1c7: {  	s4 =	sld [smem:$0x7A5]  }
0x1c8: {  	[tilespmem:s3], [sflag:$0x1] =	stream.indirect.gather [hbm4b:s22+s8], $0x1, s8, s8, $0xb8;
	[tilespmem:$0x4000] =	vst v63  }
0x1c9: {  	s3 =	sld [smem:$0x7A6]  }
0x1ca: {  	[tilespmem:s4], [sflag:$0x1] =	stream.indirect.gather [hbm4b:s23+s8], $0x1, s8, s8, $0xb8;
	[tilespmem:$0x4000] =	vst v63  }
0x1cb: {  	s4 =	sld [smem:$0x7A7]  }
0x1cc: {  	[tilespmem:s3], [sflag:$0x2] =	stream.indirect.gather [hbm4b:s24+s8], $0x1, s8, s8, $0xb8;
	[tilespmem:$0x4000] =	vst v63  }
0x1cd: {  	s3 =	sld [smem:$0x7A8]  }
0x1ce: {  	[tilespmem:s4], [sflag:$0x1] =	stream.indirect.gather [hbm4b:s7+s8], $0x1, s26, s8, $0xb8;
	[tilespmem:$0x4000] =	vst v63  }
0x1cf: {  	s4 =	sld [smem:$0x7A9]  }
0x1d0: {  	[tilespmem:s3], [sflag:$0x1] =	stream.indirect.gather [hbm4b:s9+s8], $0x1, s26, s8, $0xb8;
	[tilespmem:$0x4000] =	vst v63  }
0x1d1: {  	s3 =	sld [smem:$0x7AA]  }
0x1d2: {  	[tilespmem:s4], [sflag:$0x1] =	stream.indirect.gather [hbm4b:s10+s8], $0x1, s26, s8, $0xb8;
	[tilespmem:$0x4000] =	vst v63  }
0x1d3: {  	s4 =	sld [smem:$0x7AB]  }
0x1d4: {  	[tilespmem:s3], [sflag:$0x1] =	stream.indirect.gather [hbm4b:s11+s8], $0x1, s26, s8, $0xb8;
	[tilespmem:$0x4000] =	vst v63  }
0x1d5: {  	s3 =	sld [smem:$0x7AC]  }
0x1d6: {  	[tilespmem:s4], [sflag:$0x1] =	stream.indirect.gather [hbm4b:s12+s8], $0x1, s26, s8, $0xb8;
	[tilespmem:$0x4000] =	vst v63  }
0x1d7: {  	s4 =	sld [smem:$0x7AD]  }
0x1d8: {  	[tilespmem:s3], [sflag:$0x1] =	stream.indirect.gather [hbm4b:s13+s8], $0x1, s26, s8, $0xb8;
	[tilespmem:$0x4000] =	vst v63  }
0x1d9: {  	s3 =	sld [smem:$0x7AE]  }
0x1da: {  	[tilespmem:s4], [sflag:$0x1] =	stream.indirect.gather [hbm4b:s14+s8], $0x1, s26, s8, $0xb8;
	[tilespmem:$0x4000] =	vst v63  }
0x1db: {  	s4 =	sld [smem:$0x7AF]  }
0x1dc: {  	[tilespmem:s3], [sflag:$0x1] =	stream.indirect.gather [hbm4b:s15+s8], $0x1, s26, s8, $0xb8;
	[tilespmem:$0x4000] =	vst v63  }
0x1dd: {  	s3 =	sld [smem:$0x7B0]  }
0x1de: {  	[tilespmem:s4], [sflag:$0x1] =	stream.indirect.gather [hbm4b:s16+s8], $0x1, s26, s8, $0xb8;
	[tilespmem:$0x4000] =	vst v63  }
0x1df: {  	s4 =	sld [smem:$0x7B1]  }
0x1e0: {  	[tilespmem:s3], [sflag:$0x1] =	stream.indirect.gather [hbm4b:s17+s8], $0x1, s26, s8, $0xb8;
	[tilespmem:$0x4000] =	vst v63  }
0x1e1: {  	s3 =	sld [smem:$0x7B2]  }
0x1e2: {  	[tilespmem:s4], [sflag:$0x1] =	stream.indirect.gather [hbm4b:s18+s8], $0x1, s26, s8, $0xb8;
	[tilespmem:$0x4000] =	vst v63  }
0x1e3: {  	s4 =	sld [smem:$0x7B3]  }
0x1e4: {  	[tilespmem:s3], [sflag:$0x1] =	stream.indirect.gather [hbm4b:s19+s8], $0x1, s26, s8, $0xb8;
	[tilespmem:$0x4000] =	vst v63  }
0x1e5: {  	s3 =	sld [smem:$0x7B4]  }
0x1e6: {  	[tilespmem:s4], [sflag:$0x1] =	stream.indirect.gather [hbm4b:s20+s8], $0x1, s26, s8, $0xb8;
	[tilespmem:$0x4000] =	vst v63  }
0x1e7: {  	s4 =	sld [smem:$0x7B5]  }
0x1e8: {  	[tilespmem:s3], [sflag:$0x1] =	stream.indirect.gather [hbm4b:s21+s8], $0x1, s26, s8, $0xb8;
	[tilespmem:$0x4000] =	vst v63  }
0x1e9: {  	s3 =	sld [smem:$0x7B6]  }
0x1ea: {  	[tilespmem:s4], [sflag:$0x1] =	stream.indirect.gather [hbm4b:s22+s8], $0x1, s26, s8, $0xb8;
	[tilespmem:$0x4000] =	vst v63  }
0x1eb: {  	s4 =	sld [smem:$0x7B7]  }
0x1ec: {  	[tilespmem:s3], [sflag:$0x1] =	stream.indirect.gather [hbm4b:s23+s8], $0x1, s26, s8, $0xb8;
	[tilespmem:$0x4000] =	vst v63  }
0x1ed: {  	s3 =	sld [smem:$0x7B8]  }
0x1ee: {  	[tilespmem:s4], [sflag:$0x2] =	stream.indirect.gather [hbm4b:s24+s8], $0x1, s26, s8, $0xb8;
	[tilespmem:$0x4000] =	vst v63  }
0x1ef: {  	s4 =	sld [smem:$0x7B9]  }
0x1f0: {  	[tilespmem:s3], [sflag:$0x1] =	stream.indirect.gather [hbm4b:s7+s8], $0x1, s28, s8, $0xb8;
	[tilespmem:$0x4000] =	vst v63  }
0x1f1: {  	s3 =	sld [smem:$0x7BA]  }
0x1f2: {  	[tilespmem:s4], [sflag:$0x1] =	stream.indirect.gather [hbm4b:s9+s8], $0x1, s28, s8, $0xb8;
	[tilespmem:$0x4000] =	vst v63  }
0x1f3: {  	s4 =	sld [smem:$0x7BB]  }
0x1f4: {  	[tilespmem:s3], [sflag:$0x1] =	stream.indirect.gather [hbm4b:s10+s8], $0x1, s28, s8, $0xb8;
	[tilespmem:$0x4000] =	vst v63  }
0x1f5: {  	s3 =	sld [smem:$0x7BC]  }
0x1f6: {  	[tilespmem:s4], [sflag:$0x1] =	stream.indirect.gather [hbm4b:s11+s8], $0x1, s28, s8, $0xb8;
	[tilespmem:$0x4000] =	vst v63  }
0x1f7: {  	s4 =	sld [smem:$0x7BD]  }
0x1f8: {  	[tilespmem:s3], [sflag:$0x1] =	stream.indirect.gather [hbm4b:s12+s8], $0x1, s28, s8, $0xb8;
	[tilespmem:$0x4000] =	vst v63  }
0x1f9: {  	s3 =	sld [smem:$0x7BE]  }
0x1fa: {  	[tilespmem:s4], [sflag:$0x1] =	stream.indirect.gather [hbm4b:s13+s8], $0x1, s28, s8, $0xb8;
	[tilespmem:$0x4000] =	vst v63  }
0x1fb: {  	s4 =	sld [smem:$0x7BF]  }
0x1fc: {  	[tilespmem:s3], [sflag:$0x1] =	stream.indirect.gather [hbm4b:s14+s8], $0x1, s28, s8, $0xb8;
	[tilespmem:$0x4000] =	vst v63  }
0x1fd: {  	s3 =	sld [smem:$0x7C0]  }
0x1fe: {  	[tilespmem:s4], [sflag:$0x1] =	stream.indirect.gather [hbm4b:s15+s8], $0x1, s28, s8, $0xb8;
	[tilespmem:$0x4000] =	vst v63  }
0x1ff: {  	s4 =	sld [smem:$0x7C1]  }
0x200: {  	[tilespmem:s3], [sflag:$0x1] =	stream.indirect.gather [hbm4b:s16+s8], $0x1, s28, s8, $0xb8;
	[tilespmem:$0x4000] =	vst v63  }
0x201: {  	s3 =	sld [smem:$0x7C2]  }
0x202: {  	[tilespmem:s4], [sflag:$0x1] =	stream.indirect.gather [hbm4b:s17+s8], $0x1, s28, s8, $0xb8;
	[tilespmem:$0x4000] =	vst v63  }
0x203: {  	s4 =	sld [smem:$0x7C3]  }
0x204: {  	[tilespmem:s3], [sflag:$0x1] =	stream.indirect.gather [hbm4b:s18+s8], $0x1, s28, s8, $0xb8;
	[tilespmem:$0x4000] =	vst v63  }
0x205: {  	s3 =	sld [smem:$0x7C4]  }
0x206: {  	[tilespmem:s4], [sflag:$0x1] =	stream.indirect.gather [hbm4b:s19+s8], $0x1, s28, s8, $0xb8;
	[tilespmem:$0x4000] =	vst v63  }
0x207: {  	s4 =	sld [smem:$0x7C5]  }
0x208: {  	[tilespmem:s3], [sflag:$0x1] =	stream.indirect.gather [hbm4b:s20+s8], $0x1, s28, s8, $0xb8;
	[tilespmem:$0x4000] =	vst v63  }
0x209: {  	s3 =	sld [smem:$0x7C6]  }
0x20a: {  	[tilespmem:s4], [sflag:$0x1] =	stream.indirect.gather [hbm4b:s21+s8], $0x1, s28, s8, $0xb8;
	[tilespmem:$0x4000] =	vst v63  }
0x20b: {  	s4 =	sld [smem:$0x7C7]  }
0x20c: {  	[tilespmem:s3], [sflag:$0x1] =	stream.indirect.gather [hbm4b:s22+s8], $0x1, s28, s8, $0xb8;
	[tilespmem:$0x4000] =	vst v63  }
0x20d: {  	s3 =	sld [smem:$0x7C8]  }
0x20e: {  	[tilespmem:s4], [sflag:$0x1] =	stream.indirect.gather [hbm4b:s23+s8], $0x1, s28, s8, $0xb8;
	[tilespmem:$0x4000] =	vst v63  }
0x20f: {  	s4 =	sld [smem:$0x7C9]  }
0x210: {  	[tilespmem:s3], [sflag:$0x2] =	stream.indirect.gather [hbm4b:s24+s8], $0x1, s28, s8, $0xb8;
	[tilespmem:$0x4000] =	vst v63  }
0x211: {  	s3 =	sld [smem:$0x7CA]  }
0x212: {  	[tilespmem:s4], [sflag:$0x1] =	stream.indirect.gather [hbm4b:s7+s8], $0x1, s29, s8, $0xb8;
	[tilespmem:$0x4000] =	vst v63  }
0x213: {  	s4 =	sld [smem:$0x7CB]  }
0x214: {  	[tilespmem:s3], [sflag:$0x1] =	stream.indirect.gather [hbm4b:s9+s8], $0x1, s29, s8, $0xb8;
	[tilespmem:$0x4000] =	vst v63  }
0x215: {  	s3 =	sld [smem:$0x7CC]  }
0x216: {  	[tilespmem:s4], [sflag:$0x1] =	stream.indirect.gather [hbm4b:s10+s8], $0x1, s29, s8, $0xb8;
	[tilespmem:$0x4000] =	vst v63  }
0x217: {  	s4 =	sld [smem:$0x7CD]  }
0x218: {  	[tilespmem:s3], [sflag:$0x1] =	stream.indirect.gather [hbm4b:s11+s8], $0x1, s29, s8, $0xb8;
	[tilespmem:$0x4000] =	vst v63  }
0x219: {  	s3 =	sld [smem:$0x7CE]  }
0x21a: {  	[tilespmem:s4], [sflag:$0x1] =	stream.indirect.gather [hbm4b:s12+s8], $0x1, s29, s8, $0xb8;
	[tilespmem:$0x4000] =	vst v63  }
0x21b: {  	s4 =	sld [smem:$0x7CF]  }
0x21c: {  	[tilespmem:s3], [sflag:$0x1] =	stream.indirect.gather [hbm4b:s13+s8], $0x1, s29, s8, $0xb8;
	[tilespmem:$0x4000] =	vst v63  }
0x21d: {  	s3 =	sld [smem:$0x7D0]  }
0x21e: {  	[tilespmem:s4], [sflag:$0x1] =	stream.indirect.gather [hbm4b:s14+s8], $0x1, s29, s8, $0xb8;
	[tilespmem:$0x4000] =	vst v63  }
0x21f: {  	s4 =	sld [smem:$0x7D1]  }
0x220: {  	[tilespmem:s3], [sflag:$0x1] =	stream.indirect.gather [hbm4b:s15+s8], $0x1, s29, s8, $0xb8;
	[tilespmem:$0x4000] =	vst v63  }
0x221: {  	s3 =	sld [smem:$0x7D2]  }
0x222: {  	[tilespmem:s4], [sflag:$0x1] =	stream.indirect.gather [hbm4b:s16+s8], $0x1, s29, s8, $0xb8;
	[tilespmem:$0x4000] =	vst v63  }
0x223: {  	s4 =	sld [smem:$0x7D3]  }
0x224: {  	[tilespmem:s3], [sflag:$0x1] =	stream.indirect.gather [hbm4b:s17+s8], $0x1, s29, s8, $0xb8;
	[tilespmem:$0x4000] =	vst v63  }
0x225: {  	s3 =	sld [smem:$0x7D4]  }
0x226: {  	[tilespmem:s4], [sflag:$0x1] =	stream.indirect.gather [hbm4b:s18+s8], $0x1, s29, s8, $0xb8;
	[tilespmem:$0x4000] =	vst v63  }
0x227: {  	s4 =	sld [smem:$0x7D5]  }
0x228: {  	[tilespmem:s3], [sflag:$0x1] =	stream.indirect.gather [hbm4b:s19+s8], $0x1, s29, s8, $0xb8;
	[tilespmem:$0x4000] =	vst v63  }
0x229: {  	s3 =	sld [smem:$0x7D6]  }
0x22a: {  	[tilespmem:s4], [sflag:$0x1] =	stream.indirect.gather [hbm4b:s20+s8], $0x1, s29, s8, $0xb8;
	[tilespmem:$0x4000] =	vst v63  }
0x22b: {  	s4 =	sld [smem:$0x7D7]  }
0x22c: {  	[tilespmem:s3], [sflag:$0x1] =	stream.indirect.gather [hbm4b:s21+s8], $0x1, s29, s8, $0xb8;
	[tilespmem:$0x4000] =	vst v63  }
0x22d: {  	s3 =	sld [smem:$0x7D8]  }
0x22e: {  	[tilespmem:s4], [sflag:$0x1] =	stream.indirect.gather [hbm4b:s22+s8], $0x1, s29, s8, $0xb8;
	[tilespmem:$0x4000] =	vst v63  }
0x22f: {  	s4 =	sld [smem:$0x7D9]  }
0x230: {  	[tilespmem:s3], [sflag:$0x1] =	stream.indirect.gather [hbm4b:s23+s8], $0x1, s29, s8, $0xb8;
	[tilespmem:$0x4000] =	vst v63  }
0x231: {  	s3 =	sld [smem:$0x7DA]  }
0x232: {  	[tilespmem:s4], [sflag:$0x2] =	stream.indirect.gather [hbm4b:s24+s8], $0x1, s29, s8, $0xb8;
	[tilespmem:$0x4000] =	vst v63  }
0x233: {  	s4 =	sld [smem:$0x7DB]  }
0x234: {  	[tilespmem:s3], [sflag:$0x1] =	stream.indirect.gather [hbm4b:s7+s8], $0x1, s30, s8, $0xb8;
	[tilespmem:$0x4000] =	vst v63  }
0x235: {  	s3 =	sld [smem:$0x7DC]  }
0x236: {  	[tilespmem:s4], [sflag:$0x1] =	stream.indirect.gather [hbm4b:s9+s8], $0x1, s30, s8, $0xb8;
	[tilespmem:$0x4000] =	vst v63  }
0x237: {  	s4 =	sld [smem:$0x7DD]  }
0x238: {  	[tilespmem:s3], [sflag:$0x1] =	stream.indirect.gather [hbm4b:s10+s8], $0x1, s30, s8, $0xb8;
	[tilespmem:$0x4000] =	vst v63  }
0x239: {  	s3 =	sld [smem:$0x7DE]  }
0x23a: {  	[tilespmem:s4], [sflag:$0x1] =	stream.indirect.gather [hbm4b:s11+s8], $0x1, s30, s8, $0xb8;
	[tilespmem:$0x4000] =	vst v63  }
0x23b: {  	s4 =	sld [smem:$0x7DF]  }
0x23c: {  	[tilespmem:s3], [sflag:$0x1] =	stream.indirect.gather [hbm4b:s12+s8], $0x1, s30, s8, $0xb8;
	[tilespmem:$0x4000] =	vst v63  }
0x23d: {  	s3 =	sld [smem:$0x7E0]  }
0x23e: {  	[tilespmem:s4], [sflag:$0x1] =	stream.indirect.gather [hbm4b:s13+s8], $0x1, s30, s8, $0xb8;
	[tilespmem:$0x4000] =	vst v63  }
0x23f: {  	s4 =	sld [smem:$0x7E1]  }
0x240: {  	[tilespmem:s3], [sflag:$0x1] =	stream.indirect.gather [hbm4b:s14+s8], $0x1, s30, s8, $0xb8;
	[tilespmem:$0x4000] =	vst v63  }
0x241: {  	s3 =	sld [smem:$0x7E2]  }
0x242: {  	[tilespmem:s4], [sflag:$0x1] =	stream.indirect.gather [hbm4b:s15+s8], $0x1, s30, s8, $0xb8;
	[tilespmem:$0x4000] =	vst v63  }
0x243: {  	s4 =	sld [smem:$0x7E3]  }
0x244: {  	[tilespmem:s3], [sflag:$0x1] =	stream.indirect.gather [hbm4b:s16+s8], $0x1, s30, s8, $0xb8;
	[tilespmem:$0x4000] =	vst v63  }
0x245: {  	s3 =	sld [smem:$0x7E4]  }
0x246: {  	[tilespmem:s4], [sflag:$0x1] =	stream.indirect.gather [hbm4b:s17+s8], $0x1, s30, s8, $0xb8;
	[tilespmem:$0x4000] =	vst v63  }
0x247: {  	s4 =	sld [smem:$0x7E5]  }
0x248: {  	[tilespmem:s3], [sflag:$0x1] =	stream.indirect.gather [hbm4b:s18+s8], $0x1, s30, s8, $0xb8;
	[tilespmem:$0x4000] =	vst v63  }
0x249: {  	s3 =	sld [smem:$0x7E6]  }
0x24a: {  	[tilespmem:s4], [sflag:$0x1] =	stream.indirect.gather [hbm4b:s19+s8], $0x1, s30, s8, $0xb8;
	[tilespmem:$0x4000] =	vst v63  }
0x24b: {  	s4 =	sld [smem:$0x7E7]  }
0x24c: {  	[tilespmem:s3], [sflag:$0x1] =	stream.indirect.gather [hbm4b:s20+s8], $0x1, s30, s8, $0xb8;
	[tilespmem:$0x4000] =	vst v63  }
0x24d: {  	s3 =	sld [smem:$0x7E8]  }
0x24e: {  	[tilespmem:s4], [sflag:$0x1] =	stream.indirect.gather [hbm4b:s21+s8], $0x1, s30, s8, $0xb8;
	[tilespmem:$0x4000] =	vst v63  }
0x24f: {  	s4 =	sld [smem:$0x7E9]  }
0x250: {  	[tilespmem:s3], [sflag:$0x1] =	stream.indirect.gather [hbm4b:s22+s8], $0x1, s30, s8, $0xb8;
	[tilespmem:$0x4000] =	vst v63  }
0x251: {  	s3 =	sld [smem:$0x7EA]  }
0x252: {  	[tilespmem:s4], [sflag:$0x1] =	stream.indirect.gather [hbm4b:s23+s8], $0x1, s30, s8, $0xb8;
	[tilespmem:$0x4000] =	vst v63  }
0x253: {  	s4 =	sld [smem:$0x7EB]  }
0x254: {  	[tilespmem:s3], [sflag:$0x2] =	stream.indirect.gather [hbm4b:s24+s8], $0x1, s30, s8, $0xb8;
	[tilespmem:$0x4000] =	vst v63  }
0x255: {  	s3 =	sld [smem:$0x7EC]  }
0x256: {  	[tilespmem:s4], [sflag:$0x1] =	stream.indirect.gather [hbm4b:s7+s8], $0x1, s31, s8, $0xb8;
	[tilespmem:$0x4000] =	vst v63  }
0x257: {  	s4 =	sld [smem:$0x7ED]  }
0x258: {  	[tilespmem:s3], [sflag:$0x1] =	stream.indirect.gather [hbm4b:s9+s8], $0x1, s31, s8, $0xb8;
	[tilespmem:$0x4000] =	vst v63  }
0x259: {  	s3 =	sld [smem:$0x7EE]  }
0x25a: {  	[tilespmem:s4], [sflag:$0x1] =	stream.indirect.gather [hbm4b:s10+s8], $0x1, s31, s8, $0xb8;
	[tilespmem:$0x4000] =	vst v63  }
0x25b: {  	s4 =	sld [smem:$0x7EF]  }
0x25c: {  	[tilespmem:s3], [sflag:$0x1] =	stream.indirect.gather [hbm4b:s11+s8], $0x1, s31, s8, $0xb8;
	[tilespmem:$0x4000] =	vst v63  }
0x25d: {  	s3 =	sld [smem:$0x7F0]  }
0x25e: {  	[tilespmem:s4], [sflag:$0x1] =	stream.indirect.gather [hbm4b:s12+s8], $0x1, s31, s8, $0xb8;
	[tilespmem:$0x4000] =	vst v63  }
0x25f: {  	s4 =	sld [smem:$0x7F1]  }
0x260: {  	[tilespmem:s3], [sflag:$0x1] =	stream.indirect.gather [hbm4b:s13+s8], $0x1, s31, s8, $0xb8;
	[tilespmem:$0x4000] =	vst v63  }
0x261: {  	s3 =	sld [smem:$0x7F2]  }
0x262: {  	[tilespmem:s4], [sflag:$0x1] =	stream.indirect.gather [hbm4b:s14+s8], $0x1, s31, s8, $0xb8;
	[tilespmem:$0x4000] =	vst v63  }
0x263: {  	s4 =	sld [smem:$0x7F3]  }
0x264: {  	[tilespmem:s3], [sflag:$0x1] =	stream.indirect.gather [hbm4b:s15+s8], $0x1, s31, s8, $0xb8;
	[tilespmem:$0x4000] =	vst v63  }
0x265: {  	s3 =	sld [smem:$0x7F4]  }
0x266: {  	[tilespmem:s4], [sflag:$0x1] =	stream.indirect.gather [hbm4b:s16+s8], $0x1, s31, s8, $0xb8;
	[tilespmem:$0x4000] =	vst v63  }
0x267: {  	s4 =	sld [smem:$0x7F5]  }
0x268: {  	[tilespmem:s3], [sflag:$0x1] =	stream.indirect.gather [hbm4b:s17+s8], $0x1, s31, s8, $0xb8;
	[tilespmem:$0x4000] =	vst v63  }
0x269: {  	s3 =	sld [smem:$0x7F6]  }
0x26a: {  	[tilespmem:s4], [sflag:$0x1] =	stream.indirect.gather [hbm4b:s18+s8], $0x1, s31, s8, $0xb8;
	[tilespmem:$0x4000] =	vst v63  }
0x26b: {  	s4 =	sld [smem:$0x7F7]  }
0x26c: {  	[tilespmem:s3], [sflag:$0x1] =	stream.indirect.gather [hbm4b:s19+s8], $0x1, s31, s8, $0xb8;
	[tilespmem:$0x4000] =	vst v63  }
0x26d: {  	s3 =	sld [smem:$0x7F8]  }
0x26e: {  	[tilespmem:s4], [sflag:$0x1] =	stream.indirect.gather [hbm4b:s20+s8], $0x1, s31, s8, $0xb8;
	[tilespmem:$0x4000] =	vst v63  }
0x26f: {  	s4 =	sld [smem:$0x7F9]  }
0x270: {  	[tilespmem:s3], [sflag:$0x1] =	stream.indirect.gather [hbm4b:s21+s8], $0x1, s31, s8, $0xb8;
	[tilespmem:$0x4000] =	vst v63  }
0x271: {  	s3 =	sld [smem:$0x7FA]  }
0x272: {  	[tilespmem:s4], [sflag:$0x1] =	stream.indirect.gather [hbm4b:s22+s8], $0x1, s31, s8, $0xb8;
	[tilespmem:$0x4000] =	vst v63  }
0x273: {  	s4 =	sld [smem:$0x7FB]  }
0x274: {  	[tilespmem:s3], [sflag:$0x1] =	stream.indirect.gather [hbm4b:s23+s8], $0x1, s31, s8, $0xb8;
	[tilespmem:$0x4000] =	vst v63  }
0x275: {  	_ = 	snop  }
0x276: {  	[tilespmem:s4], [sflag:$0x2] =	stream.indirect.gather [hbm4b:s24+s8], $0x1, s31, s8, $0xb8;
	[tilespmem:$0x4000] =	vst v63  }
0x277: {  	s4 =	simm.s32 $0x1  }
0x278: {  	_ =	swait.ge [sflag:s4], $0x3800  }
0x279: {  	[sflag:s4] =	ssyncset.done $0x0  }
0x27a: {  	[sflag:s4] =	ssyncadd.s32 $0xFFFFC800;
	s4 =	simm.s32 $0x2  }
0x27b: {  	_ =	swait.ge [sflag:s4], $0x380  }
0x27c: {  	[sflag:s4] =	ssyncset.done $0x0  }
0x27d: {  	s3 =	rddreg [dreg:$0x2];
	[sflag:s4] =	ssyncadd.s32 $0xFFFFFC80  }
0x27e: {  	[hbm4b:s3+s1] =	stream.strided.scatter [tilespmem:s1], [sflag:$0x3], $0x3800, s0, s1, $0x38;
	[tilespmem:$0x4000] =	vst v63  }
0x27f: {  	_ =	swait.ge [sflag:s6], $0x3800  }
0x280: {  	s4 =	sld [smem:$0x7FD]  }
0x281: {  	[sflag:s6] =	ssyncset.done $0x0  }
0x282: {  	p0 =	sne.s32 s25, $0x1;
	[sflag:s6] =	ssyncadd.s32 $0xFFFFC800  }
0x283: {  	[hbm4b:s4+s1] =	stream.strided.scatter [tilespmem:s5], [sflag:$0x3], $0x0, s0, s1, $0x38;
	[tilespmem:$0x4000] =	vst v63  }
.Ltmp1:
0x284: {  	_ = 	snop;
	(pc) =	sbr.rel @p0 .LBB2_2-.Ltmp1, $4  }
0x285: {  	_ = 	snop  }
0x286: {  	[hbm4b:s4+s2] =	stream.linear.scatter [tilespmem:s5], [sflag:$0x3], $0x380, $0x38;
	[tilespmem:$0x4000] =	vst v63  }
0x287: {  	_ =	swait.ge [sflag:s6], $0x380  }
0x288: {  	s25 =	sadd.s32 $0xFFFFFFFF, s25;
	[sflag:s6] =	ssyncset.done $0x0  }
.LBB2_3:
0x289: {  	[sflag:s6] =	ssyncadd.s32 $0xFFFFFC80  }
0x28a: {  	_ =	sfence.sel $0x180000  }
0x28b: {  	[bflag:$0x0] =	sbarrier.arrive $0xFFFF  }
0x28c: {  	_ =	strace $0x9000004D  }
0x28d: {  	s0 =	stileid.u32;
	[bflag:$0x2] =	sbarrier.arrive $0xFFFF  }
0x28e: {  	p0 =	sne.s32 s0, $0x0;
	s0 =	rddreg [dreg:$0x1]  }
0x28f: {  	s0 =	sadd.s32 @!p0 $0x100000, s0  }
0x290: {  	[sflag:s0] =	ssyncadd.tile.s32 @!p0 $0x1;
	_ =	shalt  }
.Lfunc_end2:
_tile_overlayer_lowered:
.L_overlay_start_2:
0x291: {  	(tag) =	ssettag $0x2  }
0x292: {  	s0 =	rddreg [dreg:$0x0];
	s2 =	stileid.u32  }
0x293: {  	s1 =	rddreg [dreg:$0x1];
	p0 =	sne.s32 s2, $0x0  }
0x294: {  	s3 =	rddreg [dreg:$0x2];
	[bflag:$0x3] =	sbarrier.arrive $0xFFFF;
	s2 =	simm.s32 @!p0 $0x1C03  }
0x295: {  	[timem:s3], [sflag:s2] =	dma.local @!p0 [hbm:s0], s1  }
0x296: {  	s0 =	simm.s32 @!p0 $0x3  }
0x297: {  	_ =	swait.ge @!p0 [sflag:s0], s1  }
0x298: {  	s1 =	ssub.s32 @!p0 $0x0, s1;
	[sflag:s0] =	ssyncset.done @!p0 $0x0  }
0x299: {  	[sflag:s0] =	ssyncadd.s32 @!p0 s1  }
0x29a: {  	[bflag:$0x3] =	sbarrier.arrive $0xFFFF  }
0x29b: {  	_ =	shalt  }

// kernel: kernel.15.cloned.1.call-start
scs
__scs_entry_jumppad:
0x0: {  	(pc) =	sbr.rel $0x88, $3  }
0x1: {  	(tag) =	ssettag $0x0;
	lr =	simm.s32 $0x1  }
0x2: {  	[smem:$0x3F8F] =	sst lr;
	_ =	strace $0xD0000000  }
0x3: {  	_ = 	snop  }
0x4: {  	_ = 	snop  }
0x5: {  	_ = 	snop  }
0x6: {  	_ = 	snop  }
0x7: {  	_ = 	snop  }
__scs_overlays_trampoline_lowered:
0x8: {  	[smem:$0x3F9E] =	sst s0  }
0x9: {  	[smem:$0x3F9F] =	sst s1  }
0xa: {  	[smem:$0x3FA0] =	sst s2  }
0xb: {  	[smem:$0x3FA1] =	sst s3  }
0xc: {  	[smem:$0x3FA2] =	sst s4  }
0xd: {  	[smem:$0x3FA3] =	sst s5  }
0xe: {  	[smem:$0x3FA4] =	sst s6  }
0xf: {  	[smem:$0x3FA5] =	sst s7  }
0x10: {  	[smem:$0x3FA6] =	sst s8  }
0x11: {  	[smem:$0x3FA7] =	sst s9;
	s0 =	simm.s32 @!p0 $0x0  }
0x12: {  	s1 =	sld [smem:$0x3F8D];
	s0 =	simm.s32 @p0 $0x1  }
0x13: {  	[smem:$0x3FA8] =	sst s0;
	s0 =	simm.s32 @!p1 $0x0  }
0x14: {  	s2 =	sld [smem:$0x3F8C];
	s0 =	simm.s32 @p1 $0x1  }
0x15: {  	[smem:$0x3FA9] =	sst s0;
	s0 =	simm.s32 @!p2 $0x0  }
0x16: {  	s3 =	sld [smem:$0x3FDB];
	s0 =	simm.s32 @p2 $0x1  }
0x17: {  	s4 =	simm.s32 $0x1BF5;
	[smem:$0x3FAB] =	sst s0  }
0x18: {  	s0 =	sld [smem:$0x3F8E];
	_ =	swait.ge [sflag:s4], $0x0  }
0x19: {  	s7 =	sld [smem:$0x3F8F]  }
0x1a: {  	s8 =	sadd.s32 $0xFFFFE003, lr  }
0x1b: {  	s9 =	sadd.s32 $0xFFFFFEF7, lr;
	s5 =	simm.s32 $0xFFFFFFFF;
	p2 =	slt.u32 s8, $0xFFFFF086  }
0x1c: {  	p1 =	slt.u32 s9, $0xF7A;
	s5 =	simm.s32 @!p2 $0x0  }
0x1d: {  	s5 =	simm.s32 @p1 $0x1;
	p0 =	seq.s32 s7, s2  }
0x1e: {  	s7 =	smul.u32 @!p0 $0xF7A, s2;
	p2 =	seq.s32 @!p0 s5, $0x0  }
0x1f: {  	s9 =	smul.u32 $0xF7A, s1;
	s8 =	simm.s32 @!p0 $0x1BF5;
	p2 =	por !p2, p0  }
0x20: {  	[sflag:s8] =	ssyncset.s32 @!p0 $0xFFFFF086;
	s6 =	sadd.s32 @!p0 s3, s7;
	s7 =	simm.s32 @!p0 $0x108  }
0x21: {  	s3 =	sadd.s32 s3, s9;
	s6 =	sadd.s32 @!p0 $0x88, s6;
	s7 =	simm.s32 @p2 $0x1082  }
0x22: {  	[simem:s7], [sflag:s8] =	dma.local @!p0 [hbm:s6], $0xF7A  }
0x23: {  	s9 =	sor.u32 $0xD0000000, s2;
	s6 =	simm.s32 $0x108;
	_ =	swait.ge @!p0 [sflag:s8], $0x0  }
0x24: {  	s3 =	sadd.s32 $0x88, s3;
	s6 =	simm.s32 @!p1 $0x1082;
	[sflag:s4] =	ssyncset.s32 $0xFFFFF086  }
0x25: {  	[simem:s6], [sflag:s4] =	dma.local [hbm:s3], $0xF7A  }
0x26: {  	[smem:$0x3F8F] =	sst s1;
	(tag) =	ssettag s2;
	_ =	strace s9  }
0x27: {  	s1 =	sld [smem:$0x3F9F]  }
0x28: {  	s2 =	sld [smem:$0x3FA0]  }
0x29: {  	s4 =	sld [smem:$0x3FA2]  }
0x2a: {  	p0 =	seq.s32 s5, $0x0;
	s5 =	sld [smem:$0x3FA3]  }
0x2b: {  	s6 =	sld [smem:$0x3FA4]  }
0x2c: {  	s7 =	sld [smem:$0x3FA5]  }
0x2d: {  	s3 =	simm.s32 $0x108;
	s8 =	sld [smem:$0x3FA6]  }
0x2e: {  	s3 =	simm.s32 @!p0 $0x1082;
	s9 =	sld [smem:$0x3FA7]  }
0x2f: {  	lr =	sadd.s32 s0, s3;
	s0 =	sld [smem:$0x3F9E]  }
0x30: {  	s3 =	sld [smem:$0x3FA1]  }
0x31: {  	[smem:$0x3FAA] =	sst s10  }
0x32: {  	s10 =	sld [smem:$0x3FA8];
	_ =	sdelay $0x3  }
0x33: {  	p0 =	seq.s32 s10, $0x1;
	s10 =	sld [smem:$0x3FAA];
	_ =	sdelay $0x3  }
0x34: {  	[smem:$0x3FAA] =	sst s10  }
0x35: {  	s10 =	sld [smem:$0x3FA9];
	_ =	sdelay $0x3  }
0x36: {  	p1 =	seq.s32 s10, $0x1;
	s10 =	sld [smem:$0x3FAA];
	_ =	sdelay $0x3  }
0x37: {  	[smem:$0x3FAA] =	sst s10  }
0x38: {  	s10 =	sld [smem:$0x3FAB]  }
0x39: {  	_ = 	snop;
	(pc) =	sbr.ind lr, $3  }
0x3a: {  	_ = 	snop  }
0x3b: {  	_ = 	snop  }
0x3c: {  	p2 =	seq.s32 s10, $0x1;
	s10 =	sld [smem:$0x3FAA]  }
0x3d: {  	_ =	shalt  }
0x3e: {  	_ =	shalt  }
0x3f: {  	_ =	shalt  }
0x40: {  	_ =	shalt  }
0x41: {  	_ =	shalt  }
0x42: {  	_ =	shalt  }
0x43: {  	_ =	shalt  }
0x44: {  	_ =	shalt  }
0x45: {  	_ =	shalt  }
0x46: {  	_ =	shalt  }
0x47: {  	_ =	shalt  }
0x48: {  	_ =	shalt  }
0x49: {  	_ =	shalt  }
0x4a: {  	_ =	shalt  }
0x4b: {  	_ =	shalt  }
0x4c: {  	_ =	shalt  }
0x4d: {  	_ =	shalt  }
0x4e: {  	_ =	shalt  }
0x4f: {  	_ =	shalt  }
0x50: {  	_ =	shalt  }
0x51: {  	_ =	shalt  }
0x52: {  	_ =	shalt  }
0x53: {  	_ =	shalt  }
0x54: {  	_ =	shalt  }
0x55: {  	_ =	shalt  }
0x56: {  	_ =	shalt  }
0x57: {  	_ =	shalt  }
0x58: {  	_ =	shalt  }
0x59: {  	_ =	shalt  }
0x5a: {  	_ =	shalt  }
0x5b: {  	_ =	shalt  }
0x5c: {  	_ =	shalt  }
0x5d: {  	_ =	shalt  }
0x5e: {  	_ =	shalt  }
0x5f: {  	_ =	shalt  }
0x60: {  	_ =	shalt  }
0x61: {  	_ =	shalt  }
0x62: {  	_ =	shalt  }
0x63: {  	_ =	shalt  }
0x64: {  	_ =	shalt  }
0x65: {  	_ =	shalt  }
0x66: {  	_ =	shalt  }
0x67: {  	_ =	shalt  }
0x68: {  	_ =	shalt  }
0x69: {  	_ =	shalt  }
0x6a: {  	_ =	shalt  }
0x6b: {  	_ =	shalt  }
0x6c: {  	_ =	shalt  }
0x6d: {  	_ =	shalt  }
0x6e: {  	_ =	shalt  }
0x6f: {  	_ =	shalt  }
0x70: {  	_ =	shalt  }
0x71: {  	_ =	shalt  }
0x72: {  	_ =	shalt  }
0x73: {  	_ =	shalt  }
0x74: {  	_ =	shalt  }
0x75: {  	_ =	shalt  }
0x76: {  	_ =	shalt  }
0x77: {  	_ =	shalt  }
0x78: {  	_ =	shalt  }
0x79: {  	_ =	shalt  }
0x7a: {  	_ =	shalt  }
0x7b: {  	_ =	shalt  }
0x7c: {  	_ =	shalt  }
0x7d: {  	_ =	shalt  }
0x7e: {  	_ =	shalt  }
0x7f: {  	_ =	shalt  }
0x80: {  	_ =	shalt  }
0x81: {  	_ =	shalt  }
0x82: {  	_ =	shalt  }
0x83: {  	_ =	shalt  }
0x84: {  	_ =	shalt  }
0x85: {  	_ =	shalt  }
0x86: {  	_ =	shalt  }
0x87: {  	_ =	shalt  }
.Lfunc_end0:
.L_simem_size_0:
called_computation.1_lowered:
.L_overlay_start_0:
0x88: {  	s2 =	sld [smem:$0x3FD9]  }
0x89: {  	s3 =	sld [smem:$0x3FFE];
	_ =	sdelay $0x1  }
0x8a: {  	s1 =	srdreg.scid  }
0x8b: {  	s0 =	sand.u32 $0x1, s1  }
0x8c: {  	s17 =	sshll.u32 s0, $0xA;
	s2 =	sadd.s32 s3, s2  }
0x8d: {  	s2 =	sadd.s32 s2, s17  }
0x8e: {  	[smem:$0x3FB6] =	sst s2  }
0x8f: {  	_ = 	snop  }
0x90: {  	(tm) =	ssettm $0x1  }
0x91: {  	s18 =	sld [smem:$0x3FFB];
	_ =	sdelay $0x3  }
0x92: {  	_ =	strace s18  }
0x93: {  	s2 =	sld [smem:$0x3FFC];
	_ =	sdelay $0x3  }
0x94: {  	_ =	strace s2  }
0x95: {  	s2 =	sld [smem:$0x3FFD];
	_ =	sdelay $0x3  }
0x96: {  	_ =	strace s2  }
0x97: {  	_ =	strace $0x8FFFFFFF  }
0x98: {  	s19 =	sld [smem:$0x3FDB];
	_ =	sdelay $0x1  }
0x99: {  	s20 =	simm.s32 $_scs_section_size  }
0x9a: {  	s4 =	simm.s32 $_size__tile_overlayer_lowered;
	s5 =	simm.s32 $_tile_overlayer_lowered  }
0x9b: {  	s6 =	simm.s32 $0x1BFF;
	s21 =	sshll.u32 s5, $0x1;
	s3 =	sadd.s32 s20, s19  }
0x9c: {  	s22 =	simm.s32 $0x0;
	s4 =	sshll.u32 s4, $0x1;
	s5 =	sadd.s32 s21, s3  }
0x9d: {  	[timem:s22], [sflag:s6] =	dma.local [hbm:s5], s4  }
0x9e: {  	_ =	swait.ge [sflag:s6], s4  }
0x9f: {  	s4 =	ssub.s32 $0x0, s4;
	[sflag:s6] =	ssyncset.done $0x0  }
0xa0: {  	[sflag:s6] =	ssyncadd.s32 s4;
	_ =	sdelay $0x1  }
0xa1: {  	s23 =	simm.s32 $0x1B8B  }
0xa2: {  	_ =	swait.ge [sflag:s23], $0x1  }
0xa3: {  	[sflag:s23] =	ssyncset.done $0x0  }
0xa4: {  	[sflag:s23] =	ssyncadd.s32 $0xFFFFFFFF  }
0xa5: {  	s4 =	sld [smem:$0x0]  }
0xa6: {  	s5 =	sand.u32 $0xFFFFFFFE, s1  }
0xa7: {  	p0 =	sne.s32 s1, s5  }
0xa8: {  	s5 =	sshll.u32 @p0 s5, $0xE  }
0xa9: {  	s5 =	sadd.s32 @p0 $0x11B8D, s5;
	s6 =	sshll.u32 @p0 s4, $0x11  }
0xaa: {  	s5 =	sor.u32 @p0 s6, s5  }
0xab: {  	[sflag:s5] =	ssyncadd.remote.s32 @p0 $0x1;
	_ =	sdelay $0x1  }
0xac: {  	s5 =	simm.s32 @p0 $0x1B8D  }
0xad: {  	_ =	swait.eq @p0 [sflag:s5], $0x1  }
0xae: {  	[sflag:s5] =	ssyncadd.s32 @p0 $0xFFFFFFFF  }
0xaf: {  	s6 =	sshll.u32 @!p0 s1, $0xE  }
0xb0: {  	s6 =	sor.u32 @!p0 $0x4000, s6;
	s5 =	simm.s32 @!p0 $0x1B8D  }
0xb1: {  	s4 =	sshll.u32 @!p0 s4, $0x11;
	s6 =	sadd.s32 @!p0 $0x11B8D, s6;
	_ =	swait.eq @!p0 [sflag:s5], $0x1  }
0xb2: {  	s4 =	sor.u32 @!p0 s4, s6;
	[sflag:s5] =	ssyncadd.s32 @!p0 $0xFFFFFFFF  }
0xb3: {  	s25 =	simm.s32 $0x1B8E;
	s24 =	sld [smem:$0x3FFE];
	[sflag:s4] =	ssyncadd.remote.s32 @!p0 $0x1  }
0xb4: {  	s26 =	simm.s32 $execute0_lowered;
	[smem:$0x3FD2] =	sst s25  }
0xb5: {  	s5 =	sshll.u32 s26, $0x1;
	_ =	strace $0x80000049;
	[dreg:$0x1] =	wrdreg $0xFFFFFFFF  }
0xb6: {  	s28 =	simm.s32 $_size_execute0_lowered;
	s3 =	sadd.s32 s3, s5;
	[dreg:$0x0] =	wrdreg $0x0  }
0xb7: {  	s5 =	sshll.u32 s28, $0x1;
	[dreg:$0x2] =	wrdreg s3  }
0xb8: {  	[dreg:$0x3] =	wrdreg s5  }
0xb9: {  	[dreg:$0x4] =	wrdreg $0xC0  }
0xba: {  	_ =	task [dreg:s22], $0x5FFFF  }
0xbb: {  	[dreg:$0x1] =	wrdreg $0xFFFFFFFF  }
0xbc: {  	[dreg:$0x0] =	wrdreg $0x60  }
0xbd: {  	[dreg:$0x2] =	wrdreg s24  }
0xbe: {  	[dreg:$0x3] =	wrdreg $0xA  }
0xbf: {  	_ =	task.clear_ibuf [dreg:s22], $0x4FFFF;
	_ =	strace $0x90000049  }
0xc0: {  	s29 =	simm.s32 $0xA;
	_ =	strace $0x8000004B  }
0xc1: {  	_ =	swait.ge [sflag:s29], $0x1  }
0xc2: {  	[sflag:s29] =	ssyncadd.s32 $0xFFFFFFFF  }
0xc3: {  	_ =	strace $0x9000004B  }
0xc4: {  	_ =	sfence  }
0xc5: {  	s30 =	sld [smem:$0x0];
	_ =	sdelay $0x2  }
0xc6: {  	s31 =	sshll.u32 s1, $0xD;
	s1 =	sshrl.u32 s1, $0x2  }
0xc7: {  	s4 =	sand.u32 $0x4000, s31;
	s1 =	sadd.s32 s1, s30  }
0xc8: {  	s0 =	sor.u32 s4, s0;
	s1 =	sshll.u32 s1, $0x11  }
0xc9: {  	s0 =	sor.u32 s1, s0  }
0xca: {  	s0 =	sadd.s32 $0x8F2B, s0  }
0xcb: {  	[sflag:s0] =	ssyncadd.remote.s32 $0x1  }
0xcc: {  	_ =	sfence.sel $0xFFFF  }
0xcd: {  	[dreg:$0x0] =	wrdreg $0xFFFFFFFF;
	(pc) =	sbr.abs _section_cstart, $3  }
0xce: {  	[dreg:$0x1] =	wrdreg $0xFFFFFFFF  }
0xcf: {  	_ =	task.clear_ibuf [dreg:s22], $0x2FFFF;
	_ =	strace $0x9FFFFFFF  }
0xd0: {  	(tm) =	ssettm $0x7FFFFFFF  }
0xd1: {  	_ =	shalt  }
tec
execute0_lowered:
.L_overlay_start_1:
0x0: {  	(tag) =	ssettag $0x1  }
0x1: {  	s2 =	stileid.u32  }
0x2: {  	s1 =	rddreg [dreg:$0x0];
	s3 =	sshll.u32 s2, $0x8;
	s2 =	simm.s32 $0x0  }
0x3: {  	s21 =	simm.s32 $0x480;
	[smem:$0x7FF] =	sst s2  }
0x4: {  	s22 =	simm.s32 $0x500;
	_ =	strace $0x8000004A;
	[dreg:$0x3] =	wrdreg s21  }
0x5: {  	s23 =	simm.s32 $0x580;
	[dreg:$0x4] =	wrdreg s22  }
0x6: {  	s24 =	simm.s32 $0x600;
	[dreg:$0x5] =	wrdreg s23  }
0x7: {  	s25 =	simm.s32 $0x680;
	[dreg:$0x6] =	wrdreg s24  }
0x8: {  	s26 =	simm.s32 $0x700;
	[dreg:$0x7] =	wrdreg s25  }
0x9: {  	s31 =	simm.s32 $0x780;
	[dreg:$0x8] =	wrdreg s26  }
0xa: {  	s6 =	simm.s32 $0x880;
	[dreg:$0x9] =	wrdreg s31  }
0xb: {  	s7 =	simm.s32 $0x900;
	[dreg:$0xb] =	wrdreg s6  }
0xc: {  	s8 =	simm.s32 $0x980;
	[dreg:$0xc] =	wrdreg s7  }
0xd: {  	s9 =	simm.s32 $0xA00;
	[dreg:$0xd] =	wrdreg s8  }
0xe: {  	s10 =	simm.s32 $0xA80;
	[dreg:$0xe] =	wrdreg s9  }
0xf: {  	s11 =	simm.s32 $0xB00;
	[dreg:$0xf] =	wrdreg s10  }
0x10: {  	s12 =	simm.s32 $0xB80;
	[dreg:$0x10] =	wrdreg s11  }
0x11: {  	s13 =	simm.s32 $0xC00;
	[dreg:$0x11] =	wrdreg s12  }
0x12: {  	s14 =	simm.s32 $0xC80;
	[dreg:$0x12] =	wrdreg s13  }
0x13: {  	s15 =	simm.s32 $0xD00;
	[dreg:$0x13] =	wrdreg s14  }
0x14: {  	s16 =	simm.s32 $0xD80;
	[dreg:$0x14] =	wrdreg s15  }
0x15: {  	s17 =	simm.s32 $0xE00;
	[dreg:$0x15] =	wrdreg s16  }
0x16: {  	s0 =	srdreg.scid;
	s18 =	simm.s32 $0xE80;
	[dreg:$0x16] =	wrdreg s17  }
0x17: {  	s19 =	simm.s32 $0xF00;
	s5 =	sand.u32 $0x1, s0;
	[dreg:$0x17] =	wrdreg s18  }
0x18: {  	s20 =	simm.s32 $0xF80;
	s4 =	sshll.u32 s5, $0x7;
	[dreg:$0x18] =	wrdreg s19  }
0x19: {  	s3 =	sor.u32 s4, s3;
	s4 =	simm.s32 $0x800;
	[dreg:$0x19] =	wrdreg s20  }
0x1a: {  	s21 =	simm.s32 $0x1000;
	[dreg:$0xa] =	wrdreg s4  }
0x1b: {  	s22 =	simm.s32 $0x1080;
	[dreg:$0x1a] =	wrdreg s21  }
0x1c: {  	s23 =	simm.s32 $0x1100;
	[dreg:$0x1b] =	wrdreg s22  }
0x1d: {  	s24 =	simm.s32 $0x1180;
	[dreg:$0x1c] =	wrdreg s23  }
0x1e: {  	s25 =	simm.s32 $0x1200;
	[dreg:$0x1d] =	wrdreg s24  }
0x1f: {  	s26 =	simm.s32 $0x1280;
	[dreg:$0x1e] =	wrdreg s25  }
0x20: {  	s31 =	simm.s32 $0x1300;
	[dreg:$0x1f] =	wrdreg s26  }
0x21: {  	s6 =	simm.s32 $0x3480;
	[smem:$0x7B6] =	sst s31  }
0x22: {  	s7 =	simm.s32 $0x1400;
	[smem:$0x7B8] =	sst s6  }
0x23: {  	s8 =	simm.s32 $0x1480;
	[smem:$0x7B9] =	sst s7  }
0x24: {  	s9 =	simm.s32 $0x1500;
	[smem:$0x7BA] =	sst s8  }
0x25: {  	s10 =	simm.s32 $0x1580;
	[smem:$0x7BB] =	sst s9  }
0x26: {  	s11 =	simm.s32 $0x1600;
	[smem:$0x7BC] =	sst s10  }
0x27: {  	s12 =	simm.s32 $0x1680;
	[smem:$0x7BD] =	sst s11  }
0x28: {  	s13 =	simm.s32 $0x1700;
	[smem:$0x7BE] =	sst s12  }
0x29: {  	s14 =	simm.s32 $0x1780;
	[smem:$0x7BF] =	sst s13  }
0x2a: {  	s15 =	simm.s32 $0x1800;
	[smem:$0x7C0] =	sst s14  }
0x2b: {  	s16 =	simm.s32 $0x1880;
	[smem:$0x7C1] =	sst s15  }
0x2c: {  	s17 =	simm.s32 $0x1900;
	[smem:$0x7C2] =	sst s16  }
0x2d: {  	s18 =	simm.s32 $0x1980;
	[smem:$0x7C3] =	sst s17  }
0x2e: {  	s19 =	simm.s32 $0x1A00;
	[smem:$0x7C4] =	sst s18  }
0x2f: {  	s20 =	simm.s32 $0x1A80;
	[smem:$0x7C5] =	sst s19  }
0x30: {  	s0 =	sadd.s32 s3, s1;
	[smem:$0x7C6] =	sst s20  }
0x31: {  	s4 =	simm.s32 $0x1380;
	[smem:$0x7FD] =	sst s0  }
0x32: {  	s21 =	simm.s32 $0x1B00;
	[smem:$0x7B7] =	sst s4  }
0x33: {  	s22 =	simm.s32 $0x1B80;
	[smem:$0x7C7] =	sst s21  }
0x34: {  	s23 =	simm.s32 $0x3500;
	[smem:$0x7C8] =	sst s22  }
0x35: {  	s24 =	simm.s32 $0x1C00;
	[smem:$0x7C9] =	sst s23  }
0x36: {  	s25 =	simm.s32 $0x1C80;
	[smem:$0x7CA] =	sst s24  }
0x37: {  	s26 =	simm.s32 $0x1D00;
	[smem:$0x7CB] =	sst s25  }
0x38: {  	s31 =	simm.s32 $0x1D80;
	[smem:$0x7CC] =	sst s26  }
0x39: {  	s6 =	simm.s32 $0x1E80;
	[smem:$0x7CD] =	sst s31  }
0x3a: {  	s7 =	simm.s32 $0x1F00;
	[smem:$0x7CF] =	sst s6  }
0x3b: {  	s8 =	simm.s32 $0x1F80;
	[smem:$0x7D0] =	sst s7  }
0x3c: {  	s9 =	simm.s32 $0x2000;
	[smem:$0x7D1] =	sst s8  }
0x3d: {  	s10 =	simm.s32 $0x2080;
	[smem:$0x7D2] =	sst s9  }
0x3e: {  	s11 =	simm.s32 $0x2100;
	[smem:$0x7D3] =	sst s10  }
0x3f: {  	s12 =	simm.s32 $0x2180;
	[smem:$0x7D4] =	sst s11  }
0x40: {  	s13 =	simm.s32 $0x2200;
	[smem:$0x7D5] =	sst s12  }
0x41: {  	s14 =	simm.s32 $0x2280;
	[smem:$0x7D6] =	sst s13  }
0x42: {  	s15 =	simm.s32 $0x2300;
	[smem:$0x7D7] =	sst s14  }
0x43: {  	s16 =	simm.s32 $0x2380;
	[smem:$0x7D8] =	sst s15  }
0x44: {  	s17 =	simm.s32 $0x3580;
	[smem:$0x7D9] =	sst s16  }
0x45: {  	s18 =	simm.s32 $0x2400;
	[smem:$0x7DA] =	sst s17  }
0x46: {  	s19 =	simm.s32 $0x2480;
	[smem:$0x7DB] =	sst s18  }
0x47: {  	s20 =	simm.s32 $0x2500;
	[smem:$0x7DC] =	sst s19  }
0x48: {  	s3 =	sadd.s32 $0x297200, s0;
	[smem:$0x7DD] =	sst s20  }
0x49: {  	s4 =	simm.s32 $0x1E00;
	[dreg:$0x2] =	wrdreg s3  }
0x4a: {  	s21 =	simm.s32 $0x2580;
	[smem:$0x7CE] =	sst s4  }
0x4b: {  	s22 =	simm.s32 $0x2600;
	[smem:$0x7DE] =	sst s21  }
0x4c: {  	s23 =	simm.s32 $0x2680;
	[smem:$0x7DF] =	sst s22  }
0x4d: {  	s24 =	simm.s32 $0x2700;
	[smem:$0x7E0] =	sst s23  }
0x4e: {  	s25 =	simm.s32 $0x2780;
	[smem:$0x7E1] =	sst s24  }
0x4f: {  	s26 =	simm.s32 $0x2800;
	[smem:$0x7E2] =	sst s25  }
0x50: {  	s31 =	simm.s32 $0x2880;
	[smem:$0x7E3] =	sst s26  }
0x51: {  	s6 =	simm.s32 $0x2980;
	[smem:$0x7E4] =	sst s31  }
0x52: {  	s7 =	simm.s32 $0x2A00;
	[smem:$0x7E6] =	sst s6  }
0x53: {  	s8 =	simm.s32 $0x2A80;
	[smem:$0x7E7] =	sst s7  }
0x54: {  	s9 =	simm.s32 $0x2B00;
	[smem:$0x7E8] =	sst s8  }
0x55: {  	s10 =	simm.s32 $0x2B80;
	[smem:$0x7E9] =	sst s9  }
0x56: {  	s11 =	simm.s32 $0x3600;
	[smem:$0x7EA] =	sst s10  }
0x57: {  	s12 =	simm.s32 $0x2C00;
	[smem:$0x7EB] =	sst s11  }
0x58: {  	s13 =	simm.s32 $0x2C80;
	[smem:$0x7EC] =	sst s12  }
0x59: {  	s14 =	simm.s32 $0x2D00;
	[smem:$0x7ED] =	sst s13  }
0x5a: {  	s15 =	simm.s32 $0x2D80;
	[smem:$0x7EE] =	sst s14  }
0x5b: {  	s16 =	simm.s32 $0x2E00;
	[smem:$0x7EF] =	sst s15  }
0x5c: {  	s17 =	simm.s32 $0x2E80;
	[smem:$0x7F0] =	sst s16  }
0x5d: {  	s18 =	simm.s32 $0x2F00;
	[smem:$0x7F1] =	sst s17  }
0x5e: {  	s19 =	simm.s32 $0x2F80;
	[smem:$0x7F2] =	sst s18  }
0x5f: {  	s20 =	simm.s32 $0x3000;
	[smem:$0x7F3] =	sst s19  }
0x60: {  	s0 =	sadd.s32 $0x146200, s0;
	[smem:$0x7F4] =	sst s20  }
0x61: {  	s4 =	simm.s32 $0x2900;
	[smem:$0x7B5] =	sst s0  }
0x62: {  	s21 =	simm.s32 $0x3080;
	[smem:$0x7E5] =	sst s4  }
0x63: {  	s22 =	simm.s32 $0x3100;
	[smem:$0x7F5] =	sst s21  }
0x64: {  	s23 =	simm.s32 $0x3180;
	[smem:$0x7F6] =	sst s22  }
0x65: {  	s24 =	simm.s32 $0x3200;
	[smem:$0x7F7] =	sst s23  }
0x66: {  	s25 =	simm.s32 $0x3280;
	[smem:$0x7F8] =	sst s24  }
0x67: {  	s6 =	simm.s32 $0x3300;
	[smem:$0x7F9] =	sst s25  }
0x68: {  	s26 =	simm.s32 $0x3380;
	s3 =	simm.s32 $0x8000;
	[smem:$0x7FA] =	sst s6  }
0x69: {  	s7 =	simm.s32 $0x3680;
	s4 =	simm.s32 $0x400;
	[smem:$0x7FB] =	sst s26  }
0x6a: {  	[tilespmem:s2], [sflag:$0x3] =	stream.strided.gather [hbm4b:s0+s4], $0x0, s3, s4, $0x38;
	[tilespmem:$0x3800] =	vst v63  }
0x6b: {  	s6 =	simm.s32 $0x3;
	[smem:$0x7FC] =	sst s7  }
0x6c: {  	[tilespmem:s2], [sflag:$0x3] =	stream.linear.gather [hbm4b:s0+s2], $0x300, $0x38;
	[tilespmem:$0x3800] =	vst v63  }
0x6d: {  	_ =	swait.ge [sflag:s6], $0x300  }
0x6e: {  	[sflag:s6] =	ssyncset.done $0x0  }
0x6f: {  	s8 =	simm.s32 $0x80;
	s7 =	sadd.s32 $0x1EC200, s1;
	[sflag:s6] =	ssyncadd.s32 $0xFFFFFD00  }
0x70: {  	[tilespmem:s4], [sflag:$0x1] =	stream.indirect.gather [hbm4b:s7+s8], $0x1, s2, s8, $0xb8;
	[tilespmem:$0x3800] =	vst v63  }
0x71: {  	s9 =	sadd.s32 $0x1FF200, s1;
	s10 =	rddreg [dreg:$0x3]  }
0x72: {  	[tilespmem:s10], [sflag:$0x1] =	stream.indirect.gather [hbm4b:s9+s8], $0x1, s2, s8, $0xb8;
	[tilespmem:$0x3800] =	vst v63  }
0x73: {  	s11 =	rddreg [dreg:$0x4];
	s10 =	sadd.s32 $0x212200, s1  }
0x74: {  	[tilespmem:s11], [sflag:$0x1] =	stream.indirect.gather [hbm4b:s10+s8], $0x1, s2, s8, $0xb8;
	[tilespmem:$0x3800] =	vst v63  }
0x75: {  	s12 =	rddreg [dreg:$0x5];
	s11 =	sadd.s32 $0x225200, s1  }
0x76: {  	[tilespmem:s12], [sflag:$0x1] =	stream.indirect.gather [hbm4b:s11+s8], $0x1, s2, s8, $0xb8;
	[tilespmem:$0x3800] =	vst v63  }
0x77: {  	s13 =	rddreg [dreg:$0x6];
	s12 =	sadd.s32 $0x238200, s1  }
0x78: {  	[tilespmem:s13], [sflag:$0x1] =	stream.indirect.gather [hbm4b:s12+s8], $0x1, s2, s8, $0xb8;
	[tilespmem:$0x3800] =	vst v63  }
0x79: {  	s14 =	rddreg [dreg:$0x7];
	s13 =	sadd.s32 $0x24B200, s1  }
0x7a: {  	[tilespmem:s14], [sflag:$0x1] =	stream.indirect.gather [hbm4b:s13+s8], $0x1, s2, s8, $0xb8;
	[tilespmem:$0x3800] =	vst v63  }
0x7b: {  	s15 =	rddreg [dreg:$0x8];
	s14 =	sadd.s32 $0x25E200, s1  }
0x7c: {  	[tilespmem:s15], [sflag:$0x1] =	stream.indirect.gather [hbm4b:s14+s8], $0x1, s2, s8, $0xb8;
	[tilespmem:$0x3800] =	vst v63  }
0x7d: {  	s16 =	rddreg [dreg:$0x9];
	s15 =	sadd.s32 $0x271200, s1  }
0x7e: {  	[tilespmem:s16], [sflag:$0x1] =	stream.indirect.gather [hbm4b:s15+s8], $0x1, s2, s8, $0xb8;
	[tilespmem:$0x3800] =	vst v63  }
0x7f: {  	s17 =	rddreg [dreg:$0xa];
	s16 =	sadd.s32 $0x284200, s1  }
0x80: {  	[tilespmem:s17], [sflag:$0x1] =	stream.indirect.gather [hbm4b:s16+s8], $0x1, s2, s8, $0xb8;
	[tilespmem:$0x3800] =	vst v63  }
0x81: {  	s18 =	rddreg [dreg:$0xb];
	s17 =	sadd.s32 $0x154200, s1  }
0x82: {  	[tilespmem:s18], [sflag:$0x1] =	stream.indirect.gather [hbm4b:s17+s8], $0x1, s2, s8, $0xb8;
	[tilespmem:$0x3800] =	vst v63  }
0x83: {  	s19 =	rddreg [dreg:$0xc];
	s18 =	sadd.s32 $0x167200, s1  }
0x84: {  	[tilespmem:s19], [sflag:$0x1] =	stream.indirect.gather [hbm4b:s18+s8], $0x1, s2, s8, $0xb8;
	[tilespmem:$0x3800] =	vst v63  }
0x85: {  	s20 =	rddreg [dreg:$0xd];
	s19 =	sadd.s32 $0x17A200, s1  }
0x86: {  	[tilespmem:s20], [sflag:$0x1] =	stream.indirect.gather [hbm4b:s19+s8], $0x1, s2, s8, $0xb8;
	[tilespmem:$0x3800] =	vst v63  }
0x87: {  	s21 =	rddreg [dreg:$0xe];
	s20 =	sadd.s32 $0x18D200, s1  }
0x88: {  	[tilespmem:s21], [sflag:$0x1] =	stream.indirect.gather [hbm4b:s20+s8], $0x1, s2, s8, $0xb8;
	[tilespmem:$0x3800] =	vst v63  }
0x89: {  	s22 =	rddreg [dreg:$0xf];
	s21 =	sadd.s32 $0x1A0200, s1  }
0x8a: {  	[tilespmem:s22], [sflag:$0x1] =	stream.indirect.gather [hbm4b:s21+s8], $0x1, s2, s8, $0xb8;
	[tilespmem:$0x3800] =	vst v63  }
0x8b: {  	s23 =	rddreg [dreg:$0x10];
	s22 =	sadd.s32 $0x1B3200, s1  }
0x8c: {  	[tilespmem:s23], [sflag:$0x1] =	stream.indirect.gather [hbm4b:s22+s8], $0x1, s2, s8, $0xb8;
	[tilespmem:$0x3800] =	vst v63  }
0x8d: {  	s24 =	rddreg [dreg:$0x11];
	s23 =	sadd.s32 $0x1C6200, s1  }
0x8e: {  	[tilespmem:s24], [sflag:$0x1] =	stream.indirect.gather [hbm4b:s23+s8], $0x1, s2, s8, $0xb8;
	[tilespmem:$0x3800] =	vst v63  }
0x8f: {  	s25 =	simm.s32 $0x3400;
	s31 =	rddreg [dreg:$0x12];
	s24 =	sadd.s32 $0x1D9200, s1  }
0x90: {  	[tilespmem:s25], [sflag:$0x2] =	stream.indirect.gather [hbm4b:s24+s8], $0x1, s2, s8, $0xb8;
	[tilespmem:$0x3800] =	vst v63  }
0x91: {  	s26 =	rddreg [dreg:$0x13]  }
0x92: {  	[tilespmem:s31], [sflag:$0x1] =	stream.indirect.gather [hbm4b:s7+s8], $0x1, s8, s8, $0xb8;
	[tilespmem:$0x3800] =	vst v63  }
0x93: {  	s0 =	rddreg [dreg:$0x14]  }
0x94: {  	[tilespmem:s26], [sflag:$0x1] =	stream.indirect.gather [hbm4b:s9+s8], $0x1, s8, s8, $0xb8;
	[tilespmem:$0x3800] =	vst v63  }
0x95: {  	s31 =	rddreg [dreg:$0x15]  }
0x96: {  	[tilespmem:s0], [sflag:$0x1] =	stream.indirect.gather [hbm4b:s10+s8], $0x1, s8, s8, $0xb8;
	[tilespmem:$0x3800] =	vst v63  }
0x97: {  	s0 =	rddreg [dreg:$0x16]  }
0x98: {  	[tilespmem:s31], [sflag:$0x1] =	stream.indirect.gather [hbm4b:s11+s8], $0x1, s8, s8, $0xb8;
	[tilespmem:$0x3800] =	vst v63  }
0x99: {  	s31 =	rddreg [dreg:$0x17]  }
0x9a: {  	[tilespmem:s0], [sflag:$0x1] =	stream.indirect.gather [hbm4b:s12+s8], $0x1, s8, s8, $0xb8;
	[tilespmem:$0x3800] =	vst v63  }
0x9b: {  	s0 =	rddreg [dreg:$0x18]  }
0x9c: {  	[tilespmem:s31], [sflag:$0x1] =	stream.indirect.gather [hbm4b:s13+s8], $0x1, s8, s8, $0xb8;
	[tilespmem:$0x3800] =	vst v63  }
0x9d: {  	s31 =	rddreg [dreg:$0x19]  }
0x9e: {  	[tilespmem:s0], [sflag:$0x1] =	stream.indirect.gather [hbm4b:s14+s8], $0x1, s8, s8, $0xb8;
	[tilespmem:$0x3800] =	vst v63  }
0x9f: {  	s0 =	rddreg [dreg:$0x1a]  }
0xa0: {  	[tilespmem:s31], [sflag:$0x1] =	stream.indirect.gather [hbm4b:s15+s8], $0x1, s8, s8, $0xb8;
	[tilespmem:$0x3800] =	vst v63  }
0xa1: {  	s31 =	rddreg [dreg:$0x1b]  }
0xa2: {  	[tilespmem:s0], [sflag:$0x1] =	stream.indirect.gather [hbm4b:s16+s8], $0x1, s8, s8, $0xb8;
	[tilespmem:$0x3800] =	vst v63  }
0xa3: {  	s0 =	rddreg [dreg:$0x1c]  }
0xa4: {  	[tilespmem:s31], [sflag:$0x1] =	stream.indirect.gather [hbm4b:s17+s8], $0x1, s8, s8, $0xb8;
	[tilespmem:$0x3800] =	vst v63  }
0xa5: {  	s31 =	rddreg [dreg:$0x1d]  }
0xa6: {  	[tilespmem:s0], [sflag:$0x1] =	stream.indirect.gather [hbm4b:s18+s8], $0x1, s8, s8, $0xb8;
	[tilespmem:$0x3800] =	vst v63  }
0xa7: {  	s0 =	rddreg [dreg:$0x1e]  }
0xa8: {  	[tilespmem:s31], [sflag:$0x1] =	stream.indirect.gather [hbm4b:s19+s8], $0x1, s8, s8, $0xb8;
	[tilespmem:$0x3800] =	vst v63  }
0xa9: {  	s31 =	rddreg [dreg:$0x1f]  }
0xaa: {  	[tilespmem:s0], [sflag:$0x1] =	stream.indirect.gather [hbm4b:s20+s8], $0x1, s8, s8, $0xb8;
	[tilespmem:$0x3800] =	vst v63  }
0xab: {  	s0 =	sld [smem:$0x7B6]  }
0xac: {  	[tilespmem:s31], [sflag:$0x1] =	stream.indirect.gather [hbm4b:s21+s8], $0x1, s8, s8, $0xb8;
	[tilespmem:$0x3800] =	vst v63  }
0xad: {  	s31 =	sld [smem:$0x7B7]  }
0xae: {  	[tilespmem:s0], [sflag:$0x1] =	stream.indirect.gather [hbm4b:s22+s8], $0x1, s8, s8, $0xb8;
	[tilespmem:$0x3800] =	vst v63  }
0xaf: {  	s0 =	sld [smem:$0x7B8]  }
0xb0: {  	[tilespmem:s31], [sflag:$0x1] =	stream.indirect.gather [hbm4b:s23+s8], $0x1, s8, s8, $0xb8;
	[tilespmem:$0x3800] =	vst v63  }
0xb1: {  	s28 =	sld [smem:$0x7B9]  }
0xb2: {  	[tilespmem:s0], [sflag:$0x2] =	stream.indirect.gather [hbm4b:s24+s8], $0x1, s8, s8, $0xb8;
	[tilespmem:$0x3800] =	vst v63  }
0xb3: {  	s26 =	simm.s32 $0x100;
	s31 =	sld [smem:$0x7BA]  }
0xb4: {  	[tilespmem:s28], [sflag:$0x1] =	stream.indirect.gather [hbm4b:s7+s8], $0x1, s26, s8, $0xb8;
	[tilespmem:$0x3800] =	vst v63  }
0xb5: {  	s28 =	sld [smem:$0x7BB]  }
0xb6: {  	[tilespmem:s31], [sflag:$0x1] =	stream.indirect.gather [hbm4b:s9+s8], $0x1, s26, s8, $0xb8;
	[tilespmem:$0x3800] =	vst v63  }
0xb7: {  	s0 =	sld [smem:$0x7BC]  }
0xb8: {  	[tilespmem:s28], [sflag:$0x1] =	stream.indirect.gather [hbm4b:s10+s8], $0x1, s26, s8, $0xb8;
	[tilespmem:$0x3800] =	vst v63  }
0xb9: {  	s28 =	sld [smem:$0x7BD]  }
0xba: {  	[tilespmem:s0], [sflag:$0x1] =	stream.indirect.gather [hbm4b:s11+s8], $0x1, s26, s8, $0xb8;
	[tilespmem:$0x3800] =	vst v63  }
0xbb: {  	s31 =	sld [smem:$0x7BE]  }
0xbc: {  	[tilespmem:s28], [sflag:$0x1] =	stream.indirect.gather [hbm4b:s12+s8], $0x1, s26, s8, $0xb8;
	[tilespmem:$0x3800] =	vst v63  }
0xbd: {  	s28 =	sld [smem:$0x7BF]  }
0xbe: {  	[tilespmem:s31], [sflag:$0x1] =	stream.indirect.gather [hbm4b:s13+s8], $0x1, s26, s8, $0xb8;
	[tilespmem:$0x3800] =	vst v63  }
0xbf: {  	s0 =	sld [smem:$0x7C0]  }
0xc0: {  	[tilespmem:s28], [sflag:$0x1] =	stream.indirect.gather [hbm4b:s14+s8], $0x1, s26, s8, $0xb8;
	[tilespmem:$0x3800] =	vst v63  }
0xc1: {  	s28 =	sld [smem:$0x7C1]  }
0xc2: {  	[tilespmem:s0], [sflag:$0x1] =	stream.indirect.gather [hbm4b:s15+s8], $0x1, s26, s8, $0xb8;
	[tilespmem:$0x3800] =	vst v63  }
0xc3: {  	s31 =	sld [smem:$0x7C2]  }
0xc4: {  	[tilespmem:s28], [sflag:$0x1] =	stream.indirect.gather [hbm4b:s16+s8], $0x1, s26, s8, $0xb8;
	[tilespmem:$0x3800] =	vst v63  }
0xc5: {  	s28 =	sld [smem:$0x7C3]  }
0xc6: {  	[tilespmem:s31], [sflag:$0x1] =	stream.indirect.gather [hbm4b:s17+s8], $0x1, s26, s8, $0xb8;
	[tilespmem:$0x3800] =	vst v63  }
0xc7: {  	s0 =	sld [smem:$0x7C4]  }
0xc8: {  	[tilespmem:s28], [sflag:$0x1] =	stream.indirect.gather [hbm4b:s18+s8], $0x1, s26, s8, $0xb8;
	[tilespmem:$0x3800] =	vst v63  }
0xc9: {  	s28 =	sld [smem:$0x7C5]  }
0xca: {  	[tilespmem:s0], [sflag:$0x1] =	stream.indirect.gather [hbm4b:s19+s8], $0x1, s26, s8, $0xb8;
	[tilespmem:$0x3800] =	vst v63  }
0xcb: {  	s31 =	sld [smem:$0x7C6]  }
0xcc: {  	[tilespmem:s28], [sflag:$0x1] =	stream.indirect.gather [hbm4b:s20+s8], $0x1, s26, s8, $0xb8;
	[tilespmem:$0x3800] =	vst v63  }
0xcd: {  	s28 =	sld [smem:$0x7C7]  }
0xce: {  	[tilespmem:s31], [sflag:$0x1] =	stream.indirect.gather [hbm4b:s21+s8], $0x1, s26, s8, $0xb8;
	[tilespmem:$0x3800] =	vst v63  }
0xcf: {  	s0 =	sld [smem:$0x7C8]  }
0xd0: {  	[tilespmem:s28], [sflag:$0x1] =	stream.indirect.gather [hbm4b:s22+s8], $0x1, s26, s8, $0xb8;
	[tilespmem:$0x3800] =	vst v63  }
0xd1: {  	s28 =	sld [smem:$0x7C9]  }
0xd2: {  	[tilespmem:s0], [sflag:$0x1] =	stream.indirect.gather [hbm4b:s23+s8], $0x1, s26, s8, $0xb8;
	[tilespmem:$0x3800] =	vst v63  }
0xd3: {  	s31 =	sld [smem:$0x7CA]  }
0xd4: {  	[tilespmem:s28], [sflag:$0x2] =	stream.indirect.gather [hbm4b:s24+s8], $0x1, s26, s8, $0xb8;
	[tilespmem:$0x3800] =	vst v63  }
0xd5: {  	s29 =	sld [smem:$0x7CB];
	s28 =	simm.s32 $0x180  }
0xd6: {  	[tilespmem:s31], [sflag:$0x1] =	stream.indirect.gather [hbm4b:s7+s8], $0x1, s28, s8, $0xb8;
	[tilespmem:$0x3800] =	vst v63  }
0xd7: {  	s0 =	sld [smem:$0x7CC]  }
0xd8: {  	[tilespmem:s29], [sflag:$0x1] =	stream.indirect.gather [hbm4b:s9+s8], $0x1, s28, s8, $0xb8;
	[tilespmem:$0x3800] =	vst v63  }
0xd9: {  	s29 =	sld [smem:$0x7CD]  }
0xda: {  	[tilespmem:s0], [sflag:$0x1] =	stream.indirect.gather [hbm4b:s10+s8], $0x1, s28, s8, $0xb8;
	[tilespmem:$0x3800] =	vst v63  }
0xdb: {  	s31 =	sld [smem:$0x7CE]  }
0xdc: {  	[tilespmem:s29], [sflag:$0x1] =	stream.indirect.gather [hbm4b:s11+s8], $0x1, s28, s8, $0xb8;
	[tilespmem:$0x3800] =	vst v63  }
0xdd: {  	s29 =	sld [smem:$0x7CF]  }
0xde: {  	[tilespmem:s31], [sflag:$0x1] =	stream.indirect.gather [hbm4b:s12+s8], $0x1, s28, s8, $0xb8;
	[tilespmem:$0x3800] =	vst v63  }
0xdf: {  	s0 =	sld [smem:$0x7D0]  }
0xe0: {  	[tilespmem:s29], [sflag:$0x1] =	stream.indirect.gather [hbm4b:s13+s8], $0x1, s28, s8, $0xb8;
	[tilespmem:$0x3800] =	vst v63  }
0xe1: {  	s29 =	sld [smem:$0x7D1]  }
0xe2: {  	[tilespmem:s0], [sflag:$0x1] =	stream.indirect.gather [hbm4b:s14+s8], $0x1, s28, s8, $0xb8;
	[tilespmem:$0x3800] =	vst v63  }
0xe3: {  	s31 =	sld [smem:$0x7D2]  }
0xe4: {  	[tilespmem:s29], [sflag:$0x1] =	stream.indirect.gather [hbm4b:s15+s8], $0x1, s28, s8, $0xb8;
	[tilespmem:$0x3800] =	vst v63  }
0xe5: {  	s29 =	sld [smem:$0x7D3]  }
0xe6: {  	[tilespmem:s31], [sflag:$0x1] =	stream.indirect.gather [hbm4b:s16+s8], $0x1, s28, s8, $0xb8;
	[tilespmem:$0x3800] =	vst v63  }
0xe7: {  	s0 =	sld [smem:$0x7D4]  }
0xe8: {  	[tilespmem:s29], [sflag:$0x1] =	stream.indirect.gather [hbm4b:s17+s8], $0x1, s28, s8, $0xb8;
	[tilespmem:$0x3800] =	vst v63  }
0xe9: {  	s29 =	sld [smem:$0x7D5]  }
0xea: {  	[tilespmem:s0], [sflag:$0x1] =	stream.indirect.gather [hbm4b:s18+s8], $0x1, s28, s8, $0xb8;
	[tilespmem:$0x3800] =	vst v63  }
0xeb: {  	s31 =	sld [smem:$0x7D6]  }
0xec: {  	[tilespmem:s29], [sflag:$0x1] =	stream.indirect.gather [hbm4b:s19+s8], $0x1, s28, s8, $0xb8;
	[tilespmem:$0x3800] =	vst v63  }
0xed: {  	s29 =	sld [smem:$0x7D7]  }
0xee: {  	[tilespmem:s31], [sflag:$0x1] =	stream.indirect.gather [hbm4b:s20+s8], $0x1, s28, s8, $0xb8;
	[tilespmem:$0x3800] =	vst v63  }
0xef: {  	s0 =	sld [smem:$0x7D8]  }
0xf0: {  	[tilespmem:s29], [sflag:$0x1] =	stream.indirect.gather [hbm4b:s21+s8], $0x1, s28, s8, $0xb8;
	[tilespmem:$0x3800] =	vst v63  }
0xf1: {  	s29 =	sld [smem:$0x7D9]  }
0xf2: {  	[tilespmem:s0], [sflag:$0x1] =	stream.indirect.gather [hbm4b:s22+s8], $0x1, s28, s8, $0xb8;
	[tilespmem:$0x3800] =	vst v63  }
0xf3: {  	s31 =	sld [smem:$0x7DA]  }
0xf4: {  	[tilespmem:s29], [sflag:$0x1] =	stream.indirect.gather [hbm4b:s23+s8], $0x1, s28, s8, $0xb8;
	[tilespmem:$0x3800] =	vst v63  }
0xf5: {  	s30 =	sld [smem:$0x7DB]  }
0xf6: {  	[tilespmem:s31], [sflag:$0x2] =	stream.indirect.gather [hbm4b:s24+s8], $0x1, s28, s8, $0xb8;
	[tilespmem:$0x3800] =	vst v63  }
0xf7: {  	s0 =	sld [smem:$0x7DC];
	s29 =	simm.s32 $0x200  }
0xf8: {  	[tilespmem:s30], [sflag:$0x1] =	stream.indirect.gather [hbm4b:s7+s8], $0x1, s29, s8, $0xb8;
	[tilespmem:$0x3800] =	vst v63  }
0xf9: {  	s30 =	sld [smem:$0x7DD]  }
0xfa: {  	[tilespmem:s0], [sflag:$0x1] =	stream.indirect.gather [hbm4b:s9+s8], $0x1, s29, s8, $0xb8;
	[tilespmem:$0x3800] =	vst v63  }
0xfb: {  	s31 =	sld [smem:$0x7DE]  }
0xfc: {  	[tilespmem:s30], [sflag:$0x1] =	stream.indirect.gather [hbm4b:s10+s8], $0x1, s29, s8, $0xb8;
	[tilespmem:$0x3800] =	vst v63  }
0xfd: {  	s30 =	sld [smem:$0x7DF]  }
0xfe: {  	[tilespmem:s31], [sflag:$0x1] =	stream.indirect.gather [hbm4b:s11+s8], $0x1, s29, s8, $0xb8;
	[tilespmem:$0x3800] =	vst v63  }
0xff: {  	s0 =	sld [smem:$0x7E0]  }
0x100: {  	[tilespmem:s30], [sflag:$0x1] =	stream.indirect.gather [hbm4b:s12+s8], $0x1, s29, s8, $0xb8;
	[tilespmem:$0x3800] =	vst v63  }
0x101: {  	s30 =	sld [smem:$0x7E1]  }
0x102: {  	[tilespmem:s0], [sflag:$0x1] =	stream.indirect.gather [hbm4b:s13+s8], $0x1, s29, s8, $0xb8;
	[tilespmem:$0x3800] =	vst v63  }
0x103: {  	s31 =	sld [smem:$0x7E2]  }
0x104: {  	[tilespmem:s30], [sflag:$0x1] =	stream.indirect.gather [hbm4b:s14+s8], $0x1, s29, s8, $0xb8;
	[tilespmem:$0x3800] =	vst v63  }
0x105: {  	s30 =	sld [smem:$0x7E3]  }
0x106: {  	[tilespmem:s31], [sflag:$0x1] =	stream.indirect.gather [hbm4b:s15+s8], $0x1, s29, s8, $0xb8;
	[tilespmem:$0x3800] =	vst v63  }
0x107: {  	s0 =	sld [smem:$0x7E4]  }
0x108: {  	[tilespmem:s30], [sflag:$0x1] =	stream.indirect.gather [hbm4b:s16+s8], $0x1, s29, s8, $0xb8;
	[tilespmem:$0x3800] =	vst v63  }
0x109: {  	s30 =	sld [smem:$0x7E5]  }
0x10a: {  	[tilespmem:s0], [sflag:$0x1] =	stream.indirect.gather [hbm4b:s17+s8], $0x1, s29, s8, $0xb8;
	[tilespmem:$0x3800] =	vst v63  }
0x10b: {  	s31 =	sld [smem:$0x7E6]  }
0x10c: {  	[tilespmem:s30], [sflag:$0x1] =	stream.indirect.gather [hbm4b:s18+s8], $0x1, s29, s8, $0xb8;
	[tilespmem:$0x3800] =	vst v63  }
0x10d: {  	s30 =	sld [smem:$0x7E7]  }
0x10e: {  	[tilespmem:s31], [sflag:$0x1] =	stream.indirect.gather [hbm4b:s19+s8], $0x1, s29, s8, $0xb8;
	[tilespmem:$0x3800] =	vst v63  }
0x10f: {  	s0 =	sld [smem:$0x7E8]  }
0x110: {  	[tilespmem:s30], [sflag:$0x1] =	stream.indirect.gather [hbm4b:s20+s8], $0x1, s29, s8, $0xb8;
	[tilespmem:$0x3800] =	vst v63  }
0x111: {  	s30 =	sld [smem:$0x7E9]  }
0x112: {  	[tilespmem:s0], [sflag:$0x1] =	stream.indirect.gather [hbm4b:s21+s8], $0x1, s29, s8, $0xb8;
	[tilespmem:$0x3800] =	vst v63  }
0x113: {  	s31 =	sld [smem:$0x7EA]  }
0x114: {  	[tilespmem:s30], [sflag:$0x1] =	stream.indirect.gather [hbm4b:s22+s8], $0x1, s29, s8, $0xb8;
	[tilespmem:$0x3800] =	vst v63  }
0x115: {  	s30 =	sld [smem:$0x7EB]  }
0x116: {  	[tilespmem:s31], [sflag:$0x1] =	stream.indirect.gather [hbm4b:s23+s8], $0x1, s29, s8, $0xb8;
	[tilespmem:$0x3800] =	vst v63  }
0x117: {  	s0 =	sld [smem:$0x7EC]  }
0x118: {  	[tilespmem:s30], [sflag:$0x2] =	stream.indirect.gather [hbm4b:s24+s8], $0x1, s29, s8, $0xb8;
	[tilespmem:$0x3800] =	vst v63  }
0x119: {  	s31 =	sld [smem:$0x7ED];
	s30 =	simm.s32 $0x280  }
0x11a: {  	[tilespmem:s0], [sflag:$0x1] =	stream.indirect.gather [hbm4b:s7+s8], $0x1, s30, s8, $0xb8;
	[tilespmem:$0x3800] =	vst v63  }
0x11b: {  	s0 =	sld [smem:$0x7EE]  }
0x11c: {  	[tilespmem:s31], [sflag:$0x1] =	stream.indirect.gather [hbm4b:s9+s8], $0x1, s30, s8, $0xb8;
	[tilespmem:$0x3800] =	vst v63  }
0x11d: {  	s31 =	sld [smem:$0x7EF]  }
0x11e: {  	[tilespmem:s0], [sflag:$0x1] =	stream.indirect.gather [hbm4b:s10+s8], $0x1, s30, s8, $0xb8;
	[tilespmem:$0x3800] =	vst v63  }
0x11f: {  	s0 =	sld [smem:$0x7F0]  }
0x120: {  	[tilespmem:s31], [sflag:$0x1] =	stream.indirect.gather [hbm4b:s11+s8], $0x1, s30, s8, $0xb8;
	[tilespmem:$0x3800] =	vst v63  }
0x121: {  	s31 =	sld [smem:$0x7F1]  }
0x122: {  	[tilespmem:s0], [sflag:$0x1] =	stream.indirect.gather [hbm4b:s12+s8], $0x1, s30, s8, $0xb8;
	[tilespmem:$0x3800] =	vst v63  }
0x123: {  	s0 =	sld [smem:$0x7F2]  }
0x124: {  	[tilespmem:s31], [sflag:$0x1] =	stream.indirect.gather [hbm4b:s13+s8], $0x1, s30, s8, $0xb8;
	[tilespmem:$0x3800] =	vst v63  }
0x125: {  	s31 =	sld [smem:$0x7F3]  }
0x126: {  	[tilespmem:s0], [sflag:$0x1] =	stream.indirect.gather [hbm4b:s14+s8], $0x1, s30, s8, $0xb8;
	[tilespmem:$0x3800] =	vst v63  }
0x127: {  	s0 =	sld [smem:$0x7F4]  }
0x128: {  	[tilespmem:s31], [sflag:$0x1] =	stream.indirect.gather [hbm4b:s15+s8], $0x1, s30, s8, $0xb8;
	[tilespmem:$0x3800] =	vst v63  }
0x129: {  	s31 =	sld [smem:$0x7F5]  }
0x12a: {  	[tilespmem:s0], [sflag:$0x1] =	stream.indirect.gather [hbm4b:s16+s8], $0x1, s30, s8, $0xb8;
	[tilespmem:$0x3800] =	vst v63  }
0x12b: {  	s0 =	sld [smem:$0x7F6]  }
0x12c: {  	[tilespmem:s31], [sflag:$0x1] =	stream.indirect.gather [hbm4b:s17+s8], $0x1, s30, s8, $0xb8;
	[tilespmem:$0x3800] =	vst v63  }
0x12d: {  	s31 =	sld [smem:$0x7F7]  }
0x12e: {  	[tilespmem:s0], [sflag:$0x1] =	stream.indirect.gather [hbm4b:s18+s8], $0x1, s30, s8, $0xb8;
	[tilespmem:$0x3800] =	vst v63  }
0x12f: {  	s0 =	sld [smem:$0x7F8]  }
0x130: {  	[tilespmem:s31], [sflag:$0x1] =	stream.indirect.gather [hbm4b:s19+s8], $0x1, s30, s8, $0xb8;
	[tilespmem:$0x3800] =	vst v63  }
0x131: {  	s31 =	sld [smem:$0x7F9]  }
0x132: {  	[tilespmem:s0], [sflag:$0x1] =	stream.indirect.gather [hbm4b:s20+s8], $0x1, s30, s8, $0xb8;
	[tilespmem:$0x3800] =	vst v63  }
0x133: {  	s0 =	sld [smem:$0x7FA]  }
0x134: {  	[tilespmem:s31], [sflag:$0x1] =	stream.indirect.gather [hbm4b:s21+s8], $0x1, s30, s8, $0xb8;
	[tilespmem:$0x3800] =	vst v63  }
0x135: {  	s31 =	sld [smem:$0x7FB]  }
0x136: {  	[tilespmem:s0], [sflag:$0x1] =	stream.indirect.gather [hbm4b:s22+s8], $0x1, s30, s8, $0xb8;
	[tilespmem:$0x3800] =	vst v63  }
0x137: {  	s0 =	sld [smem:$0x7FC]  }
0x138: {  	[tilespmem:s31], [sflag:$0x1] =	stream.indirect.gather [hbm4b:s23+s8], $0x1, s30, s8, $0xb8;
	[tilespmem:$0x3800] =	vst v63  }
0x139: {  	s31 =	simm.s32 $0x1  }
0x13a: {  	[tilespmem:s0], [sflag:$0x2] =	stream.indirect.gather [hbm4b:s24+s8], $0x1, s30, s8, $0xb8;
	[tilespmem:$0x3800] =	vst v63  }
0x13b: {  	_ =	swait.ge [sflag:s31], $0x3000  }
0x13c: {  	[sflag:s31] =	ssyncset.done $0x0  }
0x13d: {  	s0 =	simm.s32 $0x2;
	[sflag:s31] =	ssyncadd.s32 $0xFFFFD000  }
0x13e: {  	_ =	swait.ge [sflag:s0], $0x300  }
0x13f: {  	[sflag:s0] =	ssyncset.done $0x0  }
0x140: {  	s31 =	rddreg [dreg:$0x2];
	[sflag:s0] =	ssyncadd.s32 $0xFFFFFD00  }
0x141: {  	[hbm4b:s31+s4] =	stream.strided.scatter [tilespmem:s4], [sflag:$0x3], $0x3000, s3, s4, $0x38;
	[tilespmem:$0x3800] =	vst v63  }
0x142: {  	s1 =	ssub.s32 $0x2, s5;
	_ =	swait.ge [sflag:s6], $0x3000  }
0x143: {  	s5 =	sshrl.u32 s1, $0x1;
	s31 =	sld [smem:$0x7FD]  }
0x144: {  	s5 =	ssub.s32 s1, s5  }
0x145: {  	s5 =	smax.u32 s5, $0x1;
	[sflag:s6] =	ssyncset.done $0x0  }
0x146: {  	p0 =	sne.s32 s5, $0x1;
	[sflag:s6] =	ssyncadd.s32 $0xFFFFD000;
	s0 =	sadd.s32 $0x2A3200, s31  }
0x147: {  	[hbm4b:s0+s4] =	stream.strided.scatter [tilespmem:s25], [sflag:$0x3], $0x0, s3, s4, $0x38;
	[tilespmem:$0x3800] =	vst v63  }
.Ltmp0:
0x148: {  	_ = 	snop;
	(pc) =	sbr.rel @!p0 .LBB2_3-.Ltmp0, $4  }
0x149: {  	_ = 	snop  }
0x14a: {  	[hbm4b:s0+s2] =	stream.linear.scatter [tilespmem:s25], [sflag:$0x3], $0x300, $0x38;
	[tilespmem:$0x3800] =	vst v63  }
0x14b: {  	_ =	swait.ge [sflag:s6], $0x300  }
0x14c: {  	s5 =	sadd.s32 $0xFFFFFFFF, s5;
	[sflag:s6] =	ssyncset.done $0x0  }
0x14d: {  	s4 =	simm.s32 $0x8000;
	s31 =	simm.s32 $0x400;
	s1 =	simm.s32 $0x3400  }
.LBB2_2:
0x14e: {  	s3 =	sld [smem:$0x7B5];
	_ =	sdelay $0x1  }
0x14f: {  	[sflag:s6] =	ssyncadd.s32 $0xFFFFFD00  }
0x150: {  	[tilespmem:s2], [sflag:$0x3] =	stream.strided.gather [hbm4b:s3+s31], $0x0, s4, s31, $0x38;
	[tilespmem:$0x3800] =	vst v63  }
0x151: {  	_ = 	snop  }
0x152: {  	[tilespmem:s2], [sflag:$0x3] =	stream.linear.gather [hbm4b:s3+s2], $0x300, $0x38;
	[tilespmem:$0x3800] =	vst v63  }
0x153: {  	_ =	swait.ge [sflag:s6], $0x300  }
0x154: {  	[sflag:s6] =	ssyncset.done $0x0  }
0x155: {  	[sflag:s6] =	ssyncadd.s32 $0xFFFFFD00  }
0x156: {  	[tilespmem:s31], [sflag:$0x1] =	stream.indirect.gather [hbm4b:s7+s8], $0x1, s2, s8, $0xb8;
	[tilespmem:$0x3800] =	vst v63  }
0x157: {  	s25 =	rddreg [dreg:$0x3]  }
0x158: {  	[tilespmem:s25], [sflag:$0x1] =	stream.indirect.gather [hbm4b:s9+s8], $0x1, s2, s8, $0xb8;
	[tilespmem:$0x3800] =	vst v63  }
0x159: {  	s3 =	rddreg [dreg:$0x4]  }
0x15a: {  	[tilespmem:s3], [sflag:$0x1] =	stream.indirect.gather [hbm4b:s10+s8], $0x1, s2, s8, $0xb8;
	[tilespmem:$0x3800] =	vst v63  }
0x15b: {  	s25 =	rddreg [dreg:$0x5]  }
0x15c: {  	[tilespmem:s25], [sflag:$0x1] =	stream.indirect.gather [hbm4b:s11+s8], $0x1, s2, s8, $0xb8;
	[tilespmem:$0x3800] =	vst v63  }
0x15d: {  	s3 =	rddreg [dreg:$0x6]  }
0x15e: {  	[tilespmem:s3], [sflag:$0x1] =	stream.indirect.gather [hbm4b:s12+s8], $0x1, s2, s8, $0xb8;
	[tilespmem:$0x3800] =	vst v63  }
0x15f: {  	s25 =	rddreg [dreg:$0x7]  }
0x160: {  	[tilespmem:s25], [sflag:$0x1] =	stream.indirect.gather [hbm4b:s13+s8], $0x1, s2, s8, $0xb8;
	[tilespmem:$0x3800] =	vst v63  }
0x161: {  	s3 =	rddreg [dreg:$0x8]  }
0x162: {  	[tilespmem:s3], [sflag:$0x1] =	stream.indirect.gather [hbm4b:s14+s8], $0x1, s2, s8, $0xb8;
	[tilespmem:$0x3800] =	vst v63  }
0x163: {  	s25 =	rddreg [dreg:$0x9]  }
0x164: {  	[tilespmem:s25], [sflag:$0x1] =	stream.indirect.gather [hbm4b:s15+s8], $0x1, s2, s8, $0xb8;
	[tilespmem:$0x3800] =	vst v63  }
0x165: {  	s3 =	rddreg [dreg:$0xa]  }
0x166: {  	[tilespmem:s3], [sflag:$0x1] =	stream.indirect.gather [hbm4b:s16+s8], $0x1, s2, s8, $0xb8;
	[tilespmem:$0x3800] =	vst v63  }
0x167: {  	s25 =	rddreg [dreg:$0xb]  }
0x168: {  	[tilespmem:s25], [sflag:$0x1] =	stream.indirect.gather [hbm4b:s17+s8], $0x1, s2, s8, $0xb8;
	[tilespmem:$0x3800] =	vst v63  }
0x169: {  	s3 =	rddreg [dreg:$0xc]  }
0x16a: {  	[tilespmem:s3], [sflag:$0x1] =	stream.indirect.gather [hbm4b:s18+s8], $0x1, s2, s8, $0xb8;
	[tilespmem:$0x3800] =	vst v63  }
0x16b: {  	s25 =	rddreg [dreg:$0xd]  }
0x16c: {  	[tilespmem:s25], [sflag:$0x1] =	stream.indirect.gather [hbm4b:s19+s8], $0x1, s2, s8, $0xb8;
	[tilespmem:$0x3800] =	vst v63  }
0x16d: {  	s3 =	rddreg [dreg:$0xe]  }
0x16e: {  	[tilespmem:s3], [sflag:$0x1] =	stream.indirect.gather [hbm4b:s20+s8], $0x1, s2, s8, $0xb8;
	[tilespmem:$0x3800] =	vst v63  }
0x16f: {  	s25 =	rddreg [dreg:$0xf]  }
0x170: {  	[tilespmem:s25], [sflag:$0x1] =	stream.indirect.gather [hbm4b:s21+s8], $0x1, s2, s8, $0xb8;
	[tilespmem:$0x3800] =	vst v63  }
0x171: {  	s3 =	rddreg [dreg:$0x10]  }
0x172: {  	[tilespmem:s3], [sflag:$0x1] =	stream.indirect.gather [hbm4b:s22+s8], $0x1, s2, s8, $0xb8;
	[tilespmem:$0x3800] =	vst v63  }
0x173: {  	s25 =	rddreg [dreg:$0x11]  }
0x174: {  	[tilespmem:s25], [sflag:$0x1] =	stream.indirect.gather [hbm4b:s23+s8], $0x1, s2, s8, $0xb8;
	[tilespmem:$0x3800] =	vst v63  }
0x175: {  	s3 =	rddreg [dreg:$0x12]  }
0x176: {  	[tilespmem:s1], [sflag:$0x2] =	stream.indirect.gather [hbm4b:s24+s8], $0x1, s2, s8, $0xb8;
	[tilespmem:$0x3800] =	vst v63  }
0x177: {  	s25 =	rddreg [dreg:$0x13]  }
0x178: {  	[tilespmem:s3], [sflag:$0x1] =	stream.indirect.gather [hbm4b:s7+s8], $0x1, s8, s8, $0xb8;
	[tilespmem:$0x3800] =	vst v63  }
0x179: {  	s3 =	rddreg [dreg:$0x14]  }
0x17a: {  	[tilespmem:s25], [sflag:$0x1] =	stream.indirect.gather [hbm4b:s9+s8], $0x1, s8, s8, $0xb8;
	[tilespmem:$0x3800] =	vst v63  }
0x17b: {  	s25 =	rddreg [dreg:$0x15]  }
0x17c: {  	[tilespmem:s3], [sflag:$0x1] =	stream.indirect.gather [hbm4b:s10+s8], $0x1, s8, s8, $0xb8;
	[tilespmem:$0x3800] =	vst v63  }
0x17d: {  	s3 =	rddreg [dreg:$0x16]  }
0x17e: {  	[tilespmem:s25], [sflag:$0x1] =	stream.indirect.gather [hbm4b:s11+s8], $0x1, s8, s8, $0xb8;
	[tilespmem:$0x3800] =	vst v63  }
0x17f: {  	s25 =	rddreg [dreg:$0x17]  }
0x180: {  	[tilespmem:s3], [sflag:$0x1] =	stream.indirect.gather [hbm4b:s12+s8], $0x1, s8, s8, $0xb8;
	[tilespmem:$0x3800] =	vst v63  }
0x181: {  	s3 =	rddreg [dreg:$0x18]  }
0x182: {  	[tilespmem:s25], [sflag:$0x1] =	stream.indirect.gather [hbm4b:s13+s8], $0x1, s8, s8, $0xb8;
	[tilespmem:$0x3800] =	vst v63  }
0x183: {  	s25 =	rddreg [dreg:$0x19]  }
0x184: {  	[tilespmem:s3], [sflag:$0x1] =	stream.indirect.gather [hbm4b:s14+s8], $0x1, s8, s8, $0xb8;
	[tilespmem:$0x3800] =	vst v63  }
0x185: {  	s3 =	rddreg [dreg:$0x1a]  }
0x186: {  	[tilespmem:s25], [sflag:$0x1] =	stream.indirect.gather [hbm4b:s15+s8], $0x1, s8, s8, $0xb8;
	[tilespmem:$0x3800] =	vst v63  }
0x187: {  	s25 =	rddreg [dreg:$0x1b]  }
0x188: {  	[tilespmem:s3], [sflag:$0x1] =	stream.indirect.gather [hbm4b:s16+s8], $0x1, s8, s8, $0xb8;
	[tilespmem:$0x3800] =	vst v63  }
0x189: {  	s3 =	rddreg [dreg:$0x1c]  }
0x18a: {  	[tilespmem:s25], [sflag:$0x1] =	stream.indirect.gather [hbm4b:s17+s8], $0x1, s8, s8, $0xb8;
	[tilespmem:$0x3800] =	vst v63  }
0x18b: {  	s25 =	rddreg [dreg:$0x1d]  }
0x18c: {  	[tilespmem:s3], [sflag:$0x1] =	stream.indirect.gather [hbm4b:s18+s8], $0x1, s8, s8, $0xb8;
	[tilespmem:$0x3800] =	vst v63  }
0x18d: {  	s3 =	rddreg [dreg:$0x1e]  }
0x18e: {  	[tilespmem:s25], [sflag:$0x1] =	stream.indirect.gather [hbm4b:s19+s8], $0x1, s8, s8, $0xb8;
	[tilespmem:$0x3800] =	vst v63  }
0x18f: {  	s25 =	rddreg [dreg:$0x1f]  }
0x190: {  	[tilespmem:s3], [sflag:$0x1] =	stream.indirect.gather [hbm4b:s20+s8], $0x1, s8, s8, $0xb8;
	[tilespmem:$0x3800] =	vst v63  }
0x191: {  	s3 =	sld [smem:$0x7B6]  }
0x192: {  	[tilespmem:s25], [sflag:$0x1] =	stream.indirect.gather [hbm4b:s21+s8], $0x1, s8, s8, $0xb8;
	[tilespmem:$0x3800] =	vst v63  }
0x193: {  	s25 =	sld [smem:$0x7B7]  }
0x194: {  	[tilespmem:s3], [sflag:$0x1] =	stream.indirect.gather [hbm4b:s22+s8], $0x1, s8, s8, $0xb8;
	[tilespmem:$0x3800] =	vst v63  }
0x195: {  	s3 =	sld [smem:$0x7B8]  }
0x196: {  	[tilespmem:s25], [sflag:$0x1] =	stream.indirect.gather [hbm4b:s23+s8], $0x1, s8, s8, $0xb8;
	[tilespmem:$0x3800] =	vst v63  }
0x197: {  	s25 =	sld [smem:$0x7B9]  }
0x198: {  	[tilespmem:s3], [sflag:$0x2] =	stream.indirect.gather [hbm4b:s24+s8], $0x1, s8, s8, $0xb8;
	[tilespmem:$0x3800] =	vst v63  }
0x199: {  	s3 =	sld [smem:$0x7BA]  }
0x19a: {  	[tilespmem:s25], [sflag:$0x1] =	stream.indirect.gather [hbm4b:s7+s8], $0x1, s26, s8, $0xb8;
	[tilespmem:$0x3800] =	vst v63  }
0x19b: {  	s25 =	sld [smem:$0x7BB]  }
0x19c: {  	[tilespmem:s3], [sflag:$0x1] =	stream.indirect.gather [hbm4b:s9+s8], $0x1, s26, s8, $0xb8;
	[tilespmem:$0x3800] =	vst v63  }
0x19d: {  	s3 =	sld [smem:$0x7BC]  }
0x19e: {  	[tilespmem:s25], [sflag:$0x1] =	stream.indirect.gather [hbm4b:s10+s8], $0x1, s26, s8, $0xb8;
	[tilespmem:$0x3800] =	vst v63  }
0x19f: {  	s25 =	sld [smem:$0x7BD]  }
0x1a0: {  	[tilespmem:s3], [sflag:$0x1] =	stream.indirect.gather [hbm4b:s11+s8], $0x1, s26, s8, $0xb8;
	[tilespmem:$0x3800] =	vst v63  }
0x1a1: {  	s3 =	sld [smem:$0x7BE]  }
0x1a2: {  	[tilespmem:s25], [sflag:$0x1] =	stream.indirect.gather [hbm4b:s12+s8], $0x1, s26, s8, $0xb8;
	[tilespmem:$0x3800] =	vst v63  }
0x1a3: {  	s25 =	sld [smem:$0x7BF]  }
0x1a4: {  	[tilespmem:s3], [sflag:$0x1] =	stream.indirect.gather [hbm4b:s13+s8], $0x1, s26, s8, $0xb8;
	[tilespmem:$0x3800] =	vst v63  }
0x1a5: {  	s3 =	sld [smem:$0x7C0]  }
0x1a6: {  	[tilespmem:s25], [sflag:$0x1] =	stream.indirect.gather [hbm4b:s14+s8], $0x1, s26, s8, $0xb8;
	[tilespmem:$0x3800] =	vst v63  }
0x1a7: {  	s25 =	sld [smem:$0x7C1]  }
0x1a8: {  	[tilespmem:s3], [sflag:$0x1] =	stream.indirect.gather [hbm4b:s15+s8], $0x1, s26, s8, $0xb8;
	[tilespmem:$0x3800] =	vst v63  }
0x1a9: {  	s3 =	sld [smem:$0x7C2]  }
0x1aa: {  	[tilespmem:s25], [sflag:$0x1] =	stream.indirect.gather [hbm4b:s16+s8], $0x1, s26, s8, $0xb8;
	[tilespmem:$0x3800] =	vst v63  }
0x1ab: {  	s25 =	sld [smem:$0x7C3]  }
0x1ac: {  	[tilespmem:s3], [sflag:$0x1] =	stream.indirect.gather [hbm4b:s17+s8], $0x1, s26, s8, $0xb8;
	[tilespmem:$0x3800] =	vst v63  }
0x1ad: {  	s3 =	sld [smem:$0x7C4]  }
0x1ae: {  	[tilespmem:s25], [sflag:$0x1] =	stream.indirect.gather [hbm4b:s18+s8], $0x1, s26, s8, $0xb8;
	[tilespmem:$0x3800] =	vst v63  }
0x1af: {  	s25 =	sld [smem:$0x7C5]  }
0x1b0: {  	[tilespmem:s3], [sflag:$0x1] =	stream.indirect.gather [hbm4b:s19+s8], $0x1, s26, s8, $0xb8;
	[tilespmem:$0x3800] =	vst v63  }
0x1b1: {  	s3 =	sld [smem:$0x7C6]  }
0x1b2: {  	[tilespmem:s25], [sflag:$0x1] =	stream.indirect.gather [hbm4b:s20+s8], $0x1, s26, s8, $0xb8;
	[tilespmem:$0x3800] =	vst v63  }
0x1b3: {  	s25 =	sld [smem:$0x7C7]  }
0x1b4: {  	[tilespmem:s3], [sflag:$0x1] =	stream.indirect.gather [hbm4b:s21+s8], $0x1, s26, s8, $0xb8;
	[tilespmem:$0x3800] =	vst v63  }
0x1b5: {  	s3 =	sld [smem:$0x7C8]  }
0x1b6: {  	[tilespmem:s25], [sflag:$0x1] =	stream.indirect.gather [hbm4b:s22+s8], $0x1, s26, s8, $0xb8;
	[tilespmem:$0x3800] =	vst v63  }
0x1b7: {  	s25 =	sld [smem:$0x7C9]  }
0x1b8: {  	[tilespmem:s3], [sflag:$0x1] =	stream.indirect.gather [hbm4b:s23+s8], $0x1, s26, s8, $0xb8;
	[tilespmem:$0x3800] =	vst v63  }
0x1b9: {  	s3 =	sld [smem:$0x7CA]  }
0x1ba: {  	[tilespmem:s25], [sflag:$0x2] =	stream.indirect.gather [hbm4b:s24+s8], $0x1, s26, s8, $0xb8;
	[tilespmem:$0x3800] =	vst v63  }
0x1bb: {  	s25 =	sld [smem:$0x7CB]  }
0x1bc: {  	[tilespmem:s3], [sflag:$0x1] =	stream.indirect.gather [hbm4b:s7+s8], $0x1, s28, s8, $0xb8;
	[tilespmem:$0x3800] =	vst v63  }
0x1bd: {  	s3 =	sld [smem:$0x7CC]  }
0x1be: {  	[tilespmem:s25], [sflag:$0x1] =	stream.indirect.gather [hbm4b:s9+s8], $0x1, s28, s8, $0xb8;
	[tilespmem:$0x3800] =	vst v63  }
0x1bf: {  	s25 =	sld [smem:$0x7CD]  }
0x1c0: {  	[tilespmem:s3], [sflag:$0x1] =	stream.indirect.gather [hbm4b:s10+s8], $0x1, s28, s8, $0xb8;
	[tilespmem:$0x3800] =	vst v63  }
0x1c1: {  	s3 =	sld [smem:$0x7CE]  }
0x1c2: {  	[tilespmem:s25], [sflag:$0x1] =	stream.indirect.gather [hbm4b:s11+s8], $0x1, s28, s8, $0xb8;
	[tilespmem:$0x3800] =	vst v63  }
0x1c3: {  	s25 =	sld [smem:$0x7CF]  }
0x1c4: {  	[tilespmem:s3], [sflag:$0x1] =	stream.indirect.gather [hbm4b:s12+s8], $0x1, s28, s8, $0xb8;
	[tilespmem:$0x3800] =	vst v63  }
0x1c5: {  	s3 =	sld [smem:$0x7D0]  }
0x1c6: {  	[tilespmem:s25], [sflag:$0x1] =	stream.indirect.gather [hbm4b:s13+s8], $0x1, s28, s8, $0xb8;
	[tilespmem:$0x3800] =	vst v63  }
0x1c7: {  	s25 =	sld [smem:$0x7D1]  }
0x1c8: {  	[tilespmem:s3], [sflag:$0x1] =	stream.indirect.gather [hbm4b:s14+s8], $0x1, s28, s8, $0xb8;
	[tilespmem:$0x3800] =	vst v63  }
0x1c9: {  	s3 =	sld [smem:$0x7D2]  }
0x1ca: {  	[tilespmem:s25], [sflag:$0x1] =	stream.indirect.gather [hbm4b:s15+s8], $0x1, s28, s8, $0xb8;
	[tilespmem:$0x3800] =	vst v63  }
0x1cb: {  	s25 =	sld [smem:$0x7D3]  }
0x1cc: {  	[tilespmem:s3], [sflag:$0x1] =	stream.indirect.gather [hbm4b:s16+s8], $0x1, s28, s8, $0xb8;
	[tilespmem:$0x3800] =	vst v63  }
0x1cd: {  	s3 =	sld [smem:$0x7D4]  }
0x1ce: {  	[tilespmem:s25], [sflag:$0x1] =	stream.indirect.gather [hbm4b:s17+s8], $0x1, s28, s8, $0xb8;
	[tilespmem:$0x3800] =	vst v63  }
0x1cf: {  	s25 =	sld [smem:$0x7D5]  }
0x1d0: {  	[tilespmem:s3], [sflag:$0x1] =	stream.indirect.gather [hbm4b:s18+s8], $0x1, s28, s8, $0xb8;
	[tilespmem:$0x3800] =	vst v63  }
0x1d1: {  	s3 =	sld [smem:$0x7D6]  }
0x1d2: {  	[tilespmem:s25], [sflag:$0x1] =	stream.indirect.gather [hbm4b:s19+s8], $0x1, s28, s8, $0xb8;
	[tilespmem:$0x3800] =	vst v63  }
0x1d3: {  	s25 =	sld [smem:$0x7D7]  }
0x1d4: {  	[tilespmem:s3], [sflag:$0x1] =	stream.indirect.gather [hbm4b:s20+s8], $0x1, s28, s8, $0xb8;
	[tilespmem:$0x3800] =	vst v63  }
0x1d5: {  	s3 =	sld [smem:$0x7D8]  }
0x1d6: {  	[tilespmem:s25], [sflag:$0x1] =	stream.indirect.gather [hbm4b:s21+s8], $0x1, s28, s8, $0xb8;
	[tilespmem:$0x3800] =	vst v63  }
0x1d7: {  	s25 =	sld [smem:$0x7D9]  }
0x1d8: {  	[tilespmem:s3], [sflag:$0x1] =	stream.indirect.gather [hbm4b:s22+s8], $0x1, s28, s8, $0xb8;
	[tilespmem:$0x3800] =	vst v63  }
0x1d9: {  	s3 =	sld [smem:$0x7DA]  }
0x1da: {  	[tilespmem:s25], [sflag:$0x1] =	stream.indirect.gather [hbm4b:s23+s8], $0x1, s28, s8, $0xb8;
	[tilespmem:$0x3800] =	vst v63  }
0x1db: {  	s25 =	sld [smem:$0x7DB]  }
0x1dc: {  	[tilespmem:s3], [sflag:$0x2] =	stream.indirect.gather [hbm4b:s24+s8], $0x1, s28, s8, $0xb8;
	[tilespmem:$0x3800] =	vst v63  }
0x1dd: {  	s3 =	sld [smem:$0x7DC]  }
0x1de: {  	[tilespmem:s25], [sflag:$0x1] =	stream.indirect.gather [hbm4b:s7+s8], $0x1, s29, s8, $0xb8;
	[tilespmem:$0x3800] =	vst v63  }
0x1df: {  	s25 =	sld [smem:$0x7DD]  }
0x1e0: {  	[tilespmem:s3], [sflag:$0x1] =	stream.indirect.gather [hbm4b:s9+s8], $0x1, s29, s8, $0xb8;
	[tilespmem:$0x3800] =	vst v63  }
0x1e1: {  	s3 =	sld [smem:$0x7DE]  }
0x1e2: {  	[tilespmem:s25], [sflag:$0x1] =	stream.indirect.gather [hbm4b:s10+s8], $0x1, s29, s8, $0xb8;
	[tilespmem:$0x3800] =	vst v63  }
0x1e3: {  	s25 =	sld [smem:$0x7DF]  }
0x1e4: {  	[tilespmem:s3], [sflag:$0x1] =	stream.indirect.gather [hbm4b:s11+s8], $0x1, s29, s8, $0xb8;
	[tilespmem:$0x3800] =	vst v63  }
0x1e5: {  	s3 =	sld [smem:$0x7E0]  }
0x1e6: {  	[tilespmem:s25], [sflag:$0x1] =	stream.indirect.gather [hbm4b:s12+s8], $0x1, s29, s8, $0xb8;
	[tilespmem:$0x3800] =	vst v63  }
0x1e7: {  	s25 =	sld [smem:$0x7E1]  }
0x1e8: {  	[tilespmem:s3], [sflag:$0x1] =	stream.indirect.gather [hbm4b:s13+s8], $0x1, s29, s8, $0xb8;
	[tilespmem:$0x3800] =	vst v63  }
0x1e9: {  	s3 =	sld [smem:$0x7E2]  }
0x1ea: {  	[tilespmem:s25], [sflag:$0x1] =	stream.indirect.gather [hbm4b:s14+s8], $0x1, s29, s8, $0xb8;
	[tilespmem:$0x3800] =	vst v63  }
0x1eb: {  	s25 =	sld [smem:$0x7E3]  }
0x1ec: {  	[tilespmem:s3], [sflag:$0x1] =	stream.indirect.gather [hbm4b:s15+s8], $0x1, s29, s8, $0xb8;
	[tilespmem:$0x3800] =	vst v63  }
0x1ed: {  	s3 =	sld [smem:$0x7E4]  }
0x1ee: {  	[tilespmem:s25], [sflag:$0x1] =	stream.indirect.gather [hbm4b:s16+s8], $0x1, s29, s8, $0xb8;
	[tilespmem:$0x3800] =	vst v63  }
0x1ef: {  	s25 =	sld [smem:$0x7E5]  }
0x1f0: {  	[tilespmem:s3], [sflag:$0x1] =	stream.indirect.gather [hbm4b:s17+s8], $0x1, s29, s8, $0xb8;
	[tilespmem:$0x3800] =	vst v63  }
0x1f1: {  	s3 =	sld [smem:$0x7E6]  }
0x1f2: {  	[tilespmem:s25], [sflag:$0x1] =	stream.indirect.gather [hbm4b:s18+s8], $0x1, s29, s8, $0xb8;
	[tilespmem:$0x3800] =	vst v63  }
0x1f3: {  	s25 =	sld [smem:$0x7E7]  }
0x1f4: {  	[tilespmem:s3], [sflag:$0x1] =	stream.indirect.gather [hbm4b:s19+s8], $0x1, s29, s8, $0xb8;
	[tilespmem:$0x3800] =	vst v63  }
0x1f5: {  	s3 =	sld [smem:$0x7E8]  }
0x1f6: {  	[tilespmem:s25], [sflag:$0x1] =	stream.indirect.gather [hbm4b:s20+s8], $0x1, s29, s8, $0xb8;
	[tilespmem:$0x3800] =	vst v63  }
0x1f7: {  	s25 =	sld [smem:$0x7E9]  }
0x1f8: {  	[tilespmem:s3], [sflag:$0x1] =	stream.indirect.gather [hbm4b:s21+s8], $0x1, s29, s8, $0xb8;
	[tilespmem:$0x3800] =	vst v63  }
0x1f9: {  	s3 =	sld [smem:$0x7EA]  }
0x1fa: {  	[tilespmem:s25], [sflag:$0x1] =	stream.indirect.gather [hbm4b:s22+s8], $0x1, s29, s8, $0xb8;
	[tilespmem:$0x3800] =	vst v63  }
0x1fb: {  	s25 =	sld [smem:$0x7EB]  }
0x1fc: {  	[tilespmem:s3], [sflag:$0x1] =	stream.indirect.gather [hbm4b:s23+s8], $0x1, s29, s8, $0xb8;
	[tilespmem:$0x3800] =	vst v63  }
0x1fd: {  	s3 =	sld [smem:$0x7EC]  }
0x1fe: {  	[tilespmem:s25], [sflag:$0x2] =	stream.indirect.gather [hbm4b:s24+s8], $0x1, s29, s8, $0xb8;
	[tilespmem:$0x3800] =	vst v63  }
0x1ff: {  	s25 =	sld [smem:$0x7ED]  }
0x200: {  	[tilespmem:s3], [sflag:$0x1] =	stream.indirect.gather [hbm4b:s7+s8], $0x1, s30, s8, $0xb8;
	[tilespmem:$0x3800] =	vst v63  }
0x201: {  	s3 =	sld [smem:$0x7EE]  }
0x202: {  	[tilespmem:s25], [sflag:$0x1] =	stream.indirect.gather [hbm4b:s9+s8], $0x1, s30, s8, $0xb8;
	[tilespmem:$0x3800] =	vst v63  }
0x203: {  	s25 =	sld [smem:$0x7EF]  }
0x204: {  	[tilespmem:s3], [sflag:$0x1] =	stream.indirect.gather [hbm4b:s10+s8], $0x1, s30, s8, $0xb8;
	[tilespmem:$0x3800] =	vst v63  }
0x205: {  	s3 =	sld [smem:$0x7F0]  }
0x206: {  	[tilespmem:s25], [sflag:$0x1] =	stream.indirect.gather [hbm4b:s11+s8], $0x1, s30, s8, $0xb8;
	[tilespmem:$0x3800] =	vst v63  }
0x207: {  	s25 =	sld [smem:$0x7F1]  }
0x208: {  	[tilespmem:s3], [sflag:$0x1] =	stream.indirect.gather [hbm4b:s12+s8], $0x1, s30, s8, $0xb8;
	[tilespmem:$0x3800] =	vst v63  }
0x209: {  	s3 =	sld [smem:$0x7F2]  }
0x20a: {  	[tilespmem:s25], [sflag:$0x1] =	stream.indirect.gather [hbm4b:s13+s8], $0x1, s30, s8, $0xb8;
	[tilespmem:$0x3800] =	vst v63  }
0x20b: {  	s25 =	sld [smem:$0x7F3]  }
0x20c: {  	[tilespmem:s3], [sflag:$0x1] =	stream.indirect.gather [hbm4b:s14+s8], $0x1, s30, s8, $0xb8;
	[tilespmem:$0x3800] =	vst v63  }
0x20d: {  	s3 =	sld [smem:$0x7F4]  }
0x20e: {  	[tilespmem:s25], [sflag:$0x1] =	stream.indirect.gather [hbm4b:s15+s8], $0x1, s30, s8, $0xb8;
	[tilespmem:$0x3800] =	vst v63  }
0x20f: {  	s25 =	sld [smem:$0x7F5]  }
0x210: {  	[tilespmem:s3], [sflag:$0x1] =	stream.indirect.gather [hbm4b:s16+s8], $0x1, s30, s8, $0xb8;
	[tilespmem:$0x3800] =	vst v63  }
0x211: {  	s3 =	sld [smem:$0x7F6]  }
0x212: {  	[tilespmem:s25], [sflag:$0x1] =	stream.indirect.gather [hbm4b:s17+s8], $0x1, s30, s8, $0xb8;
	[tilespmem:$0x3800] =	vst v63  }
0x213: {  	s25 =	sld [smem:$0x7F7]  }
0x214: {  	[tilespmem:s3], [sflag:$0x1] =	stream.indirect.gather [hbm4b:s18+s8], $0x1, s30, s8, $0xb8;
	[tilespmem:$0x3800] =	vst v63  }
0x215: {  	s3 =	sld [smem:$0x7F8]  }
0x216: {  	[tilespmem:s25], [sflag:$0x1] =	stream.indirect.gather [hbm4b:s19+s8], $0x1, s30, s8, $0xb8;
	[tilespmem:$0x3800] =	vst v63  }
0x217: {  	s25 =	sld [smem:$0x7F9]  }
0x218: {  	[tilespmem:s3], [sflag:$0x1] =	stream.indirect.gather [hbm4b:s20+s8], $0x1, s30, s8, $0xb8;
	[tilespmem:$0x3800] =	vst v63  }
0x219: {  	s3 =	sld [smem:$0x7FA]  }
0x21a: {  	[tilespmem:s25], [sflag:$0x1] =	stream.indirect.gather [hbm4b:s21+s8], $0x1, s30, s8, $0xb8;
	[tilespmem:$0x3800] =	vst v63  }
0x21b: {  	s25 =	sld [smem:$0x7FB]  }
0x21c: {  	[tilespmem:s3], [sflag:$0x1] =	stream.indirect.gather [hbm4b:s22+s8], $0x1, s30, s8, $0xb8;
	[tilespmem:$0x3800] =	vst v63  }
0x21d: {  	s3 =	sld [smem:$0x7FC]  }
0x21e: {  	[tilespmem:s25], [sflag:$0x1] =	stream.indirect.gather [hbm4b:s23+s8], $0x1, s30, s8, $0xb8;
	[tilespmem:$0x3800] =	vst v63  }
0x21f: {  	s25 =	simm.s32 $0x1  }
0x220: {  	[tilespmem:s3], [sflag:$0x2] =	stream.indirect.gather [hbm4b:s24+s8], $0x1, s30, s8, $0xb8;
	[tilespmem:$0x3800] =	vst v63  }
0x221: {  	_ =	swait.ge [sflag:s25], $0x3000  }
0x222: {  	[sflag:s25] =	ssyncset.done $0x0  }
0x223: {  	[sflag:s25] =	ssyncadd.s32 $0xFFFFD000;
	s25 =	simm.s32 $0x2  }
0x224: {  	_ =	swait.ge [sflag:s25], $0x300  }
0x225: {  	[sflag:s25] =	ssyncset.done $0x0  }
0x226: {  	s3 =	rddreg [dreg:$0x2];
	[sflag:s25] =	ssyncadd.s32 $0xFFFFFD00  }
0x227: {  	[hbm4b:s3+s31] =	stream.strided.scatter [tilespmem:s31], [sflag:$0x3], $0x3000, s4, s31, $0x38;
	[tilespmem:$0x3800] =	vst v63  }
0x228: {  	_ =	swait.ge [sflag:s6], $0x3000  }
0x229: {  	[sflag:s6] =	ssyncset.done $0x0  }
0x22a: {  	p0 =	sne.s32 s5, $0x1;
	[sflag:s6] =	ssyncadd.s32 $0xFFFFD000  }
0x22b: {  	[hbm4b:s0+s31] =	stream.strided.scatter [tilespmem:s1], [sflag:$0x3], $0x0, s4, s31, $0x38;
	[tilespmem:$0x3800] =	vst v63  }
.Ltmp1:
0x22c: {  	_ = 	snop;
	(pc) =	sbr.rel @p0 .LBB2_2-.Ltmp1, $4  }
0x22d: {  	_ = 	snop  }
0x22e: {  	[hbm4b:s0+s2] =	stream.linear.scatter [tilespmem:s1], [sflag:$0x3], $0x300, $0x38;
	[tilespmem:$0x3800] =	vst v63  }
0x22f: {  	_ =	swait.ge [sflag:s6], $0x300  }
0x230: {  	s5 =	sadd.s32 $0xFFFFFFFF, s5;
	[sflag:s6] =	ssyncset.done $0x0  }
.LBB2_3:
0x231: {  	[sflag:s6] =	ssyncadd.s32 $0xFFFFFD00  }
0x232: {  	_ =	sfence.sel $0x180000  }
0x233: {  	[bflag:$0x0] =	sbarrier.arrive $0xFFFF  }
0x234: {  	_ =	strace $0x9000004A  }
0x235: {  	s0 =	stileid.u32;
	[bflag:$0x2] =	sbarrier.arrive $0xFFFF  }
0x236: {  	p0 =	sne.s32 s0, $0x0;
	s0 =	rddreg [dreg:$0x1]  }
0x237: {  	s0 =	sadd.s32 @!p0 $0x100000, s0  }
0x238: {  	[sflag:s0] =	ssyncadd.tile.s32 @!p0 $0x1;
	_ =	shalt  }
.Lfunc_end2:
_tile_overlayer_lowered:
.L_overlay_start_2:
0x239: {  	(tag) =	ssettag $0x2  }
0x23a: {  	s0 =	rddreg [dreg:$0x0];
	s2 =	stileid.u32  }
0x23b: {  	s1 =	rddreg [dreg:$0x1];
	p0 =	sne.s32 s2, $0x0  }
0x23c: {  	s3 =	rddreg [dreg:$0x2];
	[bflag:$0x3] =	sbarrier.arrive $0xFFFF;
	s2 =	simm.s32 @!p0 $0x1C03  }
0x23d: {  	[timem:s3], [sflag:s2] =	dma.local @!p0 [hbm:s0], s1  }
0x23e: {  	s0 =	simm.s32 @!p0 $0x3  }
0x23f: {  	_ =	swait.ge @!p0 [sflag:s0], s1  }
0x240: {  	s1 =	ssub.s32 @!p0 $0x0, s1;
	[sflag:s0] =	ssyncset.done @!p0 $0x0  }
0x241: {  	[sflag:s0] =	ssyncadd.s32 @!p0 s1  }
0x242: {  	[bflag:$0x3] =	sbarrier.arrive $0xFFFF  }
0x243: {  	_ =	shalt  }

// kernel: kernel.18.cloned.1.call-start
scs
__scs_entry_jumppad:
0x0: {  	(pc) =	sbr.rel $0x88, $3  }
0x1: {  	(tag) =	ssettag $0x0;
	lr =	simm.s32 $0x1  }
0x2: {  	[smem:$0x3F8F] =	sst lr;
	_ =	strace $0xD0000000  }
0x3: {  	_ = 	snop  }
0x4: {  	_ = 	snop  }
0x5: {  	_ = 	snop  }
0x6: {  	_ = 	snop  }
0x7: {  	_ = 	snop  }
__scs_overlays_trampoline_lowered:
0x8: {  	[smem:$0x3F9E] =	sst s0  }
0x9: {  	[smem:$0x3F9F] =	sst s1  }
0xa: {  	[smem:$0x3FA0] =	sst s2  }
0xb: {  	[smem:$0x3FA1] =	sst s3  }
0xc: {  	[smem:$0x3FA2] =	sst s4  }
0xd: {  	[smem:$0x3FA3] =	sst s5  }
0xe: {  	[smem:$0x3FA4] =	sst s6  }
0xf: {  	[smem:$0x3FA5] =	sst s7  }
0x10: {  	[smem:$0x3FA6] =	sst s8  }
0x11: {  	[smem:$0x3FA7] =	sst s9;
	s0 =	simm.s32 @!p0 $0x0  }
0x12: {  	s1 =	sld [smem:$0x3F8D];
	s0 =	simm.s32 @p0 $0x1  }
0x13: {  	[smem:$0x3FA8] =	sst s0;
	s0 =	simm.s32 @!p1 $0x0  }
0x14: {  	s2 =	sld [smem:$0x3F8C];
	s0 =	simm.s32 @p1 $0x1  }
0x15: {  	[smem:$0x3FA9] =	sst s0;
	s0 =	simm.s32 @!p2 $0x0  }
0x16: {  	s3 =	sld [smem:$0x3FDB];
	s0 =	simm.s32 @p2 $0x1  }
0x17: {  	s4 =	simm.s32 $0x1BF5;
	[smem:$0x3FAB] =	sst s0  }
0x18: {  	s0 =	sld [smem:$0x3F8E];
	_ =	swait.ge [sflag:s4], $0x0  }
0x19: {  	s7 =	sld [smem:$0x3F8F]  }
0x1a: {  	s8 =	sadd.s32 $0xFFFFE003, lr  }
0x1b: {  	s9 =	sadd.s32 $0xFFFFFEF7, lr;
	s5 =	simm.s32 $0xFFFFFFFF;
	p2 =	slt.u32 s8, $0xFFFFF086  }
0x1c: {  	p1 =	slt.u32 s9, $0xF7A;
	s5 =	simm.s32 @!p2 $0x0  }
0x1d: {  	s5 =	simm.s32 @p1 $0x1;
	p0 =	seq.s32 s7, s2  }
0x1e: {  	s7 =	smul.u32 @!p0 $0xF7A, s2;
	p2 =	seq.s32 @!p0 s5, $0x0  }
0x1f: {  	s9 =	smul.u32 $0xF7A, s1;
	s8 =	simm.s32 @!p0 $0x1BF5;
	p2 =	por !p2, p0  }
0x20: {  	[sflag:s8] =	ssyncset.s32 @!p0 $0xFFFFF086;
	s6 =	sadd.s32 @!p0 s3, s7;
	s7 =	simm.s32 @!p0 $0x108  }
0x21: {  	s3 =	sadd.s32 s3, s9;
	s6 =	sadd.s32 @!p0 $0x88, s6;
	s7 =	simm.s32 @p2 $0x1082  }
0x22: {  	[simem:s7], [sflag:s8] =	dma.local @!p0 [hbm:s6], $0xF7A  }
0x23: {  	s9 =	sor.u32 $0xD0000000, s2;
	s6 =	simm.s32 $0x108;
	_ =	swait.ge @!p0 [sflag:s8], $0x0  }
0x24: {  	s3 =	sadd.s32 $0x88, s3;
	s6 =	simm.s32 @!p1 $0x1082;
	[sflag:s4] =	ssyncset.s32 $0xFFFFF086  }
0x25: {  	[simem:s6], [sflag:s4] =	dma.local [hbm:s3], $0xF7A  }
0x26: {  	[smem:$0x3F8F] =	sst s1;
	(tag) =	ssettag s2;
	_ =	strace s9  }
0x27: {  	s1 =	sld [smem:$0x3F9F]  }
0x28: {  	s2 =	sld [smem:$0x3FA0]  }
0x29: {  	s4 =	sld [smem:$0x3FA2]  }
0x2a: {  	p0 =	seq.s32 s5, $0x0;
	s5 =	sld [smem:$0x3FA3]  }
0x2b: {  	s6 =	sld [smem:$0x3FA4]  }
0x2c: {  	s7 =	sld [smem:$0x3FA5]  }
0x2d: {  	s3 =	simm.s32 $0x108;
	s8 =	sld [smem:$0x3FA6]  }
0x2e: {  	s3 =	simm.s32 @!p0 $0x1082;
	s9 =	sld [smem:$0x3FA7]  }
0x2f: {  	lr =	sadd.s32 s0, s3;
	s0 =	sld [smem:$0x3F9E]  }
0x30: {  	s3 =	sld [smem:$0x3FA1]  }
0x31: {  	[smem:$0x3FAA] =	sst s10  }
0x32: {  	s10 =	sld [smem:$0x3FA8];
	_ =	sdelay $0x3  }
0x33: {  	p0 =	seq.s32 s10, $0x1;
	s10 =	sld [smem:$0x3FAA];
	_ =	sdelay $0x3  }
0x34: {  	[smem:$0x3FAA] =	sst s10  }
0x35: {  	s10 =	sld [smem:$0x3FA9];
	_ =	sdelay $0x3  }
0x36: {  	p1 =	seq.s32 s10, $0x1;
	s10 =	sld [smem:$0x3FAA];
	_ =	sdelay $0x3  }
0x37: {  	[smem:$0x3FAA] =	sst s10  }
0x38: {  	s10 =	sld [smem:$0x3FAB]  }
0x39: {  	_ = 	snop;
	(pc) =	sbr.ind lr, $3  }
0x3a: {  	_ = 	snop  }
0x3b: {  	_ = 	snop  }
0x3c: {  	p2 =	seq.s32 s10, $0x1;
	s10 =	sld [smem:$0x3FAA]  }
0x3d: {  	_ =	shalt  }
0x3e: {  	_ =	shalt  }
0x3f: {  	_ =	shalt  }
0x40: {  	_ =	shalt  }
0x41: {  	_ =	shalt  }
0x42: {  	_ =	shalt  }
0x43: {  	_ =	shalt  }
0x44: {  	_ =	shalt  }
0x45: {  	_ =	shalt  }
0x46: {  	_ =	shalt  }
0x47: {  	_ =	shalt  }
0x48: {  	_ =	shalt  }
0x49: {  	_ =	shalt  }
0x4a: {  	_ =	shalt  }
0x4b: {  	_ =	shalt  }
0x4c: {  	_ =	shalt  }
0x4d: {  	_ =	shalt  }
0x4e: {  	_ =	shalt  }
0x4f: {  	_ =	shalt  }
0x50: {  	_ =	shalt  }
0x51: {  	_ =	shalt  }
0x52: {  	_ =	shalt  }
0x53: {  	_ =	shalt  }
0x54: {  	_ =	shalt  }
0x55: {  	_ =	shalt  }
0x56: {  	_ =	shalt  }
0x57: {  	_ =	shalt  }
0x58: {  	_ =	shalt  }
0x59: {  	_ =	shalt  }
0x5a: {  	_ =	shalt  }
0x5b: {  	_ =	shalt  }
0x5c: {  	_ =	shalt  }
0x5d: {  	_ =	shalt  }
0x5e: {  	_ =	shalt  }
0x5f: {  	_ =	shalt  }
0x60: {  	_ =	shalt  }
0x61: {  	_ =	shalt  }
0x62: {  	_ =	shalt  }
0x63: {  	_ =	shalt  }
0x64: {  	_ =	shalt  }
0x65: {  	_ =	shalt  }
0x66: {  	_ =	shalt  }
0x67: {  	_ =	shalt  }
0x68: {  	_ =	shalt  }
0x69: {  	_ =	shalt  }
0x6a: {  	_ =	shalt  }
0x6b: {  	_ =	shalt  }
0x6c: {  	_ =	shalt  }
0x6d: {  	_ =	shalt  }
0x6e: {  	_ =	shalt  }
0x6f: {  	_ =	shalt  }
0x70: {  	_ =	shalt  }
0x71: {  	_ =	shalt  }
0x72: {  	_ =	shalt  }
0x73: {  	_ =	shalt  }
0x74: {  	_ =	shalt  }
0x75: {  	_ =	shalt  }
0x76: {  	_ =	shalt  }
0x77: {  	_ =	shalt  }
0x78: {  	_ =	shalt  }
0x79: {  	_ =	shalt  }
0x7a: {  	_ =	shalt  }
0x7b: {  	_ =	shalt  }
0x7c: {  	_ =	shalt  }
0x7d: {  	_ =	shalt  }
0x7e: {  	_ =	shalt  }
0x7f: {  	_ =	shalt  }
0x80: {  	_ =	shalt  }
0x81: {  	_ =	shalt  }
0x82: {  	_ =	shalt  }
0x83: {  	_ =	shalt  }
0x84: {  	_ =	shalt  }
0x85: {  	_ =	shalt  }
0x86: {  	_ =	shalt  }
0x87: {  	_ =	shalt  }
.Lfunc_end0:
.L_simem_size_0:
called_computation.2_lowered:
.L_overlay_start_0:
0x88: {  	s2 =	sld [smem:$0x3FD9]  }
0x89: {  	s3 =	sld [smem:$0x3FFE];
	_ =	sdelay $0x1  }
0x8a: {  	s1 =	srdreg.scid  }
0x8b: {  	s0 =	sand.u32 $0x1, s1  }
0x8c: {  	s17 =	sshll.u32 s0, $0xA;
	s2 =	sadd.s32 s3, s2  }
0x8d: {  	s2 =	sadd.s32 s2, s17  }
0x8e: {  	[smem:$0x3FB6] =	sst s2  }
0x8f: {  	_ = 	snop  }
0x90: {  	s18 =	sld [smem:$0x3FD0];
	(tm) =	ssettm $0x1  }
0x91: {  	s19 =	sld [smem:$0x3FFB];
	_ =	sdelay $0x3  }
0x92: {  	_ =	strace s19  }
0x93: {  	s2 =	sld [smem:$0x3FFC];
	_ =	sdelay $0x3  }
0x94: {  	_ =	strace s2  }
0x95: {  	s2 =	sld [smem:$0x3FFD];
	_ =	sdelay $0x3  }
0x96: {  	_ =	strace s2  }
0x97: {  	_ =	strace $0x8FFFFFFF  }
0x98: {  	s20 =	sld [smem:$0x3FDB];
	_ =	sdelay $0x1  }
0x99: {  	s4 =	simm.s32 $_scs_section_size  }
0x9a: {  	s5 =	simm.s32 $_size__tile_overlayer_lowered;
	s6 =	simm.s32 $_tile_overlayer_lowered  }
0x9b: {  	s7 =	simm.s32 $0x1BFF;
	s21 =	sshll.u32 s6, $0x1;
	s4 =	sadd.s32 s4, s20  }
0x9c: {  	s22 =	simm.s32 $0x0;
	s5 =	sshll.u32 s5, $0x1;
	s6 =	sadd.s32 s21, s4  }
0x9d: {  	[timem:s22], [sflag:s7] =	dma.local [hbm:s6], s5  }
0x9e: {  	_ =	swait.ge [sflag:s7], s5  }
0x9f: {  	s5 =	ssub.s32 $0x0, s5;
	[sflag:s7] =	ssyncset.done $0x0  }
0xa0: {  	[sflag:s7] =	ssyncadd.s32 s5;
	_ =	sdelay $0x1  }
0xa1: {  	s23 =	simm.s32 $0x1B8B  }
0xa2: {  	_ =	swait.ge [sflag:s23], $0x1  }
0xa3: {  	[sflag:s23] =	ssyncset.done $0x0  }
0xa4: {  	[sflag:s23] =	ssyncadd.s32 $0xFFFFFFFF  }
0xa5: {  	s5 =	sld [smem:$0x0]  }
0xa6: {  	s6 =	sand.u32 $0xFFFFFFFE, s1  }
0xa7: {  	p0 =	sne.s32 s1, s6  }
0xa8: {  	s6 =	sshll.u32 @p0 s6, $0xE  }
0xa9: {  	s6 =	sadd.s32 @p0 $0x11B8D, s6;
	s7 =	sshll.u32 @p0 s5, $0x11  }
0xaa: {  	s6 =	sor.u32 @p0 s7, s6  }
0xab: {  	[sflag:s6] =	ssyncadd.remote.s32 @p0 $0x1;
	_ =	sdelay $0x1  }
0xac: {  	s6 =	simm.s32 @p0 $0x1B8D  }
0xad: {  	_ =	swait.eq @p0 [sflag:s6], $0x1  }
0xae: {  	[sflag:s6] =	ssyncadd.s32 @p0 $0xFFFFFFFF  }
0xaf: {  	s7 =	sshll.u32 @!p0 s1, $0xE  }
0xb0: {  	s7 =	sor.u32 @!p0 $0x4000, s7;
	s6 =	simm.s32 @!p0 $0x1B8D  }
0xb1: {  	s5 =	sshll.u32 @!p0 s5, $0x11;
	s7 =	sadd.s32 @!p0 $0x11B8D, s7;
	_ =	swait.eq @!p0 [sflag:s6], $0x1  }
0xb2: {  	s5 =	sor.u32 @!p0 s5, s7;
	[sflag:s6] =	ssyncadd.s32 @!p0 $0xFFFFFFFF  }
0xb3: {  	s25 =	simm.s32 $0x1B8E;
	s24 =	sld [smem:$0x3FFE];
	[sflag:s5] =	ssyncadd.remote.s32 @!p0 $0x1  }
0xb4: {  	s26 =	simm.s32 $execute0_lowered;
	[smem:$0x3FD2] =	sst s25  }
0xb5: {  	s6 =	sshll.u32 s26, $0x1;
	_ =	strace $0x8000004F;
	[dreg:$0x1] =	wrdreg $0xFFFFFFFF  }
0xb6: {  	s28 =	simm.s32 $_size_execute0_lowered;
	s4 =	sadd.s32 s4, s6;
	[dreg:$0x0] =	wrdreg $0x0  }
0xb7: {  	s6 =	sshll.u32 s28, $0x1;
	[dreg:$0x2] =	wrdreg s4  }
0xb8: {  	[dreg:$0x3] =	wrdreg s6  }
0xb9: {  	[dreg:$0x4] =	wrdreg $0xC0  }
0xba: {  	_ =	task [dreg:s22], $0x5FFFF  }
0xbb: {  	[dreg:$0x1] =	wrdreg $0xFFFFFFFF  }
0xbc: {  	[dreg:$0x0] =	wrdreg $0x60  }
0xbd: {  	[dreg:$0x2] =	wrdreg s24  }
0xbe: {  	[dreg:$0x3] =	wrdreg s18  }
0xbf: {  	[dreg:$0x4] =	wrdreg $0xB  }
0xc0: {  	_ =	task.clear_ibuf [dreg:s22], $0x5FFFF;
	_ =	strace $0x9000004F  }
0xc1: {  	s29 =	simm.s32 $0xB;
	_ =	strace $0x80000051  }
0xc2: {  	_ =	swait.ge [sflag:s29], $0x1  }
0xc3: {  	[sflag:s29] =	ssyncadd.s32 $0xFFFFFFFF  }
0xc4: {  	_ =	strace $0x90000051  }
0xc5: {  	_ =	sfence  }
0xc6: {  	s30 =	sld [smem:$0x0];
	_ =	sdelay $0x2  }
0xc7: {  	s31 =	sshll.u32 s1, $0xD;
	s1 =	sshrl.u32 s1, $0x2  }
0xc8: {  	s4 =	sand.u32 $0x4000, s31;
	s1 =	sadd.s32 s1, s30  }
0xc9: {  	s0 =	sor.u32 s4, s0;
	s1 =	sshll.u32 s1, $0x11  }
0xca: {  	s0 =	sor.u32 s1, s0  }
0xcb: {  	s0 =	sadd.s32 $0x8F2B, s0  }
0xcc: {  	[sflag:s0] =	ssyncadd.remote.s32 $0x1  }
0xcd: {  	_ =	sfence.sel $0xFFFF  }
0xce: {  	[dreg:$0x0] =	wrdreg $0xFFFFFFFF;
	(pc) =	sbr.abs _section_cstart, $3  }
0xcf: {  	[dreg:$0x1] =	wrdreg $0xFFFFFFFF  }
0xd0: {  	_ =	task.clear_ibuf [dreg:s22], $0x2FFFF;
	_ =	strace $0x9FFFFFFF  }
0xd1: {  	(tm) =	ssettm $0x7FFFFFFF  }
tec
execute0_lowered:
.L_overlay_start_1:
0x0: {  	(tag) =	ssettag $0x1  }
0x1: {  	s0 =	rddreg [dreg:$0x0];
	s3 =	stileid.u32  }
0x2: {  	s6 =	rddreg [dreg:$0x1];
	s24 =	sshll.u32 s3, $0x8;
	s3 =	simm.s32 $0x0  }
0x3: {  	s26 =	simm.s32 $0x480;
	[smem:$0x7FF] =	sst s3  }
0x4: {  	s5 =	simm.s32 $0x580;
	_ =	strace $0x80000050;
	[dreg:$0x4] =	wrdreg s26  }
0x5: {  	s7 =	simm.s32 $0x600;
	[dreg:$0x6] =	wrdreg s5  }
0x6: {  	s8 =	simm.s32 $0x680;
	[dreg:$0x7] =	wrdreg s7  }
0x7: {  	s9 =	simm.s32 $0x700;
	[dreg:$0x8] =	wrdreg s8  }
0x8: {  	s10 =	simm.s32 $0x780;
	[dreg:$0x9] =	wrdreg s9  }
0x9: {  	s11 =	simm.s32 $0x800;
	[dreg:$0xa] =	wrdreg s10  }
0xa: {  	s12 =	simm.s32 $0x880;
	[dreg:$0xb] =	wrdreg s11  }
0xb: {  	s13 =	simm.s32 $0x900;
	[dreg:$0xc] =	wrdreg s12  }
0xc: {  	s14 =	simm.s32 $0x980;
	[dreg:$0xd] =	wrdreg s13  }
0xd: {  	s15 =	simm.s32 $0xA00;
	[dreg:$0xe] =	wrdreg s14  }
0xe: {  	s16 =	simm.s32 $0xA80;
	[dreg:$0xf] =	wrdreg s15  }
0xf: {  	s17 =	simm.s32 $0xB00;
	[dreg:$0x10] =	wrdreg s16  }
0x10: {  	s18 =	simm.s32 $0xB80;
	[dreg:$0x11] =	wrdreg s17  }
0x11: {  	s19 =	simm.s32 $0xC00;
	[dreg:$0x12] =	wrdreg s18  }
0x12: {  	s20 =	simm.s32 $0xC80;
	[dreg:$0x13] =	wrdreg s19  }
0x13: {  	s1 =	srdreg.scid;
	s21 =	simm.s32 $0xD00;
	[dreg:$0x14] =	wrdreg s20  }
0x14: {  	s22 =	simm.s32 $0xD80;
	s25 =	sand.u32 $0x1, s1;
	[dreg:$0x15] =	wrdreg s21  }
0x15: {  	s23 =	simm.s32 $0xE00;
	s4 =	sshll.u32 s25, $0x7;
	[dreg:$0x16] =	wrdreg s22  }
0x16: {  	s1 =	sor.u32 s4, s24;
	s4 =	simm.s32 $0x500;
	[dreg:$0x17] =	wrdreg s23  }
0x17: {  	s24 =	simm.s32 $0xE80;
	[dreg:$0x5] =	wrdreg s4  }
0x18: {  	s26 =	simm.s32 $0xF00;
	[dreg:$0x18] =	wrdreg s24  }
0x19: {  	s5 =	simm.s32 $0x1000;
	[dreg:$0x19] =	wrdreg s26  }
0x1a: {  	s7 =	simm.s32 $0x1080;
	[dreg:$0x1b] =	wrdreg s5  }
0x1b: {  	s8 =	simm.s32 $0x1100;
	[dreg:$0x1c] =	wrdreg s7  }
0x1c: {  	s9 =	simm.s32 $0x1180;
	[dreg:$0x1d] =	wrdreg s8  }
0x1d: {  	s10 =	simm.s32 $0x1200;
	[dreg:$0x1e] =	wrdreg s9  }
0x1e: {  	s11 =	simm.s32 $0x1280;
	[dreg:$0x1f] =	wrdreg s10  }
0x1f: {  	s12 =	simm.s32 $0x1300;
	[smem:$0x7A3] =	sst s11  }
0x20: {  	s13 =	simm.s32 $0x1380;
	[smem:$0x7A4] =	sst s12  }
0x21: {  	s14 =	simm.s32 $0x3C80;
	[smem:$0x7A5] =	sst s13  }
0x22: {  	s15 =	simm.s32 $0x1400;
	[smem:$0x7A6] =	sst s14  }
0x23: {  	s16 =	simm.s32 $0x1480;
	[smem:$0x7A7] =	sst s15  }
0x24: {  	s17 =	simm.s32 $0x1500;
	[smem:$0x7A8] =	sst s16  }
0x25: {  	s18 =	simm.s32 $0x1580;
	[smem:$0x7A9] =	sst s17  }
0x26: {  	s19 =	simm.s32 $0x1600;
	[smem:$0x7AA] =	sst s18  }
0x27: {  	s20 =	simm.s32 $0x1680;
	[smem:$0x7AB] =	sst s19  }
0x28: {  	s21 =	simm.s32 $0x1700;
	[smem:$0x7AC] =	sst s20  }
0x29: {  	s22 =	simm.s32 $0x1780;
	[smem:$0x7AD] =	sst s21  }
0x2a: {  	s23 =	simm.s32 $0x1800;
	[smem:$0x7AE] =	sst s22  }
0x2b: {  	s2 =	sadd.s32 s1, s0;
	[smem:$0x7AF] =	sst s23  }
0x2c: {  	s4 =	simm.s32 $0xF80;
	[smem:$0x7FC] =	sst s2  }
0x2d: {  	s24 =	simm.s32 $0x1880;
	[dreg:$0x1a] =	wrdreg s4  }
0x2e: {  	s26 =	simm.s32 $0x1900;
	[smem:$0x7B0] =	sst s24  }
0x2f: {  	s5 =	simm.s32 $0x1A00;
	[smem:$0x7B1] =	sst s26  }
0x30: {  	s7 =	simm.s32 $0x1A80;
	[smem:$0x7B3] =	sst s5  }
0x31: {  	s8 =	simm.s32 $0x1B00;
	[smem:$0x7B4] =	sst s7  }
0x32: {  	s9 =	simm.s32 $0x1B80;
	[smem:$0x7B5] =	sst s8  }
0x33: {  	s10 =	simm.s32 $0x3D00;
	[smem:$0x7B6] =	sst s9  }
0x34: {  	s11 =	simm.s32 $0x1C00;
	[smem:$0x7B7] =	sst s10  }
0x35: {  	s12 =	simm.s32 $0x1C80;
	[smem:$0x7B8] =	sst s11  }
0x36: {  	s13 =	simm.s32 $0x1D00;
	[smem:$0x7B9] =	sst s12  }
0x37: {  	s14 =	simm.s32 $0x1D80;
	[smem:$0x7BA] =	sst s13  }
0x38: {  	s15 =	simm.s32 $0x1E00;
	[smem:$0x7BB] =	sst s14  }
0x39: {  	s16 =	simm.s32 $0x1E80;
	[smem:$0x7BC] =	sst s15  }
0x3a: {  	s17 =	simm.s32 $0x1F00;
	[smem:$0x7BD] =	sst s16  }
0x3b: {  	s18 =	simm.s32 $0x1F80;
	[smem:$0x7BE] =	sst s17  }
0x3c: {  	s19 =	simm.s32 $0x2000;
	[smem:$0x7BF] =	sst s18  }
0x3d: {  	s20 =	simm.s32 $0x2080;
	[smem:$0x7C0] =	sst s19  }
0x3e: {  	s21 =	simm.s32 $0x2100;
	[smem:$0x7C1] =	sst s20  }
0x3f: {  	s22 =	simm.s32 $0x2180;
	[smem:$0x7C2] =	sst s21  }
0x40: {  	s23 =	simm.s32 $0x2200;
	[smem:$0x7C3] =	sst s22  }
0x41: {  	s1 =	sadd.s32 $0x582A00, s2;
	[smem:$0x7C4] =	sst s23  }
0x42: {  	s4 =	simm.s32 $0x1980;
	[dreg:$0x3] =	wrdreg s1  }
0x43: {  	s24 =	simm.s32 $0x2280;
	[smem:$0x7B2] =	sst s4  }
0x44: {  	s26 =	simm.s32 $0x2300;
	[smem:$0x7C5] =	sst s24  }
0x45: {  	s5 =	simm.s32 $0x3D80;
	[smem:$0x7C6] =	sst s26  }
0x46: {  	s7 =	simm.s32 $0x2400;
	[smem:$0x7C8] =	sst s5  }
0x47: {  	s8 =	simm.s32 $0x2480;
	[smem:$0x7C9] =	sst s7  }
0x48: {  	s9 =	simm.s32 $0x2500;
	[smem:$0x7CA] =	sst s8  }
0x49: {  	s10 =	simm.s32 $0x2580;
	[smem:$0x7CB] =	sst s9  }
0x4a: {  	s11 =	simm.s32 $0x2600;
	[smem:$0x7CC] =	sst s10  }
0x4b: {  	s12 =	simm.s32 $0x2680;
	[smem:$0x7CD] =	sst s11  }
0x4c: {  	s13 =	simm.s32 $0x2700;
	[smem:$0x7CE] =	sst s12  }
0x4d: {  	s14 =	simm.s32 $0x2780;
	[smem:$0x7CF] =	sst s13  }
0x4e: {  	s15 =	simm.s32 $0x2800;
	[smem:$0x7D0] =	sst s14  }
0x4f: {  	s16 =	simm.s32 $0x2880;
	[smem:$0x7D1] =	sst s15  }
0x50: {  	s17 =	simm.s32 $0x2900;
	[smem:$0x7D2] =	sst s16  }
0x51: {  	s18 =	simm.s32 $0x2980;
	[smem:$0x7D3] =	sst s17  }
0x52: {  	s19 =	simm.s32 $0x2A00;
	[smem:$0x7D4] =	sst s18  }
0x53: {  	s20 =	simm.s32 $0x2A80;
	[smem:$0x7D5] =	sst s19  }
0x54: {  	s21 =	simm.s32 $0x2B00;
	[smem:$0x7D6] =	sst s20  }
0x55: {  	s22 =	simm.s32 $0x2B80;
	[smem:$0x7D7] =	sst s21  }
0x56: {  	s23 =	simm.s32 $0x3E00;
	[smem:$0x7D8] =	sst s22  }
0x57: {  	s4 =	simm.s32 $0x2380;
	[smem:$0x7D9] =	sst s23  }
0x58: {  	s24 =	simm.s32 $0x2C00;
	[smem:$0x7C7] =	sst s4  }
0x59: {  	s26 =	simm.s32 $0x2C80;
	[smem:$0x7DA] =	sst s24  }
0x5a: {  	s5 =	simm.s32 $0x2D80;
	[smem:$0x7DB] =	sst s26  }
0x5b: {  	s7 =	simm.s32 $0x2E00;
	[smem:$0x7DD] =	sst s5  }
0x5c: {  	s8 =	simm.s32 $0x2E80;
	[smem:$0x7DE] =	sst s7  }
0x5d: {  	s9 =	simm.s32 $0x2F00;
	[smem:$0x7DF] =	sst s8  }
0x5e: {  	s10 =	simm.s32 $0x2F80;
	[smem:$0x7E0] =	sst s9  }
0x5f: {  	s11 =	simm.s32 $0x3000;
	[smem:$0x7E1] =	sst s10  }
0x60: {  	s12 =	simm.s32 $0x3080;
	[smem:$0x7E2] =	sst s11  }
0x61: {  	s13 =	simm.s32 $0x3100;
	[smem:$0x7E3] =	sst s12  }
0x62: {  	s14 =	simm.s32 $0x3180;
	[smem:$0x7E4] =	sst s13  }
0x63: {  	s15 =	simm.s32 $0x3200;
	[smem:$0x7E5] =	sst s14  }
0x64: {  	s16 =	simm.s32 $0x3280;
	[smem:$0x7E6] =	sst s15  }
0x65: {  	s17 =	simm.s32 $0x3300;
	[smem:$0x7E7] =	sst s16  }
0x66: {  	s18 =	simm.s32 $0x3380;
	[smem:$0x7E8] =	sst s17  }
0x67: {  	s19 =	simm.s32 $0x3E80;
	[smem:$0x7E9] =	sst s18  }
0x68: {  	s20 =	simm.s32 $0x3400;
	[smem:$0x7EA] =	sst s19  }
0x69: {  	s21 =	simm.s32 $0x3480;
	[smem:$0x7EB] =	sst s20  }
0x6a: {  	s22 =	simm.s32 $0x3500;
	[smem:$0x7EC] =	sst s21  }
0x6b: {  	s23 =	simm.s32 $0x3580;
	[smem:$0x7ED] =	sst s22  }
0x6c: {  	s4 =	simm.s32 $0x2D00;
	[smem:$0x7EE] =	sst s23  }
0x6d: {  	s24 =	simm.s32 $0x3600;
	[smem:$0x7DC] =	sst s4  }
0x6e: {  	s26 =	simm.s32 $0x3680;
	[smem:$0x7EF] =	sst s24  }
0x6f: {  	s5 =	simm.s32 $0x3780;
	[smem:$0x7F0] =	sst s26  }
0x70: {  	s7 =	simm.s32 $0x3800;
	[smem:$0x7F2] =	sst s5  }
0x71: {  	s8 =	simm.s32 $0x3880;
	[smem:$0x7F3] =	sst s7  }
0x72: {  	s9 =	simm.s32 $0x3900;
	[smem:$0x7F4] =	sst s8  }
0x73: {  	s10 =	simm.s32 $0x3980;
	[smem:$0x7F5] =	sst s9  }
0x74: {  	s11 =	simm.s32 $0x3A00;
	[smem:$0x7F6] =	sst s10  }
0x75: {  	s12 =	simm.s32 $0x3A80;
	[smem:$0x7F7] =	sst s11  }
0x76: {  	s14 =	simm.s32 $0x3B00;
	[smem:$0x7F8] =	sst s12  }
0x77: {  	s15 =	simm.s32 $0x3B80;
	[smem:$0x7F9] =	sst s14  }
0x78: {  	s17 =	simm.s32 $0x3F00;
	[smem:$0x7FA] =	sst s15  }
0x79: {  	s13 =	sadd.s32 $0x412A00, s2;
	s16 =	simm.s32 $0x8000;
	[smem:$0x7FB] =	sst s17  }
0x7a: {  	s4 =	simm.s32 $0x3700;
	s5 =	simm.s32 $0x400;
	[smem:$0x7A2] =	sst s13  }
0x7b: {  	[tilespmem:s3], [sflag:$0x3] =	stream.strided.gather [hbm4b:s13+s5], $0x0, s16, s5, $0x38;
	[tilespmem:$0x4000] =	vst v63  }
0x7c: {  	s7 =	simm.s32 $0x3;
	[smem:$0x7F1] =	sst s4  }
0x7d: {  	[tilespmem:s3], [sflag:$0x3] =	stream.linear.gather [hbm4b:s13+s3], $0x380, $0x38;
	[tilespmem:$0x4000] =	vst v63  }
0x7e: {  	_ =	swait.ge [sflag:s7], $0x380  }
0x7f: {  	[sflag:s7] =	ssyncset.done $0x0  }
0x80: {  	s8 =	sadd.s32 $0x4E8A00, s0;
	s9 =	simm.s32 $0x80;
	[sflag:s7] =	ssyncadd.s32 $0xFFFFFC80  }
0x81: {  	[tilespmem:s5], [sflag:$0x1] =	stream.indirect.gather [hbm4b:s8+s9], $0x1, s3, s9, $0xb8;
	[tilespmem:$0x4000] =	vst v63  }
0x82: {  	s10 =	sadd.s32 $0x4FEA00, s0;
	s18 =	rddreg [dreg:$0x4]  }
0x83: {  	[tilespmem:s18], [sflag:$0x1] =	stream.indirect.gather [hbm4b:s10+s9], $0x1, s3, s9, $0xb8;
	[tilespmem:$0x4000] =	vst v63  }
0x84: {  	s11 =	sadd.s32 $0x514A00, s0;
	s12 =	rddreg [dreg:$0x5]  }
0x85: {  	[tilespmem:s12], [sflag:$0x1] =	stream.indirect.gather [hbm4b:s11+s9], $0x1, s3, s9, $0xb8;
	[tilespmem:$0x4000] =	vst v63  }
0x86: {  	s19 =	rddreg [dreg:$0x6];
	s12 =	sadd.s32 $0x52AA00, s0  }
0x87: {  	[tilespmem:s19], [sflag:$0x1] =	stream.indirect.gather [hbm4b:s12+s9], $0x1, s3, s9, $0xb8;
	[tilespmem:$0x4000] =	vst v63  }
0x88: {  	s13 =	sadd.s32 $0x540A00, s0;
	s14 =	rddreg [dreg:$0x7]  }
0x89: {  	[tilespmem:s14], [sflag:$0x1] =	stream.indirect.gather [hbm4b:s13+s9], $0x1, s3, s9, $0xb8;
	[tilespmem:$0x4000] =	vst v63  }
0x8a: {  	s20 =	rddreg [dreg:$0x8];
	s14 =	sadd.s32 $0x556A00, s0  }
0x8b: {  	[tilespmem:s20], [sflag:$0x1] =	stream.indirect.gather [hbm4b:s14+s9], $0x1, s3, s9, $0xb8;
	[tilespmem:$0x4000] =	vst v63  }
0x8c: {  	s15 =	sadd.s32 $0x56CA00, s0;
	s16 =	rddreg [dreg:$0x9]  }
0x8d: {  	[tilespmem:s16], [sflag:$0x1] =	stream.indirect.gather [hbm4b:s15+s9], $0x1, s3, s9, $0xb8;
	[tilespmem:$0x4000] =	vst v63  }
0x8e: {  	s21 =	rddreg [dreg:$0xa]  }
0x8f: {  	[tilespmem:s21], [sflag:$0x1] =	stream.indirect.gather [hbm4b:s6+s9], $0x1, s3, s9, $0xb8;
	[tilespmem:$0x4000] =	vst v63  }
0x90: {  	s17 =	rddreg [dreg:$0xb];
	s16 =	sadd.s32 $0x422A00, s0  }
0x91: {  	[tilespmem:s17], [sflag:$0x1] =	stream.indirect.gather [hbm4b:s16+s9], $0x1, s3, s9, $0xb8;
	[tilespmem:$0x4000] =	vst v63  }
0x92: {  	s22 =	rddreg [dreg:$0xc];
	s17 =	sadd.s32 $0x438A00, s0  }
0x93: {  	[tilespmem:s22], [sflag:$0x1] =	stream.indirect.gather [hbm4b:s17+s9], $0x1, s3, s9, $0xb8;
	[tilespmem:$0x4000] =	vst v63  }
0x94: {  	s18 =	sadd.s32 $0x44EA00, s0;
	s19 =	rddreg [dreg:$0xd]  }
0x95: {  	[tilespmem:s19], [sflag:$0x1] =	stream.indirect.gather [hbm4b:s18+s9], $0x1, s3, s9, $0xb8;
	[tilespmem:$0x4000] =	vst v63  }
0x96: {  	s23 =	rddreg [dreg:$0xe];
	s19 =	sadd.s32 $0x464A00, s0  }
0x97: {  	[tilespmem:s23], [sflag:$0x1] =	stream.indirect.gather [hbm4b:s19+s9], $0x1, s3, s9, $0xb8;
	[tilespmem:$0x4000] =	vst v63  }
0x98: {  	s20 =	sadd.s32 $0x47AA00, s0;
	s21 =	rddreg [dreg:$0xf]  }
0x99: {  	[tilespmem:s21], [sflag:$0x1] =	stream.indirect.gather [hbm4b:s20+s9], $0x1, s3, s9, $0xb8;
	[tilespmem:$0x4000] =	vst v63  }
0x9a: {  	s24 =	rddreg [dreg:$0x10];
	s21 =	sadd.s32 $0x490A00, s0  }
0x9b: {  	[tilespmem:s24], [sflag:$0x1] =	stream.indirect.gather [hbm4b:s21+s9], $0x1, s3, s9, $0xb8;
	[tilespmem:$0x4000] =	vst v63  }
0x9c: {  	s22 =	sadd.s32 $0x4A6A00, s0;
	s23 =	rddreg [dreg:$0x11]  }
0x9d: {  	[tilespmem:s23], [sflag:$0x1] =	stream.indirect.gather [hbm4b:s22+s9], $0x1, s3, s9, $0xb8;
	[tilespmem:$0x4000] =	vst v63  }
0x9e: {  	s26 =	rddreg [dreg:$0x12];
	s23 =	sadd.s32 $0x4BCA00, s0  }
0x9f: {  	[tilespmem:s26], [sflag:$0x1] =	stream.indirect.gather [hbm4b:s23+s9], $0x1, s3, s9, $0xb8;
	[tilespmem:$0x4000] =	vst v63  }
0xa0: {  	s2 =	simm.s32 $0x3C00;
	s1 =	rddreg [dreg:$0x13];
	s24 =	sadd.s32 $0x4D2A00, s0  }
0xa1: {  	[tilespmem:s2], [sflag:$0x2] =	stream.indirect.gather [hbm4b:s24+s9], $0x1, s3, s9, $0xb8;
	[tilespmem:$0x4000] =	vst v63  }
0xa2: {  	s4 =	rddreg [dreg:$0x14]  }
0xa3: {  	[tilespmem:s1], [sflag:$0x1] =	stream.indirect.gather [hbm4b:s8+s9], $0x1, s9, s9, $0xb8;
	[tilespmem:$0x4000] =	vst v63  }
0xa4: {  	s26 =	rddreg [dreg:$0x15]  }
0xa5: {  	[tilespmem:s4], [sflag:$0x1] =	stream.indirect.gather [hbm4b:s10+s9], $0x1, s9, s9, $0xb8;
	[tilespmem:$0x4000] =	vst v63  }
0xa6: {  	s4 =	rddreg [dreg:$0x16]  }
0xa7: {  	[tilespmem:s26], [sflag:$0x1] =	stream.indirect.gather [hbm4b:s11+s9], $0x1, s9, s9, $0xb8;
	[tilespmem:$0x4000] =	vst v63  }
0xa8: {  	s26 =	rddreg [dreg:$0x17]  }
0xa9: {  	[tilespmem:s4], [sflag:$0x1] =	stream.indirect.gather [hbm4b:s12+s9], $0x1, s9, s9, $0xb8;
	[tilespmem:$0x4000] =	vst v63  }
0xaa: {  	s4 =	rddreg [dreg:$0x18]  }
0xab: {  	[tilespmem:s26], [sflag:$0x1] =	stream.indirect.gather [hbm4b:s13+s9], $0x1, s9, s9, $0xb8;
	[tilespmem:$0x4000] =	vst v63  }
0xac: {  	s26 =	rddreg [dreg:$0x19]  }
0xad: {  	[tilespmem:s4], [sflag:$0x1] =	stream.indirect.gather [hbm4b:s14+s9], $0x1, s9, s9, $0xb8;
	[tilespmem:$0x4000] =	vst v63  }
0xae: {  	s4 =	rddreg [dreg:$0x1a]  }
0xaf: {  	[tilespmem:s26], [sflag:$0x1] =	stream.indirect.gather [hbm4b:s15+s9], $0x1, s9, s9, $0xb8;
	[tilespmem:$0x4000] =	vst v63  }
0xb0: {  	s26 =	rddreg [dreg:$0x1b]  }
0xb1: {  	[tilespmem:s4], [sflag:$0x1] =	stream.indirect.gather [hbm4b:s6+s9], $0x1, s9, s9, $0xb8;
	[tilespmem:$0x4000] =	vst v63  }
0xb2: {  	s4 =	rddreg [dreg:$0x1c]  }
0xb3: {  	[tilespmem:s26], [sflag:$0x1] =	stream.indirect.gather [hbm4b:s16+s9], $0x1, s9, s9, $0xb8;
	[tilespmem:$0x4000] =	vst v63  }
0xb4: {  	s26 =	rddreg [dreg:$0x1d]  }
0xb5: {  	[tilespmem:s4], [sflag:$0x1] =	stream.indirect.gather [hbm4b:s17+s9], $0x1, s9, s9, $0xb8;
	[tilespmem:$0x4000] =	vst v63  }
0xb6: {  	s4 =	rddreg [dreg:$0x1e]  }
0xb7: {  	[tilespmem:s26], [sflag:$0x1] =	stream.indirect.gather [hbm4b:s18+s9], $0x1, s9, s9, $0xb8;
	[tilespmem:$0x4000] =	vst v63  }
0xb8: {  	s26 =	rddreg [dreg:$0x1f]  }
0xb9: {  	[tilespmem:s4], [sflag:$0x1] =	stream.indirect.gather [hbm4b:s19+s9], $0x1, s9, s9, $0xb8;
	[tilespmem:$0x4000] =	vst v63  }
0xba: {  	s4 =	sld [smem:$0x7A3]  }
0xbb: {  	[tilespmem:s26], [sflag:$0x1] =	stream.indirect.gather [hbm4b:s20+s9], $0x1, s9, s9, $0xb8;
	[tilespmem:$0x4000] =	vst v63  }
0xbc: {  	s26 =	sld [smem:$0x7A4]  }
0xbd: {  	[tilespmem:s4], [sflag:$0x1] =	stream.indirect.gather [hbm4b:s21+s9], $0x1, s9, s9, $0xb8;
	[tilespmem:$0x4000] =	vst v63  }
0xbe: {  	s4 =	sld [smem:$0x7A5]  }
0xbf: {  	[tilespmem:s26], [sflag:$0x1] =	stream.indirect.gather [hbm4b:s22+s9], $0x1, s9, s9, $0xb8;
	[tilespmem:$0x4000] =	vst v63  }
0xc0: {  	s26 =	sld [smem:$0x7A6]  }
0xc1: {  	[tilespmem:s4], [sflag:$0x1] =	stream.indirect.gather [hbm4b:s23+s9], $0x1, s9, s9, $0xb8;
	[tilespmem:$0x4000] =	vst v63  }
0xc2: {  	s4 =	sld [smem:$0x7A7]  }
0xc3: {  	[tilespmem:s26], [sflag:$0x2] =	stream.indirect.gather [hbm4b:s24+s9], $0x1, s9, s9, $0xb8;
	[tilespmem:$0x4000] =	vst v63  }
0xc4: {  	s0 =	sld [smem:$0x7A8];
	s26 =	simm.s32 $0x100  }
0xc5: {  	[tilespmem:s4], [sflag:$0x1] =	stream.indirect.gather [hbm4b:s8+s9], $0x1, s26, s9, $0xb8;
	[tilespmem:$0x4000] =	vst v63  }
0xc6: {  	s4 =	sld [smem:$0x7A9]  }
0xc7: {  	[tilespmem:s0], [sflag:$0x1] =	stream.indirect.gather [hbm4b:s10+s9], $0x1, s26, s9, $0xb8;
	[tilespmem:$0x4000] =	vst v63  }
0xc8: {  	s0 =	sld [smem:$0x7AA]  }
0xc9: {  	[tilespmem:s4], [sflag:$0x1] =	stream.indirect.gather [hbm4b:s11+s9], $0x1, s26, s9, $0xb8;
	[tilespmem:$0x4000] =	vst v63  }
0xca: {  	s4 =	sld [smem:$0x7AB]  }
0xcb: {  	[tilespmem:s0], [sflag:$0x1] =	stream.indirect.gather [hbm4b:s12+s9], $0x1, s26, s9, $0xb8;
	[tilespmem:$0x4000] =	vst v63  }
0xcc: {  	s0 =	sld [smem:$0x7AC]  }
0xcd: {  	[tilespmem:s4], [sflag:$0x1] =	stream.indirect.gather [hbm4b:s13+s9], $0x1, s26, s9, $0xb8;
	[tilespmem:$0x4000] =	vst v63  }
0xce: {  	s4 =	sld [smem:$0x7AD]  }
0xcf: {  	[tilespmem:s0], [sflag:$0x1] =	stream.indirect.gather [hbm4b:s14+s9], $0x1, s26, s9, $0xb8;
	[tilespmem:$0x4000] =	vst v63  }
0xd0: {  	s0 =	sld [smem:$0x7AE]  }
0xd1: {  	[tilespmem:s4], [sflag:$0x1] =	stream.indirect.gather [hbm4b:s15+s9], $0x1, s26, s9, $0xb8;
	[tilespmem:$0x4000] =	vst v63  }
0xd2: {  	s4 =	sld [smem:$0x7AF]  }
0xd3: {  	[tilespmem:s0], [sflag:$0x1] =	stream.indirect.gather [hbm4b:s6+s9], $0x1, s26, s9, $0xb8;
	[tilespmem:$0x4000] =	vst v63  }
0xd4: {  	s0 =	sld [smem:$0x7B0]  }
0xd5: {  	[tilespmem:s4], [sflag:$0x1] =	stream.indirect.gather [hbm4b:s16+s9], $0x1, s26, s9, $0xb8;
	[tilespmem:$0x4000] =	vst v63  }
0xd6: {  	s4 =	sld [smem:$0x7B1]  }
0xd7: {  	[tilespmem:s0], [sflag:$0x1] =	stream.indirect.gather [hbm4b:s17+s9], $0x1, s26, s9, $0xb8;
	[tilespmem:$0x4000] =	vst v63  }
0xd8: {  	s0 =	sld [smem:$0x7B2]  }
0xd9: {  	[tilespmem:s4], [sflag:$0x1] =	stream.indirect.gather [hbm4b:s18+s9], $0x1, s26, s9, $0xb8;
	[tilespmem:$0x4000] =	vst v63  }
0xda: {  	s4 =	sld [smem:$0x7B3]  }
0xdb: {  	[tilespmem:s0], [sflag:$0x1] =	stream.indirect.gather [hbm4b:s19+s9], $0x1, s26, s9, $0xb8;
	[tilespmem:$0x4000] =	vst v63  }
0xdc: {  	s0 =	sld [smem:$0x7B4]  }
0xdd: {  	[tilespmem:s4], [sflag:$0x1] =	stream.indirect.gather [hbm4b:s20+s9], $0x1, s26, s9, $0xb8;
	[tilespmem:$0x4000] =	vst v63  }
0xde: {  	s4 =	sld [smem:$0x7B5]  }
0xdf: {  	[tilespmem:s0], [sflag:$0x1] =	stream.indirect.gather [hbm4b:s21+s9], $0x1, s26, s9, $0xb8;
	[tilespmem:$0x4000] =	vst v63  }
0xe0: {  	s0 =	sld [smem:$0x7B6]  }
0xe1: {  	[tilespmem:s4], [sflag:$0x1] =	stream.indirect.gather [hbm4b:s22+s9], $0x1, s26, s9, $0xb8;
	[tilespmem:$0x4000] =	vst v63  }
0xe2: {  	s4 =	sld [smem:$0x7B7]  }
0xe3: {  	[tilespmem:s0], [sflag:$0x1] =	stream.indirect.gather [hbm4b:s23+s9], $0x1, s26, s9, $0xb8;
	[tilespmem:$0x4000] =	vst v63  }
0xe4: {  	s0 =	sld [smem:$0x7B8]  }
0xe5: {  	[tilespmem:s4], [sflag:$0x2] =	stream.indirect.gather [hbm4b:s24+s9], $0x1, s26, s9, $0xb8;
	[tilespmem:$0x4000] =	vst v63  }
0xe6: {  	s28 =	simm.s32 $0x180;
	s4 =	sld [smem:$0x7B9]  }
0xe7: {  	[tilespmem:s0], [sflag:$0x1] =	stream.indirect.gather [hbm4b:s8+s9], $0x1, s28, s9, $0xb8;
	[tilespmem:$0x4000] =	vst v63  }
0xe8: {  	s0 =	sld [smem:$0x7BA]  }
0xe9: {  	[tilespmem:s4], [sflag:$0x1] =	stream.indirect.gather [hbm4b:s10+s9], $0x1, s28, s9, $0xb8;
	[tilespmem:$0x4000] =	vst v63  }
0xea: {  	s4 =	sld [smem:$0x7BB]  }
0xeb: {  	[tilespmem:s0], [sflag:$0x1] =	stream.indirect.gather [hbm4b:s11+s9], $0x1, s28, s9, $0xb8;
	[tilespmem:$0x4000] =	vst v63  }
0xec: {  	s0 =	sld [smem:$0x7BC]  }
0xed: {  	[tilespmem:s4], [sflag:$0x1] =	stream.indirect.gather [hbm4b:s12+s9], $0x1, s28, s9, $0xb8;
	[tilespmem:$0x4000] =	vst v63  }
0xee: {  	s4 =	sld [smem:$0x7BD]  }
0xef: {  	[tilespmem:s0], [sflag:$0x1] =	stream.indirect.gather [hbm4b:s13+s9], $0x1, s28, s9, $0xb8;
	[tilespmem:$0x4000] =	vst v63  }
0xf0: {  	s0 =	sld [smem:$0x7BE]  }
0xf1: {  	[tilespmem:s4], [sflag:$0x1] =	stream.indirect.gather [hbm4b:s14+s9], $0x1, s28, s9, $0xb8;
	[tilespmem:$0x4000] =	vst v63  }
0xf2: {  	s4 =	sld [smem:$0x7BF]  }
0xf3: {  	[tilespmem:s0], [sflag:$0x1] =	stream.indirect.gather [hbm4b:s15+s9], $0x1, s28, s9, $0xb8;
	[tilespmem:$0x4000] =	vst v63  }
0xf4: {  	s0 =	sld [smem:$0x7C0]  }
0xf5: {  	[tilespmem:s4], [sflag:$0x1] =	stream.indirect.gather [hbm4b:s6+s9], $0x1, s28, s9, $0xb8;
	[tilespmem:$0x4000] =	vst v63  }
0xf6: {  	s4 =	sld [smem:$0x7C1]  }
0xf7: {  	[tilespmem:s0], [sflag:$0x1] =	stream.indirect.gather [hbm4b:s16+s9], $0x1, s28, s9, $0xb8;
	[tilespmem:$0x4000] =	vst v63  }
0xf8: {  	s0 =	sld [smem:$0x7C2]  }
0xf9: {  	[tilespmem:s4], [sflag:$0x1] =	stream.indirect.gather [hbm4b:s17+s9], $0x1, s28, s9, $0xb8;
	[tilespmem:$0x4000] =	vst v63  }
0xfa: {  	s4 =	sld [smem:$0x7C3]  }
0xfb: {  	[tilespmem:s0], [sflag:$0x1] =	stream.indirect.gather [hbm4b:s18+s9], $0x1, s28, s9, $0xb8;
	[tilespmem:$0x4000] =	vst v63  }
0xfc: {  	s0 =	sld [smem:$0x7C4]  }
0xfd: {  	[tilespmem:s4], [sflag:$0x1] =	stream.indirect.gather [hbm4b:s19+s9], $0x1, s28, s9, $0xb8;
	[tilespmem:$0x4000] =	vst v63  }
0xfe: {  	s4 =	sld [smem:$0x7C5]  }
0xff: {  	[tilespmem:s0], [sflag:$0x1] =	stream.indirect.gather [hbm4b:s20+s9], $0x1, s28, s9, $0xb8;
	[tilespmem:$0x4000] =	vst v63  }
0x100: {  	s0 =	sld [smem:$0x7C6]  }
0x101: {  	[tilespmem:s4], [sflag:$0x1] =	stream.indirect.gather [hbm4b:s21+s9], $0x1, s28, s9, $0xb8;
	[tilespmem:$0x4000] =	vst v63  }
0x102: {  	s4 =	sld [smem:$0x7C7]  }
0x103: {  	[tilespmem:s0], [sflag:$0x1] =	stream.indirect.gather [hbm4b:s22+s9], $0x1, s28, s9, $0xb8;
	[tilespmem:$0x4000] =	vst v63  }
0x104: {  	s0 =	sld [smem:$0x7C8]  }
0x105: {  	[tilespmem:s4], [sflag:$0x1] =	stream.indirect.gather [hbm4b:s23+s9], $0x1, s28, s9, $0xb8;
	[tilespmem:$0x4000] =	vst v63  }
0x106: {  	s4 =	sld [smem:$0x7C9]  }
0x107: {  	[tilespmem:s0], [sflag:$0x2] =	stream.indirect.gather [hbm4b:s24+s9], $0x1, s28, s9, $0xb8;
	[tilespmem:$0x4000] =	vst v63  }
0x108: {  	s29 =	simm.s32 $0x200;
	s0 =	sld [smem:$0x7CA]  }
0x109: {  	[tilespmem:s4], [sflag:$0x1] =	stream.indirect.gather [hbm4b:s8+s9], $0x1, s29, s9, $0xb8;
	[tilespmem:$0x4000] =	vst v63  }
0x10a: {  	s4 =	sld [smem:$0x7CB]  }
0x10b: {  	[tilespmem:s0], [sflag:$0x1] =	stream.indirect.gather [hbm4b:s10+s9], $0x1, s29, s9, $0xb8;
	[tilespmem:$0x4000] =	vst v63  }
0x10c: {  	s0 =	sld [smem:$0x7CC]  }
0x10d: {  	[tilespmem:s4], [sflag:$0x1] =	stream.indirect.gather [hbm4b:s11+s9], $0x1, s29, s9, $0xb8;
	[tilespmem:$0x4000] =	vst v63  }
0x10e: {  	s4 =	sld [smem:$0x7CD]  }
0x10f: {  	[tilespmem:s0], [sflag:$0x1] =	stream.indirect.gather [hbm4b:s12+s9], $0x1, s29, s9, $0xb8;
	[tilespmem:$0x4000] =	vst v63  }
0x110: {  	s0 =	sld [smem:$0x7CE]  }
0x111: {  	[tilespmem:s4], [sflag:$0x1] =	stream.indirect.gather [hbm4b:s13+s9], $0x1, s29, s9, $0xb8;
	[tilespmem:$0x4000] =	vst v63  }
0x112: {  	s4 =	sld [smem:$0x7CF]  }
0x113: {  	[tilespmem:s0], [sflag:$0x1] =	stream.indirect.gather [hbm4b:s14+s9], $0x1, s29, s9, $0xb8;
	[tilespmem:$0x4000] =	vst v63  }
0x114: {  	s0 =	sld [smem:$0x7D0]  }
0x115: {  	[tilespmem:s4], [sflag:$0x1] =	stream.indirect.gather [hbm4b:s15+s9], $0x1, s29, s9, $0xb8;
	[tilespmem:$0x4000] =	vst v63  }
0x116: {  	s4 =	sld [smem:$0x7D1]  }
0x117: {  	[tilespmem:s0], [sflag:$0x1] =	stream.indirect.gather [hbm4b:s6+s9], $0x1, s29, s9, $0xb8;
	[tilespmem:$0x4000] =	vst v63  }
0x118: {  	s0 =	sld [smem:$0x7D2]  }
0x119: {  	[tilespmem:s4], [sflag:$0x1] =	stream.indirect.gather [hbm4b:s16+s9], $0x1, s29, s9, $0xb8;
	[tilespmem:$0x4000] =	vst v63  }
0x11a: {  	s4 =	sld [smem:$0x7D3]  }
0x11b: {  	[tilespmem:s0], [sflag:$0x1] =	stream.indirect.gather [hbm4b:s17+s9], $0x1, s29, s9, $0xb8;
	[tilespmem:$0x4000] =	vst v63  }
0x11c: {  	s0 =	sld [smem:$0x7D4]  }
0x11d: {  	[tilespmem:s4], [sflag:$0x1] =	stream.indirect.gather [hbm4b:s18+s9], $0x1, s29, s9, $0xb8;
	[tilespmem:$0x4000] =	vst v63  }
0x11e: {  	s4 =	sld [smem:$0x7D5]  }
0x11f: {  	[tilespmem:s0], [sflag:$0x1] =	stream.indirect.gather [hbm4b:s19+s9], $0x1, s29, s9, $0xb8;
	[tilespmem:$0x4000] =	vst v63  }
0x120: {  	s0 =	sld [smem:$0x7D6]  }
0x121: {  	[tilespmem:s4], [sflag:$0x1] =	stream.indirect.gather [hbm4b:s20+s9], $0x1, s29, s9, $0xb8;
	[tilespmem:$0x4000] =	vst v63  }
0x122: {  	s4 =	sld [smem:$0x7D7]  }
0x123: {  	[tilespmem:s0], [sflag:$0x1] =	stream.indirect.gather [hbm4b:s21+s9], $0x1, s29, s9, $0xb8;
	[tilespmem:$0x4000] =	vst v63  }
0x124: {  	s0 =	sld [smem:$0x7D8]  }
0x125: {  	[tilespmem:s4], [sflag:$0x1] =	stream.indirect.gather [hbm4b:s22+s9], $0x1, s29, s9, $0xb8;
	[tilespmem:$0x4000] =	vst v63  }
0x126: {  	s4 =	sld [smem:$0x7D9]  }
0x127: {  	[tilespmem:s0], [sflag:$0x1] =	stream.indirect.gather [hbm4b:s23+s9], $0x1, s29, s9, $0xb8;
	[tilespmem:$0x4000] =	vst v63  }
0x128: {  	s0 =	sld [smem:$0x7DA]  }
0x129: {  	[tilespmem:s4], [sflag:$0x2] =	stream.indirect.gather [hbm4b:s24+s9], $0x1, s29, s9, $0xb8;
	[tilespmem:$0x4000] =	vst v63  }
0x12a: {  	s30 =	simm.s32 $0x280;
	s4 =	sld [smem:$0x7DB]  }
0x12b: {  	[tilespmem:s0], [sflag:$0x1] =	stream.indirect.gather [hbm4b:s8+s9], $0x1, s30, s9, $0xb8;
	[tilespmem:$0x4000] =	vst v63  }
0x12c: {  	s0 =	sld [smem:$0x7DC]  }
0x12d: {  	[tilespmem:s4], [sflag:$0x1] =	stream.indirect.gather [hbm4b:s10+s9], $0x1, s30, s9, $0xb8;
	[tilespmem:$0x4000] =	vst v63  }
0x12e: {  	s4 =	sld [smem:$0x7DD]  }
0x12f: {  	[tilespmem:s0], [sflag:$0x1] =	stream.indirect.gather [hbm4b:s11+s9], $0x1, s30, s9, $0xb8;
	[tilespmem:$0x4000] =	vst v63  }
0x130: {  	s0 =	sld [smem:$0x7DE]  }
0x131: {  	[tilespmem:s4], [sflag:$0x1] =	stream.indirect.gather [hbm4b:s12+s9], $0x1, s30, s9, $0xb8;
	[tilespmem:$0x4000] =	vst v63  }
0x132: {  	s4 =	sld [smem:$0x7DF]  }
0x133: {  	[tilespmem:s0], [sflag:$0x1] =	stream.indirect.gather [hbm4b:s13+s9], $0x1, s30, s9, $0xb8;
	[tilespmem:$0x4000] =	vst v63  }
0x134: {  	s0 =	sld [smem:$0x7E0]  }
0x135: {  	[tilespmem:s4], [sflag:$0x1] =	stream.indirect.gather [hbm4b:s14+s9], $0x1, s30, s9, $0xb8;
	[tilespmem:$0x4000] =	vst v63  }
0x136: {  	s4 =	sld [smem:$0x7E1]  }
0x137: {  	[tilespmem:s0], [sflag:$0x1] =	stream.indirect.gather [hbm4b:s15+s9], $0x1, s30, s9, $0xb8;
	[tilespmem:$0x4000] =	vst v63  }
0x138: {  	s0 =	sld [smem:$0x7E2]  }
0x139: {  	[tilespmem:s4], [sflag:$0x1] =	stream.indirect.gather [hbm4b:s6+s9], $0x1, s30, s9, $0xb8;
	[tilespmem:$0x4000] =	vst v63  }
0x13a: {  	s4 =	sld [smem:$0x7E3]  }
0x13b: {  	[tilespmem:s0], [sflag:$0x1] =	stream.indirect.gather [hbm4b:s16+s9], $0x1, s30, s9, $0xb8;
	[tilespmem:$0x4000] =	vst v63  }
0x13c: {  	s0 =	sld [smem:$0x7E4]  }
0x13d: {  	[tilespmem:s4], [sflag:$0x1] =	stream.indirect.gather [hbm4b:s17+s9], $0x1, s30, s9, $0xb8;
	[tilespmem:$0x4000] =	vst v63  }
0x13e: {  	s4 =	sld [smem:$0x7E5]  }
0x13f: {  	[tilespmem:s0], [sflag:$0x1] =	stream.indirect.gather [hbm4b:s18+s9], $0x1, s30, s9, $0xb8;
	[tilespmem:$0x4000] =	vst v63  }
0x140: {  	s0 =	sld [smem:$0x7E6]  }
0x141: {  	[tilespmem:s4], [sflag:$0x1] =	stream.indirect.gather [hbm4b:s19+s9], $0x1, s30, s9, $0xb8;
	[tilespmem:$0x4000] =	vst v63  }
0x142: {  	s4 =	sld [smem:$0x7E7]  }
0x143: {  	[tilespmem:s0], [sflag:$0x1] =	stream.indirect.gather [hbm4b:s20+s9], $0x1, s30, s9, $0xb8;
	[tilespmem:$0x4000] =	vst v63  }
0x144: {  	s0 =	sld [smem:$0x7E8]  }
0x145: {  	[tilespmem:s4], [sflag:$0x1] =	stream.indirect.gather [hbm4b:s21+s9], $0x1, s30, s9, $0xb8;
	[tilespmem:$0x4000] =	vst v63  }
0x146: {  	s4 =	sld [smem:$0x7E9]  }
0x147: {  	[tilespmem:s0], [sflag:$0x1] =	stream.indirect.gather [hbm4b:s22+s9], $0x1, s30, s9, $0xb8;
	[tilespmem:$0x4000] =	vst v63  }
0x148: {  	s0 =	sld [smem:$0x7EA]  }
0x149: {  	[tilespmem:s4], [sflag:$0x1] =	stream.indirect.gather [hbm4b:s23+s9], $0x1, s30, s9, $0xb8;
	[tilespmem:$0x4000] =	vst v63  }
0x14a: {  	s4 =	sld [smem:$0x7EB]  }
0x14b: {  	[tilespmem:s0], [sflag:$0x2] =	stream.indirect.gather [hbm4b:s24+s9], $0x1, s30, s9, $0xb8;
	[tilespmem:$0x4000] =	vst v63  }
0x14c: {  	s31 =	simm.s32 $0x300;
	s0 =	sld [smem:$0x7EC]  }
0x14d: {  	[tilespmem:s4], [sflag:$0x1] =	stream.indirect.gather [hbm4b:s8+s9], $0x1, s31, s9, $0xb8;
	[tilespmem:$0x4000] =	vst v63  }
0x14e: {  	s4 =	sld [smem:$0x7ED]  }
0x14f: {  	[tilespmem:s0], [sflag:$0x1] =	stream.indirect.gather [hbm4b:s10+s9], $0x1, s31, s9, $0xb8;
	[tilespmem:$0x4000] =	vst v63  }
0x150: {  	s0 =	sld [smem:$0x7EE]  }
0x151: {  	[tilespmem:s4], [sflag:$0x1] =	stream.indirect.gather [hbm4b:s11+s9], $0x1, s31, s9, $0xb8;
	[tilespmem:$0x4000] =	vst v63  }
0x152: {  	s4 =	sld [smem:$0x7EF]  }
0x153: {  	[tilespmem:s0], [sflag:$0x1] =	stream.indirect.gather [hbm4b:s12+s9], $0x1, s31, s9, $0xb8;
	[tilespmem:$0x4000] =	vst v63  }
0x154: {  	s0 =	sld [smem:$0x7F0]  }
0x155: {  	[tilespmem:s4], [sflag:$0x1] =	stream.indirect.gather [hbm4b:s13+s9], $0x1, s31, s9, $0xb8;
	[tilespmem:$0x4000] =	vst v63  }
0x156: {  	s4 =	sld [smem:$0x7F1]  }
0x157: {  	[tilespmem:s0], [sflag:$0x1] =	stream.indirect.gather [hbm4b:s14+s9], $0x1, s31, s9, $0xb8;
	[tilespmem:$0x4000] =	vst v63  }
0x158: {  	s0 =	sld [smem:$0x7F2]  }
0x159: {  	[tilespmem:s4], [sflag:$0x1] =	stream.indirect.gather [hbm4b:s15+s9], $0x1, s31, s9, $0xb8;
	[tilespmem:$0x4000] =	vst v63  }
0x15a: {  	s4 =	sld [smem:$0x7F3]  }
0x15b: {  	[tilespmem:s0], [sflag:$0x1] =	stream.indirect.gather [hbm4b:s6+s9], $0x1, s31, s9, $0xb8;
	[tilespmem:$0x4000] =	vst v63  }
0x15c: {  	s6 =	sld [smem:$0x7F4]  }
0x15d: {  	[tilespmem:s4], [sflag:$0x1] =	stream.indirect.gather [hbm4b:s16+s9], $0x1, s31, s9, $0xb8;
	[tilespmem:$0x4000] =	vst v63  }
0x15e: {  	s4 =	sld [smem:$0x7F5]  }
0x15f: {  	[tilespmem:s6], [sflag:$0x1] =	stream.indirect.gather [hbm4b:s17+s9], $0x1, s31, s9, $0xb8;
	[tilespmem:$0x4000] =	vst v63  }
0x160: {  	s6 =	sld [smem:$0x7F6]  }
0x161: {  	[tilespmem:s4], [sflag:$0x1] =	stream.indirect.gather [hbm4b:s18+s9], $0x1, s31, s9, $0xb8;
	[tilespmem:$0x4000] =	vst v63  }
0x162: {  	s4 =	sld [smem:$0x7F7]  }
0x163: {  	[tilespmem:s6], [sflag:$0x1] =	stream.indirect.gather [hbm4b:s19+s9], $0x1, s31, s9, $0xb8;
	[tilespmem:$0x4000] =	vst v63  }
0x164: {  	s6 =	sld [smem:$0x7F8]  }
0x165: {  	[tilespmem:s4], [sflag:$0x1] =	stream.indirect.gather [hbm4b:s20+s9], $0x1, s31, s9, $0xb8;
	[tilespmem:$0x4000] =	vst v63  }
0x166: {  	s4 =	sld [smem:$0x7F9]  }
0x167: {  	[tilespmem:s6], [sflag:$0x1] =	stream.indirect.gather [hbm4b:s21+s9], $0x1, s31, s9, $0xb8;
	[tilespmem:$0x4000] =	vst v63  }
0x168: {  	s6 =	sld [smem:$0x7FA]  }
0x169: {  	[tilespmem:s4], [sflag:$0x1] =	stream.indirect.gather [hbm4b:s22+s9], $0x1, s31, s9, $0xb8;
	[tilespmem:$0x4000] =	vst v63  }
0x16a: {  	s4 =	sld [smem:$0x7FB]  }
0x16b: {  	[tilespmem:s6], [sflag:$0x1] =	stream.indirect.gather [hbm4b:s23+s9], $0x1, s31, s9, $0xb8;
	[tilespmem:$0x4000] =	vst v63  }
0x16c: {  	s6 =	simm.s32 $0x1  }
0x16d: {  	[tilespmem:s4], [sflag:$0x2] =	stream.indirect.gather [hbm4b:s24+s9], $0x1, s31, s9, $0xb8;
	[tilespmem:$0x4000] =	vst v63  }
0x16e: {  	_ =	swait.ge [sflag:s6], $0x3800  }
0x16f: {  	[sflag:s6] =	ssyncset.done $0x0  }
0x170: {  	s1 =	simm.s32 $0x2;
	[sflag:s6] =	ssyncadd.s32 $0xFFFFC800  }
0x171: {  	_ =	swait.ge [sflag:s1], $0x380  }
0x172: {  	[sflag:s1] =	ssyncset.done $0x0  }
0x173: {  	s4 =	rddreg [dreg:$0x3];
	[sflag:s1] =	ssyncadd.s32 $0xFFFFFC80;
	s1 =	simm.s32 $0x8000  }
0x174: {  	[hbm4b:s4+s5] =	stream.strided.scatter [tilespmem:s5], [sflag:$0x3], $0x3800, s1, s5, $0x38;
	[tilespmem:$0x4000] =	vst v63  }
0x175: {  	s4 =	ssub.s32 $0x2, s25;
	_ =	swait.ge [sflag:s7], $0x3800  }
0x176: {  	s25 =	sshrl.u32 s4, $0x1;
	s6 =	sld [smem:$0x7FC]  }
0x177: {  	s25 =	ssub.s32 s4, s25  }
0x178: {  	[sflag:s7] =	ssyncset.done $0x0;
	s25 =	smax.u32 s25, $0x1  }
0x179: {  	[sflag:s7] =	ssyncadd.s32 $0xFFFFC800;
	p0 =	sne.s32 s25, $0x1;
	s0 =	sadd.s32 $0x590A00, s6  }
0x17a: {  	[hbm4b:s0+s5] =	stream.strided.scatter [tilespmem:s2], [sflag:$0x3], $0x0, s1, s5, $0x38;
	[tilespmem:$0x4000] =	vst v63  }
.Ltmp0:
0x17b: {  	_ = 	snop;
	(pc) =	sbr.rel @!p0 .LBB2_3-.Ltmp0, $4  }
0x17c: {  	[smem:$0x7FD] =	sst s0  }
0x17d: {  	[hbm4b:s0+s3] =	stream.linear.scatter [tilespmem:s2], [sflag:$0x3], $0x380, $0x38;
	[tilespmem:$0x4000] =	vst v63  }
0x17e: {  	_ =	swait.ge [sflag:s7], $0x380  }
0x17f: {  	s25 =	sadd.s32 $0xFFFFFFFF, s25;
	[sflag:s7] =	ssyncset.done $0x0  }
0x180: {  	s1 =	simm.s32 $0x400;
	s0 =	simm.s32 $0x8000;
	s2 =	simm.s32 $0x3C00  }
.LBB2_2:
0x181: {  	s4 =	sld [smem:$0x7A2];
	_ =	sdelay $0x1  }
0x182: {  	[sflag:s7] =	ssyncadd.s32 $0xFFFFFC80  }
0x183: {  	[tilespmem:s3], [sflag:$0x3] =	stream.strided.gather [hbm4b:s4+s1], $0x0, s0, s1, $0x38;
	[tilespmem:$0x4000] =	vst v63  }
0x184: {  	_ = 	snop  }
0x185: {  	[tilespmem:s3], [sflag:$0x3] =	stream.linear.gather [hbm4b:s4+s3], $0x380, $0x38;
	[tilespmem:$0x4000] =	vst v63  }
0x186: {  	_ =	swait.ge [sflag:s7], $0x380  }
0x187: {  	[sflag:s7] =	ssyncset.done $0x0  }
0x188: {  	s6 =	rddreg [dreg:$0x4];
	[sflag:s7] =	ssyncadd.s32 $0xFFFFFC80  }
0x189: {  	[tilespmem:s1], [sflag:$0x1] =	stream.indirect.gather [hbm4b:s8+s9], $0x1, s3, s9, $0xb8;
	[tilespmem:$0x4000] =	vst v63  }
0x18a: {  	s5 =	rddreg [dreg:$0x5]  }
0x18b: {  	[tilespmem:s6], [sflag:$0x1] =	stream.indirect.gather [hbm4b:s10+s9], $0x1, s3, s9, $0xb8;
	[tilespmem:$0x4000] =	vst v63  }
0x18c: {  	s4 =	rddreg [dreg:$0x6]  }
0x18d: {  	[tilespmem:s5], [sflag:$0x1] =	stream.indirect.gather [hbm4b:s11+s9], $0x1, s3, s9, $0xb8;
	[tilespmem:$0x4000] =	vst v63  }
0x18e: {  	s6 =	rddreg [dreg:$0x7]  }
0x18f: {  	[tilespmem:s4], [sflag:$0x1] =	stream.indirect.gather [hbm4b:s12+s9], $0x1, s3, s9, $0xb8;
	[tilespmem:$0x4000] =	vst v63  }
0x190: {  	s4 =	rddreg [dreg:$0x8]  }
0x191: {  	[tilespmem:s6], [sflag:$0x1] =	stream.indirect.gather [hbm4b:s13+s9], $0x1, s3, s9, $0xb8;
	[tilespmem:$0x4000] =	vst v63  }
0x192: {  	s6 =	rddreg [dreg:$0x9]  }
0x193: {  	[tilespmem:s4], [sflag:$0x1] =	stream.indirect.gather [hbm4b:s14+s9], $0x1, s3, s9, $0xb8;
	[tilespmem:$0x4000] =	vst v63  }
0x194: {  	s4 =	rddreg [dreg:$0xa]  }
0x195: {  	[tilespmem:s6], [sflag:$0x1] =	stream.indirect.gather [hbm4b:s15+s9], $0x1, s3, s9, $0xb8;
	[tilespmem:$0x4000] =	vst v63  }
0x196: {  	s6 =	rddreg [dreg:$0x1]  }
0x197: {  	[tilespmem:s4], [sflag:$0x1] =	stream.indirect.gather [hbm4b:s6+s9], $0x1, s3, s9, $0xb8;
	[tilespmem:$0x4000] =	vst v63  }
0x198: {  	s5 =	rddreg [dreg:$0xb]  }
0x199: {  	[tilespmem:s5], [sflag:$0x1] =	stream.indirect.gather [hbm4b:s16+s9], $0x1, s3, s9, $0xb8;
	[tilespmem:$0x4000] =	vst v63  }
0x19a: {  	s4 =	rddreg [dreg:$0xc]  }
0x19b: {  	[tilespmem:s4], [sflag:$0x1] =	stream.indirect.gather [hbm4b:s17+s9], $0x1, s3, s9, $0xb8;
	[tilespmem:$0x4000] =	vst v63  }
0x19c: {  	s5 =	rddreg [dreg:$0xd]  }
0x19d: {  	[tilespmem:s5], [sflag:$0x1] =	stream.indirect.gather [hbm4b:s18+s9], $0x1, s3, s9, $0xb8;
	[tilespmem:$0x4000] =	vst v63  }
0x19e: {  	s4 =	rddreg [dreg:$0xe]  }
0x19f: {  	[tilespmem:s4], [sflag:$0x1] =	stream.indirect.gather [hbm4b:s19+s9], $0x1, s3, s9, $0xb8;
	[tilespmem:$0x4000] =	vst v63  }
0x1a0: {  	s5 =	rddreg [dreg:$0xf]  }
0x1a1: {  	[tilespmem:s5], [sflag:$0x1] =	stream.indirect.gather [hbm4b:s20+s9], $0x1, s3, s9, $0xb8;
	[tilespmem:$0x4000] =	vst v63  }
0x1a2: {  	s4 =	rddreg [dreg:$0x10]  }
0x1a3: {  	[tilespmem:s4], [sflag:$0x1] =	stream.indirect.gather [hbm4b:s21+s9], $0x1, s3, s9, $0xb8;
	[tilespmem:$0x4000] =	vst v63  }
0x1a4: {  	s5 =	rddreg [dreg:$0x11]  }
0x1a5: {  	[tilespmem:s5], [sflag:$0x1] =	stream.indirect.gather [hbm4b:s22+s9], $0x1, s3, s9, $0xb8;
	[tilespmem:$0x4000] =	vst v63  }
0x1a6: {  	s4 =	rddreg [dreg:$0x12]  }
0x1a7: {  	[tilespmem:s4], [sflag:$0x1] =	stream.indirect.gather [hbm4b:s23+s9], $0x1, s3, s9, $0xb8;
	[tilespmem:$0x4000] =	vst v63  }
0x1a8: {  	s5 =	rddreg [dreg:$0x14]  }
0x1a9: {  	[tilespmem:s2], [sflag:$0x2] =	stream.indirect.gather [hbm4b:s24+s9], $0x1, s3, s9, $0xb8;
	[tilespmem:$0x4000] =	vst v63  }
0x1aa: {  	s4 =	rddreg [dreg:$0x13]  }
0x1ab: {  	[tilespmem:s4], [sflag:$0x1] =	stream.indirect.gather [hbm4b:s8+s9], $0x1, s9, s9, $0xb8;
	[tilespmem:$0x4000] =	vst v63  }
0x1ac: {  	s4 =	rddreg [dreg:$0x15]  }
0x1ad: {  	[tilespmem:s5], [sflag:$0x1] =	stream.indirect.gather [hbm4b:s10+s9], $0x1, s9, s9, $0xb8;
	[tilespmem:$0x4000] =	vst v63  }
0x1ae: {  	s5 =	rddreg [dreg:$0x16]  }
0x1af: {  	[tilespmem:s4], [sflag:$0x1] =	stream.indirect.gather [hbm4b:s11+s9], $0x1, s9, s9, $0xb8;
	[tilespmem:$0x4000] =	vst v63  }
0x1b0: {  	s4 =	rddreg [dreg:$0x17]  }
0x1b1: {  	[tilespmem:s5], [sflag:$0x1] =	stream.indirect.gather [hbm4b:s12+s9], $0x1, s9, s9, $0xb8;
	[tilespmem:$0x4000] =	vst v63  }
0x1b2: {  	s5 =	rddreg [dreg:$0x18]  }
0x1b3: {  	[tilespmem:s4], [sflag:$0x1] =	stream.indirect.gather [hbm4b:s13+s9], $0x1, s9, s9, $0xb8;
	[tilespmem:$0x4000] =	vst v63  }
0x1b4: {  	s4 =	rddreg [dreg:$0x19]  }
0x1b5: {  	[tilespmem:s5], [sflag:$0x1] =	stream.indirect.gather [hbm4b:s14+s9], $0x1, s9, s9, $0xb8;
	[tilespmem:$0x4000] =	vst v63  }
0x1b6: {  	s5 =	rddreg [dreg:$0x1a]  }
0x1b7: {  	[tilespmem:s4], [sflag:$0x1] =	stream.indirect.gather [hbm4b:s15+s9], $0x1, s9, s9, $0xb8;
	[tilespmem:$0x4000] =	vst v63  }
0x1b8: {  	s4 =	rddreg [dreg:$0x1b]  }
0x1b9: {  	[tilespmem:s5], [sflag:$0x1] =	stream.indirect.gather [hbm4b:s6+s9], $0x1, s9, s9, $0xb8;
	[tilespmem:$0x4000] =	vst v63  }
0x1ba: {  	s5 =	rddreg [dreg:$0x1c]  }
0x1bb: {  	[tilespmem:s4], [sflag:$0x1] =	stream.indirect.gather [hbm4b:s16+s9], $0x1, s9, s9, $0xb8;
	[tilespmem:$0x4000] =	vst v63  }
0x1bc: {  	s4 =	rddreg [dreg:$0x1d]  }
0x1bd: {  	[tilespmem:s5], [sflag:$0x1] =	stream.indirect.gather [hbm4b:s17+s9], $0x1, s9, s9, $0xb8;
	[tilespmem:$0x4000] =	vst v63  }
0x1be: {  	s5 =	rddreg [dreg:$0x1e]  }
0x1bf: {  	[tilespmem:s4], [sflag:$0x1] =	stream.indirect.gather [hbm4b:s18+s9], $0x1, s9, s9, $0xb8;
	[tilespmem:$0x4000] =	vst v63  }
0x1c0: {  	s4 =	rddreg [dreg:$0x1f]  }
0x1c1: {  	[tilespmem:s5], [sflag:$0x1] =	stream.indirect.gather [hbm4b:s19+s9], $0x1, s9, s9, $0xb8;
	[tilespmem:$0x4000] =	vst v63  }
0x1c2: {  	s5 =	sld [smem:$0x7A3]  }
0x1c3: {  	[tilespmem:s4], [sflag:$0x1] =	stream.indirect.gather [hbm4b:s20+s9], $0x1, s9, s9, $0xb8;
	[tilespmem:$0x4000] =	vst v63  }
0x1c4: {  	s4 =	sld [smem:$0x7A4]  }
0x1c5: {  	[tilespmem:s5], [sflag:$0x1] =	stream.indirect.gather [hbm4b:s21+s9], $0x1, s9, s9, $0xb8;
	[tilespmem:$0x4000] =	vst v63  }
0x1c6: {  	s5 =	sld [smem:$0x7A5]  }
0x1c7: {  	[tilespmem:s4], [sflag:$0x1] =	stream.indirect.gather [hbm4b:s22+s9], $0x1, s9, s9, $0xb8;
	[tilespmem:$0x4000] =	vst v63  }
0x1c8: {  	s4 =	sld [smem:$0x7A6]  }
0x1c9: {  	[tilespmem:s5], [sflag:$0x1] =	stream.indirect.gather [hbm4b:s23+s9], $0x1, s9, s9, $0xb8;
	[tilespmem:$0x4000] =	vst v63  }
0x1ca: {  	s5 =	sld [smem:$0x7A7]  }
0x1cb: {  	[tilespmem:s4], [sflag:$0x2] =	stream.indirect.gather [hbm4b:s24+s9], $0x1, s9, s9, $0xb8;
	[tilespmem:$0x4000] =	vst v63  }
0x1cc: {  	s4 =	sld [smem:$0x7A8]  }
0x1cd: {  	[tilespmem:s5], [sflag:$0x1] =	stream.indirect.gather [hbm4b:s8+s9], $0x1, s26, s9, $0xb8;
	[tilespmem:$0x4000] =	vst v63  }
0x1ce: {  	s5 =	sld [smem:$0x7A9]  }
0x1cf: {  	[tilespmem:s4], [sflag:$0x1] =	stream.indirect.gather [hbm4b:s10+s9], $0x1, s26, s9, $0xb8;
	[tilespmem:$0x4000] =	vst v63  }
0x1d0: {  	s4 =	sld [smem:$0x7AA]  }
0x1d1: {  	[tilespmem:s5], [sflag:$0x1] =	stream.indirect.gather [hbm4b:s11+s9], $0x1, s26, s9, $0xb8;
	[tilespmem:$0x4000] =	vst v63  }
0x1d2: {  	s5 =	sld [smem:$0x7AB]  }
0x1d3: {  	[tilespmem:s4], [sflag:$0x1] =	stream.indirect.gather [hbm4b:s12+s9], $0x1, s26, s9, $0xb8;
	[tilespmem:$0x4000] =	vst v63  }
0x1d4: {  	s4 =	sld [smem:$0x7AC]  }
0x1d5: {  	[tilespmem:s5], [sflag:$0x1] =	stream.indirect.gather [hbm4b:s13+s9], $0x1, s26, s9, $0xb8;
	[tilespmem:$0x4000] =	vst v63  }
0x1d6: {  	s5 =	sld [smem:$0x7AD]  }
0x1d7: {  	[tilespmem:s4], [sflag:$0x1] =	stream.indirect.gather [hbm4b:s14+s9], $0x1, s26, s9, $0xb8;
	[tilespmem:$0x4000] =	vst v63  }
0x1d8: {  	s4 =	sld [smem:$0x7AE]  }
0x1d9: {  	[tilespmem:s5], [sflag:$0x1] =	stream.indirect.gather [hbm4b:s15+s9], $0x1, s26, s9, $0xb8;
	[tilespmem:$0x4000] =	vst v63  }
0x1da: {  	s5 =	sld [smem:$0x7AF]  }
0x1db: {  	[tilespmem:s4], [sflag:$0x1] =	stream.indirect.gather [hbm4b:s6+s9], $0x1, s26, s9, $0xb8;
	[tilespmem:$0x4000] =	vst v63  }
0x1dc: {  	s4 =	sld [smem:$0x7B0]  }
0x1dd: {  	[tilespmem:s5], [sflag:$0x1] =	stream.indirect.gather [hbm4b:s16+s9], $0x1, s26, s9, $0xb8;
	[tilespmem:$0x4000] =	vst v63  }
0x1de: {  	s5 =	sld [smem:$0x7B1]  }
0x1df: {  	[tilespmem:s4], [sflag:$0x1] =	stream.indirect.gather [hbm4b:s17+s9], $0x1, s26, s9, $0xb8;
	[tilespmem:$0x4000] =	vst v63  }
0x1e0: {  	s4 =	sld [smem:$0x7B2]  }
0x1e1: {  	[tilespmem:s5], [sflag:$0x1] =	stream.indirect.gather [hbm4b:s18+s9], $0x1, s26, s9, $0xb8;
	[tilespmem:$0x4000] =	vst v63  }
0x1e2: {  	s5 =	sld [smem:$0x7B3]  }
0x1e3: {  	[tilespmem:s4], [sflag:$0x1] =	stream.indirect.gather [hbm4b:s19+s9], $0x1, s26, s9, $0xb8;
	[tilespmem:$0x4000] =	vst v63  }
0x1e4: {  	s4 =	sld [smem:$0x7B4]  }
0x1e5: {  	[tilespmem:s5], [sflag:$0x1] =	stream.indirect.gather [hbm4b:s20+s9], $0x1, s26, s9, $0xb8;
	[tilespmem:$0x4000] =	vst v63  }
0x1e6: {  	s5 =	sld [smem:$0x7B5]  }
0x1e7: {  	[tilespmem:s4], [sflag:$0x1] =	stream.indirect.gather [hbm4b:s21+s9], $0x1, s26, s9, $0xb8;
	[tilespmem:$0x4000] =	vst v63  }
0x1e8: {  	s4 =	sld [smem:$0x7B6]  }
0x1e9: {  	[tilespmem:s5], [sflag:$0x1] =	stream.indirect.gather [hbm4b:s22+s9], $0x1, s26, s9, $0xb8;
	[tilespmem:$0x4000] =	vst v63  }
0x1ea: {  	s5 =	sld [smem:$0x7B7]  }
0x1eb: {  	[tilespmem:s4], [sflag:$0x1] =	stream.indirect.gather [hbm4b:s23+s9], $0x1, s26, s9, $0xb8;
	[tilespmem:$0x4000] =	vst v63  }
0x1ec: {  	s4 =	sld [smem:$0x7B8]  }
0x1ed: {  	[tilespmem:s5], [sflag:$0x2] =	stream.indirect.gather [hbm4b:s24+s9], $0x1, s26, s9, $0xb8;
	[tilespmem:$0x4000] =	vst v63  }
0x1ee: {  	s5 =	sld [smem:$0x7B9]  }
0x1ef: {  	[tilespmem:s4], [sflag:$0x1] =	stream.indirect.gather [hbm4b:s8+s9], $0x1, s28, s9, $0xb8;
	[tilespmem:$0x4000] =	vst v63  }
0x1f0: {  	s4 =	sld [smem:$0x7BA]  }
0x1f1: {  	[tilespmem:s5], [sflag:$0x1] =	stream.indirect.gather [hbm4b:s10+s9], $0x1, s28, s9, $0xb8;
	[tilespmem:$0x4000] =	vst v63  }
0x1f2: {  	s5 =	sld [smem:$0x7BB]  }
0x1f3: {  	[tilespmem:s4], [sflag:$0x1] =	stream.indirect.gather [hbm4b:s11+s9], $0x1, s28, s9, $0xb8;
	[tilespmem:$0x4000] =	vst v63  }
0x1f4: {  	s4 =	sld [smem:$0x7BC]  }
0x1f5: {  	[tilespmem:s5], [sflag:$0x1] =	stream.indirect.gather [hbm4b:s12+s9], $0x1, s28, s9, $0xb8;
	[tilespmem:$0x4000] =	vst v63  }
0x1f6: {  	s5 =	sld [smem:$0x7BD]  }
0x1f7: {  	[tilespmem:s4], [sflag:$0x1] =	stream.indirect.gather [hbm4b:s13+s9], $0x1, s28, s9, $0xb8;
	[tilespmem:$0x4000] =	vst v63  }
0x1f8: {  	s4 =	sld [smem:$0x7BE]  }
0x1f9: {  	[tilespmem:s5], [sflag:$0x1] =	stream.indirect.gather [hbm4b:s14+s9], $0x1, s28, s9, $0xb8;
	[tilespmem:$0x4000] =	vst v63  }
0x1fa: {  	s5 =	sld [smem:$0x7BF]  }
0x1fb: {  	[tilespmem:s4], [sflag:$0x1] =	stream.indirect.gather [hbm4b:s15+s9], $0x1, s28, s9, $0xb8;
	[tilespmem:$0x4000] =	vst v63  }
0x1fc: {  	s4 =	sld [smem:$0x7C0]  }
0x1fd: {  	[tilespmem:s5], [sflag:$0x1] =	stream.indirect.gather [hbm4b:s6+s9], $0x1, s28, s9, $0xb8;
	[tilespmem:$0x4000] =	vst v63  }
0x1fe: {  	s5 =	sld [smem:$0x7C1]  }
0x1ff: {  	[tilespmem:s4], [sflag:$0x1] =	stream.indirect.gather [hbm4b:s16+s9], $0x1, s28, s9, $0xb8;
	[tilespmem:$0x4000] =	vst v63  }
0x200: {  	s4 =	sld [smem:$0x7C2]  }
0x201: {  	[tilespmem:s5], [sflag:$0x1] =	stream.indirect.gather [hbm4b:s17+s9], $0x1, s28, s9, $0xb8;
	[tilespmem:$0x4000] =	vst v63  }
0x202: {  	s5 =	sld [smem:$0x7C3]  }
0x203: {  	[tilespmem:s4], [sflag:$0x1] =	stream.indirect.gather [hbm4b:s18+s9], $0x1, s28, s9, $0xb8;
	[tilespmem:$0x4000] =	vst v63  }
0x204: {  	s4 =	sld [smem:$0x7C4]  }
0x205: {  	[tilespmem:s5], [sflag:$0x1] =	stream.indirect.gather [hbm4b:s19+s9], $0x1, s28, s9, $0xb8;
	[tilespmem:$0x4000] =	vst v63  }
0x206: {  	s5 =	sld [smem:$0x7C5]  }
0x207: {  	[tilespmem:s4], [sflag:$0x1] =	stream.indirect.gather [hbm4b:s20+s9], $0x1, s28, s9, $0xb8;
	[tilespmem:$0x4000] =	vst v63  }
0x208: {  	s4 =	sld [smem:$0x7C6]  }
0x209: {  	[tilespmem:s5], [sflag:$0x1] =	stream.indirect.gather [hbm4b:s21+s9], $0x1, s28, s9, $0xb8;
	[tilespmem:$0x4000] =	vst v63  }
0x20a: {  	s5 =	sld [smem:$0x7C7]  }
0x20b: {  	[tilespmem:s4], [sflag:$0x1] =	stream.indirect.gather [hbm4b:s22+s9], $0x1, s28, s9, $0xb8;
	[tilespmem:$0x4000] =	vst v63  }
0x20c: {  	s4 =	sld [smem:$0x7C8]  }
0x20d: {  	[tilespmem:s5], [sflag:$0x1] =	stream.indirect.gather [hbm4b:s23+s9], $0x1, s28, s9, $0xb8;
	[tilespmem:$0x4000] =	vst v63  }
0x20e: {  	s5 =	sld [smem:$0x7C9]  }
0x20f: {  	[tilespmem:s4], [sflag:$0x2] =	stream.indirect.gather [hbm4b:s24+s9], $0x1, s28, s9, $0xb8;
	[tilespmem:$0x4000] =	vst v63  }
0x210: {  	s4 =	sld [smem:$0x7CA]  }
0x211: {  	[tilespmem:s5], [sflag:$0x1] =	stream.indirect.gather [hbm4b:s8+s9], $0x1, s29, s9, $0xb8;
	[tilespmem:$0x4000] =	vst v63  }
0x212: {  	s5 =	sld [smem:$0x7CB]  }
0x213: {  	[tilespmem:s4], [sflag:$0x1] =	stream.indirect.gather [hbm4b:s10+s9], $0x1, s29, s9, $0xb8;
	[tilespmem:$0x4000] =	vst v63  }
0x214: {  	s4 =	sld [smem:$0x7CC]  }
0x215: {  	[tilespmem:s5], [sflag:$0x1] =	stream.indirect.gather [hbm4b:s11+s9], $0x1, s29, s9, $0xb8;
	[tilespmem:$0x4000] =	vst v63  }
0x216: {  	s5 =	sld [smem:$0x7CD]  }
0x217: {  	[tilespmem:s4], [sflag:$0x1] =	stream.indirect.gather [hbm4b:s12+s9], $0x1, s29, s9, $0xb8;
	[tilespmem:$0x4000] =	vst v63  }
0x218: {  	s4 =	sld [smem:$0x7CE]  }
0x219: {  	[tilespmem:s5], [sflag:$0x1] =	stream.indirect.gather [hbm4b:s13+s9], $0x1, s29, s9, $0xb8;
	[tilespmem:$0x4000] =	vst v63  }
0x21a: {  	s5 =	sld [smem:$0x7CF]  }
0x21b: {  	[tilespmem:s4], [sflag:$0x1] =	stream.indirect.gather [hbm4b:s14+s9], $0x1, s29, s9, $0xb8;
	[tilespmem:$0x4000] =	vst v63  }
0x21c: {  	s4 =	sld [smem:$0x7D0]  }
0x21d: {  	[tilespmem:s5], [sflag:$0x1] =	stream.indirect.gather [hbm4b:s15+s9], $0x1, s29, s9, $0xb8;
	[tilespmem:$0x4000] =	vst v63  }
0x21e: {  	s5 =	sld [smem:$0x7D1]  }
0x21f: {  	[tilespmem:s4], [sflag:$0x1] =	stream.indirect.gather [hbm4b:s6+s9], $0x1, s29, s9, $0xb8;
	[tilespmem:$0x4000] =	vst v63  }
0x220: {  	s4 =	sld [smem:$0x7D2]  }
0x221: {  	[tilespmem:s5], [sflag:$0x1] =	stream.indirect.gather [hbm4b:s16+s9], $0x1, s29, s9, $0xb8;
	[tilespmem:$0x4000] =	vst v63  }
0x222: {  	s5 =	sld [smem:$0x7D3]  }
0x223: {  	[tilespmem:s4], [sflag:$0x1] =	stream.indirect.gather [hbm4b:s17+s9], $0x1, s29, s9, $0xb8;
	[tilespmem:$0x4000] =	vst v63  }
0x224: {  	s4 =	sld [smem:$0x7D4]  }
0x225: {  	[tilespmem:s5], [sflag:$0x1] =	stream.indirect.gather [hbm4b:s18+s9], $0x1, s29, s9, $0xb8;
	[tilespmem:$0x4000] =	vst v63  }
0x226: {  	s5 =	sld [smem:$0x7D5]  }
0x227: {  	[tilespmem:s4], [sflag:$0x1] =	stream.indirect.gather [hbm4b:s19+s9], $0x1, s29, s9, $0xb8;
	[tilespmem:$0x4000] =	vst v63  }
0x228: {  	s4 =	sld [smem:$0x7D6]  }
0x229: {  	[tilespmem:s5], [sflag:$0x1] =	stream.indirect.gather [hbm4b:s20+s9], $0x1, s29, s9, $0xb8;
	[tilespmem:$0x4000] =	vst v63  }
0x22a: {  	s5 =	sld [smem:$0x7D7]  }
0x22b: {  	[tilespmem:s4], [sflag:$0x1] =	stream.indirect.gather [hbm4b:s21+s9], $0x1, s29, s9, $0xb8;
	[tilespmem:$0x4000] =	vst v63  }
0x22c: {  	s4 =	sld [smem:$0x7D8]  }
0x22d: {  	[tilespmem:s5], [sflag:$0x1] =	stream.indirect.gather [hbm4b:s22+s9], $0x1, s29, s9, $0xb8;
	[tilespmem:$0x4000] =	vst v63  }
0x22e: {  	s5 =	sld [smem:$0x7D9]  }
0x22f: {  	[tilespmem:s4], [sflag:$0x1] =	stream.indirect.gather [hbm4b:s23+s9], $0x1, s29, s9, $0xb8;
	[tilespmem:$0x4000] =	vst v63  }
0x230: {  	s4 =	sld [smem:$0x7DA]  }
0x231: {  	[tilespmem:s5], [sflag:$0x2] =	stream.indirect.gather [hbm4b:s24+s9], $0x1, s29, s9, $0xb8;
	[tilespmem:$0x4000] =	vst v63  }
0x232: {  	s5 =	sld [smem:$0x7DB]  }
0x233: {  	[tilespmem:s4], [sflag:$0x1] =	stream.indirect.gather [hbm4b:s8+s9], $0x1, s30, s9, $0xb8;
	[tilespmem:$0x4000] =	vst v63  }
0x234: {  	s4 =	sld [smem:$0x7DC]  }
0x235: {  	[tilespmem:s5], [sflag:$0x1] =	stream.indirect.gather [hbm4b:s10+s9], $0x1, s30, s9, $0xb8;
	[tilespmem:$0x4000] =	vst v63  }
0x236: {  	s5 =	sld [smem:$0x7DD]  }
0x237: {  	[tilespmem:s4], [sflag:$0x1] =	stream.indirect.gather [hbm4b:s11+s9], $0x1, s30, s9, $0xb8;
	[tilespmem:$0x4000] =	vst v63  }
0x238: {  	s4 =	sld [smem:$0x7DE]  }
0x239: {  	[tilespmem:s5], [sflag:$0x1] =	stream.indirect.gather [hbm4b:s12+s9], $0x1, s30, s9, $0xb8;
	[tilespmem:$0x4000] =	vst v63  }
0x23a: {  	s5 =	sld [smem:$0x7DF]  }
0x23b: {  	[tilespmem:s4], [sflag:$0x1] =	stream.indirect.gather [hbm4b:s13+s9], $0x1, s30, s9, $0xb8;
	[tilespmem:$0x4000] =	vst v63  }
0x23c: {  	s4 =	sld [smem:$0x7E0]  }
0x23d: {  	[tilespmem:s5], [sflag:$0x1] =	stream.indirect.gather [hbm4b:s14+s9], $0x1, s30, s9, $0xb8;
	[tilespmem:$0x4000] =	vst v63  }
0x23e: {  	s5 =	sld [smem:$0x7E1]  }
0x23f: {  	[tilespmem:s4], [sflag:$0x1] =	stream.indirect.gather [hbm4b:s15+s9], $0x1, s30, s9, $0xb8;
	[tilespmem:$0x4000] =	vst v63  }
0x240: {  	s4 =	sld [smem:$0x7E2]  }
0x241: {  	[tilespmem:s5], [sflag:$0x1] =	stream.indirect.gather [hbm4b:s6+s9], $0x1, s30, s9, $0xb8;
	[tilespmem:$0x4000] =	vst v63  }
0x242: {  	s5 =	sld [smem:$0x7E3]  }
0x243: {  	[tilespmem:s4], [sflag:$0x1] =	stream.indirect.gather [hbm4b:s16+s9], $0x1, s30, s9, $0xb8;
	[tilespmem:$0x4000] =	vst v63  }
0x244: {  	s4 =	sld [smem:$0x7E4]  }
0x245: {  	[tilespmem:s5], [sflag:$0x1] =	stream.indirect.gather [hbm4b:s17+s9], $0x1, s30, s9, $0xb8;
	[tilespmem:$0x4000] =	vst v63  }
0x246: {  	s5 =	sld [smem:$0x7E5]  }
0x247: {  	[tilespmem:s4], [sflag:$0x1] =	stream.indirect.gather [hbm4b:s18+s9], $0x1, s30, s9, $0xb8;
	[tilespmem:$0x4000] =	vst v63  }
0x248: {  	s4 =	sld [smem:$0x7E6]  }
0x249: {  	[tilespmem:s5], [sflag:$0x1] =	stream.indirect.gather [hbm4b:s19+s9], $0x1, s30, s9, $0xb8;
	[tilespmem:$0x4000] =	vst v63  }
0x24a: {  	s5 =	sld [smem:$0x7E7]  }
0x24b: {  	[tilespmem:s4], [sflag:$0x1] =	stream.indirect.gather [hbm4b:s20+s9], $0x1, s30, s9, $0xb8;
	[tilespmem:$0x4000] =	vst v63  }
0x24c: {  	s4 =	sld [smem:$0x7E8]  }
0x24d: {  	[tilespmem:s5], [sflag:$0x1] =	stream.indirect.gather [hbm4b:s21+s9], $0x1, s30, s9, $0xb8;
	[tilespmem:$0x4000] =	vst v63  }
0x24e: {  	s5 =	sld [smem:$0x7E9]  }
0x24f: {  	[tilespmem:s4], [sflag:$0x1] =	stream.indirect.gather [hbm4b:s22+s9], $0x1, s30, s9, $0xb8;
	[tilespmem:$0x4000] =	vst v63  }
0x250: {  	s4 =	sld [smem:$0x7EA]  }
0x251: {  	[tilespmem:s5], [sflag:$0x1] =	stream.indirect.gather [hbm4b:s23+s9], $0x1, s30, s9, $0xb8;
	[tilespmem:$0x4000] =	vst v63  }
0x252: {  	s5 =	sld [smem:$0x7EB]  }
0x253: {  	[tilespmem:s4], [sflag:$0x2] =	stream.indirect.gather [hbm4b:s24+s9], $0x1, s30, s9, $0xb8;
	[tilespmem:$0x4000] =	vst v63  }
0x254: {  	s4 =	sld [smem:$0x7EC]  }
0x255: {  	[tilespmem:s5], [sflag:$0x1] =	stream.indirect.gather [hbm4b:s8+s9], $0x1, s31, s9, $0xb8;
	[tilespmem:$0x4000] =	vst v63  }
0x256: {  	s5 =	sld [smem:$0x7ED]  }
0x257: {  	[tilespmem:s4], [sflag:$0x1] =	stream.indirect.gather [hbm4b:s10+s9], $0x1, s31, s9, $0xb8;
	[tilespmem:$0x4000] =	vst v63  }
0x258: {  	s4 =	sld [smem:$0x7EE]  }
0x259: {  	[tilespmem:s5], [sflag:$0x1] =	stream.indirect.gather [hbm4b:s11+s9], $0x1, s31, s9, $0xb8;
	[tilespmem:$0x4000] =	vst v63  }
0x25a: {  	s5 =	sld [smem:$0x7EF]  }
0x25b: {  	[tilespmem:s4], [sflag:$0x1] =	stream.indirect.gather [hbm4b:s12+s9], $0x1, s31, s9, $0xb8;
	[tilespmem:$0x4000] =	vst v63  }
0x25c: {  	s4 =	sld [smem:$0x7F0]  }
0x25d: {  	[tilespmem:s5], [sflag:$0x1] =	stream.indirect.gather [hbm4b:s13+s9], $0x1, s31, s9, $0xb8;
	[tilespmem:$0x4000] =	vst v63  }
0x25e: {  	s5 =	sld [smem:$0x7F1]  }
0x25f: {  	[tilespmem:s4], [sflag:$0x1] =	stream.indirect.gather [hbm4b:s14+s9], $0x1, s31, s9, $0xb8;
	[tilespmem:$0x4000] =	vst v63  }
0x260: {  	s4 =	sld [smem:$0x7F2]  }
0x261: {  	[tilespmem:s5], [sflag:$0x1] =	stream.indirect.gather [hbm4b:s15+s9], $0x1, s31, s9, $0xb8;
	[tilespmem:$0x4000] =	vst v63  }
0x262: {  	s5 =	sld [smem:$0x7F3]  }
0x263: {  	[tilespmem:s4], [sflag:$0x1] =	stream.indirect.gather [hbm4b:s6+s9], $0x1, s31, s9, $0xb8;
	[tilespmem:$0x4000] =	vst v63  }
0x264: {  	s4 =	sld [smem:$0x7F4]  }
0x265: {  	[tilespmem:s5], [sflag:$0x1] =	stream.indirect.gather [hbm4b:s16+s9], $0x1, s31, s9, $0xb8;
	[tilespmem:$0x4000] =	vst v63  }
0x266: {  	s6 =	sld [smem:$0x7F5]  }
0x267: {  	[tilespmem:s4], [sflag:$0x1] =	stream.indirect.gather [hbm4b:s17+s9], $0x1, s31, s9, $0xb8;
	[tilespmem:$0x4000] =	vst v63  }
0x268: {  	s4 =	sld [smem:$0x7F6]  }
0x269: {  	[tilespmem:s6], [sflag:$0x1] =	stream.indirect.gather [hbm4b:s18+s9], $0x1, s31, s9, $0xb8;
	[tilespmem:$0x4000] =	vst v63  }
0x26a: {  	s6 =	sld [smem:$0x7F7]  }
0x26b: {  	[tilespmem:s4], [sflag:$0x1] =	stream.indirect.gather [hbm4b:s19+s9], $0x1, s31, s9, $0xb8;
	[tilespmem:$0x4000] =	vst v63  }
0x26c: {  	s4 =	sld [smem:$0x7F8]  }
0x26d: {  	[tilespmem:s6], [sflag:$0x1] =	stream.indirect.gather [hbm4b:s20+s9], $0x1, s31, s9, $0xb8;
	[tilespmem:$0x4000] =	vst v63  }
0x26e: {  	s6 =	sld [smem:$0x7F9]  }
0x26f: {  	[tilespmem:s4], [sflag:$0x1] =	stream.indirect.gather [hbm4b:s21+s9], $0x1, s31, s9, $0xb8;
	[tilespmem:$0x4000] =	vst v63  }
0x270: {  	s4 =	sld [smem:$0x7FA]  }
0x271: {  	[tilespmem:s6], [sflag:$0x1] =	stream.indirect.gather [hbm4b:s22+s9], $0x1, s31, s9, $0xb8;
	[tilespmem:$0x4000] =	vst v63  }
0x272: {  	s6 =	sld [smem:$0x7FB]  }
0x273: {  	[tilespmem:s4], [sflag:$0x1] =	stream.indirect.gather [hbm4b:s23+s9], $0x1, s31, s9, $0xb8;
	[tilespmem:$0x4000] =	vst v63  }
0x274: {  	_ = 	snop  }
0x275: {  	[tilespmem:s6], [sflag:$0x2] =	stream.indirect.gather [hbm4b:s24+s9], $0x1, s31, s9, $0xb8;
	[tilespmem:$0x4000] =	vst v63  }
0x276: {  	s6 =	simm.s32 $0x1  }
0x277: {  	_ =	swait.ge [sflag:s6], $0x3800  }
0x278: {  	[sflag:s6] =	ssyncset.done $0x0  }
0x279: {  	s4 =	simm.s32 $0x2;
	[sflag:s6] =	ssyncadd.s32 $0xFFFFC800  }
0x27a: {  	_ =	swait.ge [sflag:s4], $0x380  }
0x27b: {  	[sflag:s4] =	ssyncset.done $0x0  }
0x27c: {  	s6 =	rddreg [dreg:$0x3];
	[sflag:s4] =	ssyncadd.s32 $0xFFFFFC80  }
0x27d: {  	[hbm4b:s6+s1] =	stream.strided.scatter [tilespmem:s1], [sflag:$0x3], $0x3800, s0, s1, $0x38;
	[tilespmem:$0x4000] =	vst v63  }
0x27e: {  	_ =	swait.ge [sflag:s7], $0x3800  }
0x27f: {  	s6 =	sld [smem:$0x7FD]  }
0x280: {  	[sflag:s7] =	ssyncset.done $0x0  }
0x281: {  	p0 =	sne.s32 s25, $0x1;
	[sflag:s7] =	ssyncadd.s32 $0xFFFFC800  }
0x282: {  	[hbm4b:s6+s1] =	stream.strided.scatter [tilespmem:s2], [sflag:$0x3], $0x0, s0, s1, $0x38;
	[tilespmem:$0x4000] =	vst v63  }
.Ltmp1:
0x283: {  	_ = 	snop;
	(pc) =	sbr.rel @p0 .LBB2_2-.Ltmp1, $4  }
0x284: {  	_ = 	snop  }
0x285: {  	[hbm4b:s6+s3] =	stream.linear.scatter [tilespmem:s2], [sflag:$0x3], $0x380, $0x38;
	[tilespmem:$0x4000] =	vst v63  }
0x286: {  	_ =	swait.ge [sflag:s7], $0x380  }
0x287: {  	s25 =	sadd.s32 $0xFFFFFFFF, s25;
	[sflag:s7] =	ssyncset.done $0x0  }
.LBB2_3:
0x288: {  	[sflag:s7] =	ssyncadd.s32 $0xFFFFFC80  }
0x289: {  	_ =	sfence.sel $0x180000  }
0x28a: {  	[bflag:$0x0] =	sbarrier.arrive $0xFFFF  }
0x28b: {  	_ =	strace $0x90000050  }
0x28c: {  	s0 =	stileid.u32;
	[bflag:$0x2] =	sbarrier.arrive $0xFFFF  }
0x28d: {  	p0 =	sne.s32 s0, $0x0;
	s0 =	rddreg [dreg:$0x2]  }
0x28e: {  	s0 =	sadd.s32 @!p0 $0x100000, s0  }
0x28f: {  	[sflag:s0] =	ssyncadd.tile.s32 @!p0 $0x1;
	_ =	shalt  }
.Lfunc_end2:
_tile_overlayer_lowered:
.L_overlay_start_2:
0x290: {  	(tag) =	ssettag $0x2  }
0x291: {  	s0 =	rddreg [dreg:$0x0];
	s2 =	stileid.u32  }
0x292: {  	s1 =	rddreg [dreg:$0x1];
	p0 =	sne.s32 s2, $0x0  }
0x293: {  	s3 =	rddreg [dreg:$0x2];
	[bflag:$0x3] =	sbarrier.arrive $0xFFFF;
	s2 =	simm.s32 @!p0 $0x1C03  }
0x294: {  	[timem:s3], [sflag:s2] =	dma.local @!p0 [hbm:s0], s1  }
0x295: {  	s0 =	simm.s32 @!p0 $0x3  }
0x296: {  	_ =	swait.ge @!p0 [sflag:s0], s1  }
0x297: {  	s1 =	ssub.s32 @!p0 $0x0, s1;
	[sflag:s0] =	ssyncset.done @!p0 $0x0  }
0x298: {  	[sflag:s0] =	ssyncadd.s32 @!p0 s1  }
0x299: {  	[bflag:$0x3] =	sbarrier.arrive $0xFFFF  }
0x29a: {  	_ =	shalt  }

// kernel: kernel.21.cloned.1.call-start
scs
__scs_entry_jumppad:
0x0: {  	(pc) =	sbr.rel $0x88, $3  }
0x1: {  	(tag) =	ssettag $0x0;
	lr =	simm.s32 $0x1  }
0x2: {  	[smem:$0x3F8F] =	sst lr;
	_ =	strace $0xD0000000  }
0x3: {  	_ = 	snop  }
0x4: {  	_ = 	snop  }
0x5: {  	_ = 	snop  }
0x6: {  	_ = 	snop  }
0x7: {  	_ = 	snop  }
__scs_overlays_trampoline_lowered:
0x8: {  	[smem:$0x3F9E] =	sst s0  }
0x9: {  	[smem:$0x3F9F] =	sst s1  }
0xa: {  	[smem:$0x3FA0] =	sst s2  }
0xb: {  	[smem:$0x3FA1] =	sst s3  }
0xc: {  	[smem:$0x3FA2] =	sst s4  }
0xd: {  	[smem:$0x3FA3] =	sst s5  }
0xe: {  	[smem:$0x3FA4] =	sst s6  }
0xf: {  	[smem:$0x3FA5] =	sst s7  }
0x10: {  	[smem:$0x3FA6] =	sst s8  }
0x11: {  	[smem:$0x3FA7] =	sst s9;
	s0 =	simm.s32 @!p0 $0x0  }
0x12: {  	s1 =	sld [smem:$0x3F8D];
	s0 =	simm.s32 @p0 $0x1  }
0x13: {  	[smem:$0x3FA8] =	sst s0;
	s0 =	simm.s32 @!p1 $0x0  }
0x14: {  	s2 =	sld [smem:$0x3F8C];
	s0 =	simm.s32 @p1 $0x1  }
0x15: {  	[smem:$0x3FA9] =	sst s0;
	s0 =	simm.s32 @!p2 $0x0  }
0x16: {  	s3 =	sld [smem:$0x3FDB];
	s0 =	simm.s32 @p2 $0x1  }
0x17: {  	s4 =	simm.s32 $0x1BF5;
	[smem:$0x3FAB] =	sst s0  }
0x18: {  	s0 =	sld [smem:$0x3F8E];
	_ =	swait.ge [sflag:s4], $0x0  }
0x19: {  	s7 =	sld [smem:$0x3F8F]  }
0x1a: {  	s8 =	sadd.s32 $0xFFFFE003, lr  }
0x1b: {  	s9 =	sadd.s32 $0xFFFFFEF7, lr;
	s5 =	simm.s32 $0xFFFFFFFF;
	p2 =	slt.u32 s8, $0xFFFFF086  }
0x1c: {  	p1 =	slt.u32 s9, $0xF7A;
	s5 =	simm.s32 @!p2 $0x0  }
0x1d: {  	s5 =	simm.s32 @p1 $0x1;
	p0 =	seq.s32 s7, s2  }
0x1e: {  	s7 =	smul.u32 @!p0 $0xF7A, s2;
	p2 =	seq.s32 @!p0 s5, $0x0  }
0x1f: {  	s9 =	smul.u32 $0xF7A, s1;
	s8 =	simm.s32 @!p0 $0x1BF5;
	p2 =	por !p2, p0  }
0x20: {  	[sflag:s8] =	ssyncset.s32 @!p0 $0xFFFFF086;
	s6 =	sadd.s32 @!p0 s3, s7;
	s7 =	simm.s32 @!p0 $0x108  }
0x21: {  	s3 =	sadd.s32 s3, s9;
	s6 =	sadd.s32 @!p0 $0x88, s6;
	s7 =	simm.s32 @p2 $0x1082  }
0x22: {  	[simem:s7], [sflag:s8] =	dma.local @!p0 [hbm:s6], $0xF7A  }
0x23: {  	s9 =	sor.u32 $0xD0000000, s2;
	s6 =	simm.s32 $0x108;
	_ =	swait.ge @!p0 [sflag:s8], $0x0  }
0x24: {  	s3 =	sadd.s32 $0x88, s3;
	s6 =	simm.s32 @!p1 $0x1082;
	[sflag:s4] =	ssyncset.s32 $0xFFFFF086  }
0x25: {  	[simem:s6], [sflag:s4] =	dma.local [hbm:s3], $0xF7A  }
0x26: {  	[smem:$0x3F8F] =	sst s1;
	(tag) =	ssettag s2;
	_ =	strace s9  }
0x27: {  	s1 =	sld [smem:$0x3F9F]  }
0x28: {  	s2 =	sld [smem:$0x3FA0]  }
0x29: {  	s4 =	sld [smem:$0x3FA2]  }
0x2a: {  	p0 =	seq.s32 s5, $0x0;
	s5 =	sld [smem:$0x3FA3]  }
0x2b: {  	s6 =	sld [smem:$0x3FA4]  }
0x2c: {  	s7 =	sld [smem:$0x3FA5]  }
0x2d: {  	s3 =	simm.s32 $0x108;
	s8 =	sld [smem:$0x3FA6]  }
0x2e: {  	s3 =	simm.s32 @!p0 $0x1082;
	s9 =	sld [smem:$0x3FA7]  }
0x2f: {  	lr =	sadd.s32 s0, s3;
	s0 =	sld [smem:$0x3F9E]  }
0x30: {  	s3 =	sld [smem:$0x3FA1]  }
0x31: {  	[smem:$0x3FAA] =	sst s10  }
0x32: {  	s10 =	sld [smem:$0x3FA8];
	_ =	sdelay $0x3  }
0x33: {  	p0 =	seq.s32 s10, $0x1;
	s10 =	sld [smem:$0x3FAA];
	_ =	sdelay $0x3  }
0x34: {  	[smem:$0x3FAA] =	sst s10  }
0x35: {  	s10 =	sld [smem:$0x3FA9];
	_ =	sdelay $0x3  }
0x36: {  	p1 =	seq.s32 s10, $0x1;
	s10 =	sld [smem:$0x3FAA];
	_ =	sdelay $0x3  }
0x37: {  	[smem:$0x3FAA] =	sst s10  }
0x38: {  	s10 =	sld [smem:$0x3FAB]  }
0x39: {  	_ = 	snop;
	(pc) =	sbr.ind lr, $3  }
0x3a: {  	_ = 	snop  }
0x3b: {  	_ = 	snop  }
0x3c: {  	p2 =	seq.s32 s10, $0x1;
	s10 =	sld [smem:$0x3FAA]  }
0x3d: {  	_ =	shalt  }
0x3e: {  	_ =	shalt  }
0x3f: {  	_ =	shalt  }
0x40: {  	_ =	shalt  }
0x41: {  	_ =	shalt  }
0x42: {  	_ =	shalt  }
0x43: {  	_ =	shalt  }
0x44: {  	_ =	shalt  }
0x45: {  	_ =	shalt  }
0x46: {  	_ =	shalt  }
0x47: {  	_ =	shalt  }
0x48: {  	_ =	shalt  }
0x49: {  	_ =	shalt  }
0x4a: {  	_ =	shalt  }
0x4b: {  	_ =	shalt  }
0x4c: {  	_ =	shalt  }
0x4d: {  	_ =	shalt  }
0x4e: {  	_ =	shalt  }
0x4f: {  	_ =	shalt  }
0x50: {  	_ =	shalt  }
0x51: {  	_ =	shalt  }
0x52: {  	_ =	shalt  }
0x53: {  	_ =	shalt  }
0x54: {  	_ =	shalt  }
0x55: {  	_ =	shalt  }
0x56: {  	_ =	shalt  }
0x57: {  	_ =	shalt  }
0x58: {  	_ =	shalt  }
0x59: {  	_ =	shalt  }
0x5a: {  	_ =	shalt  }
0x5b: {  	_ =	shalt  }
0x5c: {  	_ =	shalt  }
0x5d: {  	_ =	shalt  }
0x5e: {  	_ =	shalt  }
0x5f: {  	_ =	shalt  }
0x60: {  	_ =	shalt  }
0x61: {  	_ =	shalt  }
0x62: {  	_ =	shalt  }
0x63: {  	_ =	shalt  }
0x64: {  	_ =	shalt  }
0x65: {  	_ =	shalt  }
0x66: {  	_ =	shalt  }
0x67: {  	_ =	shalt  }
0x68: {  	_ =	shalt  }
0x69: {  	_ =	shalt  }
0x6a: {  	_ =	shalt  }
0x6b: {  	_ =	shalt  }
0x6c: {  	_ =	shalt  }
0x6d: {  	_ =	shalt  }
0x6e: {  	_ =	shalt  }
0x6f: {  	_ =	shalt  }
0x70: {  	_ =	shalt  }
0x71: {  	_ =	shalt  }
0x72: {  	_ =	shalt  }
0x73: {  	_ =	shalt  }
0x74: {  	_ =	shalt  }
0x75: {  	_ =	shalt  }
0x76: {  	_ =	shalt  }
0x77: {  	_ =	shalt  }
0x78: {  	_ =	shalt  }
0x79: {  	_ =	shalt  }
0x7a: {  	_ =	shalt  }
0x7b: {  	_ =	shalt  }
0x7c: {  	_ =	shalt  }
0x7d: {  	_ =	shalt  }
0x7e: {  	_ =	shalt  }
0x7f: {  	_ =	shalt  }
0x80: {  	_ =	shalt  }
0x81: {  	_ =	shalt  }
0x82: {  	_ =	shalt  }
0x83: {  	_ =	shalt  }
0x84: {  	_ =	shalt  }
0x85: {  	_ =	shalt  }
0x86: {  	_ =	shalt  }
0x87: {  	_ =	shalt  }
.Lfunc_end0:
.L_simem_size_0:
called_computation.3_lowered:
.L_overlay_start_0:
0x88: {  	s2 =	sld [smem:$0x3FD9]  }
0x89: {  	s3 =	sld [smem:$0x3FFE];
	_ =	sdelay $0x1  }
0x8a: {  	s1 =	srdreg.scid  }
0x8b: {  	s0 =	sand.u32 $0x1, s1  }
0x8c: {  	s16 =	sshll.u32 s0, $0xA;
	s2 =	sadd.s32 s3, s2  }
0x8d: {  	s2 =	sadd.s32 s2, s16  }
0x8e: {  	[smem:$0x3FB6] =	sst s2  }
0x8f: {  	_ = 	snop  }
0x90: {  	(tm) =	ssettm $0x1  }
0x91: {  	s17 =	sld [smem:$0x3FFB];
	_ =	sdelay $0x3  }
0x92: {  	_ =	strace s17  }
0x93: {  	s2 =	sld [smem:$0x3FFC];
	_ =	sdelay $0x3  }
0x94: {  	_ =	strace s2  }
0x95: {  	s2 =	sld [smem:$0x3FFD];
	_ =	sdelay $0x3  }
0x96: {  	_ =	strace s2  }
0x97: {  	_ =	strace $0x8FFFFFFF  }
0x98: {  	s18 =	sld [smem:$0x3FDB];
	_ =	sdelay $0x1  }
0x99: {  	s19 =	simm.s32 $_scs_section_size  }
0x9a: {  	s4 =	simm.s32 $_size__tile_overlayer_lowered;
	s5 =	simm.s32 $_tile_overlayer_lowered  }
0x9b: {  	s22 =	simm.s32 $0x1BFF;
	s21 =	sshll.u32 s5, $0x1;
	s2 =	sadd.s32 s19, s18  }
0x9c: {  	s6 =	simm.s32 $0x0;
	s20 =	sshll.u32 s4, $0x1;
	s4 =	sadd.s32 s21, s2  }
0x9d: {  	[timem:s6], [sflag:s22] =	dma.local [hbm:s4], s20  }
0x9e: {  	_ =	swait.ge [sflag:s22], s20  }
0x9f: {  	s3 =	ssub.s32 $0x0, s20;
	[sflag:s22] =	ssyncset.done $0x0  }
0xa0: {  	[sflag:s22] =	ssyncadd.s32 s3;
	_ =	sdelay $0x1  }
0xa1: {  	s23 =	simm.s32 $0x1B8B  }
0xa2: {  	_ =	swait.ge [sflag:s23], $0x1  }
0xa3: {  	[sflag:s23] =	ssyncset.done $0x0  }
0xa4: {  	s25 =	simm.s32 $0x1B8E;
	s24 =	sld [smem:$0x3FFE];
	[sflag:s23] =	ssyncadd.s32 $0xFFFFFFFF  }
0xa5: {  	s26 =	simm.s32 $execute0_lowered;
	[smem:$0x3FD2] =	sst s25  }
0xa6: {  	s4 =	sshll.u32 s26, $0x1;
	_ =	strace $0x80000046;
	[dreg:$0x1] =	wrdreg $0xFFFFFFFF  }
0xa7: {  	s28 =	simm.s32 $_size_execute0_lowered;
	s2 =	sadd.s32 s2, s4;
	[dreg:$0x0] =	wrdreg $0x0  }
0xa8: {  	s4 =	sshll.u32 s28, $0x1;
	[dreg:$0x2] =	wrdreg s2  }
0xa9: {  	[dreg:$0x3] =	wrdreg s4  }
0xaa: {  	[dreg:$0x4] =	wrdreg $0xC0  }
0xab: {  	_ =	task [dreg:s6], $0x5FFFF  }
0xac: {  	[dreg:$0x1] =	wrdreg $0xFFFFFFFF  }
0xad: {  	[dreg:$0x0] =	wrdreg $0x60  }
0xae: {  	[dreg:$0x2] =	wrdreg s24  }
0xaf: {  	[dreg:$0x3] =	wrdreg $0xC  }
0xb0: {  	_ =	task.clear_ibuf [dreg:s6], $0x4FFFF;
	_ =	strace $0x90000046  }
0xb1: {  	s29 =	simm.s32 $0xC;
	_ =	strace $0x80000048  }
0xb2: {  	_ =	swait.ge [sflag:s29], $0x1  }
0xb3: {  	[sflag:s29] =	ssyncadd.s32 $0xFFFFFFFF  }
0xb4: {  	_ =	strace $0x90000048  }
0xb5: {  	_ =	sfence  }
0xb6: {  	s30 =	sld [smem:$0x0];
	_ =	sdelay $0x2  }
0xb7: {  	s31 =	sshll.u32 s1, $0xD;
	s1 =	sshrl.u32 s1, $0x2  }
0xb8: {  	s3 =	sand.u32 $0x4000, s31;
	s1 =	sadd.s32 s1, s30  }
0xb9: {  	s0 =	sor.u32 s3, s0;
	s1 =	sshll.u32 s1, $0x11  }
0xba: {  	s0 =	sor.u32 s1, s0  }
0xbb: {  	s0 =	sadd.s32 $0x8F2B, s0  }
0xbc: {  	[sflag:s0] =	ssyncadd.remote.s32 $0x1  }
0xbd: {  	_ =	sfence.sel $0xFFFF  }
0xbe: {  	[dreg:$0x0] =	wrdreg $0xFFFFFFFF;
	(pc) =	sbr.abs _section_cstart, $3  }
0xbf: {  	[dreg:$0x1] =	wrdreg $0xFFFFFFFF  }
0xc0: {  	_ =	task.clear_ibuf [dreg:s6], $0x2FFFF;
	_ =	strace $0x9FFFFFFF  }
0xc1: {  	(tm) =	ssettm $0x7FFFFFFF  }
tec
execute0_lowered:
.L_overlay_start_1:
0x0: {  	(tag) =	ssettag $0x1  }
0x1: {  	s2 =	stileid.u32  }
0x2: {  	s1 =	rddreg [dreg:$0x0];
	s3 =	sshll.u32 s2, $0x8;
	s2 =	simm.s32 $0x0  }
0x3: {  	s21 =	simm.s32 $0x480;
	[smem:$0x7FF] =	sst s2  }
0x4: {  	s22 =	simm.s32 $0x500;
	_ =	strace $0x80000047;
	[dreg:$0x3] =	wrdreg s21  }
0x5: {  	s23 =	simm.s32 $0x580;
	[dreg:$0x4] =	wrdreg s22  }
0x6: {  	s24 =	simm.s32 $0x600;
	[dreg:$0x5] =	wrdreg s23  }
0x7: {  	s25 =	simm.s32 $0x680;
	[dreg:$0x6] =	wrdreg s24  }
0x8: {  	s26 =	simm.s32 $0x700;
	[dreg:$0x7] =	wrdreg s25  }
0x9: {  	s31 =	simm.s32 $0x780;
	[dreg:$0x8] =	wrdreg s26  }
0xa: {  	s6 =	simm.s32 $0x880;
	[dreg:$0x9] =	wrdreg s31  }
0xb: {  	s7 =	simm.s32 $0x900;
	[dreg:$0xb] =	wrdreg s6  }
0xc: {  	s8 =	simm.s32 $0x980;
	[dreg:$0xc] =	wrdreg s7  }
0xd: {  	s9 =	simm.s32 $0xA00;
	[dreg:$0xd] =	wrdreg s8  }
0xe: {  	s10 =	simm.s32 $0xA80;
	[dreg:$0xe] =	wrdreg s9  }
0xf: {  	s11 =	simm.s32 $0xB00;
	[dreg:$0xf] =	wrdreg s10  }
0x10: {  	s12 =	simm.s32 $0xB80;
	[dreg:$0x10] =	wrdreg s11  }
0x11: {  	s13 =	simm.s32 $0xC00;
	[dreg:$0x11] =	wrdreg s12  }
0x12: {  	s14 =	simm.s32 $0xC80;
	[dreg:$0x12] =	wrdreg s13  }
0x13: {  	s15 =	simm.s32 $0xD00;
	[dreg:$0x13] =	wrdreg s14  }
0x14: {  	s16 =	simm.s32 $0xD80;
	[dreg:$0x14] =	wrdreg s15  }
0x15: {  	s17 =	simm.s32 $0xE00;
	[dreg:$0x15] =	wrdreg s16  }
0x16: {  	s0 =	srdreg.scid;
	s18 =	simm.s32 $0xE80;
	[dreg:$0x16] =	wrdreg s17  }
0x17: {  	s19 =	simm.s32 $0xF00;
	s5 =	sand.u32 $0x1, s0;
	[dreg:$0x17] =	wrdreg s18  }
0x18: {  	s20 =	simm.s32 $0xF80;
	s4 =	sshll.u32 s5, $0x7;
	[dreg:$0x18] =	wrdreg s19  }
0x19: {  	s3 =	sor.u32 s4, s3;
	s4 =	simm.s32 $0x800;
	[dreg:$0x19] =	wrdreg s20  }
0x1a: {  	s21 =	simm.s32 $0x1000;
	[dreg:$0xa] =	wrdreg s4  }
0x1b: {  	s22 =	simm.s32 $0x1080;
	[dreg:$0x1a] =	wrdreg s21  }
0x1c: {  	s23 =	simm.s32 $0x1100;
	[dreg:$0x1b] =	wrdreg s22  }
0x1d: {  	s24 =	simm.s32 $0x1180;
	[dreg:$0x1c] =	wrdreg s23  }
0x1e: {  	s25 =	simm.s32 $0x1200;
	[dreg:$0x1d] =	wrdreg s24  }
0x1f: {  	s26 =	simm.s32 $0x1280;
	[dreg:$0x1e] =	wrdreg s25  }
0x20: {  	s31 =	simm.s32 $0x1300;
	[dreg:$0x1f] =	wrdreg s26  }
0x21: {  	s6 =	simm.s32 $0x3480;
	[smem:$0x7B6] =	sst s31  }
0x22: {  	s7 =	simm.s32 $0x1400;
	[smem:$0x7B8] =	sst s6  }
0x23: {  	s8 =	simm.s32 $0x1480;
	[smem:$0x7B9] =	sst s7  }
0x24: {  	s9 =	simm.s32 $0x1500;
	[smem:$0x7BA] =	sst s8  }
0x25: {  	s10 =	simm.s32 $0x1580;
	[smem:$0x7BB] =	sst s9  }
0x26: {  	s11 =	simm.s32 $0x1600;
	[smem:$0x7BC] =	sst s10  }
0x27: {  	s12 =	simm.s32 $0x1680;
	[smem:$0x7BD] =	sst s11  }
0x28: {  	s13 =	simm.s32 $0x1700;
	[smem:$0x7BE] =	sst s12  }
0x29: {  	s14 =	simm.s32 $0x1780;
	[smem:$0x7BF] =	sst s13  }
0x2a: {  	s15 =	simm.s32 $0x1800;
	[smem:$0x7C0] =	sst s14  }
0x2b: {  	s16 =	simm.s32 $0x1880;
	[smem:$0x7C1] =	sst s15  }
0x2c: {  	s17 =	simm.s32 $0x1900;
	[smem:$0x7C2] =	sst s16  }
0x2d: {  	s18 =	simm.s32 $0x1980;
	[smem:$0x7C3] =	sst s17  }
0x2e: {  	s19 =	simm.s32 $0x1A00;
	[smem:$0x7C4] =	sst s18  }
0x2f: {  	s20 =	simm.s32 $0x1A80;
	[smem:$0x7C5] =	sst s19  }
0x30: {  	s0 =	sadd.s32 s3, s1;
	[smem:$0x7C6] =	sst s20  }
0x31: {  	s4 =	simm.s32 $0x1380;
	[smem:$0x7FD] =	sst s0  }
0x32: {  	s21 =	simm.s32 $0x1B00;
	[smem:$0x7B7] =	sst s4  }
0x33: {  	s22 =	simm.s32 $0x1B80;
	[smem:$0x7C7] =	sst s21  }
0x34: {  	s23 =	simm.s32 $0x3500;
	[smem:$0x7C8] =	sst s22  }
0x35: {  	s24 =	simm.s32 $0x1C00;
	[smem:$0x7C9] =	sst s23  }
0x36: {  	s25 =	simm.s32 $0x1C80;
	[smem:$0x7CA] =	sst s24  }
0x37: {  	s26 =	simm.s32 $0x1D00;
	[smem:$0x7CB] =	sst s25  }
0x38: {  	s31 =	simm.s32 $0x1D80;
	[smem:$0x7CC] =	sst s26  }
0x39: {  	s6 =	simm.s32 $0x1E80;
	[smem:$0x7CD] =	sst s31  }
0x3a: {  	s7 =	simm.s32 $0x1F00;
	[smem:$0x7CF] =	sst s6  }
0x3b: {  	s8 =	simm.s32 $0x1F80;
	[smem:$0x7D0] =	sst s7  }
0x3c: {  	s9 =	simm.s32 $0x2000;
	[smem:$0x7D1] =	sst s8  }
0x3d: {  	s10 =	simm.s32 $0x2080;
	[smem:$0x7D2] =	sst s9  }
0x3e: {  	s11 =	simm.s32 $0x2100;
	[smem:$0x7D3] =	sst s10  }
0x3f: {  	s12 =	simm.s32 $0x2180;
	[smem:$0x7D4] =	sst s11  }
0x40: {  	s13 =	simm.s32 $0x2200;
	[smem:$0x7D5] =	sst s12  }
0x41: {  	s14 =	simm.s32 $0x2280;
	[smem:$0x7D6] =	sst s13  }
0x42: {  	s15 =	simm.s32 $0x2300;
	[smem:$0x7D7] =	sst s14  }
0x43: {  	s16 =	simm.s32 $0x2380;
	[smem:$0x7D8] =	sst s15  }
0x44: {  	s17 =	simm.s32 $0x3580;
	[smem:$0x7D9] =	sst s16  }
0x45: {  	s18 =	simm.s32 $0x2400;
	[smem:$0x7DA] =	sst s17  }
0x46: {  	s19 =	simm.s32 $0x2480;
	[smem:$0x7DB] =	sst s18  }
0x47: {  	s20 =	simm.s32 $0x2500;
	[smem:$0x7DC] =	sst s19  }
0x48: {  	s3 =	sadd.s32 $0x147200, s0;
	[smem:$0x7DD] =	sst s20  }
0x49: {  	s4 =	simm.s32 $0x1E00;
	[dreg:$0x2] =	wrdreg s3  }
0x4a: {  	s21 =	simm.s32 $0x2580;
	[smem:$0x7CE] =	sst s4  }
0x4b: {  	s22 =	simm.s32 $0x2600;
	[smem:$0x7DE] =	sst s21  }
0x4c: {  	s23 =	simm.s32 $0x2680;
	[smem:$0x7DF] =	sst s22  }
0x4d: {  	s24 =	simm.s32 $0x2700;
	[smem:$0x7E0] =	sst s23  }
0x4e: {  	s25 =	simm.s32 $0x2780;
	[smem:$0x7E1] =	sst s24  }
0x4f: {  	s26 =	simm.s32 $0x2800;
	[smem:$0x7E2] =	sst s25  }
0x50: {  	s31 =	simm.s32 $0x2880;
	[smem:$0x7E3] =	sst s26  }
0x51: {  	s6 =	simm.s32 $0x2980;
	[smem:$0x7E4] =	sst s31  }
0x52: {  	s7 =	simm.s32 $0x2A00;
	[smem:$0x7E6] =	sst s6  }
0x53: {  	s8 =	simm.s32 $0x2A80;
	[smem:$0x7E7] =	sst s7  }
0x54: {  	s9 =	simm.s32 $0x2B00;
	[smem:$0x7E8] =	sst s8  }
0x55: {  	s10 =	simm.s32 $0x2B80;
	[smem:$0x7E9] =	sst s9  }
0x56: {  	s11 =	simm.s32 $0x3600;
	[smem:$0x7EA] =	sst s10  }
0x57: {  	s12 =	simm.s32 $0x2C00;
	[smem:$0x7EB] =	sst s11  }
0x58: {  	s13 =	simm.s32 $0x2C80;
	[smem:$0x7EC] =	sst s12  }
0x59: {  	s14 =	simm.s32 $0x2D00;
	[smem:$0x7ED] =	sst s13  }
0x5a: {  	s15 =	simm.s32 $0x2D80;
	[smem:$0x7EE] =	sst s14  }
0x5b: {  	s16 =	simm.s32 $0x2E00;
	[smem:$0x7EF] =	sst s15  }
0x5c: {  	s17 =	simm.s32 $0x2E80;
	[smem:$0x7F0] =	sst s16  }
0x5d: {  	s18 =	simm.s32 $0x2F00;
	[smem:$0x7F1] =	sst s17  }
0x5e: {  	s19 =	simm.s32 $0x2F80;
	[smem:$0x7F2] =	sst s18  }
0x5f: {  	s20 =	simm.s32 $0x3000;
	[smem:$0x7F3] =	sst s19  }
0x60: {  	s0 =	sadd.s32 $0x145200, s0;
	[smem:$0x7F4] =	sst s20  }
0x61: {  	s4 =	simm.s32 $0x2900;
	[smem:$0x7B5] =	sst s0  }
0x62: {  	s21 =	simm.s32 $0x3080;
	[smem:$0x7E5] =	sst s4  }
0x63: {  	s22 =	simm.s32 $0x3100;
	[smem:$0x7F5] =	sst s21  }
0x64: {  	s23 =	simm.s32 $0x3180;
	[smem:$0x7F6] =	sst s22  }
0x65: {  	s24 =	simm.s32 $0x3200;
	[smem:$0x7F7] =	sst s23  }
0x66: {  	s25 =	simm.s32 $0x3280;
	[smem:$0x7F8] =	sst s24  }
0x67: {  	s6 =	simm.s32 $0x3300;
	[smem:$0x7F9] =	sst s25  }
0x68: {  	s26 =	simm.s32 $0x3380;
	s3 =	simm.s32 $0x8000;
	[smem:$0x7FA] =	sst s6  }
0x69: {  	s7 =	simm.s32 $0x3680;
	s4 =	simm.s32 $0x400;
	[smem:$0x7FB] =	sst s26  }
0x6a: {  	[tilespmem:s2], [sflag:$0x3] =	stream.strided.gather [hbm4b:s0+s4], $0x0, s3, s4, $0x38;
	[tilespmem:$0x3800] =	vst v63  }
0x6b: {  	s6 =	simm.s32 $0x3;
	[smem:$0x7FC] =	sst s7  }
0x6c: {  	[tilespmem:s2], [sflag:$0x3] =	stream.linear.gather [hbm4b:s0+s2], $0x300, $0x38;
	[tilespmem:$0x3800] =	vst v63  }
0x6d: {  	_ =	swait.ge [sflag:s6], $0x300  }
0x6e: {  	[sflag:s6] =	ssyncset.done $0x0  }
0x6f: {  	s8 =	simm.s32 $0x80;
	s7 =	sadd.s32 $0x9EA00, s1;
	[sflag:s6] =	ssyncadd.s32 $0xFFFFFD00  }
0x70: {  	[tilespmem:s4], [sflag:$0x1] =	stream.indirect.gather [hbm4b:s7+s8], $0x1, s2, s8, $0xb8;
	[tilespmem:$0x3800] =	vst v63  }
0x71: {  	s9 =	sadd.s32 $0xB1200, s1;
	s10 =	rddreg [dreg:$0x3]  }
0x72: {  	[tilespmem:s10], [sflag:$0x1] =	stream.indirect.gather [hbm4b:s9+s8], $0x1, s2, s8, $0xb8;
	[tilespmem:$0x3800] =	vst v63  }
0x73: {  	s11 =	rddreg [dreg:$0x4];
	s10 =	sadd.s32 $0xC3A00, s1  }
0x74: {  	[tilespmem:s11], [sflag:$0x1] =	stream.indirect.gather [hbm4b:s10+s8], $0x1, s2, s8, $0xb8;
	[tilespmem:$0x3800] =	vst v63  }
0x75: {  	s12 =	rddreg [dreg:$0x5];
	s11 =	sadd.s32 $0xD6200, s1  }
0x76: {  	[tilespmem:s12], [sflag:$0x1] =	stream.indirect.gather [hbm4b:s11+s8], $0x1, s2, s8, $0xb8;
	[tilespmem:$0x3800] =	vst v63  }
0x77: {  	s13 =	rddreg [dreg:$0x6];
	s12 =	sadd.s32 $0xE8A00, s1  }
0x78: {  	[tilespmem:s13], [sflag:$0x1] =	stream.indirect.gather [hbm4b:s12+s8], $0x1, s2, s8, $0xb8;
	[tilespmem:$0x3800] =	vst v63  }
0x79: {  	s14 =	rddreg [dreg:$0x7];
	s13 =	sadd.s32 $0xFB200, s1  }
0x7a: {  	[tilespmem:s14], [sflag:$0x1] =	stream.indirect.gather [hbm4b:s13+s8], $0x1, s2, s8, $0xb8;
	[tilespmem:$0x3800] =	vst v63  }
0x7b: {  	s15 =	rddreg [dreg:$0x8];
	s14 =	sadd.s32 $0x10DA00, s1  }
0x7c: {  	[tilespmem:s15], [sflag:$0x1] =	stream.indirect.gather [hbm4b:s14+s8], $0x1, s2, s8, $0xb8;
	[tilespmem:$0x3800] =	vst v63  }
0x7d: {  	s16 =	rddreg [dreg:$0x9];
	s15 =	sadd.s32 $0x120200, s1  }
0x7e: {  	[tilespmem:s16], [sflag:$0x1] =	stream.indirect.gather [hbm4b:s15+s8], $0x1, s2, s8, $0xb8;
	[tilespmem:$0x3800] =	vst v63  }
0x7f: {  	s17 =	rddreg [dreg:$0xa];
	s16 =	sadd.s32 $0x132A00, s1  }
0x80: {  	[tilespmem:s17], [sflag:$0x1] =	stream.indirect.gather [hbm4b:s16+s8], $0x1, s2, s8, $0xb8;
	[tilespmem:$0x3800] =	vst v63  }
0x81: {  	s18 =	rddreg [dreg:$0xb];
	s17 =	sadd.s32 $0xAA00, s1  }
0x82: {  	[tilespmem:s18], [sflag:$0x1] =	stream.indirect.gather [hbm4b:s17+s8], $0x1, s2, s8, $0xb8;
	[tilespmem:$0x3800] =	vst v63  }
0x83: {  	s19 =	rddreg [dreg:$0xc];
	s18 =	sadd.s32 $0x1D200, s1  }
0x84: {  	[tilespmem:s19], [sflag:$0x1] =	stream.indirect.gather [hbm4b:s18+s8], $0x1, s2, s8, $0xb8;
	[tilespmem:$0x3800] =	vst v63  }
0x85: {  	s20 =	rddreg [dreg:$0xd];
	s19 =	sadd.s32 $0x2FA00, s1  }
0x86: {  	[tilespmem:s20], [sflag:$0x1] =	stream.indirect.gather [hbm4b:s19+s8], $0x1, s2, s8, $0xb8;
	[tilespmem:$0x3800] =	vst v63  }
0x87: {  	s21 =	rddreg [dreg:$0xe];
	s20 =	sadd.s32 $0x42200, s1  }
0x88: {  	[tilespmem:s21], [sflag:$0x1] =	stream.indirect.gather [hbm4b:s20+s8], $0x1, s2, s8, $0xb8;
	[tilespmem:$0x3800] =	vst v63  }
0x89: {  	s22 =	rddreg [dreg:$0xf];
	s21 =	sadd.s32 $0x54A00, s1  }
0x8a: {  	[tilespmem:s22], [sflag:$0x1] =	stream.indirect.gather [hbm4b:s21+s8], $0x1, s2, s8, $0xb8;
	[tilespmem:$0x3800] =	vst v63  }
0x8b: {  	s23 =	rddreg [dreg:$0x10];
	s22 =	sadd.s32 $0x67200, s1  }
0x8c: {  	[tilespmem:s23], [sflag:$0x1] =	stream.indirect.gather [hbm4b:s22+s8], $0x1, s2, s8, $0xb8;
	[tilespmem:$0x3800] =	vst v63  }
0x8d: {  	s24 =	rddreg [dreg:$0x11];
	s23 =	sadd.s32 $0x79A00, s1  }
0x8e: {  	[tilespmem:s24], [sflag:$0x1] =	stream.indirect.gather [hbm4b:s23+s8], $0x1, s2, s8, $0xb8;
	[tilespmem:$0x3800] =	vst v63  }
0x8f: {  	s25 =	simm.s32 $0x3400;
	s31 =	rddreg [dreg:$0x12];
	s24 =	sadd.s32 $0x8C200, s1  }
0x90: {  	[tilespmem:s25], [sflag:$0x2] =	stream.indirect.gather [hbm4b:s24+s8], $0x1, s2, s8, $0xb8;
	[tilespmem:$0x3800] =	vst v63  }
0x91: {  	s26 =	rddreg [dreg:$0x13]  }
0x92: {  	[tilespmem:s31], [sflag:$0x1] =	stream.indirect.gather [hbm4b:s7+s8], $0x1, s8, s8, $0xb8;
	[tilespmem:$0x3800] =	vst v63  }
0x93: {  	s0 =	rddreg [dreg:$0x14]  }
0x94: {  	[tilespmem:s26], [sflag:$0x1] =	stream.indirect.gather [hbm4b:s9+s8], $0x1, s8, s8, $0xb8;
	[tilespmem:$0x3800] =	vst v63  }
0x95: {  	s31 =	rddreg [dreg:$0x15]  }
0x96: {  	[tilespmem:s0], [sflag:$0x1] =	stream.indirect.gather [hbm4b:s10+s8], $0x1, s8, s8, $0xb8;
	[tilespmem:$0x3800] =	vst v63  }
0x97: {  	s0 =	rddreg [dreg:$0x16]  }
0x98: {  	[tilespmem:s31], [sflag:$0x1] =	stream.indirect.gather [hbm4b:s11+s8], $0x1, s8, s8, $0xb8;
	[tilespmem:$0x3800] =	vst v63  }
0x99: {  	s31 =	rddreg [dreg:$0x17]  }
0x9a: {  	[tilespmem:s0], [sflag:$0x1] =	stream.indirect.gather [hbm4b:s12+s8], $0x1, s8, s8, $0xb8;
	[tilespmem:$0x3800] =	vst v63  }
0x9b: {  	s0 =	rddreg [dreg:$0x18]  }
0x9c: {  	[tilespmem:s31], [sflag:$0x1] =	stream.indirect.gather [hbm4b:s13+s8], $0x1, s8, s8, $0xb8;
	[tilespmem:$0x3800] =	vst v63  }
0x9d: {  	s31 =	rddreg [dreg:$0x19]  }
0x9e: {  	[tilespmem:s0], [sflag:$0x1] =	stream.indirect.gather [hbm4b:s14+s8], $0x1, s8, s8, $0xb8;
	[tilespmem:$0x3800] =	vst v63  }
0x9f: {  	s0 =	rddreg [dreg:$0x1a]  }
0xa0: {  	[tilespmem:s31], [sflag:$0x1] =	stream.indirect.gather [hbm4b:s15+s8], $0x1, s8, s8, $0xb8;
	[tilespmem:$0x3800] =	vst v63  }
0xa1: {  	s31 =	rddreg [dreg:$0x1b]  }
0xa2: {  	[tilespmem:s0], [sflag:$0x1] =	stream.indirect.gather [hbm4b:s16+s8], $0x1, s8, s8, $0xb8;
	[tilespmem:$0x3800] =	vst v63  }
0xa3: {  	s0 =	rddreg [dreg:$0x1c]  }
0xa4: {  	[tilespmem:s31], [sflag:$0x1] =	stream.indirect.gather [hbm4b:s17+s8], $0x1, s8, s8, $0xb8;
	[tilespmem:$0x3800] =	vst v63  }
0xa5: {  	s31 =	rddreg [dreg:$0x1d]  }
0xa6: {  	[tilespmem:s0], [sflag:$0x1] =	stream.indirect.gather [hbm4b:s18+s8], $0x1, s8, s8, $0xb8;
	[tilespmem:$0x3800] =	vst v63  }
0xa7: {  	s0 =	rddreg [dreg:$0x1e]  }
0xa8: {  	[tilespmem:s31], [sflag:$0x1] =	stream.indirect.gather [hbm4b:s19+s8], $0x1, s8, s8, $0xb8;
	[tilespmem:$0x3800] =	vst v63  }
0xa9: {  	s31 =	rddreg [dreg:$0x1f]  }
0xaa: {  	[tilespmem:s0], [sflag:$0x1] =	stream.indirect.gather [hbm4b:s20+s8], $0x1, s8, s8, $0xb8;
	[tilespmem:$0x3800] =	vst v63  }
0xab: {  	s0 =	sld [smem:$0x7B6]  }
0xac: {  	[tilespmem:s31], [sflag:$0x1] =	stream.indirect.gather [hbm4b:s21+s8], $0x1, s8, s8, $0xb8;
	[tilespmem:$0x3800] =	vst v63  }
0xad: {  	s31 =	sld [smem:$0x7B7]  }
0xae: {  	[tilespmem:s0], [sflag:$0x1] =	stream.indirect.gather [hbm4b:s22+s8], $0x1, s8, s8, $0xb8;
	[tilespmem:$0x3800] =	vst v63  }
0xaf: {  	s0 =	sld [smem:$0x7B8]  }
0xb0: {  	[tilespmem:s31], [sflag:$0x1] =	stream.indirect.gather [hbm4b:s23+s8], $0x1, s8, s8, $0xb8;
	[tilespmem:$0x3800] =	vst v63  }
0xb1: {  	s28 =	sld [smem:$0x7B9]  }
0xb2: {  	[tilespmem:s0], [sflag:$0x2] =	stream.indirect.gather [hbm4b:s24+s8], $0x1, s8, s8, $0xb8;
	[tilespmem:$0x3800] =	vst v63  }
0xb3: {  	s26 =	simm.s32 $0x100;
	s31 =	sld [smem:$0x7BA]  }
0xb4: {  	[tilespmem:s28], [sflag:$0x1] =	stream.indirect.gather [hbm4b:s7+s8], $0x1, s26, s8, $0xb8;
	[tilespmem:$0x3800] =	vst v63  }
0xb5: {  	s28 =	sld [smem:$0x7BB]  }
0xb6: {  	[tilespmem:s31], [sflag:$0x1] =	stream.indirect.gather [hbm4b:s9+s8], $0x1, s26, s8, $0xb8;
	[tilespmem:$0x3800] =	vst v63  }
0xb7: {  	s0 =	sld [smem:$0x7BC]  }
0xb8: {  	[tilespmem:s28], [sflag:$0x1] =	stream.indirect.gather [hbm4b:s10+s8], $0x1, s26, s8, $0xb8;
	[tilespmem:$0x3800] =	vst v63  }
0xb9: {  	s28 =	sld [smem:$0x7BD]  }
0xba: {  	[tilespmem:s0], [sflag:$0x1] =	stream.indirect.gather [hbm4b:s11+s8], $0x1, s26, s8, $0xb8;
	[tilespmem:$0x3800] =	vst v63  }
0xbb: {  	s31 =	sld [smem:$0x7BE]  }
0xbc: {  	[tilespmem:s28], [sflag:$0x1] =	stream.indirect.gather [hbm4b:s12+s8], $0x1, s26, s8, $0xb8;
	[tilespmem:$0x3800] =	vst v63  }
0xbd: {  	s28 =	sld [smem:$0x7BF]  }
0xbe: {  	[tilespmem:s31], [sflag:$0x1] =	stream.indirect.gather [hbm4b:s13+s8], $0x1, s26, s8, $0xb8;
	[tilespmem:$0x3800] =	vst v63  }
0xbf: {  	s0 =	sld [smem:$0x7C0]  }
0xc0: {  	[tilespmem:s28], [sflag:$0x1] =	stream.indirect.gather [hbm4b:s14+s8], $0x1, s26, s8, $0xb8;
	[tilespmem:$0x3800] =	vst v63  }
0xc1: {  	s28 =	sld [smem:$0x7C1]  }
0xc2: {  	[tilespmem:s0], [sflag:$0x1] =	stream.indirect.gather [hbm4b:s15+s8], $0x1, s26, s8, $0xb8;
	[tilespmem:$0x3800] =	vst v63  }
0xc3: {  	s31 =	sld [smem:$0x7C2]  }
0xc4: {  	[tilespmem:s28], [sflag:$0x1] =	stream.indirect.gather [hbm4b:s16+s8], $0x1, s26, s8, $0xb8;
	[tilespmem:$0x3800] =	vst v63  }
0xc5: {  	s28 =	sld [smem:$0x7C3]  }
0xc6: {  	[tilespmem:s31], [sflag:$0x1] =	stream.indirect.gather [hbm4b:s17+s8], $0x1, s26, s8, $0xb8;
	[tilespmem:$0x3800] =	vst v63  }
0xc7: {  	s0 =	sld [smem:$0x7C4]  }
0xc8: {  	[tilespmem:s28], [sflag:$0x1] =	stream.indirect.gather [hbm4b:s18+s8], $0x1, s26, s8, $0xb8;
	[tilespmem:$0x3800] =	vst v63  }
0xc9: {  	s28 =	sld [smem:$0x7C5]  }
0xca: {  	[tilespmem:s0], [sflag:$0x1] =	stream.indirect.gather [hbm4b:s19+s8], $0x1, s26, s8, $0xb8;
	[tilespmem:$0x3800] =	vst v63  }
0xcb: {  	s31 =	sld [smem:$0x7C6]  }
0xcc: {  	[tilespmem:s28], [sflag:$0x1] =	stream.indirect.gather [hbm4b:s20+s8], $0x1, s26, s8, $0xb8;
	[tilespmem:$0x3800] =	vst v63  }
0xcd: {  	s28 =	sld [smem:$0x7C7]  }
0xce: {  	[tilespmem:s31], [sflag:$0x1] =	stream.indirect.gather [hbm4b:s21+s8], $0x1, s26, s8, $0xb8;
	[tilespmem:$0x3800] =	vst v63  }
0xcf: {  	s0 =	sld [smem:$0x7C8]  }
0xd0: {  	[tilespmem:s28], [sflag:$0x1] =	stream.indirect.gather [hbm4b:s22+s8], $0x1, s26, s8, $0xb8;
	[tilespmem:$0x3800] =	vst v63  }
0xd1: {  	s28 =	sld [smem:$0x7C9]  }
0xd2: {  	[tilespmem:s0], [sflag:$0x1] =	stream.indirect.gather [hbm4b:s23+s8], $0x1, s26, s8, $0xb8;
	[tilespmem:$0x3800] =	vst v63  }
0xd3: {  	s31 =	sld [smem:$0x7CA]  }
0xd4: {  	[tilespmem:s28], [sflag:$0x2] =	stream.indirect.gather [hbm4b:s24+s8], $0x1, s26, s8, $0xb8;
	[tilespmem:$0x3800] =	vst v63  }
0xd5: {  	s29 =	sld [smem:$0x7CB];
	s28 =	simm.s32 $0x180  }
0xd6: {  	[tilespmem:s31], [sflag:$0x1] =	stream.indirect.gather [hbm4b:s7+s8], $0x1, s28, s8, $0xb8;
	[tilespmem:$0x3800] =	vst v63  }
0xd7: {  	s0 =	sld [smem:$0x7CC]  }
0xd8: {  	[tilespmem:s29], [sflag:$0x1] =	stream.indirect.gather [hbm4b:s9+s8], $0x1, s28, s8, $0xb8;
	[tilespmem:$0x3800] =	vst v63  }
0xd9: {  	s29 =	sld [smem:$0x7CD]  }
0xda: {  	[tilespmem:s0], [sflag:$0x1] =	stream.indirect.gather [hbm4b:s10+s8], $0x1, s28, s8, $0xb8;
	[tilespmem:$0x3800] =	vst v63  }
0xdb: {  	s31 =	sld [smem:$0x7CE]  }
0xdc: {  	[tilespmem:s29], [sflag:$0x1] =	stream.indirect.gather [hbm4b:s11+s8], $0x1, s28, s8, $0xb8;
	[tilespmem:$0x3800] =	vst v63  }
0xdd: {  	s29 =	sld [smem:$0x7CF]  }
0xde: {  	[tilespmem:s31], [sflag:$0x1] =	stream.indirect.gather [hbm4b:s12+s8], $0x1, s28, s8, $0xb8;
	[tilespmem:$0x3800] =	vst v63  }
0xdf: {  	s0 =	sld [smem:$0x7D0]  }
0xe0: {  	[tilespmem:s29], [sflag:$0x1] =	stream.indirect.gather [hbm4b:s13+s8], $0x1, s28, s8, $0xb8;
	[tilespmem:$0x3800] =	vst v63  }
0xe1: {  	s29 =	sld [smem:$0x7D1]  }
0xe2: {  	[tilespmem:s0], [sflag:$0x1] =	stream.indirect.gather [hbm4b:s14+s8], $0x1, s28, s8, $0xb8;
	[tilespmem:$0x3800] =	vst v63  }
0xe3: {  	s31 =	sld [smem:$0x7D2]  }
0xe4: {  	[tilespmem:s29], [sflag:$0x1] =	stream.indirect.gather [hbm4b:s15+s8], $0x1, s28, s8, $0xb8;
	[tilespmem:$0x3800] =	vst v63  }
0xe5: {  	s29 =	sld [smem:$0x7D3]  }
0xe6: {  	[tilespmem:s31], [sflag:$0x1] =	stream.indirect.gather [hbm4b:s16+s8], $0x1, s28, s8, $0xb8;
	[tilespmem:$0x3800] =	vst v63  }
0xe7: {  	s0 =	sld [smem:$0x7D4]  }
0xe8: {  	[tilespmem:s29], [sflag:$0x1] =	stream.indirect.gather [hbm4b:s17+s8], $0x1, s28, s8, $0xb8;
	[tilespmem:$0x3800] =	vst v63  }
0xe9: {  	s29 =	sld [smem:$0x7D5]  }
0xea: {  	[tilespmem:s0], [sflag:$0x1] =	stream.indirect.gather [hbm4b:s18+s8], $0x1, s28, s8, $0xb8;
	[tilespmem:$0x3800] =	vst v63  }
0xeb: {  	s31 =	sld [smem:$0x7D6]  }
0xec: {  	[tilespmem:s29], [sflag:$0x1] =	stream.indirect.gather [hbm4b:s19+s8], $0x1, s28, s8, $0xb8;
	[tilespmem:$0x3800] =	vst v63  }
0xed: {  	s29 =	sld [smem:$0x7D7]  }
0xee: {  	[tilespmem:s31], [sflag:$0x1] =	stream.indirect.gather [hbm4b:s20+s8], $0x1, s28, s8, $0xb8;
	[tilespmem:$0x3800] =	vst v63  }
0xef: {  	s0 =	sld [smem:$0x7D8]  }
0xf0: {  	[tilespmem:s29], [sflag:$0x1] =	stream.indirect.gather [hbm4b:s21+s8], $0x1, s28, s8, $0xb8;
	[tilespmem:$0x3800] =	vst v63  }
0xf1: {  	s29 =	sld [smem:$0x7D9]  }
0xf2: {  	[tilespmem:s0], [sflag:$0x1] =	stream.indirect.gather [hbm4b:s22+s8], $0x1, s28, s8, $0xb8;
	[tilespmem:$0x3800] =	vst v63  }
0xf3: {  	s31 =	sld [smem:$0x7DA]  }
0xf4: {  	[tilespmem:s29], [sflag:$0x1] =	stream.indirect.gather [hbm4b:s23+s8], $0x1, s28, s8, $0xb8;
	[tilespmem:$0x3800] =	vst v63  }
0xf5: {  	s30 =	sld [smem:$0x7DB]  }
0xf6: {  	[tilespmem:s31], [sflag:$0x2] =	stream.indirect.gather [hbm4b:s24+s8], $0x1, s28, s8, $0xb8;
	[tilespmem:$0x3800] =	vst v63  }
0xf7: {  	s0 =	sld [smem:$0x7DC];
	s29 =	simm.s32 $0x200  }
0xf8: {  	[tilespmem:s30], [sflag:$0x1] =	stream.indirect.gather [hbm4b:s7+s8], $0x1, s29, s8, $0xb8;
	[tilespmem:$0x3800] =	vst v63  }
0xf9: {  	s30 =	sld [smem:$0x7DD]  }
0xfa: {  	[tilespmem:s0], [sflag:$0x1] =	stream.indirect.gather [hbm4b:s9+s8], $0x1, s29, s8, $0xb8;
	[tilespmem:$0x3800] =	vst v63  }
0xfb: {  	s31 =	sld [smem:$0x7DE]  }
0xfc: {  	[tilespmem:s30], [sflag:$0x1] =	stream.indirect.gather [hbm4b:s10+s8], $0x1, s29, s8, $0xb8;
	[tilespmem:$0x3800] =	vst v63  }
0xfd: {  	s30 =	sld [smem:$0x7DF]  }
0xfe: {  	[tilespmem:s31], [sflag:$0x1] =	stream.indirect.gather [hbm4b:s11+s8], $0x1, s29, s8, $0xb8;
	[tilespmem:$0x3800] =	vst v63  }
0xff: {  	s0 =	sld [smem:$0x7E0]  }
0x100: {  	[tilespmem:s30], [sflag:$0x1] =	stream.indirect.gather [hbm4b:s12+s8], $0x1, s29, s8, $0xb8;
	[tilespmem:$0x3800] =	vst v63  }
0x101: {  	s30 =	sld [smem:$0x7E1]  }
0x102: {  	[tilespmem:s0], [sflag:$0x1] =	stream.indirect.gather [hbm4b:s13+s8], $0x1, s29, s8, $0xb8;
	[tilespmem:$0x3800] =	vst v63  }
0x103: {  	s31 =	sld [smem:$0x7E2]  }
0x104: {  	[tilespmem:s30], [sflag:$0x1] =	stream.indirect.gather [hbm4b:s14+s8], $0x1, s29, s8, $0xb8;
	[tilespmem:$0x3800] =	vst v63  }
0x105: {  	s30 =	sld [smem:$0x7E3]  }
0x106: {  	[tilespmem:s31], [sflag:$0x1] =	stream.indirect.gather [hbm4b:s15+s8], $0x1, s29, s8, $0xb8;
	[tilespmem:$0x3800] =	vst v63  }
0x107: {  	s0 =	sld [smem:$0x7E4]  }
0x108: {  	[tilespmem:s30], [sflag:$0x1] =	stream.indirect.gather [hbm4b:s16+s8], $0x1, s29, s8, $0xb8;
	[tilespmem:$0x3800] =	vst v63  }
0x109: {  	s30 =	sld [smem:$0x7E5]  }
0x10a: {  	[tilespmem:s0], [sflag:$0x1] =	stream.indirect.gather [hbm4b:s17+s8], $0x1, s29, s8, $0xb8;
	[tilespmem:$0x3800] =	vst v63  }
0x10b: {  	s31 =	sld [smem:$0x7E6]  }
0x10c: {  	[tilespmem:s30], [sflag:$0x1] =	stream.indirect.gather [hbm4b:s18+s8], $0x1, s29, s8, $0xb8;
	[tilespmem:$0x3800] =	vst v63  }
0x10d: {  	s30 =	sld [smem:$0x7E7]  }
0x10e: {  	[tilespmem:s31], [sflag:$0x1] =	stream.indirect.gather [hbm4b:s19+s8], $0x1, s29, s8, $0xb8;
	[tilespmem:$0x3800] =	vst v63  }
0x10f: {  	s0 =	sld [smem:$0x7E8]  }
0x110: {  	[tilespmem:s30], [sflag:$0x1] =	stream.indirect.gather [hbm4b:s20+s8], $0x1, s29, s8, $0xb8;
	[tilespmem:$0x3800] =	vst v63  }
0x111: {  	s30 =	sld [smem:$0x7E9]  }
0x112: {  	[tilespmem:s0], [sflag:$0x1] =	stream.indirect.gather [hbm4b:s21+s8], $0x1, s29, s8, $0xb8;
	[tilespmem:$0x3800] =	vst v63  }
0x113: {  	s31 =	sld [smem:$0x7EA]  }
0x114: {  	[tilespmem:s30], [sflag:$0x1] =	stream.indirect.gather [hbm4b:s22+s8], $0x1, s29, s8, $0xb8;
	[tilespmem:$0x3800] =	vst v63  }
0x115: {  	s30 =	sld [smem:$0x7EB]  }
0x116: {  	[tilespmem:s31], [sflag:$0x1] =	stream.indirect.gather [hbm4b:s23+s8], $0x1, s29, s8, $0xb8;
	[tilespmem:$0x3800] =	vst v63  }
0x117: {  	s0 =	sld [smem:$0x7EC]  }
0x118: {  	[tilespmem:s30], [sflag:$0x2] =	stream.indirect.gather [hbm4b:s24+s8], $0x1, s29, s8, $0xb8;
	[tilespmem:$0x3800] =	vst v63  }
0x119: {  	s31 =	sld [smem:$0x7ED];
	s30 =	simm.s32 $0x280  }
0x11a: {  	[tilespmem:s0], [sflag:$0x1] =	stream.indirect.gather [hbm4b:s7+s8], $0x1, s30, s8, $0xb8;
	[tilespmem:$0x3800] =	vst v63  }
0x11b: {  	s0 =	sld [smem:$0x7EE]  }
0x11c: {  	[tilespmem:s31], [sflag:$0x1] =	stream.indirect.gather [hbm4b:s9+s8], $0x1, s30, s8, $0xb8;
	[tilespmem:$0x3800] =	vst v63  }
0x11d: {  	s31 =	sld [smem:$0x7EF]  }
0x11e: {  	[tilespmem:s0], [sflag:$0x1] =	stream.indirect.gather [hbm4b:s10+s8], $0x1, s30, s8, $0xb8;
	[tilespmem:$0x3800] =	vst v63  }
0x11f: {  	s0 =	sld [smem:$0x7F0]  }
0x120: {  	[tilespmem:s31], [sflag:$0x1] =	stream.indirect.gather [hbm4b:s11+s8], $0x1, s30, s8, $0xb8;
	[tilespmem:$0x3800] =	vst v63  }
0x121: {  	s31 =	sld [smem:$0x7F1]  }
0x122: {  	[tilespmem:s0], [sflag:$0x1] =	stream.indirect.gather [hbm4b:s12+s8], $0x1, s30, s8, $0xb8;
	[tilespmem:$0x3800] =	vst v63  }
0x123: {  	s0 =	sld [smem:$0x7F2]  }
0x124: {  	[tilespmem:s31], [sflag:$0x1] =	stream.indirect.gather [hbm4b:s13+s8], $0x1, s30, s8, $0xb8;
	[tilespmem:$0x3800] =	vst v63  }
0x125: {  	s31 =	sld [smem:$0x7F3]  }
0x126: {  	[tilespmem:s0], [sflag:$0x1] =	stream.indirect.gather [hbm4b:s14+s8], $0x1, s30, s8, $0xb8;
	[tilespmem:$0x3800] =	vst v63  }
0x127: {  	s0 =	sld [smem:$0x7F4]  }
0x128: {  	[tilespmem:s31], [sflag:$0x1] =	stream.indirect.gather [hbm4b:s15+s8], $0x1, s30, s8, $0xb8;
	[tilespmem:$0x3800] =	vst v63  }
0x129: {  	s31 =	sld [smem:$0x7F5]  }
0x12a: {  	[tilespmem:s0], [sflag:$0x1] =	stream.indirect.gather [hbm4b:s16+s8], $0x1, s30, s8, $0xb8;
	[tilespmem:$0x3800] =	vst v63  }
0x12b: {  	s0 =	sld [smem:$0x7F6]  }
0x12c: {  	[tilespmem:s31], [sflag:$0x1] =	stream.indirect.gather [hbm4b:s17+s8], $0x1, s30, s8, $0xb8;
	[tilespmem:$0x3800] =	vst v63  }
0x12d: {  	s31 =	sld [smem:$0x7F7]  }
0x12e: {  	[tilespmem:s0], [sflag:$0x1] =	stream.indirect.gather [hbm4b:s18+s8], $0x1, s30, s8, $0xb8;
	[tilespmem:$0x3800] =	vst v63  }
0x12f: {  	s0 =	sld [smem:$0x7F8]  }
0x130: {  	[tilespmem:s31], [sflag:$0x1] =	stream.indirect.gather [hbm4b:s19+s8], $0x1, s30, s8, $0xb8;
	[tilespmem:$0x3800] =	vst v63  }
0x131: {  	s31 =	sld [smem:$0x7F9]  }
0x132: {  	[tilespmem:s0], [sflag:$0x1] =	stream.indirect.gather [hbm4b:s20+s8], $0x1, s30, s8, $0xb8;
	[tilespmem:$0x3800] =	vst v63  }
0x133: {  	s0 =	sld [smem:$0x7FA]  }
0x134: {  	[tilespmem:s31], [sflag:$0x1] =	stream.indirect.gather [hbm4b:s21+s8], $0x1, s30, s8, $0xb8;
	[tilespmem:$0x3800] =	vst v63  }
0x135: {  	s31 =	sld [smem:$0x7FB]  }
0x136: {  	[tilespmem:s0], [sflag:$0x1] =	stream.indirect.gather [hbm4b:s22+s8], $0x1, s30, s8, $0xb8;
	[tilespmem:$0x3800] =	vst v63  }
0x137: {  	s0 =	sld [smem:$0x7FC]  }
0x138: {  	[tilespmem:s31], [sflag:$0x1] =	stream.indirect.gather [hbm4b:s23+s8], $0x1, s30, s8, $0xb8;
	[tilespmem:$0x3800] =	vst v63  }
0x139: {  	s31 =	simm.s32 $0x1  }
0x13a: {  	[tilespmem:s0], [sflag:$0x2] =	stream.indirect.gather [hbm4b:s24+s8], $0x1, s30, s8, $0xb8;
	[tilespmem:$0x3800] =	vst v63  }
0x13b: {  	_ =	swait.ge [sflag:s31], $0x3000  }
0x13c: {  	[sflag:s31] =	ssyncset.done $0x0  }
0x13d: {  	s0 =	simm.s32 $0x2;
	[sflag:s31] =	ssyncadd.s32 $0xFFFFD000  }
0x13e: {  	_ =	swait.ge [sflag:s0], $0x300  }
0x13f: {  	[sflag:s0] =	ssyncset.done $0x0  }
0x140: {  	s31 =	rddreg [dreg:$0x2];
	[sflag:s0] =	ssyncadd.s32 $0xFFFFFD00  }
0x141: {  	[hbm4b:s31+s4] =	stream.strided.scatter [tilespmem:s4], [sflag:$0x3], $0x3000, s3, s4, $0x38;
	[tilespmem:$0x3800] =	vst v63  }
0x142: {  	s1 =	ssub.s32 $0x2, s5;
	_ =	swait.ge [sflag:s6], $0x3000  }
0x143: {  	s5 =	sshrl.u32 s1, $0x1;
	s31 =	sld [smem:$0x7FD]  }
0x144: {  	s5 =	ssub.s32 s1, s5  }
0x145: {  	s5 =	smax.u32 s5, $0x1;
	[sflag:s6] =	ssyncset.done $0x0  }
0x146: {  	p0 =	sne.s32 s5, $0x1;
	[sflag:s6] =	ssyncadd.s32 $0xFFFFD000;
	s0 =	sadd.s32 $0x153200, s31  }
0x147: {  	[hbm4b:s0+s4] =	stream.strided.scatter [tilespmem:s25], [sflag:$0x3], $0x0, s3, s4, $0x38;
	[tilespmem:$0x3800] =	vst v63  }
.Ltmp0:
0x148: {  	_ = 	snop;
	(pc) =	sbr.rel @!p0 .LBB2_3-.Ltmp0, $4  }
0x149: {  	_ = 	snop  }
0x14a: {  	[hbm4b:s0+s2] =	stream.linear.scatter [tilespmem:s25], [sflag:$0x3], $0x300, $0x38;
	[tilespmem:$0x3800] =	vst v63  }
0x14b: {  	_ =	swait.ge [sflag:s6], $0x300  }
0x14c: {  	s5 =	sadd.s32 $0xFFFFFFFF, s5;
	[sflag:s6] =	ssyncset.done $0x0  }
0x14d: {  	s4 =	simm.s32 $0x8000;
	s31 =	simm.s32 $0x400;
	s1 =	simm.s32 $0x3400  }
.LBB2_2:
0x14e: {  	s3 =	sld [smem:$0x7B5];
	_ =	sdelay $0x1  }
0x14f: {  	[sflag:s6] =	ssyncadd.s32 $0xFFFFFD00  }
0x150: {  	[tilespmem:s2], [sflag:$0x3] =	stream.strided.gather [hbm4b:s3+s31], $0x0, s4, s31, $0x38;
	[tilespmem:$0x3800] =	vst v63  }
0x151: {  	_ = 	snop  }
0x152: {  	[tilespmem:s2], [sflag:$0x3] =	stream.linear.gather [hbm4b:s3+s2], $0x300, $0x38;
	[tilespmem:$0x3800] =	vst v63  }
0x153: {  	_ =	swait.ge [sflag:s6], $0x300  }
0x154: {  	[sflag:s6] =	ssyncset.done $0x0  }
0x155: {  	[sflag:s6] =	ssyncadd.s32 $0xFFFFFD00  }
0x156: {  	[tilespmem:s31], [sflag:$0x1] =	stream.indirect.gather [hbm4b:s7+s8], $0x1, s2, s8, $0xb8;
	[tilespmem:$0x3800] =	vst v63  }
0x157: {  	s25 =	rddreg [dreg:$0x3]  }
0x158: {  	[tilespmem:s25], [sflag:$0x1] =	stream.indirect.gather [hbm4b:s9+s8], $0x1, s2, s8, $0xb8;
	[tilespmem:$0x3800] =	vst v63  }
0x159: {  	s3 =	rddreg [dreg:$0x4]  }
0x15a: {  	[tilespmem:s3], [sflag:$0x1] =	stream.indirect.gather [hbm4b:s10+s8], $0x1, s2, s8, $0xb8;
	[tilespmem:$0x3800] =	vst v63  }
0x15b: {  	s25 =	rddreg [dreg:$0x5]  }
0x15c: {  	[tilespmem:s25], [sflag:$0x1] =	stream.indirect.gather [hbm4b:s11+s8], $0x1, s2, s8, $0xb8;
	[tilespmem:$0x3800] =	vst v63  }
0x15d: {  	s3 =	rddreg [dreg:$0x6]  }
0x15e: {  	[tilespmem:s3], [sflag:$0x1] =	stream.indirect.gather [hbm4b:s12+s8], $0x1, s2, s8, $0xb8;
	[tilespmem:$0x3800] =	vst v63  }
0x15f: {  	s25 =	rddreg [dreg:$0x7]  }
0x160: {  	[tilespmem:s25], [sflag:$0x1] =	stream.indirect.gather [hbm4b:s13+s8], $0x1, s2, s8, $0xb8;
	[tilespmem:$0x3800] =	vst v63  }
0x161: {  	s3 =	rddreg [dreg:$0x8]  }
0x162: {  	[tilespmem:s3], [sflag:$0x1] =	stream.indirect.gather [hbm4b:s14+s8], $0x1, s2, s8, $0xb8;
	[tilespmem:$0x3800] =	vst v63  }
0x163: {  	s25 =	rddreg [dreg:$0x9]  }
0x164: {  	[tilespmem:s25], [sflag:$0x1] =	stream.indirect.gather [hbm4b:s15+s8], $0x1, s2, s8, $0xb8;
	[tilespmem:$0x3800] =	vst v63  }
0x165: {  	s3 =	rddreg [dreg:$0xa]  }
0x166: {  	[tilespmem:s3], [sflag:$0x1] =	stream.indirect.gather [hbm4b:s16+s8], $0x1, s2, s8, $0xb8;
	[tilespmem:$0x3800] =	vst v63  }
0x167: {  	s25 =	rddreg [dreg:$0xb]  }
0x168: {  	[tilespmem:s25], [sflag:$0x1] =	stream.indirect.gather [hbm4b:s17+s8], $0x1, s2, s8, $0xb8;
	[tilespmem:$0x3800] =	vst v63  }
0x169: {  	s3 =	rddreg [dreg:$0xc]  }
0x16a: {  	[tilespmem:s3], [sflag:$0x1] =	stream.indirect.gather [hbm4b:s18+s8], $0x1, s2, s8, $0xb8;
	[tilespmem:$0x3800] =	vst v63  }
0x16b: {  	s25 =	rddreg [dreg:$0xd]  }
0x16c: {  	[tilespmem:s25], [sflag:$0x1] =	stream.indirect.gather [hbm4b:s19+s8], $0x1, s2, s8, $0xb8;
	[tilespmem:$0x3800] =	vst v63  }
0x16d: {  	s3 =	rddreg [dreg:$0xe]  }
0x16e: {  	[tilespmem:s3], [sflag:$0x1] =	stream.indirect.gather [hbm4b:s20+s8], $0x1, s2, s8, $0xb8;
	[tilespmem:$0x3800] =	vst v63  }
0x16f: {  	s25 =	rddreg [dreg:$0xf]  }
0x170: {  	[tilespmem:s25], [sflag:$0x1] =	stream.indirect.gather [hbm4b:s21+s8], $0x1, s2, s8, $0xb8;
	[tilespmem:$0x3800] =	vst v63  }
0x171: {  	s3 =	rddreg [dreg:$0x10]  }
0x172: {  	[tilespmem:s3], [sflag:$0x1] =	stream.indirect.gather [hbm4b:s22+s8], $0x1, s2, s8, $0xb8;
	[tilespmem:$0x3800] =	vst v63  }
0x173: {  	s25 =	rddreg [dreg:$0x11]  }
0x174: {  	[tilespmem:s25], [sflag:$0x1] =	stream.indirect.gather [hbm4b:s23+s8], $0x1, s2, s8, $0xb8;
	[tilespmem:$0x3800] =	vst v63  }
0x175: {  	s3 =	rddreg [dreg:$0x12]  }
0x176: {  	[tilespmem:s1], [sflag:$0x2] =	stream.indirect.gather [hbm4b:s24+s8], $0x1, s2, s8, $0xb8;
	[tilespmem:$0x3800] =	vst v63  }
0x177: {  	s25 =	rddreg [dreg:$0x13]  }
0x178: {  	[tilespmem:s3], [sflag:$0x1] =	stream.indirect.gather [hbm4b:s7+s8], $0x1, s8, s8, $0xb8;
	[tilespmem:$0x3800] =	vst v63  }
0x179: {  	s3 =	rddreg [dreg:$0x14]  }
0x17a: {  	[tilespmem:s25], [sflag:$0x1] =	stream.indirect.gather [hbm4b:s9+s8], $0x1, s8, s8, $0xb8;
	[tilespmem:$0x3800] =	vst v63  }
0x17b: {  	s25 =	rddreg [dreg:$0x15]  }
0x17c: {  	[tilespmem:s3], [sflag:$0x1] =	stream.indirect.gather [hbm4b:s10+s8], $0x1, s8, s8, $0xb8;
	[tilespmem:$0x3800] =	vst v63  }
0x17d: {  	s3 =	rddreg [dreg:$0x16]  }
0x17e: {  	[tilespmem:s25], [sflag:$0x1] =	stream.indirect.gather [hbm4b:s11+s8], $0x1, s8, s8, $0xb8;
	[tilespmem:$0x3800] =	vst v63  }
0x17f: {  	s25 =	rddreg [dreg:$0x17]  }
0x180: {  	[tilespmem:s3], [sflag:$0x1] =	stream.indirect.gather [hbm4b:s12+s8], $0x1, s8, s8, $0xb8;
	[tilespmem:$0x3800] =	vst v63  }
0x181: {  	s3 =	rddreg [dreg:$0x18]  }
0x182: {  	[tilespmem:s25], [sflag:$0x1] =	stream.indirect.gather [hbm4b:s13+s8], $0x1, s8, s8, $0xb8;
	[tilespmem:$0x3800] =	vst v63  }
0x183: {  	s25 =	rddreg [dreg:$0x19]  }
0x184: {  	[tilespmem:s3], [sflag:$0x1] =	stream.indirect.gather [hbm4b:s14+s8], $0x1, s8, s8, $0xb8;
	[tilespmem:$0x3800] =	vst v63  }
0x185: {  	s3 =	rddreg [dreg:$0x1a]  }
0x186: {  	[tilespmem:s25], [sflag:$0x1] =	stream.indirect.gather [hbm4b:s15+s8], $0x1, s8, s8, $0xb8;
	[tilespmem:$0x3800] =	vst v63  }
0x187: {  	s25 =	rddreg [dreg:$0x1b]  }
0x188: {  	[tilespmem:s3], [sflag:$0x1] =	stream.indirect.gather [hbm4b:s16+s8], $0x1, s8, s8, $0xb8;
	[tilespmem:$0x3800] =	vst v63  }
0x189: {  	s3 =	rddreg [dreg:$0x1c]  }
0x18a: {  	[tilespmem:s25], [sflag:$0x1] =	stream.indirect.gather [hbm4b:s17+s8], $0x1, s8, s8, $0xb8;
	[tilespmem:$0x3800] =	vst v63  }
0x18b: {  	s25 =	rddreg [dreg:$0x1d]  }
0x18c: {  	[tilespmem:s3], [sflag:$0x1] =	stream.indirect.gather [hbm4b:s18+s8], $0x1, s8, s8, $0xb8;
	[tilespmem:$0x3800] =	vst v63  }
0x18d: {  	s3 =	rddreg [dreg:$0x1e]  }
0x18e: {  	[tilespmem:s25], [sflag:$0x1] =	stream.indirect.gather [hbm4b:s19+s8], $0x1, s8, s8, $0xb8;
	[tilespmem:$0x3800] =	vst v63  }
0x18f: {  	s25 =	rddreg [dreg:$0x1f]  }
0x190: {  	[tilespmem:s3], [sflag:$0x1] =	stream.indirect.gather [hbm4b:s20+s8], $0x1, s8, s8, $0xb8;
	[tilespmem:$0x3800] =	vst v63  }
0x191: {  	s3 =	sld [smem:$0x7B6]  }
0x192: {  	[tilespmem:s25], [sflag:$0x1] =	stream.indirect.gather [hbm4b:s21+s8], $0x1, s8, s8, $0xb8;
	[tilespmem:$0x3800] =	vst v63  }
0x193: {  	s25 =	sld [smem:$0x7B7]  }
0x194: {  	[tilespmem:s3], [sflag:$0x1] =	stream.indirect.gather [hbm4b:s22+s8], $0x1, s8, s8, $0xb8;
	[tilespmem:$0x3800] =	vst v63  }
0x195: {  	s3 =	sld [smem:$0x7B8]  }
0x196: {  	[tilespmem:s25], [sflag:$0x1] =	stream.indirect.gather [hbm4b:s23+s8], $0x1, s8, s8, $0xb8;
	[tilespmem:$0x3800] =	vst v63  }
0x197: {  	s25 =	sld [smem:$0x7B9]  }
0x198: {  	[tilespmem:s3], [sflag:$0x2] =	stream.indirect.gather [hbm4b:s24+s8], $0x1, s8, s8, $0xb8;
	[tilespmem:$0x3800] =	vst v63  }
0x199: {  	s3 =	sld [smem:$0x7BA]  }
0x19a: {  	[tilespmem:s25], [sflag:$0x1] =	stream.indirect.gather [hbm4b:s7+s8], $0x1, s26, s8, $0xb8;
	[tilespmem:$0x3800] =	vst v63  }
0x19b: {  	s25 =	sld [smem:$0x7BB]  }
0x19c: {  	[tilespmem:s3], [sflag:$0x1] =	stream.indirect.gather [hbm4b:s9+s8], $0x1, s26, s8, $0xb8;
	[tilespmem:$0x3800] =	vst v63  }
0x19d: {  	s3 =	sld [smem:$0x7BC]  }
0x19e: {  	[tilespmem:s25], [sflag:$0x1] =	stream.indirect.gather [hbm4b:s10+s8], $0x1, s26, s8, $0xb8;
	[tilespmem:$0x3800] =	vst v63  }
0x19f: {  	s25 =	sld [smem:$0x7BD]  }
0x1a0: {  	[tilespmem:s3], [sflag:$0x1] =	stream.indirect.gather [hbm4b:s11+s8], $0x1, s26, s8, $0xb8;
	[tilespmem:$0x3800] =	vst v63  }
0x1a1: {  	s3 =	sld [smem:$0x7BE]  }
0x1a2: {  	[tilespmem:s25], [sflag:$0x1] =	stream.indirect.gather [hbm4b:s12+s8], $0x1, s26, s8, $0xb8;
	[tilespmem:$0x3800] =	vst v63  }
0x1a3: {  	s25 =	sld [smem:$0x7BF]  }
0x1a4: {  	[tilespmem:s3], [sflag:$0x1] =	stream.indirect.gather [hbm4b:s13+s8], $0x1, s26, s8, $0xb8;
	[tilespmem:$0x3800] =	vst v63  }
0x1a5: {  	s3 =	sld [smem:$0x7C0]  }
0x1a6: {  	[tilespmem:s25], [sflag:$0x1] =	stream.indirect.gather [hbm4b:s14+s8], $0x1, s26, s8, $0xb8;
	[tilespmem:$0x3800] =	vst v63  }
0x1a7: {  	s25 =	sld [smem:$0x7C1]  }
0x1a8: {  	[tilespmem:s3], [sflag:$0x1] =	stream.indirect.gather [hbm4b:s15+s8], $0x1, s26, s8, $0xb8;
	[tilespmem:$0x3800] =	vst v63  }
0x1a9: {  	s3 =	sld [smem:$0x7C2]  }
0x1aa: {  	[tilespmem:s25], [sflag:$0x1] =	stream.indirect.gather [hbm4b:s16+s8], $0x1, s26, s8, $0xb8;
	[tilespmem:$0x3800] =	vst v63  }
0x1ab: {  	s25 =	sld [smem:$0x7C3]  }
0x1ac: {  	[tilespmem:s3], [sflag:$0x1] =	stream.indirect.gather [hbm4b:s17+s8], $0x1, s26, s8, $0xb8;
	[tilespmem:$0x3800] =	vst v63  }
0x1ad: {  	s3 =	sld [smem:$0x7C4]  }
0x1ae: {  	[tilespmem:s25], [sflag:$0x1] =	stream.indirect.gather [hbm4b:s18+s8], $0x1, s26, s8, $0xb8;
	[tilespmem:$0x3800] =	vst v63  }
0x1af: {  	s25 =	sld [smem:$0x7C5]  }
0x1b0: {  	[tilespmem:s3], [sflag:$0x1] =	stream.indirect.gather [hbm4b:s19+s8], $0x1, s26, s8, $0xb8;
	[tilespmem:$0x3800] =	vst v63  }
0x1b1: {  	s3 =	sld [smem:$0x7C6]  }
0x1b2: {  	[tilespmem:s25], [sflag:$0x1] =	stream.indirect.gather [hbm4b:s20+s8], $0x1, s26, s8, $0xb8;
	[tilespmem:$0x3800] =	vst v63  }
0x1b3: {  	s25 =	sld [smem:$0x7C7]  }
0x1b4: {  	[tilespmem:s3], [sflag:$0x1] =	stream.indirect.gather [hbm4b:s21+s8], $0x1, s26, s8, $0xb8;
	[tilespmem:$0x3800] =	vst v63  }
0x1b5: {  	s3 =	sld [smem:$0x7C8]  }
0x1b6: {  	[tilespmem:s25], [sflag:$0x1] =	stream.indirect.gather [hbm4b:s22+s8], $0x1, s26, s8, $0xb8;
	[tilespmem:$0x3800] =	vst v63  }
0x1b7: {  	s25 =	sld [smem:$0x7C9]  }
0x1b8: {  	[tilespmem:s3], [sflag:$0x1] =	stream.indirect.gather [hbm4b:s23+s8], $0x1, s26, s8, $0xb8;
	[tilespmem:$0x3800] =	vst v63  }
0x1b9: {  	s3 =	sld [smem:$0x7CA]  }
0x1ba: {  	[tilespmem:s25], [sflag:$0x2] =	stream.indirect.gather [hbm4b:s24+s8], $0x1, s26, s8, $0xb8;
	[tilespmem:$0x3800] =	vst v63  }
0x1bb: {  	s25 =	sld [smem:$0x7CB]  }
0x1bc: {  	[tilespmem:s3], [sflag:$0x1] =	stream.indirect.gather [hbm4b:s7+s8], $0x1, s28, s8, $0xb8;
	[tilespmem:$0x3800] =	vst v63  }
0x1bd: {  	s3 =	sld [smem:$0x7CC]  }
0x1be: {  	[tilespmem:s25], [sflag:$0x1] =	stream.indirect.gather [hbm4b:s9+s8], $0x1, s28, s8, $0xb8;
	[tilespmem:$0x3800] =	vst v63  }
0x1bf: {  	s25 =	sld [smem:$0x7CD]  }
0x1c0: {  	[tilespmem:s3], [sflag:$0x1] =	stream.indirect.gather [hbm4b:s10+s8], $0x1, s28, s8, $0xb8;
	[tilespmem:$0x3800] =	vst v63  }
0x1c1: {  	s3 =	sld [smem:$0x7CE]  }
0x1c2: {  	[tilespmem:s25], [sflag:$0x1] =	stream.indirect.gather [hbm4b:s11+s8], $0x1, s28, s8, $0xb8;
	[tilespmem:$0x3800] =	vst v63  }
0x1c3: {  	s25 =	sld [smem:$0x7CF]  }
0x1c4: {  	[tilespmem:s3], [sflag:$0x1] =	stream.indirect.gather [hbm4b:s12+s8], $0x1, s28, s8, $0xb8;
	[tilespmem:$0x3800] =	vst v63  }
0x1c5: {  	s3 =	sld [smem:$0x7D0]  }
0x1c6: {  	[tilespmem:s25], [sflag:$0x1] =	stream.indirect.gather [hbm4b:s13+s8], $0x1, s28, s8, $0xb8;
	[tilespmem:$0x3800] =	vst v63  }
0x1c7: {  	s25 =	sld [smem:$0x7D1]  }
0x1c8: {  	[tilespmem:s3], [sflag:$0x1] =	stream.indirect.gather [hbm4b:s14+s8], $0x1, s28, s8, $0xb8;
	[tilespmem:$0x3800] =	vst v63  }
0x1c9: {  	s3 =	sld [smem:$0x7D2]  }
0x1ca: {  	[tilespmem:s25], [sflag:$0x1] =	stream.indirect.gather [hbm4b:s15+s8], $0x1, s28, s8, $0xb8;
	[tilespmem:$0x3800] =	vst v63  }
0x1cb: {  	s25 =	sld [smem:$0x7D3]  }
0x1cc: {  	[tilespmem:s3], [sflag:$0x1] =	stream.indirect.gather [hbm4b:s16+s8], $0x1, s28, s8, $0xb8;
	[tilespmem:$0x3800] =	vst v63  }
0x1cd: {  	s3 =	sld [smem:$0x7D4]  }
0x1ce: {  	[tilespmem:s25], [sflag:$0x1] =	stream.indirect.gather [hbm4b:s17+s8], $0x1, s28, s8, $0xb8;
	[tilespmem:$0x3800] =	vst v63  }
0x1cf: {  	s25 =	sld [smem:$0x7D5]  }
0x1d0: {  	[tilespmem:s3], [sflag:$0x1] =	stream.indirect.gather [hbm4b:s18+s8], $0x1, s28, s8, $0xb8;
	[tilespmem:$0x3800] =	vst v63  }
0x1d1: {  	s3 =	sld [smem:$0x7D6]  }
0x1d2: {  	[tilespmem:s25], [sflag:$0x1] =	stream.indirect.gather [hbm4b:s19+s8], $0x1, s28, s8, $0xb8;
	[tilespmem:$0x3800] =	vst v63  }
0x1d3: {  	s25 =	sld [smem:$0x7D7]  }
0x1d4: {  	[tilespmem:s3], [sflag:$0x1] =	stream.indirect.gather [hbm4b:s20+s8], $0x1, s28, s8, $0xb8;
	[tilespmem:$0x3800] =	vst v63  }
0x1d5: {  	s3 =	sld [smem:$0x7D8]  }
0x1d6: {  	[tilespmem:s25], [sflag:$0x1] =	stream.indirect.gather [hbm4b:s21+s8], $0x1, s28, s8, $0xb8;
	[tilespmem:$0x3800] =	vst v63  }
0x1d7: {  	s25 =	sld [smem:$0x7D9]  }
0x1d8: {  	[tilespmem:s3], [sflag:$0x1] =	stream.indirect.gather [hbm4b:s22+s8], $0x1, s28, s8, $0xb8;
	[tilespmem:$0x3800] =	vst v63  }
0x1d9: {  	s3 =	sld [smem:$0x7DA]  }
0x1da: {  	[tilespmem:s25], [sflag:$0x1] =	stream.indirect.gather [hbm4b:s23+s8], $0x1, s28, s8, $0xb8;
	[tilespmem:$0x3800] =	vst v63  }
0x1db: {  	s25 =	sld [smem:$0x7DB]  }
0x1dc: {  	[tilespmem:s3], [sflag:$0x2] =	stream.indirect.gather [hbm4b:s24+s8], $0x1, s28, s8, $0xb8;
	[tilespmem:$0x3800] =	vst v63  }
0x1dd: {  	s3 =	sld [smem:$0x7DC]  }
0x1de: {  	[tilespmem:s25], [sflag:$0x1] =	stream.indirect.gather [hbm4b:s7+s8], $0x1, s29, s8, $0xb8;
	[tilespmem:$0x3800] =	vst v63  }
0x1df: {  	s25 =	sld [smem:$0x7DD]  }
0x1e0: {  	[tilespmem:s3], [sflag:$0x1] =	stream.indirect.gather [hbm4b:s9+s8], $0x1, s29, s8, $0xb8;
	[tilespmem:$0x3800] =	vst v63  }
0x1e1: {  	s3 =	sld [smem:$0x7DE]  }
0x1e2: {  	[tilespmem:s25], [sflag:$0x1] =	stream.indirect.gather [hbm4b:s10+s8], $0x1, s29, s8, $0xb8;
	[tilespmem:$0x3800] =	vst v63  }
0x1e3: {  	s25 =	sld [smem:$0x7DF]  }
0x1e4: {  	[tilespmem:s3], [sflag:$0x1] =	stream.indirect.gather [hbm4b:s11+s8], $0x1, s29, s8, $0xb8;
	[tilespmem:$0x3800] =	vst v63  }
0x1e5: {  	s3 =	sld [smem:$0x7E0]  }
0x1e6: {  	[tilespmem:s25], [sflag:$0x1] =	stream.indirect.gather [hbm4b:s12+s8], $0x1, s29, s8, $0xb8;
	[tilespmem:$0x3800] =	vst v63  }
0x1e7: {  	s25 =	sld [smem:$0x7E1]  }
0x1e8: {  	[tilespmem:s3], [sflag:$0x1] =	stream.indirect.gather [hbm4b:s13+s8], $0x1, s29, s8, $0xb8;
	[tilespmem:$0x3800] =	vst v63  }
0x1e9: {  	s3 =	sld [smem:$0x7E2]  }
0x1ea: {  	[tilespmem:s25], [sflag:$0x1] =	stream.indirect.gather [hbm4b:s14+s8], $0x1, s29, s8, $0xb8;
	[tilespmem:$0x3800] =	vst v63  }
0x1eb: {  	s25 =	sld [smem:$0x7E3]  }
0x1ec: {  	[tilespmem:s3], [sflag:$0x1] =	stream.indirect.gather [hbm4b:s15+s8], $0x1, s29, s8, $0xb8;
	[tilespmem:$0x3800] =	vst v63  }
0x1ed: {  	s3 =	sld [smem:$0x7E4]  }
0x1ee: {  	[tilespmem:s25], [sflag:$0x1] =	stream.indirect.gather [hbm4b:s16+s8], $0x1, s29, s8, $0xb8;
	[tilespmem:$0x3800] =	vst v63  }
0x1ef: {  	s25 =	sld [smem:$0x7E5]  }
0x1f0: {  	[tilespmem:s3], [sflag:$0x1] =	stream.indirect.gather [hbm4b:s17+s8], $0x1, s29, s8, $0xb8;
	[tilespmem:$0x3800] =	vst v63  }
0x1f1: {  	s3 =	sld [smem:$0x7E6]  }
0x1f2: {  	[tilespmem:s25], [sflag:$0x1] =	stream.indirect.gather [hbm4b:s18+s8], $0x1, s29, s8, $0xb8;
	[tilespmem:$0x3800] =	vst v63  }
0x1f3: {  	s25 =	sld [smem:$0x7E7]  }
0x1f4: {  	[tilespmem:s3], [sflag:$0x1] =	stream.indirect.gather [hbm4b:s19+s8], $0x1, s29, s8, $0xb8;
	[tilespmem:$0x3800] =	vst v63  }
0x1f5: {  	s3 =	sld [smem:$0x7E8]  }
0x1f6: {  	[tilespmem:s25], [sflag:$0x1] =	stream.indirect.gather [hbm4b:s20+s8], $0x1, s29, s8, $0xb8;
	[tilespmem:$0x3800] =	vst v63  }
0x1f7: {  	s25 =	sld [smem:$0x7E9]  }
0x1f8: {  	[tilespmem:s3], [sflag:$0x1] =	stream.indirect.gather [hbm4b:s21+s8], $0x1, s29, s8, $0xb8;
	[tilespmem:$0x3800] =	vst v63  }
0x1f9: {  	s3 =	sld [smem:$0x7EA]  }
0x1fa: {  	[tilespmem:s25], [sflag:$0x1] =	stream.indirect.gather [hbm4b:s22+s8], $0x1, s29, s8, $0xb8;
	[tilespmem:$0x3800] =	vst v63  }
0x1fb: {  	s25 =	sld [smem:$0x7EB]  }
0x1fc: {  	[tilespmem:s3], [sflag:$0x1] =	stream.indirect.gather [hbm4b:s23+s8], $0x1, s29, s8, $0xb8;
	[tilespmem:$0x3800] =	vst v63  }
0x1fd: {  	s3 =	sld [smem:$0x7EC]  }
0x1fe: {  	[tilespmem:s25], [sflag:$0x2] =	stream.indirect.gather [hbm4b:s24+s8], $0x1, s29, s8, $0xb8;
	[tilespmem:$0x3800] =	vst v63  }
0x1ff: {  	s25 =	sld [smem:$0x7ED]  }
0x200: {  	[tilespmem:s3], [sflag:$0x1] =	stream.indirect.gather [hbm4b:s7+s8], $0x1, s30, s8, $0xb8;
	[tilespmem:$0x3800] =	vst v63  }
0x201: {  	s3 =	sld [smem:$0x7EE]  }
0x202: {  	[tilespmem:s25], [sflag:$0x1] =	stream.indirect.gather [hbm4b:s9+s8], $0x1, s30, s8, $0xb8;
	[tilespmem:$0x3800] =	vst v63  }
0x203: {  	s25 =	sld [smem:$0x7EF]  }
0x204: {  	[tilespmem:s3], [sflag:$0x1] =	stream.indirect.gather [hbm4b:s10+s8], $0x1, s30, s8, $0xb8;
	[tilespmem:$0x3800] =	vst v63  }
0x205: {  	s3 =	sld [smem:$0x7F0]  }
0x206: {  	[tilespmem:s25], [sflag:$0x1] =	stream.indirect.gather [hbm4b:s11+s8], $0x1, s30, s8, $0xb8;
	[tilespmem:$0x3800] =	vst v63  }
0x207: {  	s25 =	sld [smem:$0x7F1]  }
0x208: {  	[tilespmem:s3], [sflag:$0x1] =	stream.indirect.gather [hbm4b:s12+s8], $0x1, s30, s8, $0xb8;
	[tilespmem:$0x3800] =	vst v63  }
0x209: {  	s3 =	sld [smem:$0x7F2]  }
0x20a: {  	[tilespmem:s25], [sflag:$0x1] =	stream.indirect.gather [hbm4b:s13+s8], $0x1, s30, s8, $0xb8;
	[tilespmem:$0x3800] =	vst v63  }
0x20b: {  	s25 =	sld [smem:$0x7F3]  }
0x20c: {  	[tilespmem:s3], [sflag:$0x1] =	stream.indirect.gather [hbm4b:s14+s8], $0x1, s30, s8, $0xb8;
	[tilespmem:$0x3800] =	vst v63  }
0x20d: {  	s3 =	sld [smem:$0x7F4]  }
0x20e: {  	[tilespmem:s25], [sflag:$0x1] =	stream.indirect.gather [hbm4b:s15+s8], $0x1, s30, s8, $0xb8;
	[tilespmem:$0x3800] =	vst v63  }
0x20f: {  	s25 =	sld [smem:$0x7F5]  }
0x210: {  	[tilespmem:s3], [sflag:$0x1] =	stream.indirect.gather [hbm4b:s16+s8], $0x1, s30, s8, $0xb8;
	[tilespmem:$0x3800] =	vst v63  }
0x211: {  	s3 =	sld [smem:$0x7F6]  }
0x212: {  	[tilespmem:s25], [sflag:$0x1] =	stream.indirect.gather [hbm4b:s17+s8], $0x1, s30, s8, $0xb8;
	[tilespmem:$0x3800] =	vst v63  }
0x213: {  	s25 =	sld [smem:$0x7F7]  }
0x214: {  	[tilespmem:s3], [sflag:$0x1] =	stream.indirect.gather [hbm4b:s18+s8], $0x1, s30, s8, $0xb8;
	[tilespmem:$0x3800] =	vst v63  }
0x215: {  	s3 =	sld [smem:$0x7F8]  }
0x216: {  	[tilespmem:s25], [sflag:$0x1] =	stream.indirect.gather [hbm4b:s19+s8], $0x1, s30, s8, $0xb8;
	[tilespmem:$0x3800] =	vst v63  }
0x217: {  	s25 =	sld [smem:$0x7F9]  }
0x218: {  	[tilespmem:s3], [sflag:$0x1] =	stream.indirect.gather [hbm4b:s20+s8], $0x1, s30, s8, $0xb8;
	[tilespmem:$0x3800] =	vst v63  }
0x219: {  	s3 =	sld [smem:$0x7FA]  }
0x21a: {  	[tilespmem:s25], [sflag:$0x1] =	stream.indirect.gather [hbm4b:s21+s8], $0x1, s30, s8, $0xb8;
	[tilespmem:$0x3800] =	vst v63  }
0x21b: {  	s25 =	sld [smem:$0x7FB]  }
0x21c: {  	[tilespmem:s3], [sflag:$0x1] =	stream.indirect.gather [hbm4b:s22+s8], $0x1, s30, s8, $0xb8;
	[tilespmem:$0x3800] =	vst v63  }
0x21d: {  	s3 =	sld [smem:$0x7FC]  }
0x21e: {  	[tilespmem:s25], [sflag:$0x1] =	stream.indirect.gather [hbm4b:s23+s8], $0x1, s30, s8, $0xb8;
	[tilespmem:$0x3800] =	vst v63  }
0x21f: {  	s25 =	simm.s32 $0x1  }
0x220: {  	[tilespmem:s3], [sflag:$0x2] =	stream.indirect.gather [hbm4b:s24+s8], $0x1, s30, s8, $0xb8;
	[tilespmem:$0x3800] =	vst v63  }
0x221: {  	_ =	swait.ge [sflag:s25], $0x3000  }
0x222: {  	[sflag:s25] =	ssyncset.done $0x0  }
0x223: {  	[sflag:s25] =	ssyncadd.s32 $0xFFFFD000;
	s25 =	simm.s32 $0x2  }
0x224: {  	_ =	swait.ge [sflag:s25], $0x300  }
0x225: {  	[sflag:s25] =	ssyncset.done $0x0  }
0x226: {  	s3 =	rddreg [dreg:$0x2];
	[sflag:s25] =	ssyncadd.s32 $0xFFFFFD00  }
0x227: {  	[hbm4b:s3+s31] =	stream.strided.scatter [tilespmem:s31], [sflag:$0x3], $0x3000, s4, s31, $0x38;
	[tilespmem:$0x3800] =	vst v63  }
0x228: {  	_ =	swait.ge [sflag:s6], $0x3000  }
0x229: {  	[sflag:s6] =	ssyncset.done $0x0  }
0x22a: {  	p0 =	sne.s32 s5, $0x1;
	[sflag:s6] =	ssyncadd.s32 $0xFFFFD000  }
0x22b: {  	[hbm4b:s0+s31] =	stream.strided.scatter [tilespmem:s1], [sflag:$0x3], $0x0, s4, s31, $0x38;
	[tilespmem:$0x3800] =	vst v63  }
.Ltmp1:
0x22c: {  	_ = 	snop;
	(pc) =	sbr.rel @p0 .LBB2_2-.Ltmp1, $4  }
0x22d: {  	_ = 	snop  }
0x22e: {  	[hbm4b:s0+s2] =	stream.linear.scatter [tilespmem:s1], [sflag:$0x3], $0x300, $0x38;
	[tilespmem:$0x3800] =	vst v63  }
0x22f: {  	_ =	swait.ge [sflag:s6], $0x300  }
0x230: {  	s5 =	sadd.s32 $0xFFFFFFFF, s5;
	[sflag:s6] =	ssyncset.done $0x0  }
.LBB2_3:
0x231: {  	[sflag:s6] =	ssyncadd.s32 $0xFFFFFD00  }
0x232: {  	_ =	sfence.sel $0x180000  }
0x233: {  	[bflag:$0x0] =	sbarrier.arrive $0xFFFF  }
0x234: {  	_ =	strace $0x90000047  }
0x235: {  	s0 =	stileid.u32;
	[bflag:$0x2] =	sbarrier.arrive $0xFFFF  }
0x236: {  	p0 =	sne.s32 s0, $0x0;
	s0 =	rddreg [dreg:$0x1]  }
0x237: {  	s0 =	sadd.s32 @!p0 $0x100000, s0  }
0x238: {  	[sflag:s0] =	ssyncadd.tile.s32 @!p0 $0x1;
	_ =	shalt  }
.Lfunc_end2:
_tile_overlayer_lowered:
.L_overlay_start_2:
0x239: {  	(tag) =	ssettag $0x2  }
0x23a: {  	s0 =	rddreg [dreg:$0x0];
	s2 =	stileid.u32  }
0x23b: {  	s1 =	rddreg [dreg:$0x1];
	p0 =	sne.s32 s2, $0x0  }
0x23c: {  	s3 =	rddreg [dreg:$0x2];
	[bflag:$0x3] =	sbarrier.arrive $0xFFFF;
	s2 =	simm.s32 @!p0 $0x1C03  }
0x23d: {  	[timem:s3], [sflag:s2] =	dma.local @!p0 [hbm:s0], s1  }
0x23e: {  	s0 =	simm.s32 @!p0 $0x3  }
0x23f: {  	_ =	swait.ge @!p0 [sflag:s0], s1  }
0x240: {  	s1 =	ssub.s32 @!p0 $0x0, s1;
	[sflag:s0] =	ssyncset.done @!p0 $0x0  }
0x241: {  	[sflag:s0] =	ssyncadd.s32 @!p0 s1  }
0x242: {  	[bflag:$0x3] =	sbarrier.arrive $0xFFFF  }
0x243: {  	_ =	shalt  }

</sc_bundles>
